<compile_context>
chip_gen: v7x
topology: tpu7x:2x2x1
jax: 0.10.2.dev20260603
libtpu: 0.0.44.dev20260713+nightly
codegen_flags: <defaults>
</compile_context>

<pallas_src>
import functools

import jax
import jax.numpy as jnp
from jax import lax
from jax.experimental import pallas as pl
from jax.experimental.pallas import tpu as pltpu
from jax.experimental.pallas import tpu_sc as plsc

N = 10000
E = 320000
NC = 2
NS = 16
NW = NC * NS
K = 125
EPW = E // NW
CH = EPW // K
N_PAD = 10240
RPT = N_PAD // NS

BLK = 2048
GRID = N_PAD // BLK


def _sc_mesh():
    return plsc.VectorSubcoreMesh(core_axis_name="c", subcore_axis_name="s")


_SC_PARAMS = pltpu.CompilerParams(use_tc_tiling_on_sc=False)


def _sc_degree(dst2d):

    NSEM = 8

    @functools.partial(
        pl.kernel,
        out_type=jax.ShapeDtypeStruct((NC, N_PAD), jnp.float32),
        mesh=_sc_mesh(),
        compiler_params=_SC_PARAMS,
        scratch_types=[
            pltpu.VMEM((CH, K), jnp.int32),
            pltpu.VMEM((K,), jnp.float32),
            pltpu.VMEM((RPT,), jnp.float32),
            pltpu.VMEM_SHARED((N_PAD,), jnp.float32),
            [pltpu.SemaphoreType.DMA] * NSEM,
        ],
    )
    def deg_kernel(dst_hbm, out_hbm, didx, ones_v, zv, acc, sems):
        c = lax.axis_index("c")
        s = lax.axis_index("s")
        wid = s * NC + c

        def initrow(i, _):
            ones_v[pl.ds(i * 16, 16)] = jnp.full((16,), 1.0, jnp.float32)
            return 0

        lax.fori_loop(0, 7, initrow, 0)
        ones_v[pl.ds(K - 16, 16)] = jnp.full((16,), 1.0, jnp.float32)

        def zrow(i, _):
            zv[pl.ds(i * 16, 16)] = jnp.zeros((16,), jnp.float32)
            return 0

        lax.fori_loop(0, RPT // 16, zrow, 0)
        pltpu.sync_copy(zv, acc.at[pl.ds(s * RPT, RPT)])
        pltpu.sync_copy(dst_hbm.at[pl.ds(wid * CH, CH)], didx)
        plsc.subcore_barrier()

        def scat(j, u):
            pltpu.async_copy(ones_v, acc.at[didx.at[j]], sems[u], add=True)

        def scat_wait(u):
            pltpu.make_async_copy(ones_v, acc.at[didx.at[0]], sems[u]).wait()

        for u in range(NSEM):
            scat(u, u)

        def body(t, _):
            base = t * NSEM
            for u in range(NSEM):
                nxt = base + NSEM + u

                @pl.when(nxt < CH)
                def _():
                    scat_wait(u)
                    scat(nxt, u)
            return 0

        lax.fori_loop(0, CH // NSEM, body, 0)
        for u in range(NSEM):
            scat_wait(u)
        plsc.subcore_barrier()
        pltpu.sync_copy(acc.at[pl.ds(s * RPT, RPT)],
                        out_hbm.at[c].at[pl.ds(s * RPT, RPT)])

    return deg_kernel(dst2d)


def _sc_scatter(g, src2d, dst2d, zeros, F):

    NBUF = 8

    @functools.partial(
        pl.kernel,
        out_type=jax.ShapeDtypeStruct((NC, N_PAD, F), jnp.float32),
        mesh=_sc_mesh(),
        compiler_params=_SC_PARAMS,
        scratch_types=[
            pltpu.VMEM((CH, K), jnp.int32),
            pltpu.VMEM((CH, K), jnp.int32),
            pltpu.VMEM((NBUF, K, F), jnp.float32),
            pltpu.VMEM_SHARED((N_PAD, F), jnp.float32),
            [pltpu.SemaphoreType.DMA] * NBUF,
            [pltpu.SemaphoreType.DMA] * NBUF,
        ],
    )
    def scat_kernel(g_hbm, src_hbm, dst_hbm, zeros_hbm, out_hbm,
                    sidx, didx, rows, acc, gsem, ssem):
        c = lax.axis_index("c")
        s = lax.axis_index("s")
        wid = s * NC + c
        pltpu.sync_copy(zeros_hbm.at[pl.ds(s * RPT, RPT)],
                        acc.at[pl.ds(s * RPT, RPT)])
        pltpu.sync_copy(src_hbm.at[pl.ds(wid * CH, CH)], sidx)
        pltpu.sync_copy(dst_hbm.at[pl.ds(wid * CH, CH)], didx)
        plsc.subcore_barrier()

        def gather(j, b):
            pltpu.async_copy(g_hbm.at[sidx.at[j]], rows.at[b], gsem[b])

        def gather_wait(b):
            pltpu.make_async_copy(g_hbm.at[sidx.at[0]], rows.at[b],
                                  gsem[b]).wait()

        def scat(j, b):
            pltpu.async_copy(rows.at[b], acc.at[didx.at[j]], ssem[b],
                             add=True)

        def scat_wait(b):
            pltpu.make_async_copy(rows.at[b], acc.at[didx.at[0]],
                                  ssem[b]).wait()

        for b in range(NBUF):
            gather(b, b)

        def outer(t, _):
            base = t * NBUF
            for b in range(NBUF):
                gather_wait(b)
                scat(base + b, b)
            for b in range(NBUF):
                nxt = base + NBUF + b

                @pl.when(nxt < CH)
                def _():
                    scat_wait(b)
                    gather(nxt, b)
            return 0

        lax.fori_loop(0, CH // NBUF, outer, 0)
        for b in range(NBUF):
            scat_wait(b)
        plsc.subcore_barrier()
        pltpu.sync_copy(acc.at[pl.ds(s * RPT, RPT)],
                        out_hbm.at[c].at[pl.ds(s * RPT, RPT)])

    return scat_kernel(g, src2d, dst2d, zeros)


RB = BLK // 8
NR = N_PAD // 8


def _dis_rows(degp_ref):
    return lax.rsqrt(1.0 + degp_ref[0] + degp_ref[1])


def _tc_first(degp, xp, W1p, B64):

    def body(degp_ref, x_ref, w_ref, bo_ref, out_ref):
        dis_o = jnp.dot(_dis_rows(degp_ref), bo_ref[...],
                        preferred_element_type=jnp.float32)
        out_ref[...] = dis_o * jnp.dot(x_ref[...], w_ref[...],
                                       preferred_element_type=jnp.float32)

    return pl.pallas_call(
        body,
        grid=(GRID,),
        in_specs=[
            pl.BlockSpec((NC, RB, 8), lambda i: (0, i, 0)),
            pl.BlockSpec((RB, 1024), lambda i: (i, 0)),
            pl.BlockSpec((1024, 512), lambda i: (0, 0)),
            pl.BlockSpec((8, 512), lambda i: (0, 0)),
        ],
        out_specs=pl.BlockSpec((RB, 512), lambda i: (i, 0)),
        out_shape=jax.ShapeDtypeStruct((NR, 512), jnp.float32),
    )(degp, xp, W1p, B64)


def _tc_mid(degp, Pp, gp, bp, Wp, Bi, Bo, F, F2):

    def body(degp_ref, p_ref, g_ref, bp_ref, w_ref, bi_ref, bo_ref, out_ref):
        dis_r = _dis_rows(degp_ref)
        dis_i = jnp.dot(dis_r, bi_ref[...],
                        preferred_element_type=jnp.float32)
        dis_o = jnp.dot(dis_r, bo_ref[...],
                        preferred_element_type=jnp.float32)
        xn = jnp.maximum(
            dis_i * (p_ref[0] + p_ref[1] + g_ref[...]) + bp_ref[...], 0.0)
        out_ref[...] = dis_o * jnp.dot(xn, w_ref[...],
                                       preferred_element_type=jnp.float32)

    return pl.pallas_call(
        body,
        grid=(GRID,),
        in_specs=[
            pl.BlockSpec((NC, RB, 8), lambda i: (0, i, 0)),
            pl.BlockSpec((NC, RB, 8 * F), lambda i: (0, i, 0)),
            pl.BlockSpec((RB, 8 * F), lambda i: (i, 0)),
            pl.BlockSpec((1, 8 * F), lambda i: (0, 0)),
            pl.BlockSpec((8 * F, 8 * F2), lambda i: (0, 0)),
            pl.BlockSpec((8, 8 * F), lambda i: (0, 0)),
            pl.BlockSpec((8, 8 * F2), lambda i: (0, 0)),
        ],
        out_specs=pl.BlockSpec((RB, 8 * F2), lambda i: (i, 0)),
        out_shape=jax.ShapeDtypeStruct((NR, 8 * F2), jnp.float32),
    )(degp, Pp, gp, bp, Wp, Bi, Bo)


def _tc_final(degp, Pp, gp, b3p, Wlp, blp, B16):

    def body(degp_ref, p_ref, g_ref, bp_ref, wl_ref, bl_ref, bi_ref,
             h_ref, z_ref):
        dis_i = jnp.dot(_dis_rows(degp_ref), bi_ref[...],
                        preferred_element_type=jnp.float32)
        h = jnp.maximum(
            dis_i * (p_ref[0] + p_ref[1] + g_ref[...]) + bp_ref[...], 0.0)
        h_ref[...] = h
        z_ref[...] = jnp.dot(h, wl_ref[...],
                             preferred_element_type=jnp.float32) + bl_ref[...]

    return pl.pallas_call(
        body,
        grid=(GRID,),
        in_specs=[
            pl.BlockSpec((NC, RB, 8), lambda i: (0, i, 0)),
            pl.BlockSpec((NC, RB, 128), lambda i: (0, i, 0)),
            pl.BlockSpec((RB, 128), lambda i: (i, 0)),
            pl.BlockSpec((1, 128), lambda i: (0, 0)),
            pl.BlockSpec((128, 32), lambda i: (0, 0)),
            pl.BlockSpec((1, 32), lambda i: (0, 0)),
            pl.BlockSpec((8, 128), lambda i: (0, 0)),
        ],
        out_specs=[
            pl.BlockSpec((RB, 128), lambda i: (i, 0)),
            pl.BlockSpec((RB, 32), lambda i: (i, 0)),
        ],
        out_shape=[
            jax.ShapeDtypeStruct((NR, 128), jnp.float32),
            jax.ShapeDtypeStruct((NR, 32), jnp.float32),
        ],
    )(degp, Pp, gp, b3p, Wlp, blp, B16)


def _kron8(W):
    return jnp.kron(jnp.eye(8, dtype=W.dtype), W)


def _bcast8(F):
    return jnp.kron(jnp.eye(8, dtype=jnp.float32), jnp.ones((1, F),
                                                            jnp.float32))


def kernel(x, edges, W1, b1, W2, b2, W3, b3, Wl, bl):
    src2d = edges[0].reshape(E // K, K)
    dst2d = edges[1].reshape(E // K, K)
    zeros16 = jnp.zeros((N_PAD, 16), jnp.float32)
    zeros32 = jnp.zeros((N_PAD, 32), jnp.float32)
    zeros64 = jnp.zeros((N_PAD, 64), jnp.float32)

    xp = jnp.pad(x, ((0, N_PAD - N), (0, 0))).reshape(NR, 1024)
    B64, B32, B16 = _bcast8(64), _bcast8(32), _bcast8(16)

    degP = _sc_degree(dst2d)
    degp = degP.reshape(NC, NR, 8)

    g1p = _tc_first(degp, xp, _kron8(W1), B64)
    P1 = _sc_scatter(g1p.reshape(N_PAD, 64), src2d, dst2d, zeros64, 64)
    g2p = _tc_mid(degp, P1.reshape(NC, NR, 512), g1p,
                  jnp.tile(b1, 8).reshape(1, 512), _kron8(W2), B64, B32,
                  64, 32)
    P2 = _sc_scatter(g2p.reshape(N_PAD, 32), src2d, dst2d, zeros32, 32)
    g3p = _tc_mid(degp, P2.reshape(NC, NR, 256), g2p,
                  jnp.tile(b2, 8).reshape(1, 256), _kron8(W3), B32, B16,
                  32, 16)
    P3 = _sc_scatter(g3p.reshape(N_PAD, 16), src2d, dst2d, zeros16, 16)
    hp, zp = _tc_final(degp, P3.reshape(NC, NR, 128), g3p,
                       jnp.tile(b3, 8).reshape(1, 128), _kron8(Wl),
                       jnp.tile(bl, 8).reshape(1, 32), B16)
    h = hp.reshape(N_PAD, 16)[:N]
    z = zp.reshape(N_PAD, 4)[:N]
    return (h, z)

# --- scband reference (transcript-rebuilt; emitter-appended) ---
"""Pipeline reference for scband-gcn-70540542870194 (READ-ONLY COPY).

The authoritative reference and input builder live on the scoring server;
editing this copy changes nothing except your own understanding.
"""

import jax, jax.numpy as jnp
import numpy as np

N = 10000
E = 320000

def setup_inputs(seed: int = 0) -> dict:
    key = jax.random.key(seed)
    ks = jax.random.split(key, 12)
    x = jax.random.normal(ks[0], (N, 128), dtype=jnp.float32)
    edges = jax.random.randint(ks[1], (2, E), 0, N, dtype=jnp.int32)
    W1 = jax.random.normal(ks[2], (128, 64), dtype=jnp.float32) * (1.0 / np.sqrt(128))
    b1 = jnp.zeros((64,), dtype=jnp.float32)
    W2 = jax.random.normal(ks[3], (64, 32), dtype=jnp.float32) * (1.0 / np.sqrt(64))
    b2 = jnp.zeros((32,), dtype=jnp.float32)
    W3 = jax.random.normal(ks[4], (32, 16), dtype=jnp.float32) * (1.0 / np.sqrt(32))
    b3 = jnp.zeros((16,), dtype=jnp.float32)
    Wl = jax.random.normal(ks[5], (16, 4), dtype=jnp.float32) * (1.0 / np.sqrt(16))
    bl = jnp.zeros((4,), dtype=jnp.float32)
    return {"x": x, "edges": edges, "W1": W1, "b1": b1, "W2": W2, "b2": b2, "W3": W3, "b3": b3, "Wl": Wl, "bl": bl}


def gcn_conv(x, src, dst, W, b):
    # torch_geometric GCNConv semantics: add self-loops, symmetric normalization
    n = x.shape[0]
    loop = jnp.arange(n, dtype=src.dtype)
    s = jnp.concatenate([src, loop])
    d = jnp.concatenate([dst, loop])
    deg = jnp.zeros((n,), dtype=x.dtype).at[d].add(1.0)
    dis = jnp.where(deg > 0, jax.lax.rsqrt(jnp.maximum(deg, 1e-12)), 0.0)
    norm = dis[s] * dis[d]
    h = x @ W
    msg = jnp.take(h, s, axis=0) * norm[:, None]
    out = jnp.zeros((n, h.shape[1]), dtype=x.dtype).at[d].add(msg)
    return out + b


def reference(x, edges, W1, b1, W2, b2, W3, b3, Wl, bl):
    src = edges[0]
    dst = edges[1]
    h = jax.nn.relu(gcn_conv(x, src, dst, W1, b1))
    h = jax.nn.relu(gcn_conv(h, src, dst, W2, b2))
    h = jax.nn.relu(gcn_conv(h, src, dst, W3, b3))
    z = h @ Wl + bl
    return (h, z)

if __name__ == "__main__":
    import jax
    _d = setup_inputs()
    print(jax.jit(kernel)(*tuple(_d.values())))

</pallas_src>

<mosaic_0001>
#map = affine_map<(d0, d1) -> (0, 0)>
#map1 = affine_map<(d0, d1) -> (0, 0, 0)>
module attributes {stable_mosaic.version = 14 : i64} {
  func.func @scat_kernel(%arg0: i32, %arg1: i32, %arg2: memref<10240x32xf32, #tpu.memory_space<hbm>>, %arg3: memref<2560x125xi32, #tpu.memory_space<hbm>>, %arg4: memref<2560x125xi32, #tpu.memory_space<hbm>>, %arg5: memref<10240x32xf32, #tpu.memory_space<hbm>>, %arg6: memref<2x10240x32xf32, #tpu.memory_space<hbm>>, %arg7: memref<80x125xi32, #tpu.memory_space<vmem>>, %arg8: memref<80x125xi32, #tpu.memory_space<vmem>>, %arg9: memref<8x125x32xf32, #tpu.memory_space<vmem>>, %arg10: memref<10240x32xf32, #tpu.memory_space<vmem_shared>>, %arg11: memref<!tpu.dma_semaphore, #tpu.memory_space<semaphore_mem>>, %arg12: memref<!tpu.dma_semaphore, #tpu.memory_space<semaphore_mem>>, %arg13: memref<!tpu.dma_semaphore, #tpu.memory_space<semaphore_mem>>, %arg14: memref<!tpu.dma_semaphore, #tpu.memory_space<semaphore_mem>>, %arg15: memref<!tpu.dma_semaphore, #tpu.memory_space<semaphore_mem>>, %arg16: memref<!tpu.dma_semaphore, #tpu.memory_space<semaphore_mem>>, %arg17: memref<!tpu.dma_semaphore, #tpu.memory_space<semaphore_mem>>, %arg18: memref<!tpu.dma_semaphore, #tpu.memory_space<semaphore_mem>>, %arg19: memref<!tpu.dma_semaphore, #tpu.memory_space<semaphore_mem>>, %arg20: memref<!tpu.dma_semaphore, #tpu.memory_space<semaphore_mem>>, %arg21: memref<!tpu.dma_semaphore, #tpu.memory_space<semaphore_mem>>, %arg22: memref<!tpu.dma_semaphore, #tpu.memory_space<semaphore_mem>>, %arg23: memref<!tpu.dma_semaphore, #tpu.memory_space<semaphore_mem>>, %arg24: memref<!tpu.dma_semaphore, #tpu.memory_space<semaphore_mem>>, %arg25: memref<!tpu.dma_semaphore, #tpu.memory_space<semaphore_mem>>, %arg26: memref<!tpu.dma_semaphore, #tpu.memory_space<semaphore_mem>>) attributes {dimension_semantics = [#tpu.dimension_semantics<core_parallel>, #tpu.dimension_semantics<subcore_parallel>], iteration_bounds = array<i64: 2, 16>, scalar_prefetch = 0 : i64, scratch_operands = 20 : i64, tpu.core_type = #tpu.core_type<sc_vector_subcore>, window_params = [{transform_indices = #map}, {transform_indices = #map}, {transform_indices = #map}, {transform_indices = #map}, {transform_indices = #map1}]} {
    %mul3A = arith.constant 2 : i32
    %mul3A_0 = arith.muli %arg1, %mul3A : i32
    %add3A = arith.addi %mul3A_0, %arg0 : i32
    %mul3A_1 = arith.constant 640 : i32
    %mul3A_2 = arith.muli %arg1, %mul3A_1 : i32
    %mul3A_3 = arith.constant 640 : i32
    %mul3A_4 = arith.muli %arg1, %mul3A_3 : i32
    "tpu.region"() ({
      %run_scoped3A = tpu.sem_alloc : memref<!tpu.dma_semaphore, #tpu.memory_space<semaphore_mem>>
      %dma_start3A_210 = arith.constant 0 : i32
      %dma_start3A_211 = tpu.memref_slice %arg10[%mul3A_4, %dma_start3A_210] : memref<10240x32xf32, #tpu.memory_space<vmem_shared>> -> memref<640x32xf32, #tpu.memory_space<vmem_shared>>
      %dma_start3A_212 = arith.constant 0 : i32
      %dma_start3A_213 = tpu.memref_slice %arg5[%mul3A_2, %dma_start3A_212] : memref<10240x32xf32, #tpu.memory_space<hbm>> -> memref<640x32xf32, #tpu.memory_space<hbm>>
      tpu.enqueue_dma source(%dma_start3A_213 : memref<640x32xf32, #tpu.memory_space<hbm>>) target(%dma_start3A_211 : memref<640x32xf32, #tpu.memory_space<vmem_shared>>) target_semaphore(%run_scoped3A : memref<!tpu.dma_semaphore, #tpu.memory_space<semaphore_mem>>)
      %dma_wait3A_214 = arith.constant 0 : i32
      %dma_wait3A_215 = tpu.memref_slice %arg10[%mul3A_4, %dma_wait3A_214] : memref<10240x32xf32, #tpu.memory_space<vmem_shared>> -> memref<640x32xf32, #tpu.memory_space<vmem_shared>>
      %dma_wait3A_216 = arith.constant 0 : i32
      %dma_wait3A_217 = tpu.memref_slice %arg5[%mul3A_2, %dma_wait3A_216] : memref<10240x32xf32, #tpu.memory_space<hbm>> -> memref<640x32xf32, #tpu.memory_space<hbm>>
      tpu.wait_dma2 semaphore(%run_scoped3A : memref<!tpu.dma_semaphore, #tpu.memory_space<semaphore_mem>>) src(%dma_wait3A_217 : memref<640x32xf32, #tpu.memory_space<hbm>>) dst(%dma_wait3A_215 : memref<640x32xf32, #tpu.memory_space<vmem_shared>>)
      tpu.yield
    }) : () -> ()
    %mul3A_5 = arith.constant 80 : i32
    %mul3A_6 = arith.muli %add3A, %mul3A_5 : i32
    "tpu.region"() ({
      %run_scoped3A = tpu.sem_alloc : memref<!tpu.dma_semaphore, #tpu.memory_space<semaphore_mem>>
      %dma_start3A_210 = arith.constant 0 : i32
      %dma_start3A_211 = tpu.memref_slice %arg3[%mul3A_6, %dma_start3A_210] : memref<2560x125xi32, #tpu.memory_space<hbm>> -> memref<80x125xi32, #tpu.memory_space<hbm>>
      %dma_start3A_212 = arith.constant 0 : i32
      %dma_start3A_213 = tpu.memref_slice %arg3[%mul3A_6, %dma_start3A_212] : memref<2560x125xi32, #tpu.memory_space<hbm>> -> memref<80x125xi32, #tpu.memory_space<hbm>>
      tpu.enqueue_dma source(%dma_start3A_213 : memref<80x125xi32, #tpu.memory_space<hbm>>) target(%arg7 : memref<80x125xi32, #tpu.memory_space<vmem>>) target_semaphore(%run_scoped3A : memref<!tpu.dma_semaphore, #tpu.memory_space<semaphore_mem>>)
      %dma_wait3A_214 = arith.constant 0 : i32
      %dma_wait3A_215 = tpu.memref_slice %arg3[%mul3A_6, %dma_wait3A_214] : memref<2560x125xi32, #tpu.memory_space<hbm>> -> memref<80x125xi32, #tpu.memory_space<hbm>>
      %dma_wait3A_216 = arith.constant 0 : i32
      %dma_wait3A_217 = tpu.memref_slice %arg3[%mul3A_6, %dma_wait3A_216] : memref<2560x125xi32, #tpu.memory_space<hbm>> -> memref<80x125xi32, #tpu.memory_space<hbm>>
      tpu.wait_dma2 semaphore(%run_scoped3A : memref<!tpu.dma_semaphore, #tpu.memory_space<semaphore_mem>>) src(%dma_wait3A_217 : memref<80x125xi32, #tpu.memory_space<hbm>>) dst(%arg7 : memref<80x125xi32, #tpu.memory_space<vmem>>)
      tpu.yield
    }) : () -> ()
    %mul3A_7 = arith.constant 80 : i32
    %mul3A_8 = arith.muli %add3A, %mul3A_7 : i32
    "tpu.region"() ({
      %run_scoped3A = tpu.sem_alloc : memref<!tpu.dma_semaphore, #tpu.memory_space<semaphore_mem>>
      %dma_start3A_210 = arith.constant 0 : i32
      %dma_start3A_211 = tpu.memref_slice %arg4[%mul3A_8, %dma_start3A_210] : memref<2560x125xi32, #tpu.memory_space<hbm>> -> memref<80x125xi32, #tpu.memory_space<hbm>>
      %dma_start3A_212 = arith.constant 0 : i32
      %dma_start3A_213 = tpu.memref_slice %arg4[%mul3A_8, %dma_start3A_212] : memref<2560x125xi32, #tpu.memory_space<hbm>> -> memref<80x125xi32, #tpu.memory_space<hbm>>
      tpu.enqueue_dma source(%dma_start3A_213 : memref<80x125xi32, #tpu.memory_space<hbm>>) target(%arg8 : memref<80x125xi32, #tpu.memory_space<vmem>>) target_semaphore(%run_scoped3A : memref<!tpu.dma_semaphore, #tpu.memory_space<semaphore_mem>>)
      %dma_wait3A_214 = arith.constant 0 : i32
      %dma_wait3A_215 = tpu.memref_slice %arg4[%mul3A_8, %dma_wait3A_214] : memref<2560x125xi32, #tpu.memory_space<hbm>> -> memref<80x125xi32, #tpu.memory_space<hbm>>
      %dma_wait3A_216 = arith.constant 0 : i32
      %dma_wait3A_217 = tpu.memref_slice %arg4[%mul3A_8, %dma_wait3A_216] : memref<2560x125xi32, #tpu.memory_space<hbm>> -> memref<80x125xi32, #tpu.memory_space<hbm>>
      tpu.wait_dma2 semaphore(%run_scoped3A : memref<!tpu.dma_semaphore, #tpu.memory_space<semaphore_mem>>) src(%dma_wait3A_217 : memref<80x125xi32, #tpu.memory_space<hbm>>) dst(%arg8 : memref<80x125xi32, #tpu.memory_space<vmem>>)
      tpu.yield
    }) : () -> ()
    %barrier3A = arith.constant 0 : index
    tpu.barrier barrier_id(%barrier3A)
    %dma_start3A = arith.constant 0 : i32
    %dma_start3A_9 = arith.constant 0 : i32
    %dma_start3A_10 = arith.constant 0 : i32
    %dma_start3A_11 = arith.constant 0 : i32
    %dma_start3A_12 = tpu.memref_slice %arg9[%dma_start3A_9, %dma_start3A_10, %dma_start3A_11] : memref<8x125x32xf32, #tpu.memory_space<vmem>> -> memref<1x125x32xf32, #tpu.memory_space<vmem>>
    %dma_start3A_13 = tpu.memref_squeeze %dma_start3A_12 : memref<1x125x32xf32, #tpu.memory_space<vmem>> -> memref<125x32xf32, #tpu.memory_space<vmem>>
    %dma_start3A_14 = arith.constant 0 : i32
    %dma_start3A_15 = tpu.memref_slice %arg7[%dma_start3A, %dma_start3A_14] : memref<80x125xi32, #tpu.memory_space<vmem>> -> memref<1x125xi32, #tpu.memory_space<vmem>>
    %dma_start3A_16 = tpu.memref_squeeze %dma_start3A_15 : memref<1x125xi32, #tpu.memory_space<vmem>> -> memref<125xi32, #tpu.memory_space<vmem>>
    %dma_start3A_17 = arith.constant 0 : i32
    %dma_start3A_18 = arith.constant 0 : i32
    %dma_start3A_19 = tpu.memref_slice %arg2[%dma_start3A_17, %dma_start3A_18] : memref<10240x32xf32, #tpu.memory_space<hbm>> -> memref<10240x32xf32, #tpu.memory_space<hbm>>
    tpu.enqueue_indirect_dma source(%dma_start3A_19 : memref<10240x32xf32, #tpu.memory_space<hbm>>) target(%dma_start3A_13 : memref<125x32xf32, #tpu.memory_space<vmem>>) offsets(%dma_start3A_16 : memref<125xi32, #tpu.memory_space<vmem>>) semaphore(%arg11 : memref<!tpu.dma_semaphore, #tpu.memory_space<semaphore_mem>>)
    %dma_start3A_20 = arith.constant 1 : i32
    %dma_start3A_21 = arith.constant 1 : i32
    %dma_start3A_22 = arith.constant 0 : i32
    %dma_start3A_23 = arith.constant 0 : i32
    %dma_start3A_24 = tpu.memref_slice %arg9[%dma_start3A_21, %dma_start3A_22, %dma_start3A_23] : memref<8x125x32xf32, #tpu.memory_space<vmem>> -> memref<1x125x32xf32, #tpu.memory_space<vmem>>
    %dma_start3A_25 = tpu.memref_squeeze %dma_start3A_24 : memref<1x125x32xf32, #tpu.memory_space<vmem>> -> memref<125x32xf32, #tpu.memory_space<vmem>>
    %dma_start3A_26 = arith.constant 0 : i32
    %dma_start3A_27 = tpu.memref_slice %arg7[%dma_start3A_20, %dma_start3A_26] : memref<80x125xi32, #tpu.memory_space<vmem>> -> memref<1x125xi32, #tpu.memory_space<vmem>>
    %dma_start3A_28 = tpu.memref_squeeze %dma_start3A_27 : memref<1x125xi32, #tpu.memory_space<vmem>> -> memref<125xi32, #tpu.memory_space<vmem>>
    %dma_start3A_29 = arith.constant 0 : i32
    %dma_start3A_30 = arith.constant 0 : i32
    %dma_start3A_31 = tpu.memref_slice %arg2[%dma_start3A_29, %dma_start3A_30] : memref<10240x32xf32, #tpu.memory_space<hbm>> -> memref<10240x32xf32, #tpu.memory_space<hbm>>
    tpu.enqueue_indirect_dma source(%dma_start3A_31 : memref<10240x32xf32, #tpu.memory_space<hbm>>) target(%dma_start3A_25 : memref<125x32xf32, #tpu.memory_space<vmem>>) offsets(%dma_start3A_28 : memref<125xi32, #tpu.memory_space<vmem>>) semaphore(%arg12 : memref<!tpu.dma_semaphore, #tpu.memory_space<semaphore_mem>>)
    %dma_start3A_32 = arith.constant 2 : i32
    %dma_start3A_33 = arith.constant 2 : i32
    %dma_start3A_34 = arith.constant 0 : i32
    %dma_start3A_35 = arith.constant 0 : i32
    %dma_start3A_36 = tpu.memref_slice %arg9[%dma_start3A_33, %dma_start3A_34, %dma_start3A_35] : memref<8x125x32xf32, #tpu.memory_space<vmem>> -> memref<1x125x32xf32, #tpu.memory_space<vmem>>
    %dma_start3A_37 = tpu.memref_squeeze %dma_start3A_36 : memref<1x125x32xf32, #tpu.memory_space<vmem>> -> memref<125x32xf32, #tpu.memory_space<vmem>>
    %dma_start3A_38 = arith.constant 0 : i32
    %dma_start3A_39 = tpu.memref_slice %arg7[%dma_start3A_32, %dma_start3A_38] : memref<80x125xi32, #tpu.memory_space<vmem>> -> memref<1x125xi32, #tpu.memory_space<vmem>>
    %dma_start3A_40 = tpu.memref_squeeze %dma_start3A_39 : memref<1x125xi32, #tpu.memory_space<vmem>> -> memref<125xi32, #tpu.memory_space<vmem>>
    %dma_start3A_41 = arith.constant 0 : i32
    %dma_start3A_42 = arith.constant 0 : i32
    %dma_start3A_43 = tpu.memref_slice %arg2[%dma_start3A_41, %dma_start3A_42] : memref<10240x32xf32, #tpu.memory_space<hbm>> -> memref<10240x32xf32, #tpu.memory_space<hbm>>
    tpu.enqueue_indirect_dma source(%dma_start3A_43 : memref<10240x32xf32, #tpu.memory_space<hbm>>) target(%dma_start3A_37 : memref<125x32xf32, #tpu.memory_space<vmem>>) offsets(%dma_start3A_40 : memref<125xi32, #tpu.memory_space<vmem>>) semaphore(%arg13 : memref<!tpu.dma_semaphore, #tpu.memory_space<semaphore_mem>>)
    %dma_start3A_44 = arith.constant 3 : i32
    %dma_start3A_45 = arith.constant 3 : i32
    %dma_start3A_46 = arith.constant 0 : i32
    %dma_start3A_47 = arith.constant 0 : i32
    %dma_start3A_48 = tpu.memref_slice %arg9[%dma_start3A_45, %dma_start3A_46, %dma_start3A_47] : memref<8x125x32xf32, #tpu.memory_space<vmem>> -> memref<1x125x32xf32, #tpu.memory_space<vmem>>
    %dma_start3A_49 = tpu.memref_squeeze %dma_start3A_48 : memref<1x125x32xf32, #tpu.memory_space<vmem>> -> memref<125x32xf32, #tpu.memory_space<vmem>>
    %dma_start3A_50 = arith.constant 0 : i32
    %dma_start3A_51 = tpu.memref_slice %arg7[%dma_start3A_44, %dma_start3A_50] : memref<80x125xi32, #tpu.memory_space<vmem>> -> memref<1x125xi32, #tpu.memory_space<vmem>>
    %dma_start3A_52 = tpu.memref_squeeze %dma_start3A_51 : memref<1x125xi32, #tpu.memory_space<vmem>> -> memref<125xi32, #tpu.memory_space<vmem>>
    %dma_start3A_53 = arith.constant 0 : i32
    %dma_start3A_54 = arith.constant 0 : i32
    %dma_start3A_55 = tpu.memref_slice %arg2[%dma_start3A_53, %dma_start3A_54] : memref<10240x32xf32, #tpu.memory_space<hbm>> -> memref<10240x32xf32, #tpu.memory_space<hbm>>
    tpu.enqueue_indirect_dma source(%dma_start3A_55 : memref<10240x32xf32, #tpu.memory_space<hbm>>) target(%dma_start3A_49 : memref<125x32xf32, #tpu.memory_space<vmem>>) offsets(%dma_start3A_52 : memref<125xi32, #tpu.memory_space<vmem>>) semaphore(%arg14 : memref<!tpu.dma_semaphore, #tpu.memory_space<semaphore_mem>>)
    %dma_start3A_56 = arith.constant 4 : i32
    %dma_start3A_57 = arith.constant 4 : i32
    %dma_start3A_58 = arith.constant 0 : i32
    %dma_start3A_59 = arith.constant 0 : i32
    %dma_start3A_60 = tpu.memref_slice %arg9[%dma_start3A_57, %dma_start3A_58, %dma_start3A_59] : memref<8x125x32xf32, #tpu.memory_space<vmem>> -> memref<1x125x32xf32, #tpu.memory_space<vmem>>
    %dma_start3A_61 = tpu.memref_squeeze %dma_start3A_60 : memref<1x125x32xf32, #tpu.memory_space<vmem>> -> memref<125x32xf32, #tpu.memory_space<vmem>>
    %dma_start3A_62 = arith.constant 0 : i32
    %dma_start3A_63 = tpu.memref_slice %arg7[%dma_start3A_56, %dma_start3A_62] : memref<80x125xi32, #tpu.memory_space<vmem>> -> memref<1x125xi32, #tpu.memory_space<vmem>>
    %dma_start3A_64 = tpu.memref_squeeze %dma_start3A_63 : memref<1x125xi32, #tpu.memory_space<vmem>> -> memref<125xi32, #tpu.memory_space<vmem>>
    %dma_start3A_65 = arith.constant 0 : i32
    %dma_start3A_66 = arith.constant 0 : i32
    %dma_start3A_67 = tpu.memref_slice %arg2[%dma_start3A_65, %dma_start3A_66] : memref<10240x32xf32, #tpu.memory_space<hbm>> -> memref<10240x32xf32, #tpu.memory_space<hbm>>
    tpu.enqueue_indirect_dma source(%dma_start3A_67 : memref<10240x32xf32, #tpu.memory_space<hbm>>) target(%dma_start3A_61 : memref<125x32xf32, #tpu.memory_space<vmem>>) offsets(%dma_start3A_64 : memref<125xi32, #tpu.memory_space<vmem>>) semaphore(%arg15 : memref<!tpu.dma_semaphore, #tpu.memory_space<semaphore_mem>>)
    %dma_start3A_68 = arith.constant 5 : i32
    %dma_start3A_69 = arith.constant 5 : i32
    %dma_start3A_70 = arith.constant 0 : i32
    %dma_start3A_71 = arith.constant 0 : i32
    %dma_start3A_72 = tpu.memref_slice %arg9[%dma_start3A_69, %dma_start3A_70, %dma_start3A_71] : memref<8x125x32xf32, #tpu.memory_space<vmem>> -> memref<1x125x32xf32, #tpu.memory_space<vmem>>
    %dma_start3A_73 = tpu.memref_squeeze %dma_start3A_72 : memref<1x125x32xf32, #tpu.memory_space<vmem>> -> memref<125x32xf32, #tpu.memory_space<vmem>>
    %dma_start3A_74 = arith.constant 0 : i32
    %dma_start3A_75 = tpu.memref_slice %arg7[%dma_start3A_68, %dma_start3A_74] : memref<80x125xi32, #tpu.memory_space<vmem>> -> memref<1x125xi32, #tpu.memory_space<vmem>>
    %dma_start3A_76 = tpu.memref_squeeze %dma_start3A_75 : memref<1x125xi32, #tpu.memory_space<vmem>> -> memref<125xi32, #tpu.memory_space<vmem>>
    %dma_start3A_77 = arith.constant 0 : i32
    %dma_start3A_78 = arith.constant 0 : i32
    %dma_start3A_79 = tpu.memref_slice %arg2[%dma_start3A_77, %dma_start3A_78] : memref<10240x32xf32, #tpu.memory_space<hbm>> -> memref<10240x32xf32, #tpu.memory_space<hbm>>
    tpu.enqueue_indirect_dma source(%dma_start3A_79 : memref<10240x32xf32, #tpu.memory_space<hbm>>) target(%dma_start3A_73 : memref<125x32xf32, #tpu.memory_space<vmem>>) offsets(%dma_start3A_76 : memref<125xi32, #tpu.memory_space<vmem>>) semaphore(%arg16 : memref<!tpu.dma_semaphore, #tpu.memory_space<semaphore_mem>>)
    %dma_start3A_80 = arith.constant 6 : i32
    %dma_start3A_81 = arith.constant 6 : i32
    %dma_start3A_82 = arith.constant 0 : i32
    %dma_start3A_83 = arith.constant 0 : i32
    %dma_start3A_84 = tpu.memref_slice %arg9[%dma_start3A_81, %dma_start3A_82, %dma_start3A_83] : memref<8x125x32xf32, #tpu.memory_space<vmem>> -> memref<1x125x32xf32, #tpu.memory_space<vmem>>
    %dma_start3A_85 = tpu.memref_squeeze %dma_start3A_84 : memref<1x125x32xf32, #tpu.memory_space<vmem>> -> memref<125x32xf32, #tpu.memory_space<vmem>>
    %dma_start3A_86 = arith.constant 0 : i32
    %dma_start3A_87 = tpu.memref_slice %arg7[%dma_start3A_80, %dma_start3A_86] : memref<80x125xi32, #tpu.memory_space<vmem>> -> memref<1x125xi32, #tpu.memory_space<vmem>>
    %dma_start3A_88 = tpu.memref_squeeze %dma_start3A_87 : memref<1x125xi32, #tpu.memory_space<vmem>> -> memref<125xi32, #tpu.memory_space<vmem>>
    %dma_start3A_89 = arith.constant 0 : i32
    %dma_start3A_90 = arith.constant 0 : i32
    %dma_start3A_91 = tpu.memref_slice %arg2[%dma_start3A_89, %dma_start3A_90] : memref<10240x32xf32, #tpu.memory_space<hbm>> -> memref<10240x32xf32, #tpu.memory_space<hbm>>
    tpu.enqueue_indirect_dma source(%dma_start3A_91 : memref<10240x32xf32, #tpu.memory_space<hbm>>) target(%dma_start3A_85 : memref<125x32xf32, #tpu.memory_space<vmem>>) offsets(%dma_start3A_88 : memref<125xi32, #tpu.memory_space<vmem>>) semaphore(%arg17 : memref<!tpu.dma_semaphore, #tpu.memory_space<semaphore_mem>>)
    %dma_start3A_92 = arith.constant 7 : i32
    %dma_start3A_93 = arith.constant 7 : i32
    %dma_start3A_94 = arith.constant 0 : i32
    %dma_start3A_95 = arith.constant 0 : i32
    %dma_start3A_96 = tpu.memref_slice %arg9[%dma_start3A_93, %dma_start3A_94, %dma_start3A_95] : memref<8x125x32xf32, #tpu.memory_space<vmem>> -> memref<1x125x32xf32, #tpu.memory_space<vmem>>
    %dma_start3A_97 = tpu.memref_squeeze %dma_start3A_96 : memref<1x125x32xf32, #tpu.memory_space<vmem>> -> memref<125x32xf32, #tpu.memory_space<vmem>>
    %dma_start3A_98 = arith.constant 0 : i32
    %dma_start3A_99 = tpu.memref_slice %arg7[%dma_start3A_92, %dma_start3A_98] : memref<80x125xi32, #tpu.memory_space<vmem>> -> memref<1x125xi32, #tpu.memory_space<vmem>>
    %dma_start3A_100 = tpu.memref_squeeze %dma_start3A_99 : memref<1x125xi32, #tpu.memory_space<vmem>> -> memref<125xi32, #tpu.memory_space<vmem>>
    %dma_start3A_101 = arith.constant 0 : i32
    %dma_start3A_102 = arith.constant 0 : i32
    %dma_start3A_103 = tpu.memref_slice %arg2[%dma_start3A_101, %dma_start3A_102] : memref<10240x32xf32, #tpu.memory_space<hbm>> -> memref<10240x32xf32, #tpu.memory_space<hbm>>
    tpu.enqueue_indirect_dma source(%dma_start3A_103 : memref<10240x32xf32, #tpu.memory_space<hbm>>) target(%dma_start3A_97 : memref<125x32xf32, #tpu.memory_space<vmem>>) offsets(%dma_start3A_100 : memref<125xi32, #tpu.memory_space<vmem>>) semaphore(%arg18 : memref<!tpu.dma_semaphore, #tpu.memory_space<semaphore_mem>>)
    %scan3A = arith.constant 0 : i32
    %scan3A_104 = arith.constant 0 : i32
    %scan3A_105 = arith.constant 10 : i32
    %scan3A_106 = arith.addi %scan3A_104, %scan3A_105 : i32
    %scan3A_107 = arith.constant 1 : i32
    %scan3A_108 = scf.for %scan3A_210 = %scan3A_104 to %scan3A_106 step %scan3A_107 iter_args(%scan3A_211 = %scan3A) -> (i32)  : i32 {
      %mul3A_212 = arith.constant 8 : i32
      %mul3A_213 = arith.muli %scan3A_210, %mul3A_212 : i32
      %dma_wait3A_214 = arith.constant 0 : i32
      %dma_wait3A_215 = arith.constant 0 : i32
      %dma_wait3A_216 = arith.constant 0 : i32
      %dma_wait3A_217 = arith.constant 0 : i32
      %dma_wait3A_218 = tpu.memref_slice %arg9[%dma_wait3A_215, %dma_wait3A_216, %dma_wait3A_217] : memref<8x125x32xf32, #tpu.memory_space<vmem>> -> memref<1x125x32xf32, #tpu.memory_space<vmem>>
      %dma_wait3A_219 = tpu.memref_squeeze %dma_wait3A_218 : memref<1x125x32xf32, #tpu.memory_space<vmem>> -> memref<125x32xf32, #tpu.memory_space<vmem>>
      %dma_wait3A_220 = arith.constant 0 : i32
      %dma_wait3A_221 = tpu.memref_slice %arg7[%dma_wait3A_214, %dma_wait3A_220] : memref<80x125xi32, #tpu.memory_space<vmem>> -> memref<1x125xi32, #tpu.memory_space<vmem>>
      %dma_wait3A_222 = tpu.memref_squeeze %dma_wait3A_221 : memref<1x125xi32, #tpu.memory_space<vmem>> -> memref<125xi32, #tpu.memory_space<vmem>>
      %dma_wait3A_223 = arith.constant 0 : i32
      %dma_wait3A_224 = arith.constant 0 : i32
      %dma_wait3A_225 = tpu.memref_slice %arg2[%dma_wait3A_223, %dma_wait3A_224] : memref<10240x32xf32, #tpu.memory_space<hbm>> -> memref<10240x32xf32, #tpu.memory_space<hbm>>
      tpu.wait_indirect_dma semaphore(%arg11 : memref<!tpu.dma_semaphore, #tpu.memory_space<semaphore_mem>>) src(%dma_wait3A_225 : memref<10240x32xf32, #tpu.memory_space<hbm>>) dst(%dma_wait3A_219 : memref<125x32xf32, #tpu.memory_space<vmem>>)
      %add3A_226 = arith.constant 0 : i32
      %add3A_227 = arith.addi %mul3A_213, %add3A_226 : i32
      %dma_start3A_228 = arith.constant 0 : i32
      %dma_start3A_229 = arith.constant 0 : i32
      %dma_start3A_230 = arith.constant 0 : i32
      %dma_start3A_231 = tpu.memref_slice %arg9[%dma_start3A_228, %dma_start3A_229, %dma_start3A_230] : memref<8x125x32xf32, #tpu.memory_space<vmem>> -> memref<1x125x32xf32, #tpu.memory_space<vmem>>
      %dma_start3A_232 = tpu.memref_squeeze %dma_start3A_231 : memref<1x125x32xf32, #tpu.memory_space<vmem>> -> memref<125x32xf32, #tpu.memory_space<vmem>>
      %dma_start3A_233 = arith.constant 0 : i32
      %dma_start3A_234 = tpu.memref_slice %arg8[%add3A_227, %dma_start3A_233] : memref<80x125xi32, #tpu.memory_space<vmem>> -> memref<1x125xi32, #tpu.memory_space<vmem>>
      %dma_start3A_235 = tpu.memref_squeeze %dma_start3A_234 : memref<1x125xi32, #tpu.memory_space<vmem>> -> memref<125xi32, #tpu.memory_space<vmem>>
      %dma_start3A_236 = arith.constant 0 : i32
      %dma_start3A_237 = arith.constant 0 : i32
      %dma_start3A_238 = tpu.memref_slice %arg10[%dma_start3A_236, %dma_start3A_237] : memref<10240x32xf32, #tpu.memory_space<vmem_shared>> -> memref<10240x32xf32, #tpu.memory_space<vmem_shared>>
      tpu.enqueue_indirect_dma source(%dma_start3A_232 : memref<125x32xf32, #tpu.memory_space<vmem>>) target(%dma_start3A_238 : memref<10240x32xf32, #tpu.memory_space<vmem_shared>>) offsets(%dma_start3A_235 : memref<125xi32, #tpu.memory_space<vmem>>) semaphore(%arg19 : memref<!tpu.dma_semaphore, #tpu.memory_space<semaphore_mem>>) {add = true}
      %dma_wait3A_239 = arith.constant 0 : i32
      %dma_wait3A_240 = arith.constant 1 : i32
      %dma_wait3A_241 = arith.constant 0 : i32
      %dma_wait3A_242 = arith.constant 0 : i32
      %dma_wait3A_243 = tpu.memref_slice %arg9[%dma_wait3A_240, %dma_wait3A_241, %dma_wait3A_242] : memref<8x125x32xf32, #tpu.memory_space<vmem>> -> memref<1x125x32xf32, #tpu.memory_space<vmem>>
      %dma_wait3A_244 = tpu.memref_squeeze %dma_wait3A_243 : memref<1x125x32xf32, #tpu.memory_space<vmem>> -> memref<125x32xf32, #tpu.memory_space<vmem>>
      %dma_wait3A_245 = arith.constant 0 : i32
      %dma_wait3A_246 = tpu.memref_slice %arg7[%dma_wait3A_239, %dma_wait3A_245] : memref<80x125xi32, #tpu.memory_space<vmem>> -> memref<1x125xi32, #tpu.memory_space<vmem>>
      %dma_wait3A_247 = tpu.memref_squeeze %dma_wait3A_246 : memref<1x125xi32, #tpu.memory_space<vmem>> -> memref<125xi32, #tpu.memory_space<vmem>>
      %dma_wait3A_248 = arith.constant 0 : i32
      %dma_wait3A_249 = arith.constant 0 : i32
      %dma_wait3A_250 = tpu.memref_slice %arg2[%dma_wait3A_248, %dma_wait3A_249] : memref<10240x32xf32, #tpu.memory_space<hbm>> -> memref<10240x32xf32, #tpu.memory_space<hbm>>
      tpu.wait_indirect_dma semaphore(%arg12 : memref<!tpu.dma_semaphore, #tpu.memory_space<semaphore_mem>>) src(%dma_wait3A_250 : memref<10240x32xf32, #tpu.memory_space<hbm>>) dst(%dma_wait3A_244 : memref<125x32xf32, #tpu.memory_space<vmem>>)
      %add3A_251 = arith.constant 1 : i32
      %add3A_252 = arith.addi %mul3A_213, %add3A_251 : i32
      %dma_start3A_253 = arith.constant 1 : i32
      %dma_start3A_254 = arith.constant 0 : i32
      %dma_start3A_255 = arith.constant 0 : i32
      %dma_start3A_256 = tpu.memref_slice %arg9[%dma_start3A_253, %dma_start3A_254, %dma_start3A_255] : memref<8x125x32xf32, #tpu.memory_space<vmem>> -> memref<1x125x32xf32, #tpu.memory_space<vmem>>
      %dma_start3A_257 = tpu.memref_squeeze %dma_start3A_256 : memref<1x125x32xf32, #tpu.memory_space<vmem>> -> memref<125x32xf32, #tpu.memory_space<vmem>>
      %dma_start3A_258 = arith.constant 0 : i32
      %dma_start3A_259 = tpu.memref_slice %arg8[%add3A_252, %dma_start3A_258] : memref<80x125xi32, #tpu.memory_space<vmem>> -> memref<1x125xi32, #tpu.memory_space<vmem>>
      %dma_start3A_260 = tpu.memref_squeeze %dma_start3A_259 : memref<1x125xi32, #tpu.memory_space<vmem>> -> memref<125xi32, #tpu.memory_space<vmem>>
      %dma_start3A_261 = arith.constant 0 : i32
      %dma_start3A_262 = arith.constant 0 : i32
      %dma_start3A_263 = tpu.memref_slice %arg10[%dma_start3A_261, %dma_start3A_262] : memref<10240x32xf32, #tpu.memory_space<vmem_shared>> -> memref<10240x32xf32, #tpu.memory_space<vmem_shared>>
      tpu.enqueue_indirect_dma source(%dma_start3A_257 : memref<125x32xf32, #tpu.memory_space<vmem>>) target(%dma_start3A_263 : memref<10240x32xf32, #tpu.memory_space<vmem_shared>>) offsets(%dma_start3A_260 : memref<125xi32, #tpu.memory_space<vmem>>) semaphore(%arg20 : memref<!tpu.dma_semaphore, #tpu.memory_space<semaphore_mem>>) {add = true}
      %dma_wait3A_264 = arith.constant 0 : i32
      %dma_wait3A_265 = arith.constant 2 : i32
      %dma_wait3A_266 = arith.constant 0 : i32
      %dma_wait3A_267 = arith.constant 0 : i32
      %dma_wait3A_268 = tpu.memref_slice %arg9[%dma_wait3A_265, %dma_wait3A_266, %dma_wait3A_267] : memref<8x125x32xf32, #tpu.memory_space<vmem>> -> memref<1x125x32xf32, #tpu.memory_space<vmem>>
      %dma_wait3A_269 = tpu.memref_squeeze %dma_wait3A_268 : memref<1x125x32xf32, #tpu.memory_space<vmem>> -> memref<125x32xf32, #tpu.memory_space<vmem>>
      %dma_wait3A_270 = arith.constant 0 : i32
      %dma_wait3A_271 = tpu.memref_slice %arg7[%dma_wait3A_264, %dma_wait3A_270] : memref<80x125xi32, #tpu.memory_space<vmem>> -> memref<1x125xi32, #tpu.memory_space<vmem>>
      %dma_wait3A_272 = tpu.memref_squeeze %dma_wait3A_271 : memref<1x125xi32, #tpu.memory_space<vmem>> -> memref<125xi32, #tpu.memory_space<vmem>>
      %dma_wait3A_273 = arith.constant 0 : i32
      %dma_wait3A_274 = arith.constant 0 : i32
      %dma_wait3A_275 = tpu.memref_slice %arg2[%dma_wait3A_273, %dma_wait3A_274] : memref<10240x32xf32, #tpu.memory_space<hbm>> -> memref<10240x32xf32, #tpu.memory_space<hbm>>
      tpu.wait_indirect_dma semaphore(%arg13 : memref<!tpu.dma_semaphore, #tpu.memory_space<semaphore_mem>>) src(%dma_wait3A_275 : memref<10240x32xf32, #tpu.memory_space<hbm>>) dst(%dma_wait3A_269 : memref<125x32xf32, #tpu.memory_space<vmem>>)
      %add3A_276 = arith.constant 2 : i32
      %add3A_277 = arith.addi %mul3A_213, %add3A_276 : i32
      %dma_start3A_278 = arith.constant 2 : i32
      %dma_start3A_279 = arith.constant 0 : i32
      %dma_start3A_280 = arith.constant 0 : i32
      %dma_start3A_281 = tpu.memref_slice %arg9[%dma_start3A_278, %dma_start3A_279, %dma_start3A_280] : memref<8x125x32xf32, #tpu.memory_space<vmem>> -> memref<1x125x32xf32, #tpu.memory_space<vmem>>
      %dma_start3A_282 = tpu.memref_squeeze %dma_start3A_281 : memref<1x125x32xf32, #tpu.memory_space<vmem>> -> memref<125x32xf32, #tpu.memory_space<vmem>>
      %dma_start3A_283 = arith.constant 0 : i32
      %dma_start3A_284 = tpu.memref_slice %arg8[%add3A_277, %dma_start3A_283] : memref<80x125xi32, #tpu.memory_space<vmem>> -> memref<1x125xi32, #tpu.memory_space<vmem>>
      %dma_start3A_285 = tpu.memref_squeeze %dma_start3A_284 : memref<1x125xi32, #tpu.memory_space<vmem>> -> memref<125xi32, #tpu.memory_space<vmem>>
      %dma_start3A_286 = arith.constant 0 : i32
      %dma_start3A_287 = arith.constant 0 : i32
      %dma_start3A_288 = tpu.memref_slice %arg10[%dma_start3A_286, %dma_start3A_287] : memref<10240x32xf32, #tpu.memory_space<vmem_shared>> -> memref<10240x32xf32, #tpu.memory_space<vmem_shared>>
      tpu.enqueue_indirect_dma source(%dma_start3A_282 : memref<125x32xf32, #tpu.memory_space<vmem>>) target(%dma_start3A_288 : memref<10240x32xf32, #tpu.memory_space<vmem_shared>>) offsets(%dma_start3A_285 : memref<125xi32, #tpu.memory_space<vmem>>) semaphore(%arg21 : memref<!tpu.dma_semaphore, #tpu.memory_space<semaphore_mem>>) {add = true}
      %dma_wait3A_289 = arith.constant 0 : i32
      %dma_wait3A_290 = arith.constant 3 : i32
      %dma_wait3A_291 = arith.constant 0 : i32
      %dma_wait3A_292 = arith.constant 0 : i32
      %dma_wait3A_293 = tpu.memref_slice %arg9[%dma_wait3A_290, %dma_wait3A_291, %dma_wait3A_292] : memref<8x125x32xf32, #tpu.memory_space<vmem>> -> memref<1x125x32xf32, #tpu.memory_space<vmem>>
      %dma_wait3A_294 = tpu.memref_squeeze %dma_wait3A_293 : memref<1x125x32xf32, #tpu.memory_space<vmem>> -> memref<125x32xf32, #tpu.memory_space<vmem>>
      %dma_wait3A_295 = arith.constant 0 : i32
      %dma_wait3A_296 = tpu.memref_slice %arg7[%dma_wait3A_289, %dma_wait3A_295] : memref<80x125xi32, #tpu.memory_space<vmem>> -> memref<1x125xi32, #tpu.memory_space<vmem>>
      %dma_wait3A_297 = tpu.memref_squeeze %dma_wait3A_296 : memref<1x125xi32, #tpu.memory_space<vmem>> -> memref<125xi32, #tpu.memory_space<vmem>>
      %dma_wait3A_298 = arith.constant 0 : i32
      %dma_wait3A_299 = arith.constant 0 : i32
      %dma_wait3A_300 = tpu.memref_slice %arg2[%dma_wait3A_298, %dma_wait3A_299] : memref<10240x32xf32, #tpu.memory_space<hbm>> -> memref<10240x32xf32, #tpu.memory_space<hbm>>
      tpu.wait_indirect_dma semaphore(%arg14 : memref<!tpu.dma_semaphore, #tpu.memory_space<semaphore_mem>>) src(%dma_wait3A_300 : memref<10240x32xf32, #tpu.memory_space<hbm>>) dst(%dma_wait3A_294 : memref<125x32xf32, #tpu.memory_space<vmem>>)
      %add3A_301 = arith.constant 3 : i32
      %add3A_302 = arith.addi %mul3A_213, %add3A_301 : i32
      %dma_start3A_303 = arith.constant 3 : i32
      %dma_start3A_304 = arith.constant 0 : i32
      %dma_start3A_305 = arith.constant 0 : i32
      %dma_start3A_306 = tpu.memref_slice %arg9[%dma_start3A_303, %dma_start3A_304, %dma_start3A_305] : memref<8x125x32xf32, #tpu.memory_space<vmem>> -> memref<1x125x32xf32, #tpu.memory_space<vmem>>
      %dma_start3A_307 = tpu.memref_squeeze %dma_start3A_306 : memref<1x125x32xf32, #tpu.memory_space<vmem>> -> memref<125x32xf32, #tpu.memory_space<vmem>>
      %dma_start3A_308 = arith.constant 0 : i32
      %dma_start3A_309 = tpu.memref_slice %arg8[%add3A_302, %dma_start3A_308] : memref<80x125xi32, #tpu.memory_space<vmem>> -> memref<1x125xi32, #tpu.memory_space<vmem>>
      %dma_start3A_310 = tpu.memref_squeeze %dma_start3A_309 : memref<1x125xi32, #tpu.memory_space<vmem>> -> memref<125xi32, #tpu.memory_space<vmem>>
      %dma_start3A_311 = arith.constant 0 : i32
      %dma_start3A_312 = arith.constant 0 : i32
      %dma_start3A_313 = tpu.memref_slice %arg10[%dma_start3A_311, %dma_start3A_312] : memref<10240x32xf32, #tpu.memory_space<vmem_shared>> -> memref<10240x32xf32, #tpu.memory_space<vmem_shared>>
      tpu.enqueue_indirect_dma source(%dma_start3A_307 : memref<125x32xf32, #tpu.memory_space<vmem>>) target(%dma_start3A_313 : memref<10240x32xf32, #tpu.memory_space<vmem_shared>>) offsets(%dma_start3A_310 : memref<125xi32, #tpu.memory_space<vmem>>) semaphore(%arg22 : memref<!tpu.dma_semaphore, #tpu.memory_space<semaphore_mem>>) {add = true}
      %dma_wait3A_314 = arith.constant 0 : i32
      %dma_wait3A_315 = arith.constant 4 : i32
      %dma_wait3A_316 = arith.constant 0 : i32
      %dma_wait3A_317 = arith.constant 0 : i32
      %dma_wait3A_318 = tpu.memref_slice %arg9[%dma_wait3A_315, %dma_wait3A_316, %dma_wait3A_317] : memref<8x125x32xf32, #tpu.memory_space<vmem>> -> memref<1x125x32xf32, #tpu.memory_space<vmem>>
      %dma_wait3A_319 = tpu.memref_squeeze %dma_wait3A_318 : memref<1x125x32xf32, #tpu.memory_space<vmem>> -> memref<125x32xf32, #tpu.memory_space<vmem>>
      %dma_wait3A_320 = arith.constant 0 : i32
      %dma_wait3A_321 = tpu.memref_slice %arg7[%dma_wait3A_314, %dma_wait3A_320] : memref<80x125xi32, #tpu.memory_space<vmem>> -> memref<1x125xi32, #tpu.memory_space<vmem>>
      %dma_wait3A_322 = tpu.memref_squeeze %dma_wait3A_321 : memref<1x125xi32, #tpu.memory_space<vmem>> -> memref<125xi32, #tpu.memory_space<vmem>>
      %dma_wait3A_323 = arith.constant 0 : i32
      %dma_wait3A_324 = arith.constant 0 : i32
      %dma_wait3A_325 = tpu.memref_slice %arg2[%dma_wait3A_323, %dma_wait3A_324] : memref<10240x32xf32, #tpu.memory_space<hbm>> -> memref<10240x32xf32, #tpu.memory_space<hbm>>
      tpu.wait_indirect_dma semaphore(%arg15 : memref<!tpu.dma_semaphore, #tpu.memory_space<semaphore_mem>>) src(%dma_wait3A_325 : memref<10240x32xf32, #tpu.memory_space<hbm>>) dst(%dma_wait3A_319 : memref<125x32xf32, #tpu.memory_space<vmem>>)
      %add3A_326 = arith.constant 4 : i32
      %add3A_327 = arith.addi %mul3A_213, %add3A_326 : i32
      %dma_start3A_328 = arith.constant 4 : i32
      %dma_start3A_329 = arith.constant 0 : i32
      %dma_start3A_330 = arith.constant 0 : i32
      %dma_start3A_331 = tpu.memref_slice %arg9[%dma_start3A_328, %dma_start3A_329, %dma_start3A_330] : memref<8x125x32xf32, #tpu.memory_space<vmem>> -> memref<1x125x32xf32, #tpu.memory_space<vmem>>
      %dma_start3A_332 = tpu.memref_squeeze %dma_start3A_331 : memref<1x125x32xf32, #tpu.memory_space<vmem>> -> memref<125x32xf32, #tpu.memory_space<vmem>>
      %dma_start3A_333 = arith.constant 0 : i32
      %dma_start3A_334 = tpu.memref_slice %arg8[%add3A_327, %dma_start3A_333] : memref<80x125xi32, #tpu.memory_space<vmem>> -> memref<1x125xi32, #tpu.memory_space<vmem>>
      %dma_start3A_335 = tpu.memref_squeeze %dma_start3A_334 : memref<1x125xi32, #tpu.memory_space<vmem>> -> memref<125xi32, #tpu.memory_space<vmem>>
      %dma_start3A_336 = arith.constant 0 : i32
      %dma_start3A_337 = arith.constant 0 : i32
      %dma_start3A_338 = tpu.memref_slice %arg10[%dma_start3A_336, %dma_start3A_337] : memref<10240x32xf32, #tpu.memory_space<vmem_shared>> -> memref<10240x32xf32, #tpu.memory_space<vmem_shared>>
      tpu.enqueue_indirect_dma source(%dma_start3A_332 : memref<125x32xf32, #tpu.memory_space<vmem>>) target(%dma_start3A_338 : memref<10240x32xf32, #tpu.memory_space<vmem_shared>>) offsets(%dma_start3A_335 : memref<125xi32, #tpu.memory_space<vmem>>) semaphore(%arg23 : memref<!tpu.dma_semaphore, #tpu.memory_space<semaphore_mem>>) {add = true}
      %dma_wait3A_339 = arith.constant 0 : i32
      %dma_wait3A_340 = arith.constant 5 : i32
      %dma_wait3A_341 = arith.constant 0 : i32
      %dma_wait3A_342 = arith.constant 0 : i32
      %dma_wait3A_343 = tpu.memref_slice %arg9[%dma_wait3A_340, %dma_wait3A_341, %dma_wait3A_342] : memref<8x125x32xf32, #tpu.memory_space<vmem>> -> memref<1x125x32xf32, #tpu.memory_space<vmem>>
      %dma_wait3A_344 = tpu.memref_squeeze %dma_wait3A_343 : memref<1x125x32xf32, #tpu.memory_space<vmem>> -> memref<125x32xf32, #tpu.memory_space<vmem>>
      %dma_wait3A_345 = arith.constant 0 : i32
      %dma_wait3A_346 = tpu.memref_slice %arg7[%dma_wait3A_339, %dma_wait3A_345] : memref<80x125xi32, #tpu.memory_space<vmem>> -> memref<1x125xi32, #tpu.memory_space<vmem>>
      %dma_wait3A_347 = tpu.memref_squeeze %dma_wait3A_346 : memref<1x125xi32, #tpu.memory_space<vmem>> -> memref<125xi32, #tpu.memory_space<vmem>>
      %dma_wait3A_348 = arith.constant 0 : i32
      %dma_wait3A_349 = arith.constant 0 : i32
      %dma_wait3A_350 = tpu.memref_slice %arg2[%dma_wait3A_348, %dma_wait3A_349] : memref<10240x32xf32, #tpu.memory_space<hbm>> -> memref<10240x32xf32, #tpu.memory_space<hbm>>
      tpu.wait_indirect_dma semaphore(%arg16 : memref<!tpu.dma_semaphore, #tpu.memory_space<semaphore_mem>>) src(%dma_wait3A_350 : memref<10240x32xf32, #tpu.memory_space<hbm>>) dst(%dma_wait3A_344 : memref<125x32xf32, #tpu.memory_space<vmem>>)
      %add3A_351 = arith.constant 5 : i32
      %add3A_352 = arith.addi %mul3A_213, %add3A_351 : i32
      %dma_start3A_353 = arith.constant 5 : i32
      %dma_start3A_354 = arith.constant 0 : i32
      %dma_start3A_355 = arith.constant 0 : i32
      %dma_start3A_356 = tpu.memref_slice %arg9[%dma_start3A_353, %dma_start3A_354, %dma_start3A_355] : memref<8x125x32xf32, #tpu.memory_space<vmem>> -> memref<1x125x32xf32, #tpu.memory_space<vmem>>
      %dma_start3A_357 = tpu.memref_squeeze %dma_start3A_356 : memref<1x125x32xf32, #tpu.memory_space<vmem>> -> memref<125x32xf32, #tpu.memory_space<vmem>>
      %dma_start3A_358 = arith.constant 0 : i32
      %dma_start3A_359 = tpu.memref_slice %arg8[%add3A_352, %dma_start3A_358] : memref<80x125xi32, #tpu.memory_space<vmem>> -> memref<1x125xi32, #tpu.memory_space<vmem>>
      %dma_start3A_360 = tpu.memref_squeeze %dma_start3A_359 : memref<1x125xi32, #tpu.memory_space<vmem>> -> memref<125xi32, #tpu.memory_space<vmem>>
      %dma_start3A_361 = arith.constant 0 : i32
      %dma_start3A_362 = arith.constant 0 : i32
      %dma_start3A_363 = tpu.memref_slice %arg10[%dma_start3A_361, %dma_start3A_362] : memref<10240x32xf32, #tpu.memory_space<vmem_shared>> -> memref<10240x32xf32, #tpu.memory_space<vmem_shared>>
      tpu.enqueue_indirect_dma source(%dma_start3A_357 : memref<125x32xf32, #tpu.memory_space<vmem>>) target(%dma_start3A_363 : memref<10240x32xf32, #tpu.memory_space<vmem_shared>>) offsets(%dma_start3A_360 : memref<125xi32, #tpu.memory_space<vmem>>) semaphore(%arg24 : memref<!tpu.dma_semaphore, #tpu.memory_space<semaphore_mem>>) {add = true}
      %dma_wait3A_364 = arith.constant 0 : i32
      %dma_wait3A_365 = arith.constant 6 : i32
      %dma_wait3A_366 = arith.constant 0 : i32
      %dma_wait3A_367 = arith.constant 0 : i32
      %dma_wait3A_368 = tpu.memref_slice %arg9[%dma_wait3A_365, %dma_wait3A_366, %dma_wait3A_367] : memref<8x125x32xf32, #tpu.memory_space<vmem>> -> memref<1x125x32xf32, #tpu.memory_space<vmem>>
      %dma_wait3A_369 = tpu.memref_squeeze %dma_wait3A_368 : memref<1x125x32xf32, #tpu.memory_space<vmem>> -> memref<125x32xf32, #tpu.memory_space<vmem>>
      %dma_wait3A_370 = arith.constant 0 : i32
      %dma_wait3A_371 = tpu.memref_slice %arg7[%dma_wait3A_364, %dma_wait3A_370] : memref<80x125xi32, #tpu.memory_space<vmem>> -> memref<1x125xi32, #tpu.memory_space<vmem>>
      %dma_wait3A_372 = tpu.memref_squeeze %dma_wait3A_371 : memref<1x125xi32, #tpu.memory_space<vmem>> -> memref<125xi32, #tpu.memory_space<vmem>>
      %dma_wait3A_373 = arith.constant 0 : i32
      %dma_wait3A_374 = arith.constant 0 : i32
      %dma_wait3A_375 = tpu.memref_slice %arg2[%dma_wait3A_373, %dma_wait3A_374] : memref<10240x32xf32, #tpu.memory_space<hbm>> -> memref<10240x32xf32, #tpu.memory_space<hbm>>
      tpu.wait_indirect_dma semaphore(%arg17 : memref<!tpu.dma_semaphore, #tpu.memory_space<semaphore_mem>>) src(%dma_wait3A_375 : memref<10240x32xf32, #tpu.memory_space<hbm>>) dst(%dma_wait3A_369 : memref<125x32xf32, #tpu.memory_space<vmem>>)
      %add3A_376 = arith.constant 6 : i32
      %add3A_377 = arith.addi %mul3A_213, %add3A_376 : i32
      %dma_start3A_378 = arith.constant 6 : i32
      %dma_start3A_379 = arith.constant 0 : i32
      %dma_start3A_380 = arith.constant 0 : i32
      %dma_start3A_381 = tpu.memref_slice %arg9[%dma_start3A_378, %dma_start3A_379, %dma_start3A_380] : memref<8x125x32xf32, #tpu.memory_space<vmem>> -> memref<1x125x32xf32, #tpu.memory_space<vmem>>
      %dma_start3A_382 = tpu.memref_squeeze %dma_start3A_381 : memref<1x125x32xf32, #tpu.memory_space<vmem>> -> memref<125x32xf32, #tpu.memory_space<vmem>>
      %dma_start3A_383 = arith.constant 0 : i32
      %dma_start3A_384 = tpu.memref_slice %arg8[%add3A_377, %dma_start3A_383] : memref<80x125xi32, #tpu.memory_space<vmem>> -> memref<1x125xi32, #tpu.memory_space<vmem>>
      %dma_start3A_385 = tpu.memref_squeeze %dma_start3A_384 : memref<1x125xi32, #tpu.memory_space<vmem>> -> memref<125xi32, #tpu.memory_space<vmem>>
      %dma_start3A_386 = arith.constant 0 : i32
      %dma_start3A_387 = arith.constant 0 : i32
      %dma_start3A_388 = tpu.memref_slice %arg10[%dma_start3A_386, %dma_start3A_387] : memref<10240x32xf32, #tpu.memory_space<vmem_shared>> -> memref<10240x32xf32, #tpu.memory_space<vmem_shared>>
      tpu.enqueue_indirect_dma source(%dma_start3A_382 : memref<125x32xf32, #tpu.memory_space<vmem>>) target(%dma_start3A_388 : memref<10240x32xf32, #tpu.memory_space<vmem_shared>>) offsets(%dma_start3A_385 : memref<125xi32, #tpu.memory_space<vmem>>) semaphore(%arg25 : memref<!tpu.dma_semaphore, #tpu.memory_space<semaphore_mem>>) {add = true}
      %dma_wait3A_389 = arith.constant 0 : i32
      %dma_wait3A_390 = arith.constant 7 : i32
      %dma_wait3A_391 = arith.constant 0 : i32
      %dma_wait3A_392 = arith.constant 0 : i32
      %dma_wait3A_393 = tpu.memref_slice %arg9[%dma_wait3A_390, %dma_wait3A_391, %dma_wait3A_392] : memref<8x125x32xf32, #tpu.memory_space<vmem>> -> memref<1x125x32xf32, #tpu.memory_space<vmem>>
      %dma_wait3A_394 = tpu.memref_squeeze %dma_wait3A_393 : memref<1x125x32xf32, #tpu.memory_space<vmem>> -> memref<125x32xf32, #tpu.memory_space<vmem>>
      %dma_wait3A_395 = arith.constant 0 : i32
      %dma_wait3A_396 = tpu.memref_slice %arg7[%dma_wait3A_389, %dma_wait3A_395] : memref<80x125xi32, #tpu.memory_space<vmem>> -> memref<1x125xi32, #tpu.memory_space<vmem>>
      %dma_wait3A_397 = tpu.memref_squeeze %dma_wait3A_396 : memref<1x125xi32, #tpu.memory_space<vmem>> -> memref<125xi32, #tpu.memory_space<vmem>>
      %dma_wait3A_398 = arith.constant 0 : i32
      %dma_wait3A_399 = arith.constant 0 : i32
      %dma_wait3A_400 = tpu.memref_slice %arg2[%dma_wait3A_398, %dma_wait3A_399] : memref<10240x32xf32, #tpu.memory_space<hbm>> -> memref<10240x32xf32, #tpu.memory_space<hbm>>
      tpu.wait_indirect_dma semaphore(%arg18 : memref<!tpu.dma_semaphore, #tpu.memory_space<semaphore_mem>>) src(%dma_wait3A_400 : memref<10240x32xf32, #tpu.memory_space<hbm>>) dst(%dma_wait3A_394 : memref<125x32xf32, #tpu.memory_space<vmem>>)
      %add3A_401 = arith.constant 7 : i32
      %add3A_402 = arith.addi %mul3A_213, %add3A_401 : i32
      %dma_start3A_403 = arith.constant 7 : i32
      %dma_start3A_404 = arith.constant 0 : i32
      %dma_start3A_405 = arith.constant 0 : i32
      %dma_start3A_406 = tpu.memref_slice %arg9[%dma_start3A_403, %dma_start3A_404, %dma_start3A_405] : memref<8x125x32xf32, #tpu.memory_space<vmem>> -> memref<1x125x32xf32, #tpu.memory_space<vmem>>
      %dma_start3A_407 = tpu.memref_squeeze %dma_start3A_406 : memref<1x125x32xf32, #tpu.memory_space<vmem>> -> memref<125x32xf32, #tpu.memory_space<vmem>>
      %dma_start3A_408 = arith.constant 0 : i32
      %dma_start3A_409 = tpu.memref_slice %arg8[%add3A_402, %dma_start3A_408] : memref<80x125xi32, #tpu.memory_space<vmem>> -> memref<1x125xi32, #tpu.memory_space<vmem>>
      %dma_start3A_410 = tpu.memref_squeeze %dma_start3A_409 : memref<1x125xi32, #tpu.memory_space<vmem>> -> memref<125xi32, #tpu.memory_space<vmem>>
      %dma_start3A_411 = arith.constant 0 : i32
      %dma_start3A_412 = arith.constant 0 : i32
      %dma_start3A_413 = tpu.memref_slice %arg10[%dma_start3A_411, %dma_start3A_412] : memref<10240x32xf32, #tpu.memory_space<vmem_shared>> -> memref<10240x32xf32, #tpu.memory_space<vmem_shared>>
      tpu.enqueue_indirect_dma source(%dma_start3A_407 : memref<125x32xf32, #tpu.memory_space<vmem>>) target(%dma_start3A_413 : memref<10240x32xf32, #tpu.memory_space<vmem_shared>>) offsets(%dma_start3A_410 : memref<125xi32, #tpu.memory_space<vmem>>) semaphore(%arg26 : memref<!tpu.dma_semaphore, #tpu.memory_space<semaphore_mem>>) {add = true}
      %add3A_414 = arith.constant 8 : i32
      %add3A_415 = arith.addi %mul3A_213, %add3A_414 : i32
      %add3A_416 = arith.constant 0 : i32
      %add3A_417 = arith.addi %add3A_415, %add3A_416 : i32
      %lt3A = arith.constant 80 : i32
      %lt3A_418 = arith.cmpi slt, %add3A_417, %lt3A : i32
      %convert_element_type3A = arith.extui %lt3A_418 : i1 to i32
      %cond3A = arith.constant 0 : i32
      %cond3A_419 = arith.cmpi ne, %convert_element_type3A, %cond3A : i32
      scf.if %cond3A_419 {
        %dma_wait3A_484 = arith.constant 0 : i32
        %dma_wait3A_485 = arith.constant 0 : i32
        %dma_wait3A_486 = arith.constant 0 : i32
        %dma_wait3A_487 = arith.constant 0 : i32
        %dma_wait3A_488 = tpu.memref_slice %arg9[%dma_wait3A_484, %dma_wait3A_486, %dma_wait3A_487] : memref<8x125x32xf32, #tpu.memory_space<vmem>> -> memref<1x125x32xf32, #tpu.memory_space<vmem>>
        %dma_wait3A_489 = tpu.memref_squeeze %dma_wait3A_488 : memref<1x125x32xf32, #tpu.memory_space<vmem>> -> memref<125x32xf32, #tpu.memory_space<vmem>>
        %dma_wait3A_490 = arith.constant 0 : i32
        %dma_wait3A_491 = tpu.memref_slice %arg8[%dma_wait3A_485, %dma_wait3A_490] : memref<80x125xi32, #tpu.memory_space<vmem>> -> memref<1x125xi32, #tpu.memory_space<vmem>>
        %dma_wait3A_492 = tpu.memref_squeeze %dma_wait3A_491 : memref<1x125xi32, #tpu.memory_space<vmem>> -> memref<125xi32, #tpu.memory_space<vmem>>
        %dma_wait3A_493 = arith.constant 0 : i32
        %dma_wait3A_494 = arith.constant 0 : i32
        %dma_wait3A_495 = tpu.memref_slice %arg10[%dma_wait3A_493, %dma_wait3A_494] : memref<10240x32xf32, #tpu.memory_space<vmem_shared>> -> memref<10240x32xf32, #tpu.memory_space<vmem_shared>>
        tpu.wait_indirect_dma semaphore(%arg19 : memref<!tpu.dma_semaphore, #tpu.memory_space<semaphore_mem>>) src(%dma_wait3A_489 : memref<125x32xf32, #tpu.memory_space<vmem>>) dst(%dma_wait3A_495 : memref<10240x32xf32, #tpu.memory_space<vmem_shared>>)
        %dma_start3A_496 = arith.constant 0 : i32
        %dma_start3A_497 = arith.constant 0 : i32
        %dma_start3A_498 = arith.constant 0 : i32
        %dma_start3A_499 = tpu.memref_slice %arg9[%dma_start3A_496, %dma_start3A_497, %dma_start3A_498] : memref<8x125x32xf32, #tpu.memory_space<vmem>> -> memref<1x125x32xf32, #tpu.memory_space<vmem>>
        %dma_start3A_500 = tpu.memref_squeeze %dma_start3A_499 : memref<1x125x32xf32, #tpu.memory_space<vmem>> -> memref<125x32xf32, #tpu.memory_space<vmem>>
        %dma_start3A_501 = arith.constant 0 : i32
        %dma_start3A_502 = tpu.memref_slice %arg7[%add3A_417, %dma_start3A_501] : memref<80x125xi32, #tpu.memory_space<vmem>> -> memref<1x125xi32, #tpu.memory_space<vmem>>
        %dma_start3A_503 = tpu.memref_squeeze %dma_start3A_502 : memref<1x125xi32, #tpu.memory_space<vmem>> -> memref<125xi32, #tpu.memory_space<vmem>>
        %dma_start3A_504 = arith.constant 0 : i32
        %dma_start3A_505 = arith.constant 0 : i32
        %dma_start3A_506 = tpu.memref_slice %arg2[%dma_start3A_504, %dma_start3A_505] : memref<10240x32xf32, #tpu.memory_space<hbm>> -> memref<10240x32xf32, #tpu.memory_space<hbm>>
        tpu.enqueue_indirect_dma source(%dma_start3A_506 : memref<10240x32xf32, #tpu.memory_space<hbm>>) target(%dma_start3A_500 : memref<125x32xf32, #tpu.memory_space<vmem>>) offsets(%dma_start3A_503 : memref<125xi32, #tpu.memory_space<vmem>>) semaphore(%arg11 : memref<!tpu.dma_semaphore, #tpu.memory_space<semaphore_mem>>)
      } else {
      }
      %add3A_420 = arith.constant 8 : i32
      %add3A_421 = arith.addi %mul3A_213, %add3A_420 : i32
      %add3A_422 = arith.constant 1 : i32
      %add3A_423 = arith.addi %add3A_421, %add3A_422 : i32
      %lt3A_424 = arith.constant 80 : i32
      %lt3A_425 = arith.cmpi slt, %add3A_423, %lt3A_424 : i32
      %convert_element_type3A_426 = arith.extui %lt3A_425 : i1 to i32
      %cond3A_427 = arith.constant 0 : i32
      %cond3A_428 = arith.cmpi ne, %convert_element_type3A_426, %cond3A_427 : i32
      scf.if %cond3A_428 {
        %dma_wait3A_484 = arith.constant 1 : i32
        %dma_wait3A_485 = arith.constant 0 : i32
        %dma_wait3A_486 = arith.constant 0 : i32
        %dma_wait3A_487 = arith.constant 0 : i32
        %dma_wait3A_488 = tpu.memref_slice %arg9[%dma_wait3A_484, %dma_wait3A_486, %dma_wait3A_487] : memref<8x125x32xf32, #tpu.memory_space<vmem>> -> memref<1x125x32xf32, #tpu.memory_space<vmem>>
        %dma_wait3A_489 = tpu.memref_squeeze %dma_wait3A_488 : memref<1x125x32xf32, #tpu.memory_space<vmem>> -> memref<125x32xf32, #tpu.memory_space<vmem>>
        %dma_wait3A_490 = arith.constant 0 : i32
        %dma_wait3A_491 = tpu.memref_slice %arg8[%dma_wait3A_485, %dma_wait3A_490] : memref<80x125xi32, #tpu.memory_space<vmem>> -> memref<1x125xi32, #tpu.memory_space<vmem>>
        %dma_wait3A_492 = tpu.memref_squeeze %dma_wait3A_491 : memref<1x125xi32, #tpu.memory_space<vmem>> -> memref<125xi32, #tpu.memory_space<vmem>>
        %dma_wait3A_493 = arith.constant 0 : i32
        %dma_wait3A_494 = arith.constant 0 : i32
        %dma_wait3A_495 = tpu.memref_slice %arg10[%dma_wait3A_493, %dma_wait3A_494] : memref<10240x32xf32, #tpu.memory_space<vmem_shared>> -> memref<10240x32xf32, #tpu.memory_space<vmem_shared>>
        tpu.wait_indirect_dma semaphore(%arg20 : memref<!tpu.dma_semaphore, #tpu.memory_space<semaphore_mem>>) src(%dma_wait3A_489 : memref<125x32xf32, #tpu.memory_space<vmem>>) dst(%dma_wait3A_495 : memref<10240x32xf32, #tpu.memory_space<vmem_shared>>)
        %dma_start3A_496 = arith.constant 1 : i32
        %dma_start3A_497 = arith.constant 0 : i32
        %dma_start3A_498 = arith.constant 0 : i32
        %dma_start3A_499 = tpu.memref_slice %arg9[%dma_start3A_496, %dma_start3A_497, %dma_start3A_498] : memref<8x125x32xf32, #tpu.memory_space<vmem>> -> memref<1x125x32xf32, #tpu.memory_space<vmem>>
        %dma_start3A_500 = tpu.memref_squeeze %dma_start3A_499 : memref<1x125x32xf32, #tpu.memory_space<vmem>> -> memref<125x32xf32, #tpu.memory_space<vmem>>
        %dma_start3A_501 = arith.constant 0 : i32
        %dma_start3A_502 = tpu.memref_slice %arg7[%add3A_423, %dma_start3A_501] : memref<80x125xi32, #tpu.memory_space<vmem>> -> memref<1x125xi32, #tpu.memory_space<vmem>>
        %dma_start3A_503 = tpu.memref_squeeze %dma_start3A_502 : memref<1x125xi32, #tpu.memory_space<vmem>> -> memref<125xi32, #tpu.memory_space<vmem>>
        %dma_start3A_504 = arith.constant 0 : i32
        %dma_start3A_505 = arith.constant 0 : i32
        %dma_start3A_506 = tpu.memref_slice %arg2[%dma_start3A_504, %dma_start3A_505] : memref<10240x32xf32, #tpu.memory_space<hbm>> -> memref<10240x32xf32, #tpu.memory_space<hbm>>
        tpu.enqueue_indirect_dma source(%dma_start3A_506 : memref<10240x32xf32, #tpu.memory_space<hbm>>) target(%dma_start3A_500 : memref<125x32xf32, #tpu.memory_space<vmem>>) offsets(%dma_start3A_503 : memref<125xi32, #tpu.memory_space<vmem>>) semaphore(%arg12 : memref<!tpu.dma_semaphore, #tpu.memory_space<semaphore_mem>>)
      } else {
      }
      %add3A_429 = arith.constant 8 : i32
      %add3A_430 = arith.addi %mul3A_213, %add3A_429 : i32
      %add3A_431 = arith.constant 2 : i32
      %add3A_432 = arith.addi %add3A_430, %add3A_431 : i32
      %lt3A_433 = arith.constant 80 : i32
      %lt3A_434 = arith.cmpi slt, %add3A_432, %lt3A_433 : i32
      %convert_element_type3A_435 = arith.extui %lt3A_434 : i1 to i32
      %cond3A_436 = arith.constant 0 : i32
      %cond3A_437 = arith.cmpi ne, %convert_element_type3A_435, %cond3A_436 : i32
      scf.if %cond3A_437 {
        %dma_wait3A_484 = arith.constant 2 : i32
        %dma_wait3A_485 = arith.constant 0 : i32
        %dma_wait3A_486 = arith.constant 0 : i32
        %dma_wait3A_487 = arith.constant 0 : i32
        %dma_wait3A_488 = tpu.memref_slice %arg9[%dma_wait3A_484, %dma_wait3A_486, %dma_wait3A_487] : memref<8x125x32xf32, #tpu.memory_space<vmem>> -> memref<1x125x32xf32, #tpu.memory_space<vmem>>
        %dma_wait3A_489 = tpu.memref_squeeze %dma_wait3A_488 : memref<1x125x32xf32, #tpu.memory_space<vmem>> -> memref<125x32xf32, #tpu.memory_space<vmem>>
        %dma_wait3A_490 = arith.constant 0 : i32
        %dma_wait3A_491 = tpu.memref_slice %arg8[%dma_wait3A_485, %dma_wait3A_490] : memref<80x125xi32, #tpu.memory_space<vmem>> -> memref<1x125xi32, #tpu.memory_space<vmem>>
        %dma_wait3A_492 = tpu.memref_squeeze %dma_wait3A_491 : memref<1x125xi32, #tpu.memory_space<vmem>> -> memref<125xi32, #tpu.memory_space<vmem>>
        %dma_wait3A_493 = arith.constant 0 : i32
        %dma_wait3A_494 = arith.constant 0 : i32
        %dma_wait3A_495 = tpu.memref_slice %arg10[%dma_wait3A_493, %dma_wait3A_494] : memref<10240x32xf32, #tpu.memory_space<vmem_shared>> -> memref<10240x32xf32, #tpu.memory_space<vmem_shared>>
        tpu.wait_indirect_dma semaphore(%arg21 : memref<!tpu.dma_semaphore, #tpu.memory_space<semaphore_mem>>) src(%dma_wait3A_489 : memref<125x32xf32, #tpu.memory_space<vmem>>) dst(%dma_wait3A_495 : memref<10240x32xf32, #tpu.memory_space<vmem_shared>>)
        %dma_start3A_496 = arith.constant 2 : i32
        %dma_start3A_497 = arith.constant 0 : i32
        %dma_start3A_498 = arith.constant 0 : i32
        %dma_start3A_499 = tpu.memref_slice %arg9[%dma_start3A_496, %dma_start3A_497, %dma_start3A_498] : memref<8x125x32xf32, #tpu.memory_space<vmem>> -> memref<1x125x32xf32, #tpu.memory_space<vmem>>
        %dma_start3A_500 = tpu.memref_squeeze %dma_start3A_499 : memref<1x125x32xf32, #tpu.memory_space<vmem>> -> memref<125x32xf32, #tpu.memory_space<vmem>>
        %dma_start3A_501 = arith.constant 0 : i32
        %dma_start3A_502 = tpu.memref_slice %arg7[%add3A_432, %dma_start3A_501] : memref<80x125xi32, #tpu.memory_space<vmem>> -> memref<1x125xi32, #tpu.memory_space<vmem>>
        %dma_start3A_503 = tpu.memref_squeeze %dma_start3A_502 : memref<1x125xi32, #tpu.memory_space<vmem>> -> memref<125xi32, #tpu.memory_space<vmem>>
        %dma_start3A_504 = arith.constant 0 : i32
        %dma_start3A_505 = arith.constant 0 : i32
        %dma_start3A_506 = tpu.memref_slice %arg2[%dma_start3A_504, %dma_start3A_505] : memref<10240x32xf32, #tpu.memory_space<hbm>> -> memref<10240x32xf32, #tpu.memory_space<hbm>>
        tpu.enqueue_indirect_dma source(%dma_start3A_506 : memref<10240x32xf32, #tpu.memory_space<hbm>>) target(%dma_start3A_500 : memref<125x32xf32, #tpu.memory_space<vmem>>) offsets(%dma_start3A_503 : memref<125xi32, #tpu.memory_space<vmem>>) semaphore(%arg13 : memref<!tpu.dma_semaphore, #tpu.memory_space<semaphore_mem>>)
      } else {
      }
      %add3A_438 = arith.constant 8 : i32
      %add3A_439 = arith.addi %mul3A_213, %add3A_438 : i32
      %add3A_440 = arith.constant 3 : i32
      %add3A_441 = arith.addi %add3A_439, %add3A_440 : i32
      %lt3A_442 = arith.constant 80 : i32
      %lt3A_443 = arith.cmpi slt, %add3A_441, %lt3A_442 : i32
      %convert_element_type3A_444 = arith.extui %lt3A_443 : i1 to i32
      %cond3A_445 = arith.constant 0 : i32
      %cond3A_446 = arith.cmpi ne, %convert_element_type3A_444, %cond3A_445 : i32
      scf.if %cond3A_446 {
        %dma_wait3A_484 = arith.constant 3 : i32
        %dma_wait3A_485 = arith.constant 0 : i32
        %dma_wait3A_486 = arith.constant 0 : i32
        %dma_wait3A_487 = arith.constant 0 : i32
        %dma_wait3A_488 = tpu.memref_slice %arg9[%dma_wait3A_484, %dma_wait3A_486, %dma_wait3A_487] : memref<8x125x32xf32, #tpu.memory_space<vmem>> -> memref<1x125x32xf32, #tpu.memory_space<vmem>>
        %dma_wait3A_489 = tpu.memref_squeeze %dma_wait3A_488 : memref<1x125x32xf32, #tpu.memory_space<vmem>> -> memref<125x32xf32, #tpu.memory_space<vmem>>
        %dma_wait3A_490 = arith.constant 0 : i32
        %dma_wait3A_491 = tpu.memref_slice %arg8[%dma_wait3A_485, %dma_wait3A_490] : memref<80x125xi32, #tpu.memory_space<vmem>> -> memref<1x125xi32, #tpu.memory_space<vmem>>
        %dma_wait3A_492 = tpu.memref_squeeze %dma_wait3A_491 : memref<1x125xi32, #tpu.memory_space<vmem>> -> memref<125xi32, #tpu.memory_space<vmem>>
        %dma_wait3A_493 = arith.constant 0 : i32
        %dma_wait3A_494 = arith.constant 0 : i32
        %dma_wait3A_495 = tpu.memref_slice %arg10[%dma_wait3A_493, %dma_wait3A_494] : memref<10240x32xf32, #tpu.memory_space<vmem_shared>> -> memref<10240x32xf32, #tpu.memory_space<vmem_shared>>
        tpu.wait_indirect_dma semaphore(%arg22 : memref<!tpu.dma_semaphore, #tpu.memory_space<semaphore_mem>>) src(%dma_wait3A_489 : memref<125x32xf32, #tpu.memory_space<vmem>>) dst(%dma_wait3A_495 : memref<10240x32xf32, #tpu.memory_space<vmem_shared>>)
        %dma_start3A_496 = arith.constant 3 : i32
        %dma_start3A_497 = arith.constant 0 : i32
        %dma_start3A_498 = arith.constant 0 : i32
        %dma_start3A_499 = tpu.memref_slice %arg9[%dma_start3A_496, %dma_start3A_497, %dma_start3A_498] : memref<8x125x32xf32, #tpu.memory_space<vmem>> -> memref<1x125x32xf32, #tpu.memory_space<vmem>>
        %dma_start3A_500 = tpu.memref_squeeze %dma_start3A_499 : memref<1x125x32xf32, #tpu.memory_space<vmem>> -> memref<125x32xf32, #tpu.memory_space<vmem>>
        %dma_start3A_501 = arith.constant 0 : i32
        %dma_start3A_502 = tpu.memref_slice %arg7[%add3A_441, %dma_start3A_501] : memref<80x125xi32, #tpu.memory_space<vmem>> -> memref<1x125xi32, #tpu.memory_space<vmem>>
        %dma_start3A_503 = tpu.memref_squeeze %dma_start3A_502 : memref<1x125xi32, #tpu.memory_space<vmem>> -> memref<125xi32, #tpu.memory_space<vmem>>
        %dma_start3A_504 = arith.constant 0 : i32
        %dma_start3A_505 = arith.constant 0 : i32
        %dma_start3A_506 = tpu.memref_slice %arg2[%dma_start3A_504, %dma_start3A_505] : memref<10240x32xf32, #tpu.memory_space<hbm>> -> memref<10240x32xf32, #tpu.memory_space<hbm>>
        tpu.enqueue_indirect_dma source(%dma_start3A_506 : memref<10240x32xf32, #tpu.memory_space<hbm>>) target(%dma_start3A_500 : memref<125x32xf32, #tpu.memory_space<vmem>>) offsets(%dma_start3A_503 : memref<125xi32, #tpu.memory_space<vmem>>) semaphore(%arg14 : memref<!tpu.dma_semaphore, #tpu.memory_space<semaphore_mem>>)
      } else {
      }
      %add3A_447 = arith.constant 8 : i32
      %add3A_448 = arith.addi %mul3A_213, %add3A_447 : i32
      %add3A_449 = arith.constant 4 : i32
      %add3A_450 = arith.addi %add3A_448, %add3A_449 : i32
      %lt3A_451 = arith.constant 80 : i32
      %lt3A_452 = arith.cmpi slt, %add3A_450, %lt3A_451 : i32
      %convert_element_type3A_453 = arith.extui %lt3A_452 : i1 to i32
      %cond3A_454 = arith.constant 0 : i32
      %cond3A_455 = arith.cmpi ne, %convert_element_type3A_453, %cond3A_454 : i32
      scf.if %cond3A_455 {
        %dma_wait3A_484 = arith.constant 4 : i32
        %dma_wait3A_485 = arith.constant 0 : i32
        %dma_wait3A_486 = arith.constant 0 : i32
        %dma_wait3A_487 = arith.constant 0 : i32
        %dma_wait3A_488 = tpu.memref_slice %arg9[%dma_wait3A_484, %dma_wait3A_486, %dma_wait3A_487] : memref<8x125x32xf32, #tpu.memory_space<vmem>> -> memref<1x125x32xf32, #tpu.memory_space<vmem>>
        %dma_wait3A_489 = tpu.memref_squeeze %dma_wait3A_488 : memref<1x125x32xf32, #tpu.memory_space<vmem>> -> memref<125x32xf32, #tpu.memory_space<vmem>>
        %dma_wait3A_490 = arith.constant 0 : i32
        %dma_wait3A_491 = tpu.memref_slice %arg8[%dma_wait3A_485, %dma_wait3A_490] : memref<80x125xi32, #tpu.memory_space<vmem>> -> memref<1x125xi32, #tpu.memory_space<vmem>>
        %dma_wait3A_492 = tpu.memref_squeeze %dma_wait3A_491 : memref<1x125xi32, #tpu.memory_space<vmem>> -> memref<125xi32, #tpu.memory_space<vmem>>
        %dma_wait3A_493 = arith.constant 0 : i32
        %dma_wait3A_494 = arith.constant 0 : i32
        %dma_wait3A_495 = tpu.memref_slice %arg10[%dma_wait3A_493, %dma_wait3A_494] : memref<10240x32xf32, #tpu.memory_space<vmem_shared>> -> memref<10240x32xf32, #tpu.memory_space<vmem_shared>>
        tpu.wait_indirect_dma semaphore(%arg23 : memref<!tpu.dma_semaphore, #tpu.memory_space<semaphore_mem>>) src(%dma_wait3A_489 : memref<125x32xf32, #tpu.memory_space<vmem>>) dst(%dma_wait3A_495 : memref<10240x32xf32, #tpu.memory_space<vmem_shared>>)
        %dma_start3A_496 = arith.constant 4 : i32
        %dma_start3A_497 = arith.constant 0 : i32
        %dma_start3A_498 = arith.constant 0 : i32
        %dma_start3A_499 = tpu.memref_slice %arg9[%dma_start3A_496, %dma_start3A_497, %dma_start3A_498] : memref<8x125x32xf32, #tpu.memory_space<vmem>> -> memref<1x125x32xf32, #tpu.memory_space<vmem>>
        %dma_start3A_500 = tpu.memref_squeeze %dma_start3A_499 : memref<1x125x32xf32, #tpu.memory_space<vmem>> -> memref<125x32xf32, #tpu.memory_space<vmem>>
        %dma_start3A_501 = arith.constant 0 : i32
        %dma_start3A_502 = tpu.memref_slice %arg7[%add3A_450, %dma_start3A_501] : memref<80x125xi32, #tpu.memory_space<vmem>> -> memref<1x125xi32, #tpu.memory_space<vmem>>
        %dma_start3A_503 = tpu.memref_squeeze %dma_start3A_502 : memref<1x125xi32, #tpu.memory_space<vmem>> -> memref<125xi32, #tpu.memory_space<vmem>>
        %dma_start3A_504 = arith.constant 0 : i32
        %dma_start3A_505 = arith.constant 0 : i32
        %dma_start3A_506 = tpu.memref_slice %arg2[%dma_start3A_504, %dma_start3A_505] : memref<10240x32xf32, #tpu.memory_space<hbm>> -> memref<10240x32xf32, #tpu.memory_space<hbm>>
        tpu.enqueue_indirect_dma source(%dma_start3A_506 : memref<10240x32xf32, #tpu.memory_space<hbm>>) target(%dma_start3A_500 : memref<125x32xf32, #tpu.memory_space<vmem>>) offsets(%dma_start3A_503 : memref<125xi32, #tpu.memory_space<vmem>>) semaphore(%arg15 : memref<!tpu.dma_semaphore, #tpu.memory_space<semaphore_mem>>)
      } else {
      }
      %add3A_456 = arith.constant 8 : i32
      %add3A_457 = arith.addi %mul3A_213, %add3A_456 : i32
      %add3A_458 = arith.constant 5 : i32
      %add3A_459 = arith.addi %add3A_457, %add3A_458 : i32
      %lt3A_460 = arith.constant 80 : i32
      %lt3A_461 = arith.cmpi slt, %add3A_459, %lt3A_460 : i32
      %convert_element_type3A_462 = arith.extui %lt3A_461 : i1 to i32
      %cond3A_463 = arith.constant 0 : i32
      %cond3A_464 = arith.cmpi ne, %convert_element_type3A_462, %cond3A_463 : i32
      scf.if %cond3A_464 {
        %dma_wait3A_484 = arith.constant 5 : i32
        %dma_wait3A_485 = arith.constant 0 : i32
        %dma_wait3A_486 = arith.constant 0 : i32
        %dma_wait3A_487 = arith.constant 0 : i32
        %dma_wait3A_488 = tpu.memref_slice %arg9[%dma_wait3A_484, %dma_wait3A_486, %dma_wait3A_487] : memref<8x125x32xf32, #tpu.memory_space<vmem>> -> memref<1x125x32xf32, #tpu.memory_space<vmem>>
        %dma_wait3A_489 = tpu.memref_squeeze %dma_wait3A_488 : memref<1x125x32xf32, #tpu.memory_space<vmem>> -> memref<125x32xf32, #tpu.memory_space<vmem>>
        %dma_wait3A_490 = arith.constant 0 : i32
        %dma_wait3A_491 = tpu.memref_slice %arg8[%dma_wait3A_485, %dma_wait3A_490] : memref<80x125xi32, #tpu.memory_space<vmem>> -> memref<1x125xi32, #tpu.memory_space<vmem>>
        %dma_wait3A_492 = tpu.memref_squeeze %dma_wait3A_491 : memref<1x125xi32, #tpu.memory_space<vmem>> -> memref<125xi32, #tpu.memory_space<vmem>>
        %dma_wait3A_493 = arith.constant 0 : i32
        %dma_wait3A_494 = arith.constant 0 : i32
        %dma_wait3A_495 = tpu.memref_slice %arg10[%dma_wait3A_493, %dma_wait3A_494] : memref<10240x32xf32, #tpu.memory_space<vmem_shared>> -> memref<10240x32xf32, #tpu.memory_space<vmem_shared>>
        tpu.wait_indirect_dma semaphore(%arg24 : memref<!tpu.dma_semaphore, #tpu.memory_space<semaphore_mem>>) src(%dma_wait3A_489 : memref<125x32xf32, #tpu.memory_space<vmem>>) dst(%dma_wait3A_495 : memref<10240x32xf32, #tpu.memory_space<vmem_shared>>)
        %dma_start3A_496 = arith.constant 5 : i32
        %dma_start3A_497 = arith.constant 0 : i32
        %dma_start3A_498 = arith.constant 0 : i32
        %dma_start3A_499 = tpu.memref_slice %arg9[%dma_start3A_496, %dma_start3A_497, %dma_start3A_498] : memref<8x125x32xf32, #tpu.memory_space<vmem>> -> memref<1x125x32xf32, #tpu.memory_space<vmem>>
        %dma_start3A_500 = tpu.memref_squeeze %dma_start3A_499 : memref<1x125x32xf32, #tpu.memory_space<vmem>> -> memref<125x32xf32, #tpu.memory_space<vmem>>
        %dma_start3A_501 = arith.constant 0 : i32
        %dma_start3A_502 = tpu.memref_slice %arg7[%add3A_459, %dma_start3A_501] : memref<80x125xi32, #tpu.memory_space<vmem>> -> memref<1x125xi32, #tpu.memory_space<vmem>>
        %dma_start3A_503 = tpu.memref_squeeze %dma_start3A_502 : memref<1x125xi32, #tpu.memory_space<vmem>> -> memref<125xi32, #tpu.memory_space<vmem>>
        %dma_start3A_504 = arith.constant 0 : i32
        %dma_start3A_505 = arith.constant 0 : i32
        %dma_start3A_506 = tpu.memref_slice %arg2[%dma_start3A_504, %dma_start3A_505] : memref<10240x32xf32, #tpu.memory_space<hbm>> -> memref<10240x32xf32, #tpu.memory_space<hbm>>
        tpu.enqueue_indirect_dma source(%dma_start3A_506 : memref<10240x32xf32, #tpu.memory_space<hbm>>) target(%dma_start3A_500 : memref<125x32xf32, #tpu.memory_space<vmem>>) offsets(%dma_start3A_503 : memref<125xi32, #tpu.memory_space<vmem>>) semaphore(%arg16 : memref<!tpu.dma_semaphore, #tpu.memory_space<semaphore_mem>>)
      } else {
      }
      %add3A_465 = arith.constant 8 : i32
      %add3A_466 = arith.addi %mul3A_213, %add3A_465 : i32
      %add3A_467 = arith.constant 6 : i32
      %add3A_468 = arith.addi %add3A_466, %add3A_467 : i32
      %lt3A_469 = arith.constant 80 : i32
      %lt3A_470 = arith.cmpi slt, %add3A_468, %lt3A_469 : i32
      %convert_element_type3A_471 = arith.extui %lt3A_470 : i1 to i32
      %cond3A_472 = arith.constant 0 : i32
      %cond3A_473 = arith.cmpi ne, %convert_element_type3A_471, %cond3A_472 : i32
      scf.if %cond3A_473 {
        %dma_wait3A_484 = arith.constant 6 : i32
        %dma_wait3A_485 = arith.constant 0 : i32
        %dma_wait3A_486 = arith.constant 0 : i32
        %dma_wait3A_487 = arith.constant 0 : i32
        %dma_wait3A_488 = tpu.memref_slice %arg9[%dma_wait3A_484, %dma_wait3A_486, %dma_wait3A_487] : memref<8x125x32xf32, #tpu.memory_space<vmem>> -> memref<1x125x32xf32, #tpu.memory_space<vmem>>
        %dma_wait3A_489 = tpu.memref_squeeze %dma_wait3A_488 : memref<1x125x32xf32, #tpu.memory_space<vmem>> -> memref<125x32xf32, #tpu.memory_space<vmem>>
        %dma_wait3A_490 = arith.constant 0 : i32
        %dma_wait3A_491 = tpu.memref_slice %arg8[%dma_wait3A_485, %dma_wait3A_490] : memref<80x125xi32, #tpu.memory_space<vmem>> -> memref<1x125xi32, #tpu.memory_space<vmem>>
        %dma_wait3A_492 = tpu.memref_squeeze %dma_wait3A_491 : memref<1x125xi32, #tpu.memory_space<vmem>> -> memref<125xi32, #tpu.memory_space<vmem>>
        %dma_wait3A_493 = arith.constant 0 : i32
        %dma_wait3A_494 = arith.constant 0 : i32
        %dma_wait3A_495 = tpu.memref_slice %arg10[%dma_wait3A_493, %dma_wait3A_494] : memref<10240x32xf32, #tpu.memory_space<vmem_shared>> -> memref<10240x32xf32, #tpu.memory_space<vmem_shared>>
        tpu.wait_indirect_dma semaphore(%arg25 : memref<!tpu.dma_semaphore, #tpu.memory_space<semaphore_mem>>) src(%dma_wait3A_489 : memref<125x32xf32, #tpu.memory_space<vmem>>) dst(%dma_wait3A_495 : memref<10240x32xf32, #tpu.memory_space<vmem_shared>>)
        %dma_start3A_496 = arith.constant 6 : i32
        %dma_start3A_497 = arith.constant 0 : i32
        %dma_start3A_498 = arith.constant 0 : i32
        %dma_start3A_499 = tpu.memref_slice %arg9[%dma_start3A_496, %dma_start3A_497, %dma_start3A_498] : memref<8x125x32xf32, #tpu.memory_space<vmem>> -> memref<1x125x32xf32, #tpu.memory_space<vmem>>
        %dma_start3A_500 = tpu.memref_squeeze %dma_start3A_499 : memref<1x125x32xf32, #tpu.memory_space<vmem>> -> memref<125x32xf32, #tpu.memory_space<vmem>>
        %dma_start3A_501 = arith.constant 0 : i32
        %dma_start3A_502 = tpu.memref_slice %arg7[%add3A_468, %dma_start3A_501] : memref<80x125xi32, #tpu.memory_space<vmem>> -> memref<1x125xi32, #tpu.memory_space<vmem>>
        %dma_start3A_503 = tpu.memref_squeeze %dma_start3A_502 : memref<1x125xi32, #tpu.memory_space<vmem>> -> memref<125xi32, #tpu.memory_space<vmem>>
        %dma_start3A_504 = arith.constant 0 : i32
        %dma_start3A_505 = arith.constant 0 : i32
        %dma_start3A_506 = tpu.memref_slice %arg2[%dma_start3A_504, %dma_start3A_505] : memref<10240x32xf32, #tpu.memory_space<hbm>> -> memref<10240x32xf32, #tpu.memory_space<hbm>>
        tpu.enqueue_indirect_dma source(%dma_start3A_506 : memref<10240x32xf32, #tpu.memory_space<hbm>>) target(%dma_start3A_500 : memref<125x32xf32, #tpu.memory_space<vmem>>) offsets(%dma_start3A_503 : memref<125xi32, #tpu.memory_space<vmem>>) semaphore(%arg17 : memref<!tpu.dma_semaphore, #tpu.memory_space<semaphore_mem>>)
      } else {
      }
      %add3A_474 = arith.constant 8 : i32
      %add3A_475 = arith.addi %mul3A_213, %add3A_474 : i32
      %add3A_476 = arith.constant 7 : i32
      %add3A_477 = arith.addi %add3A_475, %add3A_476 : i32
      %lt3A_478 = arith.constant 80 : i32
      %lt3A_479 = arith.cmpi slt, %add3A_477, %lt3A_478 : i32
      %convert_element_type3A_480 = arith.extui %lt3A_479 : i1 to i32
      %cond3A_481 = arith.constant 0 : i32
      %cond3A_482 = arith.cmpi ne, %convert_element_type3A_480, %cond3A_481 : i32
      scf.if %cond3A_482 {
        %dma_wait3A_484 = arith.constant 7 : i32
        %dma_wait3A_485 = arith.constant 0 : i32
        %dma_wait3A_486 = arith.constant 0 : i32
        %dma_wait3A_487 = arith.constant 0 : i32
        %dma_wait3A_488 = tpu.memref_slice %arg9[%dma_wait3A_484, %dma_wait3A_486, %dma_wait3A_487] : memref<8x125x32xf32, #tpu.memory_space<vmem>> -> memref<1x125x32xf32, #tpu.memory_space<vmem>>
        %dma_wait3A_489 = tpu.memref_squeeze %dma_wait3A_488 : memref<1x125x32xf32, #tpu.memory_space<vmem>> -> memref<125x32xf32, #tpu.memory_space<vmem>>
        %dma_wait3A_490 = arith.constant 0 : i32
        %dma_wait3A_491 = tpu.memref_slice %arg8[%dma_wait3A_485, %dma_wait3A_490] : memref<80x125xi32, #tpu.memory_space<vmem>> -> memref<1x125xi32, #tpu.memory_space<vmem>>
        %dma_wait3A_492 = tpu.memref_squeeze %dma_wait3A_491 : memref<1x125xi32, #tpu.memory_space<vmem>> -> memref<125xi32, #tpu.memory_space<vmem>>
        %dma_wait3A_493 = arith.constant 0 : i32
        %dma_wait3A_494 = arith.constant 0 : i32
        %dma_wait3A_495 = tpu.memref_slice %arg10[%dma_wait3A_493, %dma_wait3A_494] : memref<10240x32xf32, #tpu.memory_space<vmem_shared>> -> memref<10240x32xf32, #tpu.memory_space<vmem_shared>>
        tpu.wait_indirect_dma semaphore(%arg26 : memref<!tpu.dma_semaphore, #tpu.memory_space<semaphore_mem>>) src(%dma_wait3A_489 : memref<125x32xf32, #tpu.memory_space<vmem>>) dst(%dma_wait3A_495 : memref<10240x32xf32, #tpu.memory_space<vmem_shared>>)
        %dma_start3A_496 = arith.constant 7 : i32
        %dma_start3A_497 = arith.constant 0 : i32
        %dma_start3A_498 = arith.constant 0 : i32
        %dma_start3A_499 = tpu.memref_slice %arg9[%dma_start3A_496, %dma_start3A_497, %dma_start3A_498] : memref<8x125x32xf32, #tpu.memory_space<vmem>> -> memref<1x125x32xf32, #tpu.memory_space<vmem>>
        %dma_start3A_500 = tpu.memref_squeeze %dma_start3A_499 : memref<1x125x32xf32, #tpu.memory_space<vmem>> -> memref<125x32xf32, #tpu.memory_space<vmem>>
        %dma_start3A_501 = arith.constant 0 : i32
        %dma_start3A_502 = tpu.memref_slice %arg7[%add3A_477, %dma_start3A_501] : memref<80x125xi32, #tpu.memory_space<vmem>> -> memref<1x125xi32, #tpu.memory_space<vmem>>
        %dma_start3A_503 = tpu.memref_squeeze %dma_start3A_502 : memref<1x125xi32, #tpu.memory_space<vmem>> -> memref<125xi32, #tpu.memory_space<vmem>>
        %dma_start3A_504 = arith.constant 0 : i32
        %dma_start3A_505 = arith.constant 0 : i32
        %dma_start3A_506 = tpu.memref_slice %arg2[%dma_start3A_504, %dma_start3A_505] : memref<10240x32xf32, #tpu.memory_space<hbm>> -> memref<10240x32xf32, #tpu.memory_space<hbm>>
        tpu.enqueue_indirect_dma source(%dma_start3A_506 : memref<10240x32xf32, #tpu.memory_space<hbm>>) target(%dma_start3A_500 : memref<125x32xf32, #tpu.memory_space<vmem>>) offsets(%dma_start3A_503 : memref<125xi32, #tpu.memory_space<vmem>>) semaphore(%arg18 : memref<!tpu.dma_semaphore, #tpu.memory_space<semaphore_mem>>)
      } else {
      }
      %scan3A_483 = arith.constant 0 : i32
      scf.yield %scan3A_483 : i32
    }
    %scan3A_109 = arith.constant 10 : i32
    %dma_wait3A = arith.constant 0 : i32
    %dma_wait3A_110 = arith.constant 0 : i32
    %dma_wait3A_111 = arith.constant 0 : i32
    %dma_wait3A_112 = arith.constant 0 : i32
    %dma_wait3A_113 = tpu.memref_slice %arg9[%dma_wait3A, %dma_wait3A_111, %dma_wait3A_112] : memref<8x125x32xf32, #tpu.memory_space<vmem>> -> memref<1x125x32xf32, #tpu.memory_space<vmem>>
    %dma_wait3A_114 = tpu.memref_squeeze %dma_wait3A_113 : memref<1x125x32xf32, #tpu.memory_space<vmem>> -> memref<125x32xf32, #tpu.memory_space<vmem>>
    %dma_wait3A_115 = arith.constant 0 : i32
    %dma_wait3A_116 = tpu.memref_slice %arg8[%dma_wait3A_110, %dma_wait3A_115] : memref<80x125xi32, #tpu.memory_space<vmem>> -> memref<1x125xi32, #tpu.memory_space<vmem>>
    %dma_wait3A_117 = tpu.memref_squeeze %dma_wait3A_116 : memref<1x125xi32, #tpu.memory_space<vmem>> -> memref<125xi32, #tpu.memory_space<vmem>>
    %dma_wait3A_118 = arith.constant 0 : i32
    %dma_wait3A_119 = arith.constant 0 : i32
    %dma_wait3A_120 = tpu.memref_slice %arg10[%dma_wait3A_118, %dma_wait3A_119] : memref<10240x32xf32, #tpu.memory_space<vmem_shared>> -> memref<10240x32xf32, #tpu.memory_space<vmem_shared>>
    tpu.wait_indirect_dma semaphore(%arg19 : memref<!tpu.dma_semaphore, #tpu.memory_space<semaphore_mem>>) src(%dma_wait3A_114 : memref<125x32xf32, #tpu.memory_space<vmem>>) dst(%dma_wait3A_120 : memref<10240x32xf32, #tpu.memory_space<vmem_shared>>)
    %dma_wait3A_121 = arith.constant 1 : i32
    %dma_wait3A_122 = arith.constant 0 : i32
    %dma_wait3A_123 = arith.constant 0 : i32
    %dma_wait3A_124 = arith.constant 0 : i32
    %dma_wait3A_125 = tpu.memref_slice %arg9[%dma_wait3A_121, %dma_wait3A_123, %dma_wait3A_124] : memref<8x125x32xf32, #tpu.memory_space<vmem>> -> memref<1x125x32xf32, #tpu.memory_space<vmem>>
    %dma_wait3A_126 = tpu.memref_squeeze %dma_wait3A_125 : memref<1x125x32xf32, #tpu.memory_space<vmem>> -> memref<125x32xf32, #tpu.memory_space<vmem>>
    %dma_wait3A_127 = arith.constant 0 : i32
    %dma_wait3A_128 = tpu.memref_slice %arg8[%dma_wait3A_122, %dma_wait3A_127] : memref<80x125xi32, #tpu.memory_space<vmem>> -> memref<1x125xi32, #tpu.memory_space<vmem>>
    %dma_wait3A_129 = tpu.memref_squeeze %dma_wait3A_128 : memref<1x125xi32, #tpu.memory_space<vmem>> -> memref<125xi32, #tpu.memory_space<vmem>>
    %dma_wait3A_130 = arith.constant 0 : i32
    %dma_wait3A_131 = arith.constant 0 : i32
    %dma_wait3A_132 = tpu.memref_slice %arg10[%dma_wait3A_130, %dma_wait3A_131] : memref<10240x32xf32, #tpu.memory_space<vmem_shared>> -> memref<10240x32xf32, #tpu.memory_space<vmem_shared>>
    tpu.wait_indirect_dma semaphore(%arg20 : memref<!tpu.dma_semaphore, #tpu.memory_space<semaphore_mem>>) src(%dma_wait3A_126 : memref<125x32xf32, #tpu.memory_space<vmem>>) dst(%dma_wait3A_132 : memref<10240x32xf32, #tpu.memory_space<vmem_shared>>)
    %dma_wait3A_133 = arith.constant 2 : i32
    %dma_wait3A_134 = arith.constant 0 : i32
    %dma_wait3A_135 = arith.constant 0 : i32
    %dma_wait3A_136 = arith.constant 0 : i32
    %dma_wait3A_137 = tpu.memref_slice %arg9[%dma_wait3A_133, %dma_wait3A_135, %dma_wait3A_136] : memref<8x125x32xf32, #tpu.memory_space<vmem>> -> memref<1x125x32xf32, #tpu.memory_space<vmem>>
    %dma_wait3A_138 = tpu.memref_squeeze %dma_wait3A_137 : memref<1x125x32xf32, #tpu.memory_space<vmem>> -> memref<125x32xf32, #tpu.memory_space<vmem>>
    %dma_wait3A_139 = arith.constant 0 : i32
    %dma_wait3A_140 = tpu.memref_slice %arg8[%dma_wait3A_134, %dma_wait3A_139] : memref<80x125xi32, #tpu.memory_space<vmem>> -> memref<1x125xi32, #tpu.memory_space<vmem>>
    %dma_wait3A_141 = tpu.memref_squeeze %dma_wait3A_140 : memref<1x125xi32, #tpu.memory_space<vmem>> -> memref<125xi32, #tpu.memory_space<vmem>>
    %dma_wait3A_142 = arith.constant 0 : i32
    %dma_wait3A_143 = arith.constant 0 : i32
    %dma_wait3A_144 = tpu.memref_slice %arg10[%dma_wait3A_142, %dma_wait3A_143] : memref<10240x32xf32, #tpu.memory_space<vmem_shared>> -> memref<10240x32xf32, #tpu.memory_space<vmem_shared>>
    tpu.wait_indirect_dma semaphore(%arg21 : memref<!tpu.dma_semaphore, #tpu.memory_space<semaphore_mem>>) src(%dma_wait3A_138 : memref<125x32xf32, #tpu.memory_space<vmem>>) dst(%dma_wait3A_144 : memref<10240x32xf32, #tpu.memory_space<vmem_shared>>)
    %dma_wait3A_145 = arith.constant 3 : i32
    %dma_wait3A_146 = arith.constant 0 : i32
    %dma_wait3A_147 = arith.constant 0 : i32
    %dma_wait3A_148 = arith.constant 0 : i32
    %dma_wait3A_149 = tpu.memref_slice %arg9[%dma_wait3A_145, %dma_wait3A_147, %dma_wait3A_148] : memref<8x125x32xf32, #tpu.memory_space<vmem>> -> memref<1x125x32xf32, #tpu.memory_space<vmem>>
    %dma_wait3A_150 = tpu.memref_squeeze %dma_wait3A_149 : memref<1x125x32xf32, #tpu.memory_space<vmem>> -> memref<125x32xf32, #tpu.memory_space<vmem>>
    %dma_wait3A_151 = arith.constant 0 : i32
    %dma_wait3A_152 = tpu.memref_slice %arg8[%dma_wait3A_146, %dma_wait3A_151] : memref<80x125xi32, #tpu.memory_space<vmem>> -> memref<1x125xi32, #tpu.memory_space<vmem>>
    %dma_wait3A_153 = tpu.memref_squeeze %dma_wait3A_152 : memref<1x125xi32, #tpu.memory_space<vmem>> -> memref<125xi32, #tpu.memory_space<vmem>>
    %dma_wait3A_154 = arith.constant 0 : i32
    %dma_wait3A_155 = arith.constant 0 : i32
    %dma_wait3A_156 = tpu.memref_slice %arg10[%dma_wait3A_154, %dma_wait3A_155] : memref<10240x32xf32, #tpu.memory_space<vmem_shared>> -> memref<10240x32xf32, #tpu.memory_space<vmem_shared>>
    tpu.wait_indirect_dma semaphore(%arg22 : memref<!tpu.dma_semaphore, #tpu.memory_space<semaphore_mem>>) src(%dma_wait3A_150 : memref<125x32xf32, #tpu.memory_space<vmem>>) dst(%dma_wait3A_156 : memref<10240x32xf32, #tpu.memory_space<vmem_shared>>)
    %dma_wait3A_157 = arith.constant 4 : i32
    %dma_wait3A_158 = arith.constant 0 : i32
    %dma_wait3A_159 = arith.constant 0 : i32
    %dma_wait3A_160 = arith.constant 0 : i32
    %dma_wait3A_161 = tpu.memref_slice %arg9[%dma_wait3A_157, %dma_wait3A_159, %dma_wait3A_160] : memref<8x125x32xf32, #tpu.memory_space<vmem>> -> memref<1x125x32xf32, #tpu.memory_space<vmem>>
    %dma_wait3A_162 = tpu.memref_squeeze %dma_wait3A_161 : memref<1x125x32xf32, #tpu.memory_space<vmem>> -> memref<125x32xf32, #tpu.memory_space<vmem>>
    %dma_wait3A_163 = arith.constant 0 : i32
    %dma_wait3A_164 = tpu.memref_slice %arg8[%dma_wait3A_158, %dma_wait3A_163] : memref<80x125xi32, #tpu.memory_space<vmem>> -> memref<1x125xi32, #tpu.memory_space<vmem>>
    %dma_wait3A_165 = tpu.memref_squeeze %dma_wait3A_164 : memref<1x125xi32, #tpu.memory_space<vmem>> -> memref<125xi32, #tpu.memory_space<vmem>>
    %dma_wait3A_166 = arith.constant 0 : i32
    %dma_wait3A_167 = arith.constant 0 : i32
    %dma_wait3A_168 = tpu.memref_slice %arg10[%dma_wait3A_166, %dma_wait3A_167] : memref<10240x32xf32, #tpu.memory_space<vmem_shared>> -> memref<10240x32xf32, #tpu.memory_space<vmem_shared>>
    tpu.wait_indirect_dma semaphore(%arg23 : memref<!tpu.dma_semaphore, #tpu.memory_space<semaphore_mem>>) src(%dma_wait3A_162 : memref<125x32xf32, #tpu.memory_space<vmem>>) dst(%dma_wait3A_168 : memref<10240x32xf32, #tpu.memory_space<vmem_shared>>)
    %dma_wait3A_169 = arith.constant 5 : i32
    %dma_wait3A_170 = arith.constant 0 : i32
    %dma_wait3A_171 = arith.constant 0 : i32
    %dma_wait3A_172 = arith.constant 0 : i32
    %dma_wait3A_173 = tpu.memref_slice %arg9[%dma_wait3A_169, %dma_wait3A_171, %dma_wait3A_172] : memref<8x125x32xf32, #tpu.memory_space<vmem>> -> memref<1x125x32xf32, #tpu.memory_space<vmem>>
    %dma_wait3A_174 = tpu.memref_squeeze %dma_wait3A_173 : memref<1x125x32xf32, #tpu.memory_space<vmem>> -> memref<125x32xf32, #tpu.memory_space<vmem>>
    %dma_wait3A_175 = arith.constant 0 : i32
    %dma_wait3A_176 = tpu.memref_slice %arg8[%dma_wait3A_170, %dma_wait3A_175] : memref<80x125xi32, #tpu.memory_space<vmem>> -> memref<1x125xi32, #tpu.memory_space<vmem>>
    %dma_wait3A_177 = tpu.memref_squeeze %dma_wait3A_176 : memref<1x125xi32, #tpu.memory_space<vmem>> -> memref<125xi32, #tpu.memory_space<vmem>>
    %dma_wait3A_178 = arith.constant 0 : i32
    %dma_wait3A_179 = arith.constant 0 : i32
    %dma_wait3A_180 = tpu.memref_slice %arg10[%dma_wait3A_178, %dma_wait3A_179] : memref<10240x32xf32, #tpu.memory_space<vmem_shared>> -> memref<10240x32xf32, #tpu.memory_space<vmem_shared>>
    tpu.wait_indirect_dma semaphore(%arg24 : memref<!tpu.dma_semaphore, #tpu.memory_space<semaphore_mem>>) src(%dma_wait3A_174 : memref<125x32xf32, #tpu.memory_space<vmem>>) dst(%dma_wait3A_180 : memref<10240x32xf32, #tpu.memory_space<vmem_shared>>)
    %dma_wait3A_181 = arith.constant 6 : i32
    %dma_wait3A_182 = arith.constant 0 : i32
    %dma_wait3A_183 = arith.constant 0 : i32
    %dma_wait3A_184 = arith.constant 0 : i32
    %dma_wait3A_185 = tpu.memref_slice %arg9[%dma_wait3A_181, %dma_wait3A_183, %dma_wait3A_184] : memref<8x125x32xf32, #tpu.memory_space<vmem>> -> memref<1x125x32xf32, #tpu.memory_space<vmem>>
    %dma_wait3A_186 = tpu.memref_squeeze %dma_wait3A_185 : memref<1x125x32xf32, #tpu.memory_space<vmem>> -> memref<125x32xf32, #tpu.memory_space<vmem>>
    %dma_wait3A_187 = arith.constant 0 : i32
    %dma_wait3A_188 = tpu.memref_slice %arg8[%dma_wait3A_182, %dma_wait3A_187] : memref<80x125xi32, #tpu.memory_space<vmem>> -> memref<1x125xi32, #tpu.memory_space<vmem>>
    %dma_wait3A_189 = tpu.memref_squeeze %dma_wait3A_188 : memref<1x125xi32, #tpu.memory_space<vmem>> -> memref<125xi32, #tpu.memory_space<vmem>>
    %dma_wait3A_190 = arith.constant 0 : i32
    %dma_wait3A_191 = arith.constant 0 : i32
    %dma_wait3A_192 = tpu.memref_slice %arg10[%dma_wait3A_190, %dma_wait3A_191] : memref<10240x32xf32, #tpu.memory_space<vmem_shared>> -> memref<10240x32xf32, #tpu.memory_space<vmem_shared>>
    tpu.wait_indirect_dma semaphore(%arg25 : memref<!tpu.dma_semaphore, #tpu.memory_space<semaphore_mem>>) src(%dma_wait3A_186 : memref<125x32xf32, #tpu.memory_space<vmem>>) dst(%dma_wait3A_192 : memref<10240x32xf32, #tpu.memory_space<vmem_shared>>)
    %dma_wait3A_193 = arith.constant 7 : i32
    %dma_wait3A_194 = arith.constant 0 : i32
    %dma_wait3A_195 = arith.constant 0 : i32
    %dma_wait3A_196 = arith.constant 0 : i32
    %dma_wait3A_197 = tpu.memref_slice %arg9[%dma_wait3A_193, %dma_wait3A_195, %dma_wait3A_196] : memref<8x125x32xf32, #tpu.memory_space<vmem>> -> memref<1x125x32xf32, #tpu.memory_space<vmem>>
    %dma_wait3A_198 = tpu.memref_squeeze %dma_wait3A_197 : memref<1x125x32xf32, #tpu.memory_space<vmem>> -> memref<125x32xf32, #tpu.memory_space<vmem>>
    %dma_wait3A_199 = arith.constant 0 : i32
    %dma_wait3A_200 = tpu.memref_slice %arg8[%dma_wait3A_194, %dma_wait3A_199] : memref<80x125xi32, #tpu.memory_space<vmem>> -> memref<1x125xi32, #tpu.memory_space<vmem>>
    %dma_wait3A_201 = tpu.memref_squeeze %dma_wait3A_200 : memref<1x125xi32, #tpu.memory_space<vmem>> -> memref<125xi32, #tpu.memory_space<vmem>>
    %dma_wait3A_202 = arith.constant 0 : i32
    %dma_wait3A_203 = arith.constant 0 : i32
    %dma_wait3A_204 = tpu.memref_slice %arg10[%dma_wait3A_202, %dma_wait3A_203] : memref<10240x32xf32, #tpu.memory_space<vmem_shared>> -> memref<10240x32xf32, #tpu.memory_space<vmem_shared>>
    tpu.wait_indirect_dma semaphore(%arg26 : memref<!tpu.dma_semaphore, #tpu.memory_space<semaphore_mem>>) src(%dma_wait3A_198 : memref<125x32xf32, #tpu.memory_space<vmem>>) dst(%dma_wait3A_204 : memref<10240x32xf32, #tpu.memory_space<vmem_shared>>)
    %barrier3A_205 = arith.constant 0 : index
    tpu.barrier barrier_id(%barrier3A_205)
    %mul3A_206 = arith.constant 640 : i32
    %mul3A_207 = arith.muli %arg1, %mul3A_206 : i32
    %mul3A_208 = arith.constant 640 : i32
    %mul3A_209 = arith.muli %arg1, %mul3A_208 : i32
    "tpu.region"() ({
      %run_scoped3A = tpu.sem_alloc : memref<!tpu.dma_semaphore, #tpu.memory_space<semaphore_mem>>
      %dma_start3A_210 = arith.constant 0 : i32
      %dma_start3A_211 = arith.constant 0 : i32
      %dma_start3A_212 = tpu.memref_slice %arg6[%arg0, %dma_start3A_210, %dma_start3A_211] : memref<2x10240x32xf32, #tpu.memory_space<hbm>> -> memref<1x10240x32xf32, #tpu.memory_space<hbm>>
      %dma_start3A_213 = tpu.memref_squeeze %dma_start3A_212 : memref<1x10240x32xf32, #tpu.memory_space<hbm>> -> memref<10240x32xf32, #tpu.memory_space<hbm>>
      %dma_start3A_214 = arith.constant 0 : i32
      %dma_start3A_215 = tpu.memref_slice %dma_start3A_213[%mul3A_209, %dma_start3A_214] : memref<10240x32xf32, #tpu.memory_space<hbm>> -> memref<640x32xf32, #tpu.memory_space<hbm>>
      %dma_start3A_216 = arith.constant 0 : i32
      %dma_start3A_217 = tpu.memref_slice %arg10[%mul3A_207, %dma_start3A_216] : memref<10240x32xf32, #tpu.memory_space<vmem_shared>> -> memref<640x32xf32, #tpu.memory_space<vmem_shared>>
      tpu.enqueue_dma source(%dma_start3A_217 : memref<640x32xf32, #tpu.memory_space<vmem_shared>>) target(%dma_start3A_215 : memref<640x32xf32, #tpu.memory_space<hbm>>) target_semaphore(%run_scoped3A : memref<!tpu.dma_semaphore, #tpu.memory_space<semaphore_mem>>)
      %dma_wait3A_218 = arith.constant 0 : i32
      %dma_wait3A_219 = arith.constant 0 : i32
      %dma_wait3A_220 = tpu.memref_slice %arg6[%arg0, %dma_wait3A_218, %dma_wait3A_219] : memref<2x10240x32xf32, #tpu.memory_space<hbm>> -> memref<1x10240x32xf32, #tpu.memory_space<hbm>>
      %dma_wait3A_221 = tpu.memref_squeeze %dma_wait3A_220 : memref<1x10240x32xf32, #tpu.memory_space<hbm>> -> memref<10240x32xf32, #tpu.memory_space<hbm>>
      %dma_wait3A_222 = arith.constant 0 : i32
      %dma_wait3A_223 = tpu.memref_slice %dma_wait3A_221[%mul3A_209, %dma_wait3A_222] : memref<10240x32xf32, #tpu.memory_space<hbm>> -> memref<640x32xf32, #tpu.memory_space<hbm>>
      %dma_wait3A_224 = arith.constant 0 : i32
      %dma_wait3A_225 = tpu.memref_slice %arg10[%mul3A_207, %dma_wait3A_224] : memref<10240x32xf32, #tpu.memory_space<vmem_shared>> -> memref<640x32xf32, #tpu.memory_space<vmem_shared>>
      tpu.wait_dma2 semaphore(%run_scoped3A : memref<!tpu.dma_semaphore, #tpu.memory_space<semaphore_mem>>) src(%dma_wait3A_225 : memref<640x32xf32, #tpu.memory_space<vmem_shared>>) dst(%dma_wait3A_223 : memref<640x32xf32, #tpu.memory_space<hbm>>)
      tpu.yield
    }) : () -> ()
    return
  }
}

#map = affine_map<(d0, d1) -> (0, 0)>
#map1 = affine_map<(d0, d1) -> (0, 0, 0)>
module attributes {stable_mosaic.version = 14 : i64} {
  func.func @scat_kernel(%arg0: i32, %arg1: i32, %arg2: memref<10240x64xf32, #tpu.memory_space<hbm>>, %arg3: memref<2560x125xi32, #tpu.memory_space<hbm>>, %arg4: memref<2560x125xi32, #tpu.memory_space<hbm>>, %arg5: memref<10240x64xf32, #tpu.memory_space<hbm>>, %arg6: memref<2x10240x64xf32, #tpu.memory_space<hbm>>, %arg7: memref<80x125xi32, #tpu.memory_space<vmem>>, %arg8: memref<80x125xi32, #tpu.memory_space<vmem>>, %arg9: memref<8x125x64xf32, #tpu.memory_space<vmem>>, %arg10: memref<10240x64xf32, #tpu.memory_space<vmem_shared>>, %arg11: memref<!tpu.dma_semaphore, #tpu.memory_space<semaphore_mem>>, %arg12: memref<!tpu.dma_semaphore, #tpu.memory_space<semaphore_mem>>, %arg13: memref<!tpu.dma_semaphore, #tpu.memory_space<semaphore_mem>>, %arg14: memref<!tpu.dma_semaphore, #tpu.memory_space<semaphore_mem>>, %arg15: memref<!tpu.dma_semaphore, #tpu.memory_space<semaphore_mem>>, %arg16: memref<!tpu.dma_semaphore, #tpu.memory_space<semaphore_mem>>, %arg17: memref<!tpu.dma_semaphore, #tpu.memory_space<semaphore_mem>>, %arg18: memref<!tpu.dma_semaphore, #tpu.memory_space<semaphore_mem>>, %arg19: memref<!tpu.dma_semaphore, #tpu.memory_space<semaphore_mem>>, %arg20: memref<!tpu.dma_semaphore, #tpu.memory_space<semaphore_mem>>, %arg21: memref<!tpu.dma_semaphore, #tpu.memory_space<semaphore_mem>>, %arg22: memref<!tpu.dma_semaphore, #tpu.memory_space<semaphore_mem>>, %arg23: memref<!tpu.dma_semaphore, #tpu.memory_space<semaphore_mem>>, %arg24: memref<!tpu.dma_semaphore, #tpu.memory_space<semaphore_mem>>, %arg25: memref<!tpu.dma_semaphore, #tpu.memory_space<semaphore_mem>>, %arg26: memref<!tpu.dma_semaphore, #tpu.memory_space<semaphore_mem>>) attributes {dimension_semantics = [#tpu.dimension_semantics<core_parallel>, #tpu.dimension_semantics<subcore_parallel>], iteration_bounds = array<i64: 2, 16>, scalar_prefetch = 0 : i64, scratch_operands = 20 : i64, tpu.core_type = #tpu.core_type<sc_vector_subcore>, window_params = [{transform_indices = #map}, {transform_indices = #map}, {transform_indices = #map}, {transform_indices = #map}, {transform_indices = #map1}]} {
    %mul3A = arith.constant 2 : i32
    %mul3A_0 = arith.muli %arg1, %mul3A : i32
    %add3A = arith.addi %mul3A_0, %arg0 : i32
    %mul3A_1 = arith.constant 640 : i32
    %mul3A_2 = arith.muli %arg1, %mul3A_1 : i32
    %mul3A_3 = arith.constant 640 : i32
    %mul3A_4 = arith.muli %arg1, %mul3A_3 : i32
    "tpu.region"() ({
      %run_scoped3A = tpu.sem_alloc : memref<!tpu.dma_semaphore, #tpu.memory_space<semaphore_mem>>
      %dma_start3A_210 = arith.constant 0 : i32
      %dma_start3A_211 = tpu.memref_slice %arg10[%mul3A_4, %dma_start3A_210] : memref<10240x64xf32, #tpu.memory_space<vmem_shared>> -> memref<640x64xf32, #tpu.memory_space<vmem_shared>>
      %dma_start3A_212 = arith.constant 0 : i32
      %dma_start3A_213 = tpu.memref_slice %arg5[%mul3A_2, %dma_start3A_212] : memref<10240x64xf32, #tpu.memory_space<hbm>> -> memref<640x64xf32, #tpu.memory_space<hbm>>
      tpu.enqueue_dma source(%dma_start3A_213 : memref<640x64xf32, #tpu.memory_space<hbm>>) target(%dma_start3A_211 : memref<640x64xf32, #tpu.memory_space<vmem_shared>>) target_semaphore(%run_scoped3A : memref<!tpu.dma_semaphore, #tpu.memory_space<semaphore_mem>>)
      %dma_wait3A_214 = arith.constant 0 : i32
      %dma_wait3A_215 = tpu.memref_slice %arg10[%mul3A_4, %dma_wait3A_214] : memref<10240x64xf32, #tpu.memory_space<vmem_shared>> -> memref<640x64xf32, #tpu.memory_space<vmem_shared>>
      %dma_wait3A_216 = arith.constant 0 : i32
      %dma_wait3A_217 = tpu.memref_slice %arg5[%mul3A_2, %dma_wait3A_216] : memref<10240x64xf32, #tpu.memory_space<hbm>> -> memref<640x64xf32, #tpu.memory_space<hbm>>
      tpu.wait_dma2 semaphore(%run_scoped3A : memref<!tpu.dma_semaphore, #tpu.memory_space<semaphore_mem>>) src(%dma_wait3A_217 : memref<640x64xf32, #tpu.memory_space<hbm>>) dst(%dma_wait3A_215 : memref<640x64xf32, #tpu.memory_space<vmem_shared>>)
      tpu.yield
    }) : () -> ()
    %mul3A_5 = arith.constant 80 : i32
    %mul3A_6 = arith.muli %add3A, %mul3A_5 : i32
    "tpu.region"() ({
      %run_scoped3A = tpu.sem_alloc : memref<!tpu.dma_semaphore, #tpu.memory_space<semaphore_mem>>
      %dma_start3A_210 = arith.constant 0 : i32
      %dma_start3A_211 = tpu.memref_slice %arg3[%mul3A_6, %dma_start3A_210] : memref<2560x125xi32, #tpu.memory_space<hbm>> -> memref<80x125xi32, #tpu.memory_space<hbm>>
      %dma_start3A_212 = arith.constant 0 : i32
      %dma_start3A_213 = tpu.memref_slice %arg3[%mul3A_6, %dma_start3A_212] : memref<2560x125xi32, #tpu.memory_space<hbm>> -> memref<80x125xi32, #tpu.memory_space<hbm>>
      tpu.enqueue_dma source(%dma_start3A_213 : memref<80x125xi32, #tpu.memory_space<hbm>>) target(%arg7 : memref<80x125xi32, #tpu.memory_space<vmem>>) target_semaphore(%run_scoped3A : memref<!tpu.dma_semaphore, #tpu.memory_space<semaphore_mem>>)
      %dma_wait3A_214 = arith.constant 0 : i32
      %dma_wait3A_215 = tpu.memref_slice %arg3[%mul3A_6, %dma_wait3A_214] : memref<2560x125xi32, #tpu.memory_space<hbm>> -> memref<80x125xi32, #tpu.memory_space<hbm>>
      %dma_wait3A_216 = arith.constant 0 : i32
      %dma_wait3A_217 = tpu.memref_slice %arg3[%mul3A_6, %dma_wait3A_216] : memref<2560x125xi32, #tpu.memory_space<hbm>> -> memref<80x125xi32, #tpu.memory_space<hbm>>
      tpu.wait_dma2 semaphore(%run_scoped3A : memref<!tpu.dma_semaphore, #tpu.memory_space<semaphore_mem>>) src(%dma_wait3A_217 : memref<80x125xi32, #tpu.memory_space<hbm>>) dst(%arg7 : memref<80x125xi32, #tpu.memory_space<vmem>>)
      tpu.yield
    }) : () -> ()
    %mul3A_7 = arith.constant 80 : i32
    %mul3A_8 = arith.muli %add3A, %mul3A_7 : i32
    "tpu.region"() ({
      %run_scoped3A = tpu.sem_alloc : memref<!tpu.dma_semaphore, #tpu.memory_space<semaphore_mem>>
      %dma_start3A_210 = arith.constant 0 : i32
      %dma_start3A_211 = tpu.memref_slice %arg4[%mul3A_8, %dma_start3A_210] : memref<2560x125xi32, #tpu.memory_space<hbm>> -> memref<80x125xi32, #tpu.memory_space<hbm>>
      %dma_start3A_212 = arith.constant 0 : i32
      %dma_start3A_213 = tpu.memref_slice %arg4[%mul3A_8, %dma_start3A_212] : memref<2560x125xi32, #tpu.memory_space<hbm>> -> memref<80x125xi32, #tpu.memory_space<hbm>>
      tpu.enqueue_dma source(%dma_start3A_213 : memref<80x125xi32, #tpu.memory_space<hbm>>) target(%arg8 : memref<80x125xi32, #tpu.memory_space<vmem>>) target_semaphore(%run_scoped3A : memref<!tpu.dma_semaphore, #tpu.memory_space<semaphore_mem>>)
      %dma_wait3A_214 = arith.constant 0 : i32
      %dma_wait3A_215 = tpu.memref_slice %arg4[%mul3A_8, %dma_wait3A_214] : memref<2560x125xi32, #tpu.memory_space<hbm>> -> memref<80x125xi32, #tpu.memory_space<hbm>>
      %dma_wait3A_216 = arith.constant 0 : i32
      %dma_wait3A_217 = tpu.memref_slice %arg4[%mul3A_8, %dma_wait3A_216] : memref<2560x125xi32, #tpu.memory_space<hbm>> -> memref<80x125xi32, #tpu.memory_space<hbm>>
      tpu.wait_dma2 semaphore(%run_scoped3A : memref<!tpu.dma_semaphore, #tpu.memory_space<semaphore_mem>>) src(%dma_wait3A_217 : memref<80x125xi32, #tpu.memory_space<hbm>>) dst(%arg8 : memref<80x125xi32, #tpu.memory_space<vmem>>)
      tpu.yield
    }) : () -> ()
    %barrier3A = arith.constant 0 : index
    tpu.barrier barrier_id(%barrier3A)
    %dma_start3A = arith.constant 0 : i32
    %dma_start3A_9 = arith.constant 0 : i32
    %dma_start3A_10 = arith.constant 0 : i32
    %dma_start3A_11 = arith.constant 0 : i32
    %dma_start3A_12 = tpu.memref_slice %arg9[%dma_start3A_9, %dma_start3A_10, %dma_start3A_11] : memref<8x125x64xf32, #tpu.memory_space<vmem>> -> memref<1x125x64xf32, #tpu.memory_space<vmem>>
    %dma_start3A_13 = tpu.memref_squeeze %dma_start3A_12 : memref<1x125x64xf32, #tpu.memory_space<vmem>> -> memref<125x64xf32, #tpu.memory_space<vmem>>
    %dma_start3A_14 = arith.constant 0 : i32
    %dma_start3A_15 = tpu.memref_slice %arg7[%dma_start3A, %dma_start3A_14] : memref<80x125xi32, #tpu.memory_space<vmem>> -> memref<1x125xi32, #tpu.memory_space<vmem>>
    %dma_start3A_16 = tpu.memref_squeeze %dma_start3A_15 : memref<1x125xi32, #tpu.memory_space<vmem>> -> memref<125xi32, #tpu.memory_space<vmem>>
    %dma_start3A_17 = arith.constant 0 : i32
    %dma_start3A_18 = arith.constant 0 : i32
    %dma_start3A_19 = tpu.memref_slice %arg2[%dma_start3A_17, %dma_start3A_18] : memref<10240x64xf32, #tpu.memory_space<hbm>> -> memref<10240x64xf32, #tpu.memory_space<hbm>>
    tpu.enqueue_indirect_dma source(%dma_start3A_19 : memref<10240x64xf32, #tpu.memory_space<hbm>>) target(%dma_start3A_13 : memref<125x64xf32, #tpu.memory_space<vmem>>) offsets(%dma_start3A_16 : memref<125xi32, #tpu.memory_space<vmem>>) semaphore(%arg11 : memref<!tpu.dma_semaphore, #tpu.memory_space<semaphore_mem>>)
    %dma_start3A_20 = arith.constant 1 : i32
    %dma_start3A_21 = arith.constant 1 : i32
    %dma_start3A_22 = arith.constant 0 : i32
    %dma_start3A_23 = arith.constant 0 : i32
    %dma_start3A_24 = tpu.memref_slice %arg9[%dma_start3A_21, %dma_start3A_22, %dma_start3A_23] : memref<8x125x64xf32, #tpu.memory_space<vmem>> -> memref<1x125x64xf32, #tpu.memory_space<vmem>>
    %dma_start3A_25 = tpu.memref_squeeze %dma_start3A_24 : memref<1x125x64xf32, #tpu.memory_space<vmem>> -> memref<125x64xf32, #tpu.memory_space<vmem>>
    %dma_start3A_26 = arith.constant 0 : i32
    %dma_start3A_27 = tpu.memref_slice %arg7[%dma_start3A_20, %dma_start3A_26] : memref<80x125xi32, #tpu.memory_space<vmem>> -> memref<1x125xi32, #tpu.memory_space<vmem>>
    %dma_start3A_28 = tpu.memref_squeeze %dma_start3A_27 : memref<1x125xi32, #tpu.memory_space<vmem>> -> memref<125xi32, #tpu.memory_space<vmem>>
    %dma_start3A_29 = arith.constant 0 : i32
    %dma_start3A_30 = arith.constant 0 : i32
    %dma_start3A_31 = tpu.memref_slice %arg2[%dma_start3A_29, %dma_start3A_30] : memref<10240x64xf32, #tpu.memory_space<hbm>> -> memref<10240x64xf32, #tpu.memory_space<hbm>>
    tpu.enqueue_indirect_dma source(%dma_start3A_31 : memref<10240x64xf32, #tpu.memory_space<hbm>>) target(%dma_start3A_25 : memref<125x64xf32, #tpu.memory_space<vmem>>) offsets(%dma_start3A_28 : memref<125xi32, #tpu.memory_space<vmem>>) semaphore(%arg12 : memref<!tpu.dma_semaphore, #tpu.memory_space<semaphore_mem>>)
    %dma_start3A_32 = arith.constant 2 : i32
    %dma_start3A_33 = arith.constant 2 : i32
    %dma_start3A_34 = arith.constant 0 : i32
    %dma_start3A_35 = arith.constant 0 : i32
    %dma_start3A_36 = tpu.memref_slice %arg9[%dma_start3A_33, %dma_start3A_34, %dma_start3A_35] : memref<8x125x64xf32, #tpu.memory_space<vmem>> -> memref<1x125x64xf32, #tpu.memory_space<vmem>>
    %dma_start3A_37 = tpu.memref_squeeze %dma_start3A_36 : memref<1x125x64xf32, #tpu.memory_space<vmem>> -> memref<125x64xf32, #tpu.memory_space<vmem>>
    %dma_start3A_38 = arith.constant 0 : i32
    %dma_start3A_39 = tpu.memref_slice %arg7[%dma_start3A_32, %dma_start3A_38] : memref<80x125xi32, #tpu.memory_space<vmem>> -> memref<1x125xi32, #tpu.memory_space<vmem>>
    %dma_start3A_40 = tpu.memref_squeeze %dma_start3A_39 : memref<1x125xi32, #tpu.memory_space<vmem>> -> memref<125xi32, #tpu.memory_space<vmem>>
    %dma_start3A_41 = arith.constant 0 : i32
    %dma_start3A_42 = arith.constant 0 : i32
    %dma_start3A_43 = tpu.memref_slice %arg2[%dma_start3A_41, %dma_start3A_42] : memref<10240x64xf32, #tpu.memory_space<hbm>> -> memref<10240x64xf32, #tpu.memory_space<hbm>>
    tpu.enqueue_indirect_dma source(%dma_start3A_43 : memref<10240x64xf32, #tpu.memory_space<hbm>>) target(%dma_start3A_37 : memref<125x64xf32, #tpu.memory_space<vmem>>) offsets(%dma_start3A_40 : memref<125xi32, #tpu.memory_space<vmem>>) semaphore(%arg13 : memref<!tpu.dma_semaphore, #tpu.memory_space<semaphore_mem>>)
    %dma_start3A_44 = arith.constant 3 : i32
    %dma_start3A_45 = arith.constant 3 : i32
    %dma_start3A_46 = arith.constant 0 : i32
    %dma_start3A_47 = arith.constant 0 : i32
    %dma_start3A_48 = tpu.memref_slice %arg9[%dma_start3A_45, %dma_start3A_46, %dma_start3A_47] : memref<8x125x64xf32, #tpu.memory_space<vmem>> -> memref<1x125x64xf32, #tpu.memory_space<vmem>>
    %dma_start3A_49 = tpu.memref_squeeze %dma_start3A_48 : memref<1x125x64xf32, #tpu.memory_space<vmem>> -> memref<125x64xf32, #tpu.memory_space<vmem>>
    %dma_start3A_50 = arith.constant 0 : i32
    %dma_start3A_51 = tpu.memref_slice %arg7[%dma_start3A_44, %dma_start3A_50] : memref<80x125xi32, #tpu.memory_space<vmem>> -> memref<1x125xi32, #tpu.memory_space<vmem>>
    %dma_start3A_52 = tpu.memref_squeeze %dma_start3A_51 : memref<1x125xi32, #tpu.memory_space<vmem>> -> memref<125xi32, #tpu.memory_space<vmem>>
    %dma_start3A_53 = arith.constant 0 : i32
    %dma_start3A_54 = arith.constant 0 : i32
    %dma_start3A_55 = tpu.memref_slice %arg2[%dma_start3A_53, %dma_start3A_54] : memref<10240x64xf32, #tpu.memory_space<hbm>> -> memref<10240x64xf32, #tpu.memory_space<hbm>>
    tpu.enqueue_indirect_dma source(%dma_start3A_55 : memref<10240x64xf32, #tpu.memory_space<hbm>>) target(%dma_start3A_49 : memref<125x64xf32, #tpu.memory_space<vmem>>) offsets(%dma_start3A_52 : memref<125xi32, #tpu.memory_space<vmem>>) semaphore(%arg14 : memref<!tpu.dma_semaphore, #tpu.memory_space<semaphore_mem>>)
    %dma_start3A_56 = arith.constant 4 : i32
    %dma_start3A_57 = arith.constant 4 : i32
    %dma_start3A_58 = arith.constant 0 : i32
    %dma_start3A_59 = arith.constant 0 : i32
    %dma_start3A_60 = tpu.memref_slice %arg9[%dma_start3A_57, %dma_start3A_58, %dma_start3A_59] : memref<8x125x64xf32, #tpu.memory_space<vmem>> -> memref<1x125x64xf32, #tpu.memory_space<vmem>>
    %dma_start3A_61 = tpu.memref_squeeze %dma_start3A_60 : memref<1x125x64xf32, #tpu.memory_space<vmem>> -> memref<125x64xf32, #tpu.memory_space<vmem>>
    %dma_start3A_62 = arith.constant 0 : i32
    %dma_start3A_63 = tpu.memref_slice %arg7[%dma_start3A_56, %dma_start3A_62] : memref<80x125xi32, #tpu.memory_space<vmem>> -> memref<1x125xi32, #tpu.memory_space<vmem>>
    %dma_start3A_64 = tpu.memref_squeeze %dma_start3A_63 : memref<1x125xi32, #tpu.memory_space<vmem>> -> memref<125xi32, #tpu.memory_space<vmem>>
    %dma_start3A_65 = arith.constant 0 : i32
    %dma_start3A_66 = arith.constant 0 : i32
    %dma_start3A_67 = tpu.memref_slice %arg2[%dma_start3A_65, %dma_start3A_66] : memref<10240x64xf32, #tpu.memory_space<hbm>> -> memref<10240x64xf32, #tpu.memory_space<hbm>>
    tpu.enqueue_indirect_dma source(%dma_start3A_67 : memref<10240x64xf32, #tpu.memory_space<hbm>>) target(%dma_start3A_61 : memref<125x64xf32, #tpu.memory_space<vmem>>) offsets(%dma_start3A_64 : memref<125xi32, #tpu.memory_space<vmem>>) semaphore(%arg15 : memref<!tpu.dma_semaphore, #tpu.memory_space<semaphore_mem>>)
    %dma_start3A_68 = arith.constant 5 : i32
    %dma_start3A_69 = arith.constant 5 : i32
    %dma_start3A_70 = arith.constant 0 : i32
    %dma_start3A_71 = arith.constant 0 : i32
    %dma_start3A_72 = tpu.memref_slice %arg9[%dma_start3A_69, %dma_start3A_70, %dma_start3A_71] : memref<8x125x64xf32, #tpu.memory_space<vmem>> -> memref<1x125x64xf32, #tpu.memory_space<vmem>>
    %dma_start3A_73 = tpu.memref_squeeze %dma_start3A_72 : memref<1x125x64xf32, #tpu.memory_space<vmem>> -> memref<125x64xf32, #tpu.memory_space<vmem>>
    %dma_start3A_74 = arith.constant 0 : i32
    %dma_start3A_75 = tpu.memref_slice %arg7[%dma_start3A_68, %dma_start3A_74] : memref<80x125xi32, #tpu.memory_space<vmem>> -> memref<1x125xi32, #tpu.memory_space<vmem>>
    %dma_start3A_76 = tpu.memref_squeeze %dma_start3A_75 : memref<1x125xi32, #tpu.memory_space<vmem>> -> memref<125xi32, #tpu.memory_space<vmem>>
    %dma_start3A_77 = arith.constant 0 : i32
    %dma_start3A_78 = arith.constant 0 : i32
    %dma_start3A_79 = tpu.memref_slice %arg2[%dma_start3A_77, %dma_start3A_78] : memref<10240x64xf32, #tpu.memory_space<hbm>> -> memref<10240x64xf32, #tpu.memory_space<hbm>>
    tpu.enqueue_indirect_dma source(%dma_start3A_79 : memref<10240x64xf32, #tpu.memory_space<hbm>>) target(%dma_start3A_73 : memref<125x64xf32, #tpu.memory_space<vmem>>) offsets(%dma_start3A_76 : memref<125xi32, #tpu.memory_space<vmem>>) semaphore(%arg16 : memref<!tpu.dma_semaphore, #tpu.memory_space<semaphore_mem>>)
    %dma_start3A_80 = arith.constant 6 : i32
    %dma_start3A_81 = arith.constant 6 : i32
    %dma_start3A_82 = arith.constant 0 : i32
    %dma_start3A_83 = arith.constant 0 : i32
    %dma_start3A_84 = tpu.memref_slice %arg9[%dma_start3A_81, %dma_start3A_82, %dma_start3A_83] : memref<8x125x64xf32, #tpu.memory_space<vmem>> -> memref<1x125x64xf32, #tpu.memory_space<vmem>>
    %dma_start3A_85 = tpu.memref_squeeze %dma_start3A_84 : memref<1x125x64xf32, #tpu.memory_space<vmem>> -> memref<125x64xf32, #tpu.memory_space<vmem>>
    %dma_start3A_86 = arith.constant 0 : i32
    %dma_start3A_87 = tpu.memref_slice %arg7[%dma_start3A_80, %dma_start3A_86] : memref<80x125xi32, #tpu.memory_space<vmem>> -> memref<1x125xi32, #tpu.memory_space<vmem>>
    %dma_start3A_88 = tpu.memref_squeeze %dma_start3A_87 : memref<1x125xi32, #tpu.memory_space<vmem>> -> memref<125xi32, #tpu.memory_space<vmem>>
    %dma_start3A_89 = arith.constant 0 : i32
    %dma_start3A_90 = arith.constant 0 : i32
    %dma_start3A_91 = tpu.memref_slice %arg2[%dma_start3A_89, %dma_start3A_90] : memref<10240x64xf32, #tpu.memory_space<hbm>> -> memref<10240x64xf32, #tpu.memory_space<hbm>>
    tpu.enqueue_indirect_dma source(%dma_start3A_91 : memref<10240x64xf32, #tpu.memory_space<hbm>>) target(%dma_start3A_85 : memref<125x64xf32, #tpu.memory_space<vmem>>) offsets(%dma_start3A_88 : memref<125xi32, #tpu.memory_space<vmem>>) semaphore(%arg17 : memref<!tpu.dma_semaphore, #tpu.memory_space<semaphore_mem>>)
    %dma_start3A_92 = arith.constant 7 : i32
    %dma_start3A_93 = arith.constant 7 : i32
    %dma_start3A_94 = arith.constant 0 : i32
    %dma_start3A_95 = arith.constant 0 : i32
    %dma_start3A_96 = tpu.memref_slice %arg9[%dma_start3A_93, %dma_start3A_94, %dma_start3A_95] : memref<8x125x64xf32, #tpu.memory_space<vmem>> -> memref<1x125x64xf32, #tpu.memory_space<vmem>>
    %dma_start3A_97 = tpu.memref_squeeze %dma_start3A_96 : memref<1x125x64xf32, #tpu.memory_space<vmem>> -> memref<125x64xf32, #tpu.memory_space<vmem>>
    %dma_start3A_98 = arith.constant 0 : i32
    %dma_start3A_99 = tpu.memref_slice %arg7[%dma_start3A_92, %dma_start3A_98] : memref<80x125xi32, #tpu.memory_space<vmem>> -> memref<1x125xi32, #tpu.memory_space<vmem>>
    %dma_start3A_100 = tpu.memref_squeeze %dma_start3A_99 : memref<1x125xi32, #tpu.memory_space<vmem>> -> memref<125xi32, #tpu.memory_space<vmem>>
    %dma_start3A_101 = arith.constant 0 : i32
    %dma_start3A_102 = arith.constant 0 : i32
    %dma_start3A_103 = tpu.memref_slice %arg2[%dma_start3A_101, %dma_start3A_102] : memref<10240x64xf32, #tpu.memory_space<hbm>> -> memref<10240x64xf32, #tpu.memory_space<hbm>>
    tpu.enqueue_indirect_dma source(%dma_start3A_103 : memref<10240x64xf32, #tpu.memory_space<hbm>>) target(%dma_start3A_97 : memref<125x64xf32, #tpu.memory_space<vmem>>) offsets(%dma_start3A_100 : memref<125xi32, #tpu.memory_space<vmem>>) semaphore(%arg18 : memref<!tpu.dma_semaphore, #tpu.memory_space<semaphore_mem>>)
    %scan3A = arith.constant 0 : i32
    %scan3A_104 = arith.constant 0 : i32
    %scan3A_105 = arith.constant 10 : i32
    %scan3A_106 = arith.addi %scan3A_104, %scan3A_105 : i32
    %scan3A_107 = arith.constant 1 : i32
    %scan3A_108 = scf.for %scan3A_210 = %scan3A_104 to %scan3A_106 step %scan3A_107 iter_args(%scan3A_211 = %scan3A) -> (i32)  : i32 {
      %mul3A_212 = arith.constant 8 : i32
      %mul3A_213 = arith.muli %scan3A_210, %mul3A_212 : i32
      %dma_wait3A_214 = arith.constant 0 : i32
      %dma_wait3A_215 = arith.constant 0 : i32
      %dma_wait3A_216 = arith.constant 0 : i32
      %dma_wait3A_217 = arith.constant 0 : i32
      %dma_wait3A_218 = tpu.memref_slice %arg9[%dma_wait3A_215, %dma_wait3A_216, %dma_wait3A_217] : memref<8x125x64xf32, #tpu.memory_space<vmem>> -> memref<1x125x64xf32, #tpu.memory_space<vmem>>
      %dma_wait3A_219 = tpu.memref_squeeze %dma_wait3A_218 : memref<1x125x64xf32, #tpu.memory_space<vmem>> -> memref<125x64xf32, #tpu.memory_space<vmem>>
      %dma_wait3A_220 = arith.constant 0 : i32
      %dma_wait3A_221 = tpu.memref_slice %arg7[%dma_wait3A_214, %dma_wait3A_220] : memref<80x125xi32, #tpu.memory_space<vmem>> -> memref<1x125xi32, #tpu.memory_space<vmem>>
      %dma_wait3A_222 = tpu.memref_squeeze %dma_wait3A_221 : memref<1x125xi32, #tpu.memory_space<vmem>> -> memref<125xi32, #tpu.memory_space<vmem>>
      %dma_wait3A_223 = arith.constant 0 : i32
      %dma_wait3A_224 = arith.constant 0 : i32
      %dma_wait3A_225 = tpu.memref_slice %arg2[%dma_wait3A_223, %dma_wait3A_224] : memref<10240x64xf32, #tpu.memory_space<hbm>> -> memref<10240x64xf32, #tpu.memory_space<hbm>>
      tpu.wait_indirect_dma semaphore(%arg11 : memref<!tpu.dma_semaphore, #tpu.memory_space<semaphore_mem>>) src(%dma_wait3A_225 : memref<10240x64xf32, #tpu.memory_space<hbm>>) dst(%dma_wait3A_219 : memref<125x64xf32, #tpu.memory_space<vmem>>)
      %add3A_226 = arith.constant 0 : i32
      %add3A_227 = arith.addi %mul3A_213, %add3A_226 : i32
      %dma_start3A_228 = arith.constant 0 : i32
      %dma_start3A_229 = arith.constant 0 : i32
      %dma_start3A_230 = arith.constant 0 : i32
      %dma_start3A_231 = tpu.memref_slice %arg9[%dma_start3A_228, %dma_start3A_229, %dma_start3A_230] : memref<8x125x64xf32, #tpu.memory_space<vmem>> -> memref<1x125x64xf32, #tpu.memory_space<vmem>>
      %dma_start3A_232 = tpu.memref_squeeze %dma_start3A_231 : memref<1x125x64xf32, #tpu.memory_space<vmem>> -> memref<125x64xf32, #tpu.memory_space<vmem>>
      %dma_start3A_233 = arith.constant 0 : i32
      %dma_start3A_234 = tpu.memref_slice %arg8[%add3A_227, %dma_start3A_233] : memref<80x125xi32, #tpu.memory_space<vmem>> -> memref<1x125xi32, #tpu.memory_space<vmem>>
      %dma_start3A_235 = tpu.memref_squeeze %dma_start3A_234 : memref<1x125xi32, #tpu.memory_space<vmem>> -> memref<125xi32, #tpu.memory_space<vmem>>
      %dma_start3A_236 = arith.constant 0 : i32
      %dma_start3A_237 = arith.constant 0 : i32
      %dma_start3A_238 = tpu.memref_slice %arg10[%dma_start3A_236, %dma_start3A_237] : memref<10240x64xf32, #tpu.memory_space<vmem_shared>> -> memref<10240x64xf32, #tpu.memory_space<vmem_shared>>
      tpu.enqueue_indirect_dma source(%dma_start3A_232 : memref<125x64xf32, #tpu.memory_space<vmem>>) target(%dma_start3A_238 : memref<10240x64xf32, #tpu.memory_space<vmem_shared>>) offsets(%dma_start3A_235 : memref<125xi32, #tpu.memory_space<vmem>>) semaphore(%arg19 : memref<!tpu.dma_semaphore, #tpu.memory_space<semaphore_mem>>) {add = true}
      %dma_wait3A_239 = arith.constant 0 : i32
      %dma_wait3A_240 = arith.constant 1 : i32
      %dma_wait3A_241 = arith.constant 0 : i32
      %dma_wait3A_242 = arith.constant 0 : i32
      %dma_wait3A_243 = tpu.memref_slice %arg9[%dma_wait3A_240, %dma_wait3A_241, %dma_wait3A_242] : memref<8x125x64xf32, #tpu.memory_space<vmem>> -> memref<1x125x64xf32, #tpu.memory_space<vmem>>
      %dma_wait3A_244 = tpu.memref_squeeze %dma_wait3A_243 : memref<1x125x64xf32, #tpu.memory_space<vmem>> -> memref<125x64xf32, #tpu.memory_space<vmem>>
      %dma_wait3A_245 = arith.constant 0 : i32
      %dma_wait3A_246 = tpu.memref_slice %arg7[%dma_wait3A_239, %dma_wait3A_245] : memref<80x125xi32, #tpu.memory_space<vmem>> -> memref<1x125xi32, #tpu.memory_space<vmem>>
      %dma_wait3A_247 = tpu.memref_squeeze %dma_wait3A_246 : memref<1x125xi32, #tpu.memory_space<vmem>> -> memref<125xi32, #tpu.memory_space<vmem>>
      %dma_wait3A_248 = arith.constant 0 : i32
      %dma_wait3A_249 = arith.constant 0 : i32
      %dma_wait3A_250 = tpu.memref_slice %arg2[%dma_wait3A_248, %dma_wait3A_249] : memref<10240x64xf32, #tpu.memory_space<hbm>> -> memref<10240x64xf32, #tpu.memory_space<hbm>>
      tpu.wait_indirect_dma semaphore(%arg12 : memref<!tpu.dma_semaphore, #tpu.memory_space<semaphore_mem>>) src(%dma_wait3A_250 : memref<10240x64xf32, #tpu.memory_space<hbm>>) dst(%dma_wait3A_244 : memref<125x64xf32, #tpu.memory_space<vmem>>)
      %add3A_251 = arith.constant 1 : i32
      %add3A_252 = arith.addi %mul3A_213, %add3A_251 : i32
      %dma_start3A_253 = arith.constant 1 : i32
      %dma_start3A_254 = arith.constant 0 : i32
      %dma_start3A_255 = arith.constant 0 : i32
      %dma_start3A_256 = tpu.memref_slice %arg9[%dma_start3A_253, %dma_start3A_254, %dma_start3A_255] : memref<8x125x64xf32, #tpu.memory_space<vmem>> -> memref<1x125x64xf32, #tpu.memory_space<vmem>>
      %dma_start3A_257 = tpu.memref_squeeze %dma_start3A_256 : memref<1x125x64xf32, #tpu.memory_space<vmem>> -> memref<125x64xf32, #tpu.memory_space<vmem>>
      %dma_start3A_258 = arith.constant 0 : i32
      %dma_start3A_259 = tpu.memref_slice %arg8[%add3A_252, %dma_start3A_258] : memref<80x125xi32, #tpu.memory_space<vmem>> -> memref<1x125xi32, #tpu.memory_space<vmem>>
      %dma_start3A_260 = tpu.memref_squeeze %dma_start3A_259 : memref<1x125xi32, #tpu.memory_space<vmem>> -> memref<125xi32, #tpu.memory_space<vmem>>
      %dma_start3A_261 = arith.constant 0 : i32
      %dma_start3A_262 = arith.constant 0 : i32
      %dma_start3A_263 = tpu.memref_slice %arg10[%dma_start3A_261, %dma_start3A_262] : memref<10240x64xf32, #tpu.memory_space<vmem_shared>> -> memref<10240x64xf32, #tpu.memory_space<vmem_shared>>
      tpu.enqueue_indirect_dma source(%dma_start3A_257 : memref<125x64xf32, #tpu.memory_space<vmem>>) target(%dma_start3A_263 : memref<10240x64xf32, #tpu.memory_space<vmem_shared>>) offsets(%dma_start3A_260 : memref<125xi32, #tpu.memory_space<vmem>>) semaphore(%arg20 : memref<!tpu.dma_semaphore, #tpu.memory_space<semaphore_mem>>) {add = true}
      %dma_wait3A_264 = arith.constant 0 : i32
      %dma_wait3A_265 = arith.constant 2 : i32
      %dma_wait3A_266 = arith.constant 0 : i32
      %dma_wait3A_267 = arith.constant 0 : i32
      %dma_wait3A_268 = tpu.memref_slice %arg9[%dma_wait3A_265, %dma_wait3A_266, %dma_wait3A_267] : memref<8x125x64xf32, #tpu.memory_space<vmem>> -> memref<1x125x64xf32, #tpu.memory_space<vmem>>
      %dma_wait3A_269 = tpu.memref_squeeze %dma_wait3A_268 : memref<1x125x64xf32, #tpu.memory_space<vmem>> -> memref<125x64xf32, #tpu.memory_space<vmem>>
      %dma_wait3A_270 = arith.constant 0 : i32
      %dma_wait3A_271 = tpu.memref_slice %arg7[%dma_wait3A_264, %dma_wait3A_270] : memref<80x125xi32, #tpu.memory_space<vmem>> -> memref<1x125xi32, #tpu.memory_space<vmem>>
      %dma_wait3A_272 = tpu.memref_squeeze %dma_wait3A_271 : memref<1x125xi32, #tpu.memory_space<vmem>> -> memref<125xi32, #tpu.memory_space<vmem>>
      %dma_wait3A_273 = arith.constant 0 : i32
      %dma_wait3A_274 = arith.constant 0 : i32
      %dma_wait3A_275 = tpu.memref_slice %arg2[%dma_wait3A_273, %dma_wait3A_274] : memref<10240x64xf32, #tpu.memory_space<hbm>> -> memref<10240x64xf32, #tpu.memory_space<hbm>>
      tpu.wait_indirect_dma semaphore(%arg13 : memref<!tpu.dma_semaphore, #tpu.memory_space<semaphore_mem>>) src(%dma_wait3A_275 : memref<10240x64xf32, #tpu.memory_space<hbm>>) dst(%dma_wait3A_269 : memref<125x64xf32, #tpu.memory_space<vmem>>)
      %add3A_276 = arith.constant 2 : i32
      %add3A_277 = arith.addi %mul3A_213, %add3A_276 : i32
      %dma_start3A_278 = arith.constant 2 : i32
      %dma_start3A_279 = arith.constant 0 : i32
      %dma_start3A_280 = arith.constant 0 : i32
      %dma_start3A_281 = tpu.memref_slice %arg9[%dma_start3A_278, %dma_start3A_279, %dma_start3A_280] : memref<8x125x64xf32, #tpu.memory_space<vmem>> -> memref<1x125x64xf32, #tpu.memory_space<vmem>>
      %dma_start3A_282 = tpu.memref_squeeze %dma_start3A_281 : memref<1x125x64xf32, #tpu.memory_space<vmem>> -> memref<125x64xf32, #tpu.memory_space<vmem>>
      %dma_start3A_283 = arith.constant 0 : i32
      %dma_start3A_284 = tpu.memref_slice %arg8[%add3A_277, %dma_start3A_283] : memref<80x125xi32, #tpu.memory_space<vmem>> -> memref<1x125xi32, #tpu.memory_space<vmem>>
      %dma_start3A_285 = tpu.memref_squeeze %dma_start3A_284 : memref<1x125xi32, #tpu.memory_space<vmem>> -> memref<125xi32, #tpu.memory_space<vmem>>
      %dma_start3A_286 = arith.constant 0 : i32
      %dma_start3A_287 = arith.constant 0 : i32
      %dma_start3A_288 = tpu.memref_slice %arg10[%dma_start3A_286, %dma_start3A_287] : memref<10240x64xf32, #tpu.memory_space<vmem_shared>> -> memref<10240x64xf32, #tpu.memory_space<vmem_shared>>
      tpu.enqueue_indirect_dma source(%dma_start3A_282 : memref<125x64xf32, #tpu.memory_space<vmem>>) target(%dma_start3A_288 : memref<10240x64xf32, #tpu.memory_space<vmem_shared>>) offsets(%dma_start3A_285 : memref<125xi32, #tpu.memory_space<vmem>>) semaphore(%arg21 : memref<!tpu.dma_semaphore, #tpu.memory_space<semaphore_mem>>) {add = true}
      %dma_wait3A_289 = arith.constant 0 : i32
      %dma_wait3A_290 = arith.constant 3 : i32
      %dma_wait3A_291 = arith.constant 0 : i32
      %dma_wait3A_292 = arith.constant 0 : i32
      %dma_wait3A_293 = tpu.memref_slice %arg9[%dma_wait3A_290, %dma_wait3A_291, %dma_wait3A_292] : memref<8x125x64xf32, #tpu.memory_space<vmem>> -> memref<1x125x64xf32, #tpu.memory_space<vmem>>
      %dma_wait3A_294 = tpu.memref_squeeze %dma_wait3A_293 : memref<1x125x64xf32, #tpu.memory_space<vmem>> -> memref<125x64xf32, #tpu.memory_space<vmem>>
      %dma_wait3A_295 = arith.constant 0 : i32
      %dma_wait3A_296 = tpu.memref_slice %arg7[%dma_wait3A_289, %dma_wait3A_295] : memref<80x125xi32, #tpu.memory_space<vmem>> -> memref<1x125xi32, #tpu.memory_space<vmem>>
      %dma_wait3A_297 = tpu.memref_squeeze %dma_wait3A_296 : memref<1x125xi32, #tpu.memory_space<vmem>> -> memref<125xi32, #tpu.memory_space<vmem>>
      %dma_wait3A_298 = arith.constant 0 : i32
      %dma_wait3A_299 = arith.constant 0 : i32
      %dma_wait3A_300 = tpu.memref_slice %arg2[%dma_wait3A_298, %dma_wait3A_299] : memref<10240x64xf32, #tpu.memory_space<hbm>> -> memref<10240x64xf32, #tpu.memory_space<hbm>>
      tpu.wait_indirect_dma semaphore(%arg14 : memref<!tpu.dma_semaphore, #tpu.memory_space<semaphore_mem>>) src(%dma_wait3A_300 : memref<10240x64xf32, #tpu.memory_space<hbm>>) dst(%dma_wait3A_294 : memref<125x64xf32, #tpu.memory_space<vmem>>)
      %add3A_301 = arith.constant 3 : i32
      %add3A_302 = arith.addi %mul3A_213, %add3A_301 : i32
      %dma_start3A_303 = arith.constant 3 : i32
      %dma_start3A_304 = arith.constant 0 : i32
      %dma_start3A_305 = arith.constant 0 : i32
      %dma_start3A_306 = tpu.memref_slice %arg9[%dma_start3A_303, %dma_start3A_304, %dma_start3A_305] : memref<8x125x64xf32, #tpu.memory_space<vmem>> -> memref<1x125x64xf32, #tpu.memory_space<vmem>>
      %dma_start3A_307 = tpu.memref_squeeze %dma_start3A_306 : memref<1x125x64xf32, #tpu.memory_space<vmem>> -> memref<125x64xf32, #tpu.memory_space<vmem>>
      %dma_start3A_308 = arith.constant 0 : i32
      %dma_start3A_309 = tpu.memref_slice %arg8[%add3A_302, %dma_start3A_308] : memref<80x125xi32, #tpu.memory_space<vmem>> -> memref<1x125xi32, #tpu.memory_space<vmem>>
      %dma_start3A_310 = tpu.memref_squeeze %dma_start3A_309 : memref<1x125xi32, #tpu.memory_space<vmem>> -> memref<125xi32, #tpu.memory_space<vmem>>
      %dma_start3A_311 = arith.constant 0 : i32
      %dma_start3A_312 = arith.constant 0 : i32
      %dma_start3A_313 = tpu.memref_slice %arg10[%dma_start3A_311, %dma_start3A_312] : memref<10240x64xf32, #tpu.memory_space<vmem_shared>> -> memref<10240x64xf32, #tpu.memory_space<vmem_shared>>
      tpu.enqueue_indirect_dma source(%dma_start3A_307 : memref<125x64xf32, #tpu.memory_space<vmem>>) target(%dma_start3A_313 : memref<10240x64xf32, #tpu.memory_space<vmem_shared>>) offsets(%dma_start3A_310 : memref<125xi32, #tpu.memory_space<vmem>>) semaphore(%arg22 : memref<!tpu.dma_semaphore, #tpu.memory_space<semaphore_mem>>) {add = true}
      %dma_wait3A_314 = arith.constant 0 : i32
      %dma_wait3A_315 = arith.constant 4 : i32
      %dma_wait3A_316 = arith.constant 0 : i32
      %dma_wait3A_317 = arith.constant 0 : i32
      %dma_wait3A_318 = tpu.memref_slice %arg9[%dma_wait3A_315, %dma_wait3A_316, %dma_wait3A_317] : memref<8x125x64xf32, #tpu.memory_space<vmem>> -> memref<1x125x64xf32, #tpu.memory_space<vmem>>
      %dma_wait3A_319 = tpu.memref_squeeze %dma_wait3A_318 : memref<1x125x64xf32, #tpu.memory_space<vmem>> -> memref<125x64xf32, #tpu.memory_space<vmem>>
      %dma_wait3A_320 = arith.constant 0 : i32
      %dma_wait3A_321 = tpu.memref_slice %arg7[%dma_wait3A_314, %dma_wait3A_320] : memref<80x125xi32, #tpu.memory_space<vmem>> -> memref<1x125xi32, #tpu.memory_space<vmem>>
      %dma_wait3A_322 = tpu.memref_squeeze %dma_wait3A_321 : memref<1x125xi32, #tpu.memory_space<vmem>> -> memref<125xi32, #tpu.memory_space<vmem>>
      %dma_wait3A_323 = arith.constant 0 : i32
      %dma_wait3A_324 = arith.constant 0 : i32
      %dma_wait3A_325 = tpu.memref_slice %arg2[%dma_wait3A_323, %dma_wait3A_324] : memref<10240x64xf32, #tpu.memory_space<hbm>> -> memref<10240x64xf32, #tpu.memory_space<hbm>>
      tpu.wait_indirect_dma semaphore(%arg15 : memref<!tpu.dma_semaphore, #tpu.memory_space<semaphore_mem>>) src(%dma_wait3A_325 : memref<10240x64xf32, #tpu.memory_space<hbm>>) dst(%dma_wait3A_319 : memref<125x64xf32, #tpu.memory_space<vmem>>)
      %add3A_326 = arith.constant 4 : i32
      %add3A_327 = arith.addi %mul3A_213, %add3A_326 : i32
      %dma_start3A_328 = arith.constant 4 : i32
      %dma_start3A_329 = arith.constant 0 : i32
      %dma_start3A_330 = arith.constant 0 : i32
      %dma_start3A_331 = tpu.memref_slice %arg9[%dma_start3A_328, %dma_start3A_329, %dma_start3A_330] : memref<8x125x64xf32, #tpu.memory_space<vmem>> -> memref<1x125x64xf32, #tpu.memory_space<vmem>>
      %dma_start3A_332 = tpu.memref_squeeze %dma_start3A_331 : memref<1x125x64xf32, #tpu.memory_space<vmem>> -> memref<125x64xf32, #tpu.memory_space<vmem>>
      %dma_start3A_333 = arith.constant 0 : i32
      %dma_start3A_334 = tpu.memref_slice %arg8[%add3A_327, %dma_start3A_333] : memref<80x125xi32, #tpu.memory_space<vmem>> -> memref<1x125xi32, #tpu.memory_space<vmem>>
      %dma_start3A_335 = tpu.memref_squeeze %dma_start3A_334 : memref<1x125xi32, #tpu.memory_space<vmem>> -> memref<125xi32, #tpu.memory_space<vmem>>
      %dma_start3A_336 = arith.constant 0 : i32
      %dma_start3A_337 = arith.constant 0 : i32
      %dma_start3A_338 = tpu.memref_slice %arg10[%dma_start3A_336, %dma_start3A_337] : memref<10240x64xf32, #tpu.memory_space<vmem_shared>> -> memref<10240x64xf32, #tpu.memory_space<vmem_shared>>
      tpu.enqueue_indirect_dma source(%dma_start3A_332 : memref<125x64xf32, #tpu.memory_space<vmem>>) target(%dma_start3A_338 : memref<10240x64xf32, #tpu.memory_space<vmem_shared>>) offsets(%dma_start3A_335 : memref<125xi32, #tpu.memory_space<vmem>>) semaphore(%arg23 : memref<!tpu.dma_semaphore, #tpu.memory_space<semaphore_mem>>) {add = true}
      %dma_wait3A_339 = arith.constant 0 : i32
      %dma_wait3A_340 = arith.constant 5 : i32
      %dma_wait3A_341 = arith.constant 0 : i32
      %dma_wait3A_342 = arith.constant 0 : i32
      %dma_wait3A_343 = tpu.memref_slice %arg9[%dma_wait3A_340, %dma_wait3A_341, %dma_wait3A_342] : memref<8x125x64xf32, #tpu.memory_space<vmem>> -> memref<1x125x64xf32, #tpu.memory_space<vmem>>
      %dma_wait3A_344 = tpu.memref_squeeze %dma_wait3A_343 : memref<1x125x64xf32, #tpu.memory_space<vmem>> -> memref<125x64xf32, #tpu.memory_space<vmem>>
      %dma_wait3A_345 = arith.constant 0 : i32
      %dma_wait3A_346 = tpu.memref_slice %arg7[%dma_wait3A_339, %dma_wait3A_345] : memref<80x125xi32, #tpu.memory_space<vmem>> -> memref<1x125xi32, #tpu.memory_space<vmem>>
      %dma_wait3A_347 = tpu.memref_squeeze %dma_wait3A_346 : memref<1x125xi32, #tpu.memory_space<vmem>> -> memref<125xi32, #tpu.memory_space<vmem>>
      %dma_wait3A_348 = arith.constant 0 : i32
      %dma_wait3A_349 = arith.constant 0 : i32
      %dma_wait3A_350 = tpu.memref_slice %arg2[%dma_wait3A_348, %dma_wait3A_349] : memref<10240x64xf32, #tpu.memory_space<hbm>> -> memref<10240x64xf32, #tpu.memory_space<hbm>>
      tpu.wait_indirect_dma semaphore(%arg16 : memref<!tpu.dma_semaphore, #tpu.memory_space<semaphore_mem>>) src(%dma_wait3A_350 : memref<10240x64xf32, #tpu.memory_space<hbm>>) dst(%dma_wait3A_344 : memref<125x64xf32, #tpu.memory_space<vmem>>)
      %add3A_351 = arith.constant 5 : i32
      %add3A_352 = arith.addi %mul3A_213, %add3A_351 : i32
      %dma_start3A_353 = arith.constant 5 : i32
      %dma_start3A_354 = arith.constant 0 : i32
      %dma_start3A_355 = arith.constant 0 : i32
      %dma_start3A_356 = tpu.memref_slice %arg9[%dma_start3A_353, %dma_start3A_354, %dma_start3A_355] : memref<8x125x64xf32, #tpu.memory_space<vmem>> -> memref<1x125x64xf32, #tpu.memory_space<vmem>>
      %dma_start3A_357 = tpu.memref_squeeze %dma_start3A_356 : memref<1x125x64xf32, #tpu.memory_space<vmem>> -> memref<125x64xf32, #tpu.memory_space<vmem>>
      %dma_start3A_358 = arith.constant 0 : i32
      %dma_start3A_359 = tpu.memref_slice %arg8[%add3A_352, %dma_start3A_358] : memref<80x125xi32, #tpu.memory_space<vmem>> -> memref<1x125xi32, #tpu.memory_space<vmem>>
      %dma_start3A_360 = tpu.memref_squeeze %dma_start3A_359 : memref<1x125xi32, #tpu.memory_space<vmem>> -> memref<125xi32, #tpu.memory_space<vmem>>
      %dma_start3A_361 = arith.constant 0 : i32
      %dma_start3A_362 = arith.constant 0 : i32
      %dma_start3A_363 = tpu.memref_slice %arg10[%dma_start3A_361, %dma_start3A_362] : memref<10240x64xf32, #tpu.memory_space<vmem_shared>> -> memref<10240x64xf32, #tpu.memory_space<vmem_shared>>
      tpu.enqueue_indirect_dma source(%dma_start3A_357 : memref<125x64xf32, #tpu.memory_space<vmem>>) target(%dma_start3A_363 : memref<10240x64xf32, #tpu.memory_space<vmem_shared>>) offsets(%dma_start3A_360 : memref<125xi32, #tpu.memory_space<vmem>>) semaphore(%arg24 : memref<!tpu.dma_semaphore, #tpu.memory_space<semaphore_mem>>) {add = true}
      %dma_wait3A_364 = arith.constant 0 : i32
      %dma_wait3A_365 = arith.constant 6 : i32
      %dma_wait3A_366 = arith.constant 0 : i32
      %dma_wait3A_367 = arith.constant 0 : i32
      %dma_wait3A_368 = tpu.memref_slice %arg9[%dma_wait3A_365, %dma_wait3A_366, %dma_wait3A_367] : memref<8x125x64xf32, #tpu.memory_space<vmem>> -> memref<1x125x64xf32, #tpu.memory_space<vmem>>
      %dma_wait3A_369 = tpu.memref_squeeze %dma_wait3A_368 : memref<1x125x64xf32, #tpu.memory_space<vmem>> -> memref<125x64xf32, #tpu.memory_space<vmem>>
      %dma_wait3A_370 = arith.constant 0 : i32
      %dma_wait3A_371 = tpu.memref_slice %arg7[%dma_wait3A_364, %dma_wait3A_370] : memref<80x125xi32, #tpu.memory_space<vmem>> -> memref<1x125xi32, #tpu.memory_space<vmem>>
      %dma_wait3A_372 = tpu.memref_squeeze %dma_wait3A_371 : memref<1x125xi32, #tpu.memory_space<vmem>> -> memref<125xi32, #tpu.memory_space<vmem>>
      %dma_wait3A_373 = arith.constant 0 : i32
      %dma_wait3A_374 = arith.constant 0 : i32
      %dma_wait3A_375 = tpu.memref_slice %arg2[%dma_wait3A_373, %dma_wait3A_374] : memref<10240x64xf32, #tpu.memory_space<hbm>> -> memref<10240x64xf32, #tpu.memory_space<hbm>>
      tpu.wait_indirect_dma semaphore(%arg17 : memref<!tpu.dma_semaphore, #tpu.memory_space<semaphore_mem>>) src(%dma_wait3A_375 : memref<10240x64xf32, #tpu.memory_space<hbm>>) dst(%dma_wait3A_369 : memref<125x64xf32, #tpu.memory_space<vmem>>)
      %add3A_376 = arith.constant 6 : i32
      %add3A_377 = arith.addi %mul3A_213, %add3A_376 : i32
      %dma_start3A_378 = arith.constant 6 : i32
      %dma_start3A_379 = arith.constant 0 : i32
      %dma_start3A_380 = arith.constant 0 : i32
      %dma_start3A_381 = tpu.memref_slice %arg9[%dma_start3A_378, %dma_start3A_379, %dma_start3A_380] : memref<8x125x64xf32, #tpu.memory_space<vmem>> -> memref<1x125x64xf32, #tpu.memory_space<vmem>>
      %dma_start3A_382 = tpu.memref_squeeze %dma_start3A_381 : memref<1x125x64xf32, #tpu.memory_space<vmem>> -> memref<125x64xf32, #tpu.memory_space<vmem>>
      %dma_start3A_383 = arith.constant 0 : i32
      %dma_start3A_384 = tpu.memref_slice %arg8[%add3A_377, %dma_start3A_383] : memref<80x125xi32, #tpu.memory_space<vmem>> -> memref<1x125xi32, #tpu.memory_space<vmem>>
      %dma_start3A_385 = tpu.memref_squeeze %dma_start3A_384 : memref<1x125xi32, #tpu.memory_space<vmem>> -> memref<125xi32, #tpu.memory_space<vmem>>
      %dma_start3A_386 = arith.constant 0 : i32
      %dma_start3A_387 = arith.constant 0 : i32
      %dma_start3A_388 = tpu.memref_slice %arg10[%dma_start3A_386, %dma_start3A_387] : memref<10240x64xf32, #tpu.memory_space<vmem_shared>> -> memref<10240x64xf32, #tpu.memory_space<vmem_shared>>
      tpu.enqueue_indirect_dma source(%dma_start3A_382 : memref<125x64xf32, #tpu.memory_space<vmem>>) target(%dma_start3A_388 : memref<10240x64xf32, #tpu.memory_space<vmem_shared>>) offsets(%dma_start3A_385 : memref<125xi32, #tpu.memory_space<vmem>>) semaphore(%arg25 : memref<!tpu.dma_semaphore, #tpu.memory_space<semaphore_mem>>) {add = true}
      %dma_wait3A_389 = arith.constant 0 : i32
      %dma_wait3A_390 = arith.constant 7 : i32
      %dma_wait3A_391 = arith.constant 0 : i32
      %dma_wait3A_392 = arith.constant 0 : i32
      %dma_wait3A_393 = tpu.memref_slice %arg9[%dma_wait3A_390, %dma_wait3A_391, %dma_wait3A_392] : memref<8x125x64xf32, #tpu.memory_space<vmem>> -> memref<1x125x64xf32, #tpu.memory_space<vmem>>
      %dma_wait3A_394 = tpu.memref_squeeze %dma_wait3A_393 : memref<1x125x64xf32, #tpu.memory_space<vmem>> -> memref<125x64xf32, #tpu.memory_space<vmem>>
      %dma_wait3A_395 = arith.constant 0 : i32
      %dma_wait3A_396 = tpu.memref_slice %arg7[%dma_wait3A_389, %dma_wait3A_395] : memref<80x125xi32, #tpu.memory_space<vmem>> -> memref<1x125xi32, #tpu.memory_space<vmem>>
      %dma_wait3A_397 = tpu.memref_squeeze %dma_wait3A_396 : memref<1x125xi32, #tpu.memory_space<vmem>> -> memref<125xi32, #tpu.memory_space<vmem>>
      %dma_wait3A_398 = arith.constant 0 : i32
      %dma_wait3A_399 = arith.constant 0 : i32
      %dma_wait3A_400 = tpu.memref_slice %arg2[%dma_wait3A_398, %dma_wait3A_399] : memref<10240x64xf32, #tpu.memory_space<hbm>> -> memref<10240x64xf32, #tpu.memory_space<hbm>>
      tpu.wait_indirect_dma semaphore(%arg18 : memref<!tpu.dma_semaphore, #tpu.memory_space<semaphore_mem>>) src(%dma_wait3A_400 : memref<10240x64xf32, #tpu.memory_space<hbm>>) dst(%dma_wait3A_394 : memref<125x64xf32, #tpu.memory_space<vmem>>)
      %add3A_401 = arith.constant 7 : i32
      %add3A_402 = arith.addi %mul3A_213, %add3A_401 : i32
      %dma_start3A_403 = arith.constant 7 : i32
      %dma_start3A_404 = arith.constant 0 : i32
      %dma_start3A_405 = arith.constant 0 : i32
      %dma_start3A_406 = tpu.memref_slice %arg9[%dma_start3A_403, %dma_start3A_404, %dma_start3A_405] : memref<8x125x64xf32, #tpu.memory_space<vmem>> -> memref<1x125x64xf32, #tpu.memory_space<vmem>>
      %dma_start3A_407 = tpu.memref_squeeze %dma_start3A_406 : memref<1x125x64xf32, #tpu.memory_space<vmem>> -> memref<125x64xf32, #tpu.memory_space<vmem>>
      %dma_start3A_408 = arith.constant 0 : i32
      %dma_start3A_409 = tpu.memref_slice %arg8[%add3A_402, %dma_start3A_408] : memref<80x125xi32, #tpu.memory_space<vmem>> -> memref<1x125xi32, #tpu.memory_space<vmem>>
      %dma_start3A_410 = tpu.memref_squeeze %dma_start3A_409 : memref<1x125xi32, #tpu.memory_space<vmem>> -> memref<125xi32, #tpu.memory_space<vmem>>
      %dma_start3A_411 = arith.constant 0 : i32
      %dma_start3A_412 = arith.constant 0 : i32
      %dma_start3A_413 = tpu.memref_slice %arg10[%dma_start3A_411, %dma_start3A_412] : memref<10240x64xf32, #tpu.memory_space<vmem_shared>> -> memref<10240x64xf32, #tpu.memory_space<vmem_shared>>
      tpu.enqueue_indirect_dma source(%dma_start3A_407 : memref<125x64xf32, #tpu.memory_space<vmem>>) target(%dma_start3A_413 : memref<10240x64xf32, #tpu.memory_space<vmem_shared>>) offsets(%dma_start3A_410 : memref<125xi32, #tpu.memory_space<vmem>>) semaphore(%arg26 : memref<!tpu.dma_semaphore, #tpu.memory_space<semaphore_mem>>) {add = true}
      %add3A_414 = arith.constant 8 : i32
      %add3A_415 = arith.addi %mul3A_213, %add3A_414 : i32
      %add3A_416 = arith.constant 0 : i32
      %add3A_417 = arith.addi %add3A_415, %add3A_416 : i32
      %lt3A = arith.constant 80 : i32
      %lt3A_418 = arith.cmpi slt, %add3A_417, %lt3A : i32
      %convert_element_type3A = arith.extui %lt3A_418 : i1 to i32
      %cond3A = arith.constant 0 : i32
      %cond3A_419 = arith.cmpi ne, %convert_element_type3A, %cond3A : i32
      scf.if %cond3A_419 {
        %dma_wait3A_484 = arith.constant 0 : i32
        %dma_wait3A_485 = arith.constant 0 : i32
        %dma_wait3A_486 = arith.constant 0 : i32
        %dma_wait3A_487 = arith.constant 0 : i32
        %dma_wait3A_488 = tpu.memref_slice %arg9[%dma_wait3A_484, %dma_wait3A_486, %dma_wait3A_487] : memref<8x125x64xf32, #tpu.memory_space<vmem>> -> memref<1x125x64xf32, #tpu.memory_space<vmem>>
        %dma_wait3A_489 = tpu.memref_squeeze %dma_wait3A_488 : memref<1x125x64xf32, #tpu.memory_space<vmem>> -> memref<125x64xf32, #tpu.memory_space<vmem>>
        %dma_wait3A_490 = arith.constant 0 : i32
        %dma_wait3A_491 = tpu.memref_slice %arg8[%dma_wait3A_485, %dma_wait3A_490] : memref<80x125xi32, #tpu.memory_space<vmem>> -> memref<1x125xi32, #tpu.memory_space<vmem>>
        %dma_wait3A_492 = tpu.memref_squeeze %dma_wait3A_491 : memref<1x125xi32, #tpu.memory_space<vmem>> -> memref<125xi32, #tpu.memory_space<vmem>>
        %dma_wait3A_493 = arith.constant 0 : i32
        %dma_wait3A_494 = arith.constant 0 : i32
        %dma_wait3A_495 = tpu.memref_slice %arg10[%dma_wait3A_493, %dma_wait3A_494] : memref<10240x64xf32, #tpu.memory_space<vmem_shared>> -> memref<10240x64xf32, #tpu.memory_space<vmem_shared>>
        tpu.wait_indirect_dma semaphore(%arg19 : memref<!tpu.dma_semaphore, #tpu.memory_space<semaphore_mem>>) src(%dma_wait3A_489 : memref<125x64xf32, #tpu.memory_space<vmem>>) dst(%dma_wait3A_495 : memref<10240x64xf32, #tpu.memory_space<vmem_shared>>)
        %dma_start3A_496 = arith.constant 0 : i32
        %dma_start3A_497 = arith.constant 0 : i32
        %dma_start3A_498 = arith.constant 0 : i32
        %dma_start3A_499 = tpu.memref_slice %arg9[%dma_start3A_496, %dma_start3A_497, %dma_start3A_498] : memref<8x125x64xf32, #tpu.memory_space<vmem>> -> memref<1x125x64xf32, #tpu.memory_space<vmem>>
        %dma_start3A_500 = tpu.memref_squeeze %dma_start3A_499 : memref<1x125x64xf32, #tpu.memory_space<vmem>> -> memref<125x64xf32, #tpu.memory_space<vmem>>
        %dma_start3A_501 = arith.constant 0 : i32
        %dma_start3A_502 = tpu.memref_slice %arg7[%add3A_417, %dma_start3A_501] : memref<80x125xi32, #tpu.memory_space<vmem>> -> memref<1x125xi32, #tpu.memory_space<vmem>>
        %dma_start3A_503 = tpu.memref_squeeze %dma_start3A_502 : memref<1x125xi32, #tpu.memory_space<vmem>> -> memref<125xi32, #tpu.memory_space<vmem>>
        %dma_start3A_504 = arith.constant 0 : i32
        %dma_start3A_505 = arith.constant 0 : i32
        %dma_start3A_506 = tpu.memref_slice %arg2[%dma_start3A_504, %dma_start3A_505] : memref<10240x64xf32, #tpu.memory_space<hbm>> -> memref<10240x64xf32, #tpu.memory_space<hbm>>
        tpu.enqueue_indirect_dma source(%dma_start3A_506 : memref<10240x64xf32, #tpu.memory_space<hbm>>) target(%dma_start3A_500 : memref<125x64xf32, #tpu.memory_space<vmem>>) offsets(%dma_start3A_503 : memref<125xi32, #tpu.memory_space<vmem>>) semaphore(%arg11 : memref<!tpu.dma_semaphore, #tpu.memory_space<semaphore_mem>>)
      } else {
      }
      %add3A_420 = arith.constant 8 : i32
      %add3A_421 = arith.addi %mul3A_213, %add3A_420 : i32
      %add3A_422 = arith.constant 1 : i32
      %add3A_423 = arith.addi %add3A_421, %add3A_422 : i32
      %lt3A_424 = arith.constant 80 : i32
      %lt3A_425 = arith.cmpi slt, %add3A_423, %lt3A_424 : i32
      %convert_element_type3A_426 = arith.extui %lt3A_425 : i1 to i32
      %cond3A_427 = arith.constant 0 : i32
      %cond3A_428 = arith.cmpi ne, %convert_element_type3A_426, %cond3A_427 : i32
      scf.if %cond3A_428 {
        %dma_wait3A_484 = arith.constant 1 : i32
        %dma_wait3A_485 = arith.constant 0 : i32
        %dma_wait3A_486 = arith.constant 0 : i32
        %dma_wait3A_487 = arith.constant 0 : i32
        %dma_wait3A_488 = tpu.memref_slice %arg9[%dma_wait3A_484, %dma_wait3A_486, %dma_wait3A_487] : memref<8x125x64xf32, #tpu.memory_space<vmem>> -> memref<1x125x64xf32, #tpu.memory_space<vmem>>
        %dma_wait3A_489 = tpu.memref_squeeze %dma_wait3A_488 : memref<1x125x64xf32, #tpu.memory_space<vmem>> -> memref<125x64xf32, #tpu.memory_space<vmem>>
        %dma_wait3A_490 = arith.constant 0 : i32
        %dma_wait3A_491 = tpu.memref_slice %arg8[%dma_wait3A_485, %dma_wait3A_490] : memref<80x125xi32, #tpu.memory_space<vmem>> -> memref<1x125xi32, #tpu.memory_space<vmem>>
        %dma_wait3A_492 = tpu.memref_squeeze %dma_wait3A_491 : memref<1x125xi32, #tpu.memory_space<vmem>> -> memref<125xi32, #tpu.memory_space<vmem>>
        %dma_wait3A_493 = arith.constant 0 : i32
        %dma_wait3A_494 = arith.constant 0 : i32
        %dma_wait3A_495 = tpu.memref_slice %arg10[%dma_wait3A_493, %dma_wait3A_494] : memref<10240x64xf32, #tpu.memory_space<vmem_shared>> -> memref<10240x64xf32, #tpu.memory_space<vmem_shared>>
        tpu.wait_indirect_dma semaphore(%arg20 : memref<!tpu.dma_semaphore, #tpu.memory_space<semaphore_mem>>) src(%dma_wait3A_489 : memref<125x64xf32, #tpu.memory_space<vmem>>) dst(%dma_wait3A_495 : memref<10240x64xf32, #tpu.memory_space<vmem_shared>>)
        %dma_start3A_496 = arith.constant 1 : i32
        %dma_start3A_497 = arith.constant 0 : i32
        %dma_start3A_498 = arith.constant 0 : i32
        %dma_start3A_499 = tpu.memref_slice %arg9[%dma_start3A_496, %dma_start3A_497, %dma_start3A_498] : memref<8x125x64xf32, #tpu.memory_space<vmem>> -> memref<1x125x64xf32, #tpu.memory_space<vmem>>
        %dma_start3A_500 = tpu.memref_squeeze %dma_start3A_499 : memref<1x125x64xf32, #tpu.memory_space<vmem>> -> memref<125x64xf32, #tpu.memory_space<vmem>>
        %dma_start3A_501 = arith.constant 0 : i32
        %dma_start3A_502 = tpu.memref_slice %arg7[%add3A_423, %dma_start3A_501] : memref<80x125xi32, #tpu.memory_space<vmem>> -> memref<1x125xi32, #tpu.memory_space<vmem>>
        %dma_start3A_503 = tpu.memref_squeeze %dma_start3A_502 : memref<1x125xi32, #tpu.memory_space<vmem>> -> memref<125xi32, #tpu.memory_space<vmem>>
        %dma_start3A_504 = arith.constant 0 : i32
        %dma_start3A_505 = arith.constant 0 : i32
        %dma_start3A_506 = tpu.memref_slice %arg2[%dma_start3A_504, %dma_start3A_505] : memref<10240x64xf32, #tpu.memory_space<hbm>> -> memref<10240x64xf32, #tpu.memory_space<hbm>>
        tpu.enqueue_indirect_dma source(%dma_start3A_506 : memref<10240x64xf32, #tpu.memory_space<hbm>>) target(%dma_start3A_500 : memref<125x64xf32, #tpu.memory_space<vmem>>) offsets(%dma_start3A_503 : memref<125xi32, #tpu.memory_space<vmem>>) semaphore(%arg12 : memref<!tpu.dma_semaphore, #tpu.memory_space<semaphore_mem>>)
      } else {
      }
      %add3A_429 = arith.constant 8 : i32
      %add3A_430 = arith.addi %mul3A_213, %add3A_429 : i32
      %add3A_431 = arith.constant 2 : i32
      %add3A_432 = arith.addi %add3A_430, %add3A_431 : i32
      %lt3A_433 = arith.constant 80 : i32
      %lt3A_434 = arith.cmpi slt, %add3A_432, %lt3A_433 : i32
      %convert_element_type3A_435 = arith.extui %lt3A_434 : i1 to i32
      %cond3A_436 = arith.constant 0 : i32
      %cond3A_437 = arith.cmpi ne, %convert_element_type3A_435, %cond3A_436 : i32
      scf.if %cond3A_437 {
        %dma_wait3A_484 = arith.constant 2 : i32
        %dma_wait3A_485 = arith.constant 0 : i32
        %dma_wait3A_486 = arith.constant 0 : i32
        %dma_wait3A_487 = arith.constant 0 : i32
        %dma_wait3A_488 = tpu.memref_slice %arg9[%dma_wait3A_484, %dma_wait3A_486, %dma_wait3A_487] : memref<8x125x64xf32, #tpu.memory_space<vmem>> -> memref<1x125x64xf32, #tpu.memory_space<vmem>>
        %dma_wait3A_489 = tpu.memref_squeeze %dma_wait3A_488 : memref<1x125x64xf32, #tpu.memory_space<vmem>> -> memref<125x64xf32, #tpu.memory_space<vmem>>
        %dma_wait3A_490 = arith.constant 0 : i32
        %dma_wait3A_491 = tpu.memref_slice %arg8[%dma_wait3A_485, %dma_wait3A_490] : memref<80x125xi32, #tpu.memory_space<vmem>> -> memref<1x125xi32, #tpu.memory_space<vmem>>
        %dma_wait3A_492 = tpu.memref_squeeze %dma_wait3A_491 : memref<1x125xi32, #tpu.memory_space<vmem>> -> memref<125xi32, #tpu.memory_space<vmem>>
        %dma_wait3A_493 = arith.constant 0 : i32
        %dma_wait3A_494 = arith.constant 0 : i32
        %dma_wait3A_495 = tpu.memref_slice %arg10[%dma_wait3A_493, %dma_wait3A_494] : memref<10240x64xf32, #tpu.memory_space<vmem_shared>> -> memref<10240x64xf32, #tpu.memory_space<vmem_shared>>
        tpu.wait_indirect_dma semaphore(%arg21 : memref<!tpu.dma_semaphore, #tpu.memory_space<semaphore_mem>>) src(%dma_wait3A_489 : memref<125x64xf32, #tpu.memory_space<vmem>>) dst(%dma_wait3A_495 : memref<10240x64xf32, #tpu.memory_space<vmem_shared>>)
        %dma_start3A_496 = arith.constant 2 : i32
        %dma_start3A_497 = arith.constant 0 : i32
        %dma_start3A_498 = arith.constant 0 : i32
        %dma_start3A_499 = tpu.memref_slice %arg9[%dma_start3A_496, %dma_start3A_497, %dma_start3A_498] : memref<8x125x64xf32, #tpu.memory_space<vmem>> -> memref<1x125x64xf32, #tpu.memory_space<vmem>>
        %dma_start3A_500 = tpu.memref_squeeze %dma_start3A_499 : memref<1x125x64xf32, #tpu.memory_space<vmem>> -> memref<125x64xf32, #tpu.memory_space<vmem>>
        %dma_start3A_501 = arith.constant 0 : i32
        %dma_start3A_502 = tpu.memref_slice %arg7[%add3A_432, %dma_start3A_501] : memref<80x125xi32, #tpu.memory_space<vmem>> -> memref<1x125xi32, #tpu.memory_space<vmem>>
        %dma_start3A_503 = tpu.memref_squeeze %dma_start3A_502 : memref<1x125xi32, #tpu.memory_space<vmem>> -> memref<125xi32, #tpu.memory_space<vmem>>
        %dma_start3A_504 = arith.constant 0 : i32
        %dma_start3A_505 = arith.constant 0 : i32
        %dma_start3A_506 = tpu.memref_slice %arg2[%dma_start3A_504, %dma_start3A_505] : memref<10240x64xf32, #tpu.memory_space<hbm>> -> memref<10240x64xf32, #tpu.memory_space<hbm>>
        tpu.enqueue_indirect_dma source(%dma_start3A_506 : memref<10240x64xf32, #tpu.memory_space<hbm>>) target(%dma_start3A_500 : memref<125x64xf32, #tpu.memory_space<vmem>>) offsets(%dma_start3A_503 : memref<125xi32, #tpu.memory_space<vmem>>) semaphore(%arg13 : memref<!tpu.dma_semaphore, #tpu.memory_space<semaphore_mem>>)
      } else {
      }
      %add3A_438 = arith.constant 8 : i32
      %add3A_439 = arith.addi %mul3A_213, %add3A_438 : i32
      %add3A_440 = arith.constant 3 : i32
      %add3A_441 = arith.addi %add3A_439, %add3A_440 : i32
      %lt3A_442 = arith.constant 80 : i32
      %lt3A_443 = arith.cmpi slt, %add3A_441, %lt3A_442 : i32
      %convert_element_type3A_444 = arith.extui %lt3A_443 : i1 to i32
      %cond3A_445 = arith.constant 0 : i32
      %cond3A_446 = arith.cmpi ne, %convert_element_type3A_444, %cond3A_445 : i32
      scf.if %cond3A_446 {
        %dma_wait3A_484 = arith.constant 3 : i32
        %dma_wait3A_485 = arith.constant 0 : i32
        %dma_wait3A_486 = arith.constant 0 : i32
        %dma_wait3A_487 = arith.constant 0 : i32
        %dma_wait3A_488 = tpu.memref_slice %arg9[%dma_wait3A_484, %dma_wait3A_486, %dma_wait3A_487] : memref<8x125x64xf32, #tpu.memory_space<vmem>> -> memref<1x125x64xf32, #tpu.memory_space<vmem>>
        %dma_wait3A_489 = tpu.memref_squeeze %dma_wait3A_488 : memref<1x125x64xf32, #tpu.memory_space<vmem>> -> memref<125x64xf32, #tpu.memory_space<vmem>>
        %dma_wait3A_490 = arith.constant 0 : i32
        %dma_wait3A_491 = tpu.memref_slice %arg8[%dma_wait3A_485, %dma_wait3A_490] : memref<80x125xi32, #tpu.memory_space<vmem>> -> memref<1x125xi32, #tpu.memory_space<vmem>>
        %dma_wait3A_492 = tpu.memref_squeeze %dma_wait3A_491 : memref<1x125xi32, #tpu.memory_space<vmem>> -> memref<125xi32, #tpu.memory_space<vmem>>
        %dma_wait3A_493 = arith.constant 0 : i32
        %dma_wait3A_494 = arith.constant 0 : i32
        %dma_wait3A_495 = tpu.memref_slice %arg10[%dma_wait3A_493, %dma_wait3A_494] : memref<10240x64xf32, #tpu.memory_space<vmem_shared>> -> memref<10240x64xf32, #tpu.memory_space<vmem_shared>>
        tpu.wait_indirect_dma semaphore(%arg22 : memref<!tpu.dma_semaphore, #tpu.memory_space<semaphore_mem>>) src(%dma_wait3A_489 : memref<125x64xf32, #tpu.memory_space<vmem>>) dst(%dma_wait3A_495 : memref<10240x64xf32, #tpu.memory_space<vmem_shared>>)
        %dma_start3A_496 = arith.constant 3 : i32
        %dma_start3A_497 = arith.constant 0 : i32
        %dma_start3A_498 = arith.constant 0 : i32
        %dma_start3A_499 = tpu.memref_slice %arg9[%dma_start3A_496, %dma_start3A_497, %dma_start3A_498] : memref<8x125x64xf32, #tpu.memory_space<vmem>> -> memref<1x125x64xf32, #tpu.memory_space<vmem>>
        %dma_start3A_500 = tpu.memref_squeeze %dma_start3A_499 : memref<1x125x64xf32, #tpu.memory_space<vmem>> -> memref<125x64xf32, #tpu.memory_space<vmem>>
        %dma_start3A_501 = arith.constant 0 : i32
        %dma_start3A_502 = tpu.memref_slice %arg7[%add3A_441, %dma_start3A_501] : memref<80x125xi32, #tpu.memory_space<vmem>> -> memref<1x125xi32, #tpu.memory_space<vmem>>
        %dma_start3A_503 = tpu.memref_squeeze %dma_start3A_502 : memref<1x125xi32, #tpu.memory_space<vmem>> -> memref<125xi32, #tpu.memory_space<vmem>>
        %dma_start3A_504 = arith.constant 0 : i32
        %dma_start3A_505 = arith.constant 0 : i32
        %dma_start3A_506 = tpu.memref_slice %arg2[%dma_start3A_504, %dma_start3A_505] : memref<10240x64xf32, #tpu.memory_space<hbm>> -> memref<10240x64xf32, #tpu.memory_space<hbm>>
        tpu.enqueue_indirect_dma source(%dma_start3A_506 : memref<10240x64xf32, #tpu.memory_space<hbm>>) target(%dma_start3A_500 : memref<125x64xf32, #tpu.memory_space<vmem>>) offsets(%dma_start3A_503 : memref<125xi32, #tpu.memory_space<vmem>>) semaphore(%arg14 : memref<!tpu.dma_semaphore, #tpu.memory_space<semaphore_mem>>)
      } else {
      }
      %add3A_447 = arith.constant 8 : i32
      %add3A_448 = arith.addi %mul3A_213, %add3A_447 : i32
      %add3A_449 = arith.constant 4 : i32
      %add3A_450 = arith.addi %add3A_448, %add3A_449 : i32
      %lt3A_451 = arith.constant 80 : i32
      %lt3A_452 = arith.cmpi slt, %add3A_450, %lt3A_451 : i32
      %convert_element_type3A_453 = arith.extui %lt3A_452 : i1 to i32
      %cond3A_454 = arith.constant 0 : i32
      %cond3A_455 = arith.cmpi ne, %convert_element_type3A_453, %cond3A_454 : i32
      scf.if %cond3A_455 {
        %dma_wait3A_484 = arith.constant 4 : i32
        %dma_wait3A_485 = arith.constant 0 : i32
        %dma_wait3A_486 = arith.constant 0 : i32
        %dma_wait3A_487 = arith.constant 0 : i32
        %dma_wait3A_488 = tpu.memref_slice %arg9[%dma_wait3A_484, %dma_wait3A_486, %dma_wait3A_487] : memref<8x125x64xf32, #tpu.memory_space<vmem>> -> memref<1x125x64xf32, #tpu.memory_space<vmem>>
        %dma_wait3A_489 = tpu.memref_squeeze %dma_wait3A_488 : memref<1x125x64xf32, #tpu.memory_space<vmem>> -> memref<125x64xf32, #tpu.memory_space<vmem>>
        %dma_wait3A_490 = arith.constant 0 : i32
        %dma_wait3A_491 = tpu.memref_slice %arg8[%dma_wait3A_485, %dma_wait3A_490] : memref<80x125xi32, #tpu.memory_space<vmem>> -> memref<1x125xi32, #tpu.memory_space<vmem>>
        %dma_wait3A_492 = tpu.memref_squeeze %dma_wait3A_491 : memref<1x125xi32, #tpu.memory_space<vmem>> -> memref<125xi32, #tpu.memory_space<vmem>>
        %dma_wait3A_493 = arith.constant 0 : i32
        %dma_wait3A_494 = arith.constant 0 : i32
        %dma_wait3A_495 = tpu.memref_slice %arg10[%dma_wait3A_493, %dma_wait3A_494] : memref<10240x64xf32, #tpu.memory_space<vmem_shared>> -> memref<10240x64xf32, #tpu.memory_space<vmem_shared>>
        tpu.wait_indirect_dma semaphore(%arg23 : memref<!tpu.dma_semaphore, #tpu.memory_space<semaphore_mem>>) src(%dma_wait3A_489 : memref<125x64xf32, #tpu.memory_space<vmem>>) dst(%dma_wait3A_495 : memref<10240x64xf32, #tpu.memory_space<vmem_shared>>)
        %dma_start3A_496 = arith.constant 4 : i32
        %dma_start3A_497 = arith.constant 0 : i32
        %dma_start3A_498 = arith.constant 0 : i32
        %dma_start3A_499 = tpu.memref_slice %arg9[%dma_start3A_496, %dma_start3A_497, %dma_start3A_498] : memref<8x125x64xf32, #tpu.memory_space<vmem>> -> memref<1x125x64xf32, #tpu.memory_space<vmem>>
        %dma_start3A_500 = tpu.memref_squeeze %dma_start3A_499 : memref<1x125x64xf32, #tpu.memory_space<vmem>> -> memref<125x64xf32, #tpu.memory_space<vmem>>
        %dma_start3A_501 = arith.constant 0 : i32
        %dma_start3A_502 = tpu.memref_slice %arg7[%add3A_450, %dma_start3A_501] : memref<80x125xi32, #tpu.memory_space<vmem>> -> memref<1x125xi32, #tpu.memory_space<vmem>>
        %dma_start3A_503 = tpu.memref_squeeze %dma_start3A_502 : memref<1x125xi32, #tpu.memory_space<vmem>> -> memref<125xi32, #tpu.memory_space<vmem>>
        %dma_start3A_504 = arith.constant 0 : i32
        %dma_start3A_505 = arith.constant 0 : i32
        %dma_start3A_506 = tpu.memref_slice %arg2[%dma_start3A_504, %dma_start3A_505] : memref<10240x64xf32, #tpu.memory_space<hbm>> -> memref<10240x64xf32, #tpu.memory_space<hbm>>
        tpu.enqueue_indirect_dma source(%dma_start3A_506 : memref<10240x64xf32, #tpu.memory_space<hbm>>) target(%dma_start3A_500 : memref<125x64xf32, #tpu.memory_space<vmem>>) offsets(%dma_start3A_503 : memref<125xi32, #tpu.memory_space<vmem>>) semaphore(%arg15 : memref<!tpu.dma_semaphore, #tpu.memory_space<semaphore_mem>>)
      } else {
      }
      %add3A_456 = arith.constant 8 : i32
      %add3A_457 = arith.addi %mul3A_213, %add3A_456 : i32
      %add3A_458 = arith.constant 5 : i32
      %add3A_459 = arith.addi %add3A_457, %add3A_458 : i32
      %lt3A_460 = arith.constant 80 : i32
      %lt3A_461 = arith.cmpi slt, %add3A_459, %lt3A_460 : i32
      %convert_element_type3A_462 = arith.extui %lt3A_461 : i1 to i32
      %cond3A_463 = arith.constant 0 : i32
      %cond3A_464 = arith.cmpi ne, %convert_element_type3A_462, %cond3A_463 : i32
      scf.if %cond3A_464 {
        %dma_wait3A_484 = arith.constant 5 : i32
        %dma_wait3A_485 = arith.constant 0 : i32
        %dma_wait3A_486 = arith.constant 0 : i32
        %dma_wait3A_487 = arith.constant 0 : i32
        %dma_wait3A_488 = tpu.memref_slice %arg9[%dma_wait3A_484, %dma_wait3A_486, %dma_wait3A_487] : memref<8x125x64xf32, #tpu.memory_space<vmem>> -> memref<1x125x64xf32, #tpu.memory_space<vmem>>
        %dma_wait3A_489 = tpu.memref_squeeze %dma_wait3A_488 : memref<1x125x64xf32, #tpu.memory_space<vmem>> -> memref<125x64xf32, #tpu.memory_space<vmem>>
        %dma_wait3A_490 = arith.constant 0 : i32
        %dma_wait3A_491 = tpu.memref_slice %arg8[%dma_wait3A_485, %dma_wait3A_490] : memref<80x125xi32, #tpu.memory_space<vmem>> -> memref<1x125xi32, #tpu.memory_space<vmem>>
        %dma_wait3A_492 = tpu.memref_squeeze %dma_wait3A_491 : memref<1x125xi32, #tpu.memory_space<vmem>> -> memref<125xi32, #tpu.memory_space<vmem>>
        %dma_wait3A_493 = arith.constant 0 : i32
        %dma_wait3A_494 = arith.constant 0 : i32
        %dma_wait3A_495 = tpu.memref_slice %arg10[%dma_wait3A_493, %dma_wait3A_494] : memref<10240x64xf32, #tpu.memory_space<vmem_shared>> -> memref<10240x64xf32, #tpu.memory_space<vmem_shared>>
        tpu.wait_indirect_dma semaphore(%arg24 : memref<!tpu.dma_semaphore, #tpu.memory_space<semaphore_mem>>) src(%dma_wait3A_489 : memref<125x64xf32, #tpu.memory_space<vmem>>) dst(%dma_wait3A_495 : memref<10240x64xf32, #tpu.memory_space<vmem_shared>>)
        %dma_start3A_496 = arith.constant 5 : i32
        %dma_start3A_497 = arith.constant 0 : i32
        %dma_start3A_498 = arith.constant 0 : i32
        %dma_start3A_499 = tpu.memref_slice %arg9[%dma_start3A_496, %dma_start3A_497, %dma_start3A_498] : memref<8x125x64xf32, #tpu.memory_space<vmem>> -> memref<1x125x64xf32, #tpu.memory_space<vmem>>
        %dma_start3A_500 = tpu.memref_squeeze %dma_start3A_499 : memref<1x125x64xf32, #tpu.memory_space<vmem>> -> memref<125x64xf32, #tpu.memory_space<vmem>>
        %dma_start3A_501 = arith.constant 0 : i32
        %dma_start3A_502 = tpu.memref_slice %arg7[%add3A_459, %dma_start3A_501] : memref<80x125xi32, #tpu.memory_space<vmem>> -> memref<1x125xi32, #tpu.memory_space<vmem>>
        %dma_start3A_503 = tpu.memref_squeeze %dma_start3A_502 : memref<1x125xi32, #tpu.memory_space<vmem>> -> memref<125xi32, #tpu.memory_space<vmem>>
        %dma_start3A_504 = arith.constant 0 : i32
        %dma_start3A_505 = arith.constant 0 : i32
        %dma_start3A_506 = tpu.memref_slice %arg2[%dma_start3A_504, %dma_start3A_505] : memref<10240x64xf32, #tpu.memory_space<hbm>> -> memref<10240x64xf32, #tpu.memory_space<hbm>>
        tpu.enqueue_indirect_dma source(%dma_start3A_506 : memref<10240x64xf32, #tpu.memory_space<hbm>>) target(%dma_start3A_500 : memref<125x64xf32, #tpu.memory_space<vmem>>) offsets(%dma_start3A_503 : memref<125xi32, #tpu.memory_space<vmem>>) semaphore(%arg16 : memref<!tpu.dma_semaphore, #tpu.memory_space<semaphore_mem>>)
      } else {
      }
      %add3A_465 = arith.constant 8 : i32
      %add3A_466 = arith.addi %mul3A_213, %add3A_465 : i32
      %add3A_467 = arith.constant 6 : i32
      %add3A_468 = arith.addi %add3A_466, %add3A_467 : i32
      %lt3A_469 = arith.constant 80 : i32
      %lt3A_470 = arith.cmpi slt, %add3A_468, %lt3A_469 : i32
      %convert_element_type3A_471 = arith.extui %lt3A_470 : i1 to i32
      %cond3A_472 = arith.constant 0 : i32
      %cond3A_473 = arith.cmpi ne, %convert_element_type3A_471, %cond3A_472 : i32
      scf.if %cond3A_473 {
        %dma_wait3A_484 = arith.constant 6 : i32
        %dma_wait3A_485 = arith.constant 0 : i32
        %dma_wait3A_486 = arith.constant 0 : i32
        %dma_wait3A_487 = arith.constant 0 : i32
        %dma_wait3A_488 = tpu.memref_slice %arg9[%dma_wait3A_484, %dma_wait3A_486, %dma_wait3A_487] : memref<8x125x64xf32, #tpu.memory_space<vmem>> -> memref<1x125x64xf32, #tpu.memory_space<vmem>>
        %dma_wait3A_489 = tpu.memref_squeeze %dma_wait3A_488 : memref<1x125x64xf32, #tpu.memory_space<vmem>> -> memref<125x64xf32, #tpu.memory_space<vmem>>
        %dma_wait3A_490 = arith.constant 0 : i32
        %dma_wait3A_491 = tpu.memref_slice %arg8[%dma_wait3A_485, %dma_wait3A_490] : memref<80x125xi32, #tpu.memory_space<vmem>> -> memref<1x125xi32, #tpu.memory_space<vmem>>
        %dma_wait3A_492 = tpu.memref_squeeze %dma_wait3A_491 : memref<1x125xi32, #tpu.memory_space<vmem>> -> memref<125xi32, #tpu.memory_space<vmem>>
        %dma_wait3A_493 = arith.constant 0 : i32
        %dma_wait3A_494 = arith.constant 0 : i32
        %dma_wait3A_495 = tpu.memref_slice %arg10[%dma_wait3A_493, %dma_wait3A_494] : memref<10240x64xf32, #tpu.memory_space<vmem_shared>> -> memref<10240x64xf32, #tpu.memory_space<vmem_shared>>
        tpu.wait_indirect_dma semaphore(%arg25 : memref<!tpu.dma_semaphore, #tpu.memory_space<semaphore_mem>>) src(%dma_wait3A_489 : memref<125x64xf32, #tpu.memory_space<vmem>>) dst(%dma_wait3A_495 : memref<10240x64xf32, #tpu.memory_space<vmem_shared>>)
        %dma_start3A_496 = arith.constant 6 : i32
        %dma_start3A_497 = arith.constant 0 : i32
        %dma_start3A_498 = arith.constant 0 : i32
        %dma_start3A_499 = tpu.memref_slice %arg9[%dma_start3A_496, %dma_start3A_497, %dma_start3A_498] : memref<8x125x64xf32, #tpu.memory_space<vmem>> -> memref<1x125x64xf32, #tpu.memory_space<vmem>>
        %dma_start3A_500 = tpu.memref_squeeze %dma_start3A_499 : memref<1x125x64xf32, #tpu.memory_space<vmem>> -> memref<125x64xf32, #tpu.memory_space<vmem>>
        %dma_start3A_501 = arith.constant 0 : i32
        %dma_start3A_502 = tpu.memref_slice %arg7[%add3A_468, %dma_start3A_501] : memref<80x125xi32, #tpu.memory_space<vmem>> -> memref<1x125xi32, #tpu.memory_space<vmem>>
        %dma_start3A_503 = tpu.memref_squeeze %dma_start3A_502 : memref<1x125xi32, #tpu.memory_space<vmem>> -> memref<125xi32, #tpu.memory_space<vmem>>
        %dma_start3A_504 = arith.constant 0 : i32
        %dma_start3A_505 = arith.constant 0 : i32
        %dma_start3A_506 = tpu.memref_slice %arg2[%dma_start3A_504, %dma_start3A_505] : memref<10240x64xf32, #tpu.memory_space<hbm>> -> memref<10240x64xf32, #tpu.memory_space<hbm>>
        tpu.enqueue_indirect_dma source(%dma_start3A_506 : memref<10240x64xf32, #tpu.memory_space<hbm>>) target(%dma_start3A_500 : memref<125x64xf32, #tpu.memory_space<vmem>>) offsets(%dma_start3A_503 : memref<125xi32, #tpu.memory_space<vmem>>) semaphore(%arg17 : memref<!tpu.dma_semaphore, #tpu.memory_space<semaphore_mem>>)
      } else {
      }
      %add3A_474 = arith.constant 8 : i32
      %add3A_475 = arith.addi %mul3A_213, %add3A_474 : i32
      %add3A_476 = arith.constant 7 : i32
      %add3A_477 = arith.addi %add3A_475, %add3A_476 : i32
      %lt3A_478 = arith.constant 80 : i32
      %lt3A_479 = arith.cmpi slt, %add3A_477, %lt3A_478 : i32
      %convert_element_type3A_480 = arith.extui %lt3A_479 : i1 to i32
      %cond3A_481 = arith.constant 0 : i32
      %cond3A_482 = arith.cmpi ne, %convert_element_type3A_480, %cond3A_481 : i32
      scf.if %cond3A_482 {
        %dma_wait3A_484 = arith.constant 7 : i32
        %dma_wait3A_485 = arith.constant 0 : i32
        %dma_wait3A_486 = arith.constant 0 : i32
        %dma_wait3A_487 = arith.constant 0 : i32
        %dma_wait3A_488 = tpu.memref_slice %arg9[%dma_wait3A_484, %dma_wait3A_486, %dma_wait3A_487] : memref<8x125x64xf32, #tpu.memory_space<vmem>> -> memref<1x125x64xf32, #tpu.memory_space<vmem>>
        %dma_wait3A_489 = tpu.memref_squeeze %dma_wait3A_488 : memref<1x125x64xf32, #tpu.memory_space<vmem>> -> memref<125x64xf32, #tpu.memory_space<vmem>>
        %dma_wait3A_490 = arith.constant 0 : i32
        %dma_wait3A_491 = tpu.memref_slice %arg8[%dma_wait3A_485, %dma_wait3A_490] : memref<80x125xi32, #tpu.memory_space<vmem>> -> memref<1x125xi32, #tpu.memory_space<vmem>>
        %dma_wait3A_492 = tpu.memref_squeeze %dma_wait3A_491 : memref<1x125xi32, #tpu.memory_space<vmem>> -> memref<125xi32, #tpu.memory_space<vmem>>
        %dma_wait3A_493 = arith.constant 0 : i32
        %dma_wait3A_494 = arith.constant 0 : i32
        %dma_wait3A_495 = tpu.memref_slice %arg10[%dma_wait3A_493, %dma_wait3A_494] : memref<10240x64xf32, #tpu.memory_space<vmem_shared>> -> memref<10240x64xf32, #tpu.memory_space<vmem_shared>>
        tpu.wait_indirect_dma semaphore(%arg26 : memref<!tpu.dma_semaphore, #tpu.memory_space<semaphore_mem>>) src(%dma_wait3A_489 : memref<125x64xf32, #tpu.memory_space<vmem>>) dst(%dma_wait3A_495 : memref<10240x64xf32, #tpu.memory_space<vmem_shared>>)
        %dma_start3A_496 = arith.constant 7 : i32
        %dma_start3A_497 = arith.constant 0 : i32
        %dma_start3A_498 = arith.constant 0 : i32
        %dma_start3A_499 = tpu.memref_slice %arg9[%dma_start3A_496, %dma_start3A_497, %dma_start3A_498] : memref<8x125x64xf32, #tpu.memory_space<vmem>> -> memref<1x125x64xf32, #tpu.memory_space<vmem>>
        %dma_start3A_500 = tpu.memref_squeeze %dma_start3A_499 : memref<1x125x64xf32, #tpu.memory_space<vmem>> -> memref<125x64xf32, #tpu.memory_space<vmem>>
        %dma_start3A_501 = arith.constant 0 : i32
        %dma_start3A_502 = tpu.memref_slice %arg7[%add3A_477, %dma_start3A_501] : memref<80x125xi32, #tpu.memory_space<vmem>> -> memref<1x125xi32, #tpu.memory_space<vmem>>
        %dma_start3A_503 = tpu.memref_squeeze %dma_start3A_502 : memref<1x125xi32, #tpu.memory_space<vmem>> -> memref<125xi32, #tpu.memory_space<vmem>>
        %dma_start3A_504 = arith.constant 0 : i32
        %dma_start3A_505 = arith.constant 0 : i32
        %dma_start3A_506 = tpu.memref_slice %arg2[%dma_start3A_504, %dma_start3A_505] : memref<10240x64xf32, #tpu.memory_space<hbm>> -> memref<10240x64xf32, #tpu.memory_space<hbm>>
        tpu.enqueue_indirect_dma source(%dma_start3A_506 : memref<10240x64xf32, #tpu.memory_space<hbm>>) target(%dma_start3A_500 : memref<125x64xf32, #tpu.memory_space<vmem>>) offsets(%dma_start3A_503 : memref<125xi32, #tpu.memory_space<vmem>>) semaphore(%arg18 : memref<!tpu.dma_semaphore, #tpu.memory_space<semaphore_mem>>)
      } else {
      }
      %scan3A_483 = arith.constant 0 : i32
      scf.yield %scan3A_483 : i32
    }
    %scan3A_109 = arith.constant 10 : i32
    %dma_wait3A = arith.constant 0 : i32
    %dma_wait3A_110 = arith.constant 0 : i32
    %dma_wait3A_111 = arith.constant 0 : i32
    %dma_wait3A_112 = arith.constant 0 : i32
    %dma_wait3A_113 = tpu.memref_slice %arg9[%dma_wait3A, %dma_wait3A_111, %dma_wait3A_112] : memref<8x125x64xf32, #tpu.memory_space<vmem>> -> memref<1x125x64xf32, #tpu.memory_space<vmem>>
    %dma_wait3A_114 = tpu.memref_squeeze %dma_wait3A_113 : memref<1x125x64xf32, #tpu.memory_space<vmem>> -> memref<125x64xf32, #tpu.memory_space<vmem>>
    %dma_wait3A_115 = arith.constant 0 : i32
    %dma_wait3A_116 = tpu.memref_slice %arg8[%dma_wait3A_110, %dma_wait3A_115] : memref<80x125xi32, #tpu.memory_space<vmem>> -> memref<1x125xi32, #tpu.memory_space<vmem>>
    %dma_wait3A_117 = tpu.memref_squeeze %dma_wait3A_116 : memref<1x125xi32, #tpu.memory_space<vmem>> -> memref<125xi32, #tpu.memory_space<vmem>>
    %dma_wait3A_118 = arith.constant 0 : i32
    %dma_wait3A_119 = arith.constant 0 : i32
    %dma_wait3A_120 = tpu.memref_slice %arg10[%dma_wait3A_118, %dma_wait3A_119] : memref<10240x64xf32, #tpu.memory_space<vmem_shared>> -> memref<10240x64xf32, #tpu.memory_space<vmem_shared>>
    tpu.wait_indirect_dma semaphore(%arg19 : memref<!tpu.dma_semaphore, #tpu.memory_space<semaphore_mem>>) src(%dma_wait3A_114 : memref<125x64xf32, #tpu.memory_space<vmem>>) dst(%dma_wait3A_120 : memref<10240x64xf32, #tpu.memory_space<vmem_shared>>)
    %dma_wait3A_121 = arith.constant 1 : i32
    %dma_wait3A_122 = arith.constant 0 : i32
    %dma_wait3A_123 = arith.constant 0 : i32
    %dma_wait3A_124 = arith.constant 0 : i32
    %dma_wait3A_125 = tpu.memref_slice %arg9[%dma_wait3A_121, %dma_wait3A_123, %dma_wait3A_124] : memref<8x125x64xf32, #tpu.memory_space<vmem>> -> memref<1x125x64xf32, #tpu.memory_space<vmem>>
    %dma_wait3A_126 = tpu.memref_squeeze %dma_wait3A_125 : memref<1x125x64xf32, #tpu.memory_space<vmem>> -> memref<125x64xf32, #tpu.memory_space<vmem>>
    %dma_wait3A_127 = arith.constant 0 : i32
    %dma_wait3A_128 = tpu.memref_slice %arg8[%dma_wait3A_122, %dma_wait3A_127] : memref<80x125xi32, #tpu.memory_space<vmem>> -> memref<1x125xi32, #tpu.memory_space<vmem>>
    %dma_wait3A_129 = tpu.memref_squeeze %dma_wait3A_128 : memref<1x125xi32, #tpu.memory_space<vmem>> -> memref<125xi32, #tpu.memory_space<vmem>>
    %dma_wait3A_130 = arith.constant 0 : i32
    %dma_wait3A_131 = arith.constant 0 : i32
    %dma_wait3A_132 = tpu.memref_slice %arg10[%dma_wait3A_130, %dma_wait3A_131] : memref<10240x64xf32, #tpu.memory_space<vmem_shared>> -> memref<10240x64xf32, #tpu.memory_space<vmem_shared>>
    tpu.wait_indirect_dma semaphore(%arg20 : memref<!tpu.dma_semaphore, #tpu.memory_space<semaphore_mem>>) src(%dma_wait3A_126 : memref<125x64xf32, #tpu.memory_space<vmem>>) dst(%dma_wait3A_132 : memref<10240x64xf32, #tpu.memory_space<vmem_shared>>)
    %dma_wait3A_133 = arith.constant 2 : i32
    %dma_wait3A_134 = arith.constant 0 : i32
    %dma_wait3A_135 = arith.constant 0 : i32
    %dma_wait3A_136 = arith.constant 0 : i32
    %dma_wait3A_137 = tpu.memref_slice %arg9[%dma_wait3A_133, %dma_wait3A_135, %dma_wait3A_136] : memref<8x125x64xf32, #tpu.memory_space<vmem>> -> memref<1x125x64xf32, #tpu.memory_space<vmem>>
    %dma_wait3A_138 = tpu.memref_squeeze %dma_wait3A_137 : memref<1x125x64xf32, #tpu.memory_space<vmem>> -> memref<125x64xf32, #tpu.memory_space<vmem>>
    %dma_wait3A_139 = arith.constant 0 : i32
    %dma_wait3A_140 = tpu.memref_slice %arg8[%dma_wait3A_134, %dma_wait3A_139] : memref<80x125xi32, #tpu.memory_space<vmem>> -> memref<1x125xi32, #tpu.memory_space<vmem>>
    %dma_wait3A_141 = tpu.memref_squeeze %dma_wait3A_140 : memref<1x125xi32, #tpu.memory_space<vmem>> -> memref<125xi32, #tpu.memory_space<vmem>>
    %dma_wait3A_142 = arith.constant 0 : i32
    %dma_wait3A_143 = arith.constant 0 : i32
    %dma_wait3A_144 = tpu.memref_slice %arg10[%dma_wait3A_142, %dma_wait3A_143] : memref<10240x64xf32, #tpu.memory_space<vmem_shared>> -> memref<10240x64xf32, #tpu.memory_space<vmem_shared>>
    tpu.wait_indirect_dma semaphore(%arg21 : memref<!tpu.dma_semaphore, #tpu.memory_space<semaphore_mem>>) src(%dma_wait3A_138 : memref<125x64xf32, #tpu.memory_space<vmem>>) dst(%dma_wait3A_144 : memref<10240x64xf32, #tpu.memory_space<vmem_shared>>)
    %dma_wait3A_145 = arith.constant 3 : i32
    %dma_wait3A_146 = arith.constant 0 : i32
    %dma_wait3A_147 = arith.constant 0 : i32
    %dma_wait3A_148 = arith.constant 0 : i32
    %dma_wait3A_149 = tpu.memref_slice %arg9[%dma_wait3A_145, %dma_wait3A_147, %dma_wait3A_148] : memref<8x125x64xf32, #tpu.memory_space<vmem>> -> memref<1x125x64xf32, #tpu.memory_space<vmem>>
    %dma_wait3A_150 = tpu.memref_squeeze %dma_wait3A_149 : memref<1x125x64xf32, #tpu.memory_space<vmem>> -> memref<125x64xf32, #tpu.memory_space<vmem>>
    %dma_wait3A_151 = arith.constant 0 : i32
    %dma_wait3A_152 = tpu.memref_slice %arg8[%dma_wait3A_146, %dma_wait3A_151] : memref<80x125xi32, #tpu.memory_space<vmem>> -> memref<1x125xi32, #tpu.memory_space<vmem>>
    %dma_wait3A_153 = tpu.memref_squeeze %dma_wait3A_152 : memref<1x125xi32, #tpu.memory_space<vmem>> -> memref<125xi32, #tpu.memory_space<vmem>>
    %dma_wait3A_154 = arith.constant 0 : i32
    %dma_wait3A_155 = arith.constant 0 : i32
    %dma_wait3A_156 = tpu.memref_slice %arg10[%dma_wait3A_154, %dma_wait3A_155] : memref<10240x64xf32, #tpu.memory_space<vmem_shared>> -> memref<10240x64xf32, #tpu.memory_space<vmem_shared>>
    tpu.wait_indirect_dma semaphore(%arg22 : memref<!tpu.dma_semaphore, #tpu.memory_space<semaphore_mem>>) src(%dma_wait3A_150 : memref<125x64xf32, #tpu.memory_space<vmem>>) dst(%dma_wait3A_156 : memref<10240x64xf32, #tpu.memory_space<vmem_shared>>)
    %dma_wait3A_157 = arith.constant 4 : i32
    %dma_wait3A_158 = arith.constant 0 : i32
    %dma_wait3A_159 = arith.constant 0 : i32
    %dma_wait3A_160 = arith.constant 0 : i32
    %dma_wait3A_161 = tpu.memref_slice %arg9[%dma_wait3A_157, %dma_wait3A_159, %dma_wait3A_160] : memref<8x125x64xf32, #tpu.memory_space<vmem>> -> memref<1x125x64xf32, #tpu.memory_space<vmem>>
    %dma_wait3A_162 = tpu.memref_squeeze %dma_wait3A_161 : memref<1x125x64xf32, #tpu.memory_space<vmem>> -> memref<125x64xf32, #tpu.memory_space<vmem>>
    %dma_wait3A_163 = arith.constant 0 : i32
    %dma_wait3A_164 = tpu.memref_slice %arg8[%dma_wait3A_158, %dma_wait3A_163] : memref<80x125xi32, #tpu.memory_space<vmem>> -> memref<1x125xi32, #tpu.memory_space<vmem>>
    %dma_wait3A_165 = tpu.memref_squeeze %dma_wait3A_164 : memref<1x125xi32, #tpu.memory_space<vmem>> -> memref<125xi32, #tpu.memory_space<vmem>>
    %dma_wait3A_166 = arith.constant 0 : i32
    %dma_wait3A_167 = arith.constant 0 : i32
    %dma_wait3A_168 = tpu.memref_slice %arg10[%dma_wait3A_166, %dma_wait3A_167] : memref<10240x64xf32, #tpu.memory_space<vmem_shared>> -> memref<10240x64xf32, #tpu.memory_space<vmem_shared>>
    tpu.wait_indirect_dma semaphore(%arg23 : memref<!tpu.dma_semaphore, #tpu.memory_space<semaphore_mem>>) src(%dma_wait3A_162 : memref<125x64xf32, #tpu.memory_space<vmem>>) dst(%dma_wait3A_168 : memref<10240x64xf32, #tpu.memory_space<vmem_shared>>)
    %dma_wait3A_169 = arith.constant 5 : i32
    %dma_wait3A_170 = arith.constant 0 : i32
    %dma_wait3A_171 = arith.constant 0 : i32
    %dma_wait3A_172 = arith.constant 0 : i32
    %dma_wait3A_173 = tpu.memref_slice %arg9[%dma_wait3A_169, %dma_wait3A_171, %dma_wait3A_172] : memref<8x125x64xf32, #tpu.memory_space<vmem>> -> memref<1x125x64xf32, #tpu.memory_space<vmem>>
    %dma_wait3A_174 = tpu.memref_squeeze %dma_wait3A_173 : memref<1x125x64xf32, #tpu.memory_space<vmem>> -> memref<125x64xf32, #tpu.memory_space<vmem>>
    %dma_wait3A_175 = arith.constant 0 : i32
    %dma_wait3A_176 = tpu.memref_slice %arg8[%dma_wait3A_170, %dma_wait3A_175] : memref<80x125xi32, #tpu.memory_space<vmem>> -> memref<1x125xi32, #tpu.memory_space<vmem>>
    %dma_wait3A_177 = tpu.memref_squeeze %dma_wait3A_176 : memref<1x125xi32, #tpu.memory_space<vmem>> -> memref<125xi32, #tpu.memory_space<vmem>>
    %dma_wait3A_178 = arith.constant 0 : i32
    %dma_wait3A_179 = arith.constant 0 : i32
    %dma_wait3A_180 = tpu.memref_slice %arg10[%dma_wait3A_178, %dma_wait3A_179] : memref<10240x64xf32, #tpu.memory_space<vmem_shared>> -> memref<10240x64xf32, #tpu.memory_space<vmem_shared>>
    tpu.wait_indirect_dma semaphore(%arg24 : memref<!tpu.dma_semaphore, #tpu.memory_space<semaphore_mem>>) src(%dma_wait3A_174 : memref<125x64xf32, #tpu.memory_space<vmem>>) dst(%dma_wait3A_180 : memref<10240x64xf32, #tpu.memory_space<vmem_shared>>)
    %dma_wait3A_181 = arith.constant 6 : i32
    %dma_wait3A_182 = arith.constant 0 : i32
    %dma_wait3A_183 = arith.constant 0 : i32
    %dma_wait3A_184 = arith.constant 0 : i32
    %dma_wait3A_185 = tpu.memref_slice %arg9[%dma_wait3A_181, %dma_wait3A_183, %dma_wait3A_184] : memref<8x125x64xf32, #tpu.memory_space<vmem>> -> memref<1x125x64xf32, #tpu.memory_space<vmem>>
    %dma_wait3A_186 = tpu.memref_squeeze %dma_wait3A_185 : memref<1x125x64xf32, #tpu.memory_space<vmem>> -> memref<125x64xf32, #tpu.memory_space<vmem>>
    %dma_wait3A_187 = arith.constant 0 : i32
    %dma_wait3A_188 = tpu.memref_slice %arg8[%dma_wait3A_182, %dma_wait3A_187] : memref<80x125xi32, #tpu.memory_space<vmem>> -> memref<1x125xi32, #tpu.memory_space<vmem>>
    %dma_wait3A_189 = tpu.memref_squeeze %dma_wait3A_188 : memref<1x125xi32, #tpu.memory_space<vmem>> -> memref<125xi32, #tpu.memory_space<vmem>>
    %dma_wait3A_190 = arith.constant 0 : i32
    %dma_wait3A_191 = arith.constant 0 : i32
    %dma_wait3A_192 = tpu.memref_slice %arg10[%dma_wait3A_190, %dma_wait3A_191] : memref<10240x64xf32, #tpu.memory_space<vmem_shared>> -> memref<10240x64xf32, #tpu.memory_space<vmem_shared>>
    tpu.wait_indirect_dma semaphore(%arg25 : memref<!tpu.dma_semaphore, #tpu.memory_space<semaphore_mem>>) src(%dma_wait3A_186 : memref<125x64xf32, #tpu.memory_space<vmem>>) dst(%dma_wait3A_192 : memref<10240x64xf32, #tpu.memory_space<vmem_shared>>)
    %dma_wait3A_193 = arith.constant 7 : i32
    %dma_wait3A_194 = arith.constant 0 : i32
    %dma_wait3A_195 = arith.constant 0 : i32
    %dma_wait3A_196 = arith.constant 0 : i32
    %dma_wait3A_197 = tpu.memref_slice %arg9[%dma_wait3A_193, %dma_wait3A_195, %dma_wait3A_196] : memref<8x125x64xf32, #tpu.memory_space<vmem>> -> memref<1x125x64xf32, #tpu.memory_space<vmem>>
    %dma_wait3A_198 = tpu.memref_squeeze %dma_wait3A_197 : memref<1x125x64xf32, #tpu.memory_space<vmem>> -> memref<125x64xf32, #tpu.memory_space<vmem>>
    %dma_wait3A_199 = arith.constant 0 : i32
    %dma_wait3A_200 = tpu.memref_slice %arg8[%dma_wait3A_194, %dma_wait3A_199] : memref<80x125xi32, #tpu.memory_space<vmem>> -> memref<1x125xi32, #tpu.memory_space<vmem>>
    %dma_wait3A_201 = tpu.memref_squeeze %dma_wait3A_200 : memref<1x125xi32, #tpu.memory_space<vmem>> -> memref<125xi32, #tpu.memory_space<vmem>>
    %dma_wait3A_202 = arith.constant 0 : i32
    %dma_wait3A_203 = arith.constant 0 : i32
    %dma_wait3A_204 = tpu.memref_slice %arg10[%dma_wait3A_202, %dma_wait3A_203] : memref<10240x64xf32, #tpu.memory_space<vmem_shared>> -> memref<10240x64xf32, #tpu.memory_space<vmem_shared>>
    tpu.wait_indirect_dma semaphore(%arg26 : memref<!tpu.dma_semaphore, #tpu.memory_space<semaphore_mem>>) src(%dma_wait3A_198 : memref<125x64xf32, #tpu.memory_space<vmem>>) dst(%dma_wait3A_204 : memref<10240x64xf32, #tpu.memory_space<vmem_shared>>)
    %barrier3A_205 = arith.constant 0 : index
    tpu.barrier barrier_id(%barrier3A_205)
    %mul3A_206 = arith.constant 640 : i32
    %mul3A_207 = arith.muli %arg1, %mul3A_206 : i32
    %mul3A_208 = arith.constant 640 : i32
    %mul3A_209 = arith.muli %arg1, %mul3A_208 : i32
    "tpu.region"() ({
      %run_scoped3A = tpu.sem_alloc : memref<!tpu.dma_semaphore, #tpu.memory_space<semaphore_mem>>
      %dma_start3A_210 = arith.constant 0 : i32
      %dma_start3A_211 = arith.constant 0 : i32
      %dma_start3A_212 = tpu.memref_slice %arg6[%arg0, %dma_start3A_210, %dma_start3A_211] : memref<2x10240x64xf32, #tpu.memory_space<hbm>> -> memref<1x10240x64xf32, #tpu.memory_space<hbm>>
      %dma_start3A_213 = tpu.memref_squeeze %dma_start3A_212 : memref<1x10240x64xf32, #tpu.memory_space<hbm>> -> memref<10240x64xf32, #tpu.memory_space<hbm>>
      %dma_start3A_214 = arith.constant 0 : i32
      %dma_start3A_215 = tpu.memref_slice %dma_start3A_213[%mul3A_209, %dma_start3A_214] : memref<10240x64xf32, #tpu.memory_space<hbm>> -> memref<640x64xf32, #tpu.memory_space<hbm>>
      %dma_start3A_216 = arith.constant 0 : i32
      %dma_start3A_217 = tpu.memref_slice %arg10[%mul3A_207, %dma_start3A_216] : memref<10240x64xf32, #tpu.memory_space<vmem_shared>> -> memref<640x64xf32, #tpu.memory_space<vmem_shared>>
      tpu.enqueue_dma source(%dma_start3A_217 : memref<640x64xf32, #tpu.memory_space<vmem_shared>>) target(%dma_start3A_215 : memref<640x64xf32, #tpu.memory_space<hbm>>) target_semaphore(%run_scoped3A : memref<!tpu.dma_semaphore, #tpu.memory_space<semaphore_mem>>)
      %dma_wait3A_218 = arith.constant 0 : i32
      %dma_wait3A_219 = arith.constant 0 : i32
      %dma_wait3A_220 = tpu.memref_slice %arg6[%arg0, %dma_wait3A_218, %dma_wait3A_219] : memref<2x10240x64xf32, #tpu.memory_space<hbm>> -> memref<1x10240x64xf32, #tpu.memory_space<hbm>>
      %dma_wait3A_221 = tpu.memref_squeeze %dma_wait3A_220 : memref<1x10240x64xf32, #tpu.memory_space<hbm>> -> memref<10240x64xf32, #tpu.memory_space<hbm>>
      %dma_wait3A_222 = arith.constant 0 : i32
      %dma_wait3A_223 = tpu.memref_slice %dma_wait3A_221[%mul3A_209, %dma_wait3A_222] : memref<10240x64xf32, #tpu.memory_space<hbm>> -> memref<640x64xf32, #tpu.memory_space<hbm>>
      %dma_wait3A_224 = arith.constant 0 : i32
      %dma_wait3A_225 = tpu.memref_slice %arg10[%mul3A_207, %dma_wait3A_224] : memref<10240x64xf32, #tpu.memory_space<vmem_shared>> -> memref<640x64xf32, #tpu.memory_space<vmem_shared>>
      tpu.wait_dma2 semaphore(%run_scoped3A : memref<!tpu.dma_semaphore, #tpu.memory_space<semaphore_mem>>) src(%dma_wait3A_225 : memref<640x64xf32, #tpu.memory_space<vmem_shared>>) dst(%dma_wait3A_223 : memref<640x64xf32, #tpu.memory_space<hbm>>)
      tpu.yield
    }) : () -> ()
    return
  }
}

#map = affine_map<(d0, d1) -> (0, 0)>
module attributes {stable_mosaic.version = 14 : i64} {
  func.func @deg_kernel(%arg0: i32, %arg1: i32, %arg2: memref<2560x125xi32, #tpu.memory_space<hbm>>, %arg3: memref<2x10240xf32, #tpu.memory_space<hbm>>, %arg4: memref<80x125xi32, #tpu.memory_space<vmem>>, %arg5: memref<125xf32, #tpu.memory_space<vmem>>, %arg6: memref<640xf32, #tpu.memory_space<vmem>>, %arg7: memref<10240xf32, #tpu.memory_space<vmem_shared>>, %arg8: memref<!tpu.dma_semaphore, #tpu.memory_space<semaphore_mem>>, %arg9: memref<!tpu.dma_semaphore, #tpu.memory_space<semaphore_mem>>, %arg10: memref<!tpu.dma_semaphore, #tpu.memory_space<semaphore_mem>>, %arg11: memref<!tpu.dma_semaphore, #tpu.memory_space<semaphore_mem>>, %arg12: memref<!tpu.dma_semaphore, #tpu.memory_space<semaphore_mem>>, %arg13: memref<!tpu.dma_semaphore, #tpu.memory_space<semaphore_mem>>, %arg14: memref<!tpu.dma_semaphore, #tpu.memory_space<semaphore_mem>>, %arg15: memref<!tpu.dma_semaphore, #tpu.memory_space<semaphore_mem>>) attributes {dimension_semantics = [#tpu.dimension_semantics<core_parallel>, #tpu.dimension_semantics<subcore_parallel>], iteration_bounds = array<i64: 2, 16>, scalar_prefetch = 0 : i64, scratch_operands = 12 : i64, tpu.core_type = #tpu.core_type<sc_vector_subcore>, window_params = [{transform_indices = #map}, {transform_indices = #map}]} {
    %mul3A = arith.constant 2 : i32
    %mul3A_0 = arith.muli %arg1, %mul3A : i32
    %add3A = arith.addi %mul3A_0, %arg0 : i32
    %scan3A = arith.constant 0 : i32
    %scan3A_1 = arith.constant 0 : i32
    %scan3A_2 = arith.constant 7 : i32
    %scan3A_3 = arith.addi %scan3A_1, %scan3A_2 : i32
    %scan3A_4 = arith.constant 1 : i32
    %scan3A_5 = scf.for %scan3A_128 = %scan3A_1 to %scan3A_3 step %scan3A_4 iter_args(%scan3A_129 = %scan3A) -> (i32)  : i32 {
      %broadcast_in_dim3A_130 = arith.constant 1.000000e+00 : f32
      %broadcast_in_dim3A_131 = vector.broadcast %broadcast_in_dim3A_130 : f32 to vector<16xf32>
      %mul3A_132 = arith.constant 16 : i32
      %mul3A_133 = arith.muli %scan3A_128, %mul3A_132 : i32
      %swap3A_134 = arith.index_cast %mul3A_133 : i32 to index
      %swap3A_135 = tpu.vector_load %arg5[%swap3A_134] {strides = array<i32>} : memref<125xf32, #tpu.memory_space<vmem>>, vector<16xf32>,
      %swap3A_136 = vector.shape_cast %swap3A_135 : vector<16xf32> to vector<16xf32>
      %swap3A_137 = vector.shape_cast %broadcast_in_dim3A_131 : vector<16xf32> to vector<16xf32>
      tpu.vector_store %arg5[%swap3A_134], %swap3A_137 {strides = array<i32>} : memref<125xf32, #tpu.memory_space<vmem>>, vector<16xf32>,
      %scan3A_138 = arith.constant 0 : i32
      scf.yield %scan3A_138 : i32
    }
    %scan3A_6 = arith.constant 7 : i32
    %broadcast_in_dim3A = arith.constant 1.000000e+00 : f32
    %broadcast_in_dim3A_7 = vector.broadcast %broadcast_in_dim3A : f32 to vector<16xf32>
    %swap3A = arith.constant 109 : index
    %swap3A_8 = tpu.vector_load %arg5[%swap3A] {strides = array<i32>} : memref<125xf32, #tpu.memory_space<vmem>>, vector<16xf32>,
    %swap3A_9 = vector.shape_cast %swap3A_8 : vector<16xf32> to vector<16xf32>
    %swap3A_10 = vector.shape_cast %broadcast_in_dim3A_7 : vector<16xf32> to vector<16xf32>
    tpu.vector_store %arg5[%swap3A], %swap3A_10 {strides = array<i32>} : memref<125xf32, #tpu.memory_space<vmem>>, vector<16xf32>,
    %scan3A_11 = arith.constant 0 : i32
    %scan3A_12 = arith.constant 0 : i32
    %scan3A_13 = arith.constant 40 : i32
    %scan3A_14 = arith.addi %scan3A_12, %scan3A_13 : i32
    %scan3A_15 = arith.constant 1 : i32
    %scan3A_16 = scf.for %scan3A_128 = %scan3A_12 to %scan3A_14 step %scan3A_15 iter_args(%scan3A_129 = %scan3A_11) -> (i32)  : i32 {
      %broadcast_in_dim3A_130 = arith.constant 0.000000e+00 : f32
      %broadcast_in_dim3A_131 = vector.broadcast %broadcast_in_dim3A_130 : f32 to vector<16xf32>
      %mul3A_132 = arith.constant 16 : i32
      %mul3A_133 = arith.muli %scan3A_128, %mul3A_132 : i32
      %swap3A_134 = arith.index_cast %mul3A_133 : i32 to index
      %swap3A_135 = tpu.vector_load %arg6[%swap3A_134] {strides = array<i32>} : memref<640xf32, #tpu.memory_space<vmem>>, vector<16xf32>,
      %swap3A_136 = vector.shape_cast %swap3A_135 : vector<16xf32> to vector<16xf32>
      %swap3A_137 = vector.shape_cast %broadcast_in_dim3A_131 : vector<16xf32> to vector<16xf32>
      tpu.vector_store %arg6[%swap3A_134], %swap3A_137 {strides = array<i32>} : memref<640xf32, #tpu.memory_space<vmem>>, vector<16xf32>,
      %scan3A_138 = arith.constant 0 : i32
      scf.yield %scan3A_138 : i32
    }
    %scan3A_17 = arith.constant 40 : i32
    %mul3A_18 = arith.constant 640 : i32
    %mul3A_19 = arith.muli %arg1, %mul3A_18 : i32
    "tpu.region"() ({
      %run_scoped3A = tpu.sem_alloc : memref<!tpu.dma_semaphore, #tpu.memory_space<semaphore_mem>>
      %dma_start3A_128 = tpu.memref_slice %arg7[%mul3A_19] : memref<10240xf32, #tpu.memory_space<vmem_shared>> -> memref<640xf32, #tpu.memory_space<vmem_shared>>
      %dma_start3A_129 = tpu.memref_slice %arg7[%mul3A_19] : memref<10240xf32, #tpu.memory_space<vmem_shared>> -> memref<640xf32, #tpu.memory_space<vmem_shared>>
      tpu.enqueue_dma source(%arg6 : memref<640xf32, #tpu.memory_space<vmem>>) target(%dma_start3A_129 : memref<640xf32, #tpu.memory_space<vmem_shared>>) target_semaphore(%run_scoped3A : memref<!tpu.dma_semaphore, #tpu.memory_space<semaphore_mem>>)
      %dma_wait3A_130 = tpu.memref_slice %arg7[%mul3A_19] : memref<10240xf32, #tpu.memory_space<vmem_shared>> -> memref<640xf32, #tpu.memory_space<vmem_shared>>
      %dma_wait3A_131 = tpu.memref_slice %arg7[%mul3A_19] : memref<10240xf32, #tpu.memory_space<vmem_shared>> -> memref<640xf32, #tpu.memory_space<vmem_shared>>
      tpu.wait_dma2 semaphore(%run_scoped3A : memref<!tpu.dma_semaphore, #tpu.memory_space<semaphore_mem>>) src(%arg6 : memref<640xf32, #tpu.memory_space<vmem>>) dst(%dma_wait3A_131 : memref<640xf32, #tpu.memory_space<vmem_shared>>)
      tpu.yield
    }) : () -> ()
    %mul3A_20 = arith.constant 80 : i32
    %mul3A_21 = arith.muli %add3A, %mul3A_20 : i32
    "tpu.region"() ({
      %run_scoped3A = tpu.sem_alloc : memref<!tpu.dma_semaphore, #tpu.memory_space<semaphore_mem>>
      %dma_start3A_128 = arith.constant 0 : i32
      %dma_start3A_129 = tpu.memref_slice %arg2[%mul3A_21, %dma_start3A_128] : memref<2560x125xi32, #tpu.memory_space<hbm>> -> memref<80x125xi32, #tpu.memory_space<hbm>>
      %dma_start3A_130 = arith.constant 0 : i32
      %dma_start3A_131 = tpu.memref_slice %arg2[%mul3A_21, %dma_start3A_130] : memref<2560x125xi32, #tpu.memory_space<hbm>> -> memref<80x125xi32, #tpu.memory_space<hbm>>
      tpu.enqueue_dma source(%dma_start3A_131 : memref<80x125xi32, #tpu.memory_space<hbm>>) target(%arg4 : memref<80x125xi32, #tpu.memory_space<vmem>>) target_semaphore(%run_scoped3A : memref<!tpu.dma_semaphore, #tpu.memory_space<semaphore_mem>>)
      %dma_wait3A_132 = arith.constant 0 : i32
      %dma_wait3A_133 = tpu.memref_slice %arg2[%mul3A_21, %dma_wait3A_132] : memref<2560x125xi32, #tpu.memory_space<hbm>> -> memref<80x125xi32, #tpu.memory_space<hbm>>
      %dma_wait3A_134 = arith.constant 0 : i32
      %dma_wait3A_135 = tpu.memref_slice %arg2[%mul3A_21, %dma_wait3A_134] : memref<2560x125xi32, #tpu.memory_space<hbm>> -> memref<80x125xi32, #tpu.memory_space<hbm>>
      tpu.wait_dma2 semaphore(%run_scoped3A : memref<!tpu.dma_semaphore, #tpu.memory_space<semaphore_mem>>) src(%dma_wait3A_135 : memref<80x125xi32, #tpu.memory_space<hbm>>) dst(%arg4 : memref<80x125xi32, #tpu.memory_space<vmem>>)
      tpu.yield
    }) : () -> ()
    %barrier3A = arith.constant 0 : index
    tpu.barrier barrier_id(%barrier3A)
    %dma_start3A = arith.constant 0 : i32
    %dma_start3A_22 = arith.constant 0 : i32
    %dma_start3A_23 = tpu.memref_slice %arg4[%dma_start3A, %dma_start3A_22] : memref<80x125xi32, #tpu.memory_space<vmem>> -> memref<1x125xi32, #tpu.memory_space<vmem>>
    %dma_start3A_24 = tpu.memref_squeeze %dma_start3A_23 : memref<1x125xi32, #tpu.memory_space<vmem>> -> memref<125xi32, #tpu.memory_space<vmem>>
    %dma_start3A_25 = arith.constant 0 : i32
    %dma_start3A_26 = tpu.memref_slice %arg7[%dma_start3A_25] : memref<10240xf32, #tpu.memory_space<vmem_shared>> -> memref<10240xf32, #tpu.memory_space<vmem_shared>>
    tpu.enqueue_indirect_dma source(%arg5 : memref<125xf32, #tpu.memory_space<vmem>>) target(%dma_start3A_26 : memref<10240xf32, #tpu.memory_space<vmem_shared>>) offsets(%dma_start3A_24 : memref<125xi32, #tpu.memory_space<vmem>>) semaphore(%arg8 : memref<!tpu.dma_semaphore, #tpu.memory_space<semaphore_mem>>) {add = true}
    %dma_start3A_27 = arith.constant 1 : i32
    %dma_start3A_28 = arith.constant 0 : i32
    %dma_start3A_29 = tpu.memref_slice %arg4[%dma_start3A_27, %dma_start3A_28] : memref<80x125xi32, #tpu.memory_space<vmem>> -> memref<1x125xi32, #tpu.memory_space<vmem>>
    %dma_start3A_30 = tpu.memref_squeeze %dma_start3A_29 : memref<1x125xi32, #tpu.memory_space<vmem>> -> memref<125xi32, #tpu.memory_space<vmem>>
    %dma_start3A_31 = arith.constant 0 : i32
    %dma_start3A_32 = tpu.memref_slice %arg7[%dma_start3A_31] : memref<10240xf32, #tpu.memory_space<vmem_shared>> -> memref<10240xf32, #tpu.memory_space<vmem_shared>>
    tpu.enqueue_indirect_dma source(%arg5 : memref<125xf32, #tpu.memory_space<vmem>>) target(%dma_start3A_32 : memref<10240xf32, #tpu.memory_space<vmem_shared>>) offsets(%dma_start3A_30 : memref<125xi32, #tpu.memory_space<vmem>>) semaphore(%arg9 : memref<!tpu.dma_semaphore, #tpu.memory_space<semaphore_mem>>) {add = true}
    %dma_start3A_33 = arith.constant 2 : i32
    %dma_start3A_34 = arith.constant 0 : i32
    %dma_start3A_35 = tpu.memref_slice %arg4[%dma_start3A_33, %dma_start3A_34] : memref<80x125xi32, #tpu.memory_space<vmem>> -> memref<1x125xi32, #tpu.memory_space<vmem>>
    %dma_start3A_36 = tpu.memref_squeeze %dma_start3A_35 : memref<1x125xi32, #tpu.memory_space<vmem>> -> memref<125xi32, #tpu.memory_space<vmem>>
    %dma_start3A_37 = arith.constant 0 : i32
    %dma_start3A_38 = tpu.memref_slice %arg7[%dma_start3A_37] : memref<10240xf32, #tpu.memory_space<vmem_shared>> -> memref<10240xf32, #tpu.memory_space<vmem_shared>>
    tpu.enqueue_indirect_dma source(%arg5 : memref<125xf32, #tpu.memory_space<vmem>>) target(%dma_start3A_38 : memref<10240xf32, #tpu.memory_space<vmem_shared>>) offsets(%dma_start3A_36 : memref<125xi32, #tpu.memory_space<vmem>>) semaphore(%arg10 : memref<!tpu.dma_semaphore, #tpu.memory_space<semaphore_mem>>) {add = true}
    %dma_start3A_39 = arith.constant 3 : i32
    %dma_start3A_40 = arith.constant 0 : i32
    %dma_start3A_41 = tpu.memref_slice %arg4[%dma_start3A_39, %dma_start3A_40] : memref<80x125xi32, #tpu.memory_space<vmem>> -> memref<1x125xi32, #tpu.memory_space<vmem>>
    %dma_start3A_42 = tpu.memref_squeeze %dma_start3A_41 : memref<1x125xi32, #tpu.memory_space<vmem>> -> memref<125xi32, #tpu.memory_space<vmem>>
    %dma_start3A_43 = arith.constant 0 : i32
    %dma_start3A_44 = tpu.memref_slice %arg7[%dma_start3A_43] : memref<10240xf32, #tpu.memory_space<vmem_shared>> -> memref<10240xf32, #tpu.memory_space<vmem_shared>>
    tpu.enqueue_indirect_dma source(%arg5 : memref<125xf32, #tpu.memory_space<vmem>>) target(%dma_start3A_44 : memref<10240xf32, #tpu.memory_space<vmem_shared>>) offsets(%dma_start3A_42 : memref<125xi32, #tpu.memory_space<vmem>>) semaphore(%arg11 : memref<!tpu.dma_semaphore, #tpu.memory_space<semaphore_mem>>) {add = true}
    %dma_start3A_45 = arith.constant 4 : i32
    %dma_start3A_46 = arith.constant 0 : i32
    %dma_start3A_47 = tpu.memref_slice %arg4[%dma_start3A_45, %dma_start3A_46] : memref<80x125xi32, #tpu.memory_space<vmem>> -> memref<1x125xi32, #tpu.memory_space<vmem>>
    %dma_start3A_48 = tpu.memref_squeeze %dma_start3A_47 : memref<1x125xi32, #tpu.memory_space<vmem>> -> memref<125xi32, #tpu.memory_space<vmem>>
    %dma_start3A_49 = arith.constant 0 : i32
    %dma_start3A_50 = tpu.memref_slice %arg7[%dma_start3A_49] : memref<10240xf32, #tpu.memory_space<vmem_shared>> -> memref<10240xf32, #tpu.memory_space<vmem_shared>>
    tpu.enqueue_indirect_dma source(%arg5 : memref<125xf32, #tpu.memory_space<vmem>>) target(%dma_start3A_50 : memref<10240xf32, #tpu.memory_space<vmem_shared>>) offsets(%dma_start3A_48 : memref<125xi32, #tpu.memory_space<vmem>>) semaphore(%arg12 : memref<!tpu.dma_semaphore, #tpu.memory_space<semaphore_mem>>) {add = true}
    %dma_start3A_51 = arith.constant 5 : i32
    %dma_start3A_52 = arith.constant 0 : i32
    %dma_start3A_53 = tpu.memref_slice %arg4[%dma_start3A_51, %dma_start3A_52] : memref<80x125xi32, #tpu.memory_space<vmem>> -> memref<1x125xi32, #tpu.memory_space<vmem>>
    %dma_start3A_54 = tpu.memref_squeeze %dma_start3A_53 : memref<1x125xi32, #tpu.memory_space<vmem>> -> memref<125xi32, #tpu.memory_space<vmem>>
    %dma_start3A_55 = arith.constant 0 : i32
    %dma_start3A_56 = tpu.memref_slice %arg7[%dma_start3A_55] : memref<10240xf32, #tpu.memory_space<vmem_shared>> -> memref<10240xf32, #tpu.memory_space<vmem_shared>>
    tpu.enqueue_indirect_dma source(%arg5 : memref<125xf32, #tpu.memory_space<vmem>>) target(%dma_start3A_56 : memref<10240xf32, #tpu.memory_space<vmem_shared>>) offsets(%dma_start3A_54 : memref<125xi32, #tpu.memory_space<vmem>>) semaphore(%arg13 : memref<!tpu.dma_semaphore, #tpu.memory_space<semaphore_mem>>) {add = true}
    %dma_start3A_57 = arith.constant 6 : i32
    %dma_start3A_58 = arith.constant 0 : i32
    %dma_start3A_59 = tpu.memref_slice %arg4[%dma_start3A_57, %dma_start3A_58] : memref<80x125xi32, #tpu.memory_space<vmem>> -> memref<1x125xi32, #tpu.memory_space<vmem>>
    %dma_start3A_60 = tpu.memref_squeeze %dma_start3A_59 : memref<1x125xi32, #tpu.memory_space<vmem>> -> memref<125xi32, #tpu.memory_space<vmem>>
    %dma_start3A_61 = arith.constant 0 : i32
    %dma_start3A_62 = tpu.memref_slice %arg7[%dma_start3A_61] : memref<10240xf32, #tpu.memory_space<vmem_shared>> -> memref<10240xf32, #tpu.memory_space<vmem_shared>>
    tpu.enqueue_indirect_dma source(%arg5 : memref<125xf32, #tpu.memory_space<vmem>>) target(%dma_start3A_62 : memref<10240xf32, #tpu.memory_space<vmem_shared>>) offsets(%dma_start3A_60 : memref<125xi32, #tpu.memory_space<vmem>>) semaphore(%arg14 : memref<!tpu.dma_semaphore, #tpu.memory_space<semaphore_mem>>) {add = true}
    %dma_start3A_63 = arith.constant 7 : i32
    %dma_start3A_64 = arith.constant 0 : i32
    %dma_start3A_65 = tpu.memref_slice %arg4[%dma_start3A_63, %dma_start3A_64] : memref<80x125xi32, #tpu.memory_space<vmem>> -> memref<1x125xi32, #tpu.memory_space<vmem>>
    %dma_start3A_66 = tpu.memref_squeeze %dma_start3A_65 : memref<1x125xi32, #tpu.memory_space<vmem>> -> memref<125xi32, #tpu.memory_space<vmem>>
    %dma_start3A_67 = arith.constant 0 : i32
    %dma_start3A_68 = tpu.memref_slice %arg7[%dma_start3A_67] : memref<10240xf32, #tpu.memory_space<vmem_shared>> -> memref<10240xf32, #tpu.memory_space<vmem_shared>>
    tpu.enqueue_indirect_dma source(%arg5 : memref<125xf32, #tpu.memory_space<vmem>>) target(%dma_start3A_68 : memref<10240xf32, #tpu.memory_space<vmem_shared>>) offsets(%dma_start3A_66 : memref<125xi32, #tpu.memory_space<vmem>>) semaphore(%arg15 : memref<!tpu.dma_semaphore, #tpu.memory_space<semaphore_mem>>) {add = true}
    %scan3A_69 = arith.constant 0 : i32
    %scan3A_70 = arith.constant 0 : i32
    %scan3A_71 = arith.constant 10 : i32
    %scan3A_72 = arith.addi %scan3A_70, %scan3A_71 : i32
    %scan3A_73 = arith.constant 1 : i32
    %scan3A_74 = scf.for %scan3A_128 = %scan3A_70 to %scan3A_72 step %scan3A_73 iter_args(%scan3A_129 = %scan3A_69) -> (i32)  : i32 {
      %mul3A_130 = arith.constant 8 : i32
      %mul3A_131 = arith.muli %scan3A_128, %mul3A_130 : i32
      %add3A_132 = arith.constant 8 : i32
      %add3A_133 = arith.addi %mul3A_131, %add3A_132 : i32
      %add3A_134 = arith.constant 0 : i32
      %add3A_135 = arith.addi %add3A_133, %add3A_134 : i32
      %lt3A = arith.constant 80 : i32
      %lt3A_136 = arith.cmpi slt, %add3A_135, %lt3A : i32
      %convert_element_type3A = arith.extui %lt3A_136 : i1 to i32
      %cond3A = arith.constant 0 : i32
      %cond3A_137 = arith.cmpi ne, %convert_element_type3A, %cond3A : i32
      scf.if %cond3A_137 {
        %dma_wait3A_202 = arith.constant 0 : i32
        %dma_wait3A_203 = arith.constant 0 : i32
        %dma_wait3A_204 = tpu.memref_slice %arg4[%dma_wait3A_202, %dma_wait3A_203] : memref<80x125xi32, #tpu.memory_space<vmem>> -> memref<1x125xi32, #tpu.memory_space<vmem>>
        %dma_wait3A_205 = tpu.memref_squeeze %dma_wait3A_204 : memref<1x125xi32, #tpu.memory_space<vmem>> -> memref<125xi32, #tpu.memory_space<vmem>>
        %dma_wait3A_206 = arith.constant 0 : i32
        %dma_wait3A_207 = tpu.memref_slice %arg7[%dma_wait3A_206] : memref<10240xf32, #tpu.memory_space<vmem_shared>> -> memref<10240xf32, #tpu.memory_space<vmem_shared>>
        tpu.wait_indirect_dma semaphore(%arg8 : memref<!tpu.dma_semaphore, #tpu.memory_space<semaphore_mem>>) src(%arg5 : memref<125xf32, #tpu.memory_space<vmem>>) dst(%dma_wait3A_207 : memref<10240xf32, #tpu.memory_space<vmem_shared>>)
        %dma_start3A_208 = arith.constant 0 : i32
        %dma_start3A_209 = tpu.memref_slice %arg4[%add3A_135, %dma_start3A_208] : memref<80x125xi32, #tpu.memory_space<vmem>> -> memref<1x125xi32, #tpu.memory_space<vmem>>
        %dma_start3A_210 = tpu.memref_squeeze %dma_start3A_209 : memref<1x125xi32, #tpu.memory_space<vmem>> -> memref<125xi32, #tpu.memory_space<vmem>>
        %dma_start3A_211 = arith.constant 0 : i32
        %dma_start3A_212 = tpu.memref_slice %arg7[%dma_start3A_211] : memref<10240xf32, #tpu.memory_space<vmem_shared>> -> memref<10240xf32, #tpu.memory_space<vmem_shared>>
        tpu.enqueue_indirect_dma source(%arg5 : memref<125xf32, #tpu.memory_space<vmem>>) target(%dma_start3A_212 : memref<10240xf32, #tpu.memory_space<vmem_shared>>) offsets(%dma_start3A_210 : memref<125xi32, #tpu.memory_space<vmem>>) semaphore(%arg8 : memref<!tpu.dma_semaphore, #tpu.memory_space<semaphore_mem>>) {add = true}
      } else {
      }
      %add3A_138 = arith.constant 8 : i32
      %add3A_139 = arith.addi %mul3A_131, %add3A_138 : i32
      %add3A_140 = arith.constant 1 : i32
      %add3A_141 = arith.addi %add3A_139, %add3A_140 : i32
      %lt3A_142 = arith.constant 80 : i32
      %lt3A_143 = arith.cmpi slt, %add3A_141, %lt3A_142 : i32
      %convert_element_type3A_144 = arith.extui %lt3A_143 : i1 to i32
      %cond3A_145 = arith.constant 0 : i32
      %cond3A_146 = arith.cmpi ne, %convert_element_type3A_144, %cond3A_145 : i32
      scf.if %cond3A_146 {
        %dma_wait3A_202 = arith.constant 0 : i32
        %dma_wait3A_203 = arith.constant 0 : i32
        %dma_wait3A_204 = tpu.memref_slice %arg4[%dma_wait3A_202, %dma_wait3A_203] : memref<80x125xi32, #tpu.memory_space<vmem>> -> memref<1x125xi32, #tpu.memory_space<vmem>>
        %dma_wait3A_205 = tpu.memref_squeeze %dma_wait3A_204 : memref<1x125xi32, #tpu.memory_space<vmem>> -> memref<125xi32, #tpu.memory_space<vmem>>
        %dma_wait3A_206 = arith.constant 0 : i32
        %dma_wait3A_207 = tpu.memref_slice %arg7[%dma_wait3A_206] : memref<10240xf32, #tpu.memory_space<vmem_shared>> -> memref<10240xf32, #tpu.memory_space<vmem_shared>>
        tpu.wait_indirect_dma semaphore(%arg9 : memref<!tpu.dma_semaphore, #tpu.memory_space<semaphore_mem>>) src(%arg5 : memref<125xf32, #tpu.memory_space<vmem>>) dst(%dma_wait3A_207 : memref<10240xf32, #tpu.memory_space<vmem_shared>>)
        %dma_start3A_208 = arith.constant 0 : i32
        %dma_start3A_209 = tpu.memref_slice %arg4[%add3A_141, %dma_start3A_208] : memref<80x125xi32, #tpu.memory_space<vmem>> -> memref<1x125xi32, #tpu.memory_space<vmem>>
        %dma_start3A_210 = tpu.memref_squeeze %dma_start3A_209 : memref<1x125xi32, #tpu.memory_space<vmem>> -> memref<125xi32, #tpu.memory_space<vmem>>
        %dma_start3A_211 = arith.constant 0 : i32
        %dma_start3A_212 = tpu.memref_slice %arg7[%dma_start3A_211] : memref<10240xf32, #tpu.memory_space<vmem_shared>> -> memref<10240xf32, #tpu.memory_space<vmem_shared>>
        tpu.enqueue_indirect_dma source(%arg5 : memref<125xf32, #tpu.memory_space<vmem>>) target(%dma_start3A_212 : memref<10240xf32, #tpu.memory_space<vmem_shared>>) offsets(%dma_start3A_210 : memref<125xi32, #tpu.memory_space<vmem>>) semaphore(%arg9 : memref<!tpu.dma_semaphore, #tpu.memory_space<semaphore_mem>>) {add = true}
      } else {
      }
      %add3A_147 = arith.constant 8 : i32
      %add3A_148 = arith.addi %mul3A_131, %add3A_147 : i32
      %add3A_149 = arith.constant 2 : i32
      %add3A_150 = arith.addi %add3A_148, %add3A_149 : i32
      %lt3A_151 = arith.constant 80 : i32
      %lt3A_152 = arith.cmpi slt, %add3A_150, %lt3A_151 : i32
      %convert_element_type3A_153 = arith.extui %lt3A_152 : i1 to i32
      %cond3A_154 = arith.constant 0 : i32
      %cond3A_155 = arith.cmpi ne, %convert_element_type3A_153, %cond3A_154 : i32
      scf.if %cond3A_155 {
        %dma_wait3A_202 = arith.constant 0 : i32
        %dma_wait3A_203 = arith.constant 0 : i32
        %dma_wait3A_204 = tpu.memref_slice %arg4[%dma_wait3A_202, %dma_wait3A_203] : memref<80x125xi32, #tpu.memory_space<vmem>> -> memref<1x125xi32, #tpu.memory_space<vmem>>
        %dma_wait3A_205 = tpu.memref_squeeze %dma_wait3A_204 : memref<1x125xi32, #tpu.memory_space<vmem>> -> memref<125xi32, #tpu.memory_space<vmem>>
        %dma_wait3A_206 = arith.constant 0 : i32
        %dma_wait3A_207 = tpu.memref_slice %arg7[%dma_wait3A_206] : memref<10240xf32, #tpu.memory_space<vmem_shared>> -> memref<10240xf32, #tpu.memory_space<vmem_shared>>
        tpu.wait_indirect_dma semaphore(%arg10 : memref<!tpu.dma_semaphore, #tpu.memory_space<semaphore_mem>>) src(%arg5 : memref<125xf32, #tpu.memory_space<vmem>>) dst(%dma_wait3A_207 : memref<10240xf32, #tpu.memory_space<vmem_shared>>)
        %dma_start3A_208 = arith.constant 0 : i32
        %dma_start3A_209 = tpu.memref_slice %arg4[%add3A_150, %dma_start3A_208] : memref<80x125xi32, #tpu.memory_space<vmem>> -> memref<1x125xi32, #tpu.memory_space<vmem>>
        %dma_start3A_210 = tpu.memref_squeeze %dma_start3A_209 : memref<1x125xi32, #tpu.memory_space<vmem>> -> memref<125xi32, #tpu.memory_space<vmem>>
        %dma_start3A_211 = arith.constant 0 : i32
        %dma_start3A_212 = tpu.memref_slice %arg7[%dma_start3A_211] : memref<10240xf32, #tpu.memory_space<vmem_shared>> -> memref<10240xf32, #tpu.memory_space<vmem_shared>>
        tpu.enqueue_indirect_dma source(%arg5 : memref<125xf32, #tpu.memory_space<vmem>>) target(%dma_start3A_212 : memref<10240xf32, #tpu.memory_space<vmem_shared>>) offsets(%dma_start3A_210 : memref<125xi32, #tpu.memory_space<vmem>>) semaphore(%arg10 : memref<!tpu.dma_semaphore, #tpu.memory_space<semaphore_mem>>) {add = true}
      } else {
      }
      %add3A_156 = arith.constant 8 : i32
      %add3A_157 = arith.addi %mul3A_131, %add3A_156 : i32
      %add3A_158 = arith.constant 3 : i32
      %add3A_159 = arith.addi %add3A_157, %add3A_158 : i32
      %lt3A_160 = arith.constant 80 : i32
      %lt3A_161 = arith.cmpi slt, %add3A_159, %lt3A_160 : i32
      %convert_element_type3A_162 = arith.extui %lt3A_161 : i1 to i32
      %cond3A_163 = arith.constant 0 : i32
      %cond3A_164 = arith.cmpi ne, %convert_element_type3A_162, %cond3A_163 : i32
      scf.if %cond3A_164 {
        %dma_wait3A_202 = arith.constant 0 : i32
        %dma_wait3A_203 = arith.constant 0 : i32
        %dma_wait3A_204 = tpu.memref_slice %arg4[%dma_wait3A_202, %dma_wait3A_203] : memref<80x125xi32, #tpu.memory_space<vmem>> -> memref<1x125xi32, #tpu.memory_space<vmem>>
        %dma_wait3A_205 = tpu.memref_squeeze %dma_wait3A_204 : memref<1x125xi32, #tpu.memory_space<vmem>> -> memref<125xi32, #tpu.memory_space<vmem>>
        %dma_wait3A_206 = arith.constant 0 : i32
        %dma_wait3A_207 = tpu.memref_slice %arg7[%dma_wait3A_206] : memref<10240xf32, #tpu.memory_space<vmem_shared>> -> memref<10240xf32, #tpu.memory_space<vmem_shared>>
        tpu.wait_indirect_dma semaphore(%arg11 : memref<!tpu.dma_semaphore, #tpu.memory_space<semaphore_mem>>) src(%arg5 : memref<125xf32, #tpu.memory_space<vmem>>) dst(%dma_wait3A_207 : memref<10240xf32, #tpu.memory_space<vmem_shared>>)
        %dma_start3A_208 = arith.constant 0 : i32
        %dma_start3A_209 = tpu.memref_slice %arg4[%add3A_159, %dma_start3A_208] : memref<80x125xi32, #tpu.memory_space<vmem>> -> memref<1x125xi32, #tpu.memory_space<vmem>>
        %dma_start3A_210 = tpu.memref_squeeze %dma_start3A_209 : memref<1x125xi32, #tpu.memory_space<vmem>> -> memref<125xi32, #tpu.memory_space<vmem>>
        %dma_start3A_211 = arith.constant 0 : i32
        %dma_start3A_212 = tpu.memref_slice %arg7[%dma_start3A_211] : memref<10240xf32, #tpu.memory_space<vmem_shared>> -> memref<10240xf32, #tpu.memory_space<vmem_shared>>
        tpu.enqueue_indirect_dma source(%arg5 : memref<125xf32, #tpu.memory_space<vmem>>) target(%dma_start3A_212 : memref<10240xf32, #tpu.memory_space<vmem_shared>>) offsets(%dma_start3A_210 : memref<125xi32, #tpu.memory_space<vmem>>) semaphore(%arg11 : memref<!tpu.dma_semaphore, #tpu.memory_space<semaphore_mem>>) {add = true}
      } else {
      }
      %add3A_165 = arith.constant 8 : i32
      %add3A_166 = arith.addi %mul3A_131, %add3A_165 : i32
      %add3A_167 = arith.constant 4 : i32
      %add3A_168 = arith.addi %add3A_166, %add3A_167 : i32
      %lt3A_169 = arith.constant 80 : i32
      %lt3A_170 = arith.cmpi slt, %add3A_168, %lt3A_169 : i32
      %convert_element_type3A_171 = arith.extui %lt3A_170 : i1 to i32
      %cond3A_172 = arith.constant 0 : i32
      %cond3A_173 = arith.cmpi ne, %convert_element_type3A_171, %cond3A_172 : i32
      scf.if %cond3A_173 {
        %dma_wait3A_202 = arith.constant 0 : i32
        %dma_wait3A_203 = arith.constant 0 : i32
        %dma_wait3A_204 = tpu.memref_slice %arg4[%dma_wait3A_202, %dma_wait3A_203] : memref<80x125xi32, #tpu.memory_space<vmem>> -> memref<1x125xi32, #tpu.memory_space<vmem>>
        %dma_wait3A_205 = tpu.memref_squeeze %dma_wait3A_204 : memref<1x125xi32, #tpu.memory_space<vmem>> -> memref<125xi32, #tpu.memory_space<vmem>>
        %dma_wait3A_206 = arith.constant 0 : i32
        %dma_wait3A_207 = tpu.memref_slice %arg7[%dma_wait3A_206] : memref<10240xf32, #tpu.memory_space<vmem_shared>> -> memref<10240xf32, #tpu.memory_space<vmem_shared>>
        tpu.wait_indirect_dma semaphore(%arg12 : memref<!tpu.dma_semaphore, #tpu.memory_space<semaphore_mem>>) src(%arg5 : memref<125xf32, #tpu.memory_space<vmem>>) dst(%dma_wait3A_207 : memref<10240xf32, #tpu.memory_space<vmem_shared>>)
        %dma_start3A_208 = arith.constant 0 : i32
        %dma_start3A_209 = tpu.memref_slice %arg4[%add3A_168, %dma_start3A_208] : memref<80x125xi32, #tpu.memory_space<vmem>> -> memref<1x125xi32, #tpu.memory_space<vmem>>
        %dma_start3A_210 = tpu.memref_squeeze %dma_start3A_209 : memref<1x125xi32, #tpu.memory_space<vmem>> -> memref<125xi32, #tpu.memory_space<vmem>>
        %dma_start3A_211 = arith.constant 0 : i32
        %dma_start3A_212 = tpu.memref_slice %arg7[%dma_start3A_211] : memref<10240xf32, #tpu.memory_space<vmem_shared>> -> memref<10240xf32, #tpu.memory_space<vmem_shared>>
        tpu.enqueue_indirect_dma source(%arg5 : memref<125xf32, #tpu.memory_space<vmem>>) target(%dma_start3A_212 : memref<10240xf32, #tpu.memory_space<vmem_shared>>) offsets(%dma_start3A_210 : memref<125xi32, #tpu.memory_space<vmem>>) semaphore(%arg12 : memref<!tpu.dma_semaphore, #tpu.memory_space<semaphore_mem>>) {add = true}
      } else {
      }
      %add3A_174 = arith.constant 8 : i32
      %add3A_175 = arith.addi %mul3A_131, %add3A_174 : i32
      %add3A_176 = arith.constant 5 : i32
      %add3A_177 = arith.addi %add3A_175, %add3A_176 : i32
      %lt3A_178 = arith.constant 80 : i32
      %lt3A_179 = arith.cmpi slt, %add3A_177, %lt3A_178 : i32
      %convert_element_type3A_180 = arith.extui %lt3A_179 : i1 to i32
      %cond3A_181 = arith.constant 0 : i32
      %cond3A_182 = arith.cmpi ne, %convert_element_type3A_180, %cond3A_181 : i32
      scf.if %cond3A_182 {
        %dma_wait3A_202 = arith.constant 0 : i32
        %dma_wait3A_203 = arith.constant 0 : i32
        %dma_wait3A_204 = tpu.memref_slice %arg4[%dma_wait3A_202, %dma_wait3A_203] : memref<80x125xi32, #tpu.memory_space<vmem>> -> memref<1x125xi32, #tpu.memory_space<vmem>>
        %dma_wait3A_205 = tpu.memref_squeeze %dma_wait3A_204 : memref<1x125xi32, #tpu.memory_space<vmem>> -> memref<125xi32, #tpu.memory_space<vmem>>
        %dma_wait3A_206 = arith.constant 0 : i32
        %dma_wait3A_207 = tpu.memref_slice %arg7[%dma_wait3A_206] : memref<10240xf32, #tpu.memory_space<vmem_shared>> -> memref<10240xf32, #tpu.memory_space<vmem_shared>>
        tpu.wait_indirect_dma semaphore(%arg13 : memref<!tpu.dma_semaphore, #tpu.memory_space<semaphore_mem>>) src(%arg5 : memref<125xf32, #tpu.memory_space<vmem>>) dst(%dma_wait3A_207 : memref<10240xf32, #tpu.memory_space<vmem_shared>>)
        %dma_start3A_208 = arith.constant 0 : i32
        %dma_start3A_209 = tpu.memref_slice %arg4[%add3A_177, %dma_start3A_208] : memref<80x125xi32, #tpu.memory_space<vmem>> -> memref<1x125xi32, #tpu.memory_space<vmem>>
        %dma_start3A_210 = tpu.memref_squeeze %dma_start3A_209 : memref<1x125xi32, #tpu.memory_space<vmem>> -> memref<125xi32, #tpu.memory_space<vmem>>
        %dma_start3A_211 = arith.constant 0 : i32
        %dma_start3A_212 = tpu.memref_slice %arg7[%dma_start3A_211] : memref<10240xf32, #tpu.memory_space<vmem_shared>> -> memref<10240xf32, #tpu.memory_space<vmem_shared>>
        tpu.enqueue_indirect_dma source(%arg5 : memref<125xf32, #tpu.memory_space<vmem>>) target(%dma_start3A_212 : memref<10240xf32, #tpu.memory_space<vmem_shared>>) offsets(%dma_start3A_210 : memref<125xi32, #tpu.memory_space<vmem>>) semaphore(%arg13 : memref<!tpu.dma_semaphore, #tpu.memory_space<semaphore_mem>>) {add = true}
      } else {
      }
      %add3A_183 = arith.constant 8 : i32
      %add3A_184 = arith.addi %mul3A_131, %add3A_183 : i32
      %add3A_185 = arith.constant 6 : i32
      %add3A_186 = arith.addi %add3A_184, %add3A_185 : i32
      %lt3A_187 = arith.constant 80 : i32
      %lt3A_188 = arith.cmpi slt, %add3A_186, %lt3A_187 : i32
      %convert_element_type3A_189 = arith.extui %lt3A_188 : i1 to i32
      %cond3A_190 = arith.constant 0 : i32
      %cond3A_191 = arith.cmpi ne, %convert_element_type3A_189, %cond3A_190 : i32
      scf.if %cond3A_191 {
        %dma_wait3A_202 = arith.constant 0 : i32
        %dma_wait3A_203 = arith.constant 0 : i32
        %dma_wait3A_204 = tpu.memref_slice %arg4[%dma_wait3A_202, %dma_wait3A_203] : memref<80x125xi32, #tpu.memory_space<vmem>> -> memref<1x125xi32, #tpu.memory_space<vmem>>
        %dma_wait3A_205 = tpu.memref_squeeze %dma_wait3A_204 : memref<1x125xi32, #tpu.memory_space<vmem>> -> memref<125xi32, #tpu.memory_space<vmem>>
        %dma_wait3A_206 = arith.constant 0 : i32
        %dma_wait3A_207 = tpu.memref_slice %arg7[%dma_wait3A_206] : memref<10240xf32, #tpu.memory_space<vmem_shared>> -> memref<10240xf32, #tpu.memory_space<vmem_shared>>
        tpu.wait_indirect_dma semaphore(%arg14 : memref<!tpu.dma_semaphore, #tpu.memory_space<semaphore_mem>>) src(%arg5 : memref<125xf32, #tpu.memory_space<vmem>>) dst(%dma_wait3A_207 : memref<10240xf32, #tpu.memory_space<vmem_shared>>)
        %dma_start3A_208 = arith.constant 0 : i32
        %dma_start3A_209 = tpu.memref_slice %arg4[%add3A_186, %dma_start3A_208] : memref<80x125xi32, #tpu.memory_space<vmem>> -> memref<1x125xi32, #tpu.memory_space<vmem>>
        %dma_start3A_210 = tpu.memref_squeeze %dma_start3A_209 : memref<1x125xi32, #tpu.memory_space<vmem>> -> memref<125xi32, #tpu.memory_space<vmem>>
        %dma_start3A_211 = arith.constant 0 : i32
        %dma_start3A_212 = tpu.memref_slice %arg7[%dma_start3A_211] : memref<10240xf32, #tpu.memory_space<vmem_shared>> -> memref<10240xf32, #tpu.memory_space<vmem_shared>>
        tpu.enqueue_indirect_dma source(%arg5 : memref<125xf32, #tpu.memory_space<vmem>>) target(%dma_start3A_212 : memref<10240xf32, #tpu.memory_space<vmem_shared>>) offsets(%dma_start3A_210 : memref<125xi32, #tpu.memory_space<vmem>>) semaphore(%arg14 : memref<!tpu.dma_semaphore, #tpu.memory_space<semaphore_mem>>) {add = true}
      } else {
      }
      %add3A_192 = arith.constant 8 : i32
      %add3A_193 = arith.addi %mul3A_131, %add3A_192 : i32
      %add3A_194 = arith.constant 7 : i32
      %add3A_195 = arith.addi %add3A_193, %add3A_194 : i32
      %lt3A_196 = arith.constant 80 : i32
      %lt3A_197 = arith.cmpi slt, %add3A_195, %lt3A_196 : i32
      %convert_element_type3A_198 = arith.extui %lt3A_197 : i1 to i32
      %cond3A_199 = arith.constant 0 : i32
      %cond3A_200 = arith.cmpi ne, %convert_element_type3A_198, %cond3A_199 : i32
      scf.if %cond3A_200 {
        %dma_wait3A_202 = arith.constant 0 : i32
        %dma_wait3A_203 = arith.constant 0 : i32
        %dma_wait3A_204 = tpu.memref_slice %arg4[%dma_wait3A_202, %dma_wait3A_203] : memref<80x125xi32, #tpu.memory_space<vmem>> -> memref<1x125xi32, #tpu.memory_space<vmem>>
        %dma_wait3A_205 = tpu.memref_squeeze %dma_wait3A_204 : memref<1x125xi32, #tpu.memory_space<vmem>> -> memref<125xi32, #tpu.memory_space<vmem>>
        %dma_wait3A_206 = arith.constant 0 : i32
        %dma_wait3A_207 = tpu.memref_slice %arg7[%dma_wait3A_206] : memref<10240xf32, #tpu.memory_space<vmem_shared>> -> memref<10240xf32, #tpu.memory_space<vmem_shared>>
        tpu.wait_indirect_dma semaphore(%arg15 : memref<!tpu.dma_semaphore, #tpu.memory_space<semaphore_mem>>) src(%arg5 : memref<125xf32, #tpu.memory_space<vmem>>) dst(%dma_wait3A_207 : memref<10240xf32, #tpu.memory_space<vmem_shared>>)
        %dma_start3A_208 = arith.constant 0 : i32
        %dma_start3A_209 = tpu.memref_slice %arg4[%add3A_195, %dma_start3A_208] : memref<80x125xi32, #tpu.memory_space<vmem>> -> memref<1x125xi32, #tpu.memory_space<vmem>>
        %dma_start3A_210 = tpu.memref_squeeze %dma_start3A_209 : memref<1x125xi32, #tpu.memory_space<vmem>> -> memref<125xi32, #tpu.memory_space<vmem>>
        %dma_start3A_211 = arith.constant 0 : i32
        %dma_start3A_212 = tpu.memref_slice %arg7[%dma_start3A_211] : memref<10240xf32, #tpu.memory_space<vmem_shared>> -> memref<10240xf32, #tpu.memory_space<vmem_shared>>
        tpu.enqueue_indirect_dma source(%arg5 : memref<125xf32, #tpu.memory_space<vmem>>) target(%dma_start3A_212 : memref<10240xf32, #tpu.memory_space<vmem_shared>>) offsets(%dma_start3A_210 : memref<125xi32, #tpu.memory_space<vmem>>) semaphore(%arg15 : memref<!tpu.dma_semaphore, #tpu.memory_space<semaphore_mem>>) {add = true}
      } else {
      }
      %scan3A_201 = arith.constant 0 : i32
      scf.yield %scan3A_201 : i32
    }
    %scan3A_75 = arith.constant 10 : i32
    %dma_wait3A = arith.constant 0 : i32
    %dma_wait3A_76 = arith.constant 0 : i32
    %dma_wait3A_77 = tpu.memref_slice %arg4[%dma_wait3A, %dma_wait3A_76] : memref<80x125xi32, #tpu.memory_space<vmem>> -> memref<1x125xi32, #tpu.memory_space<vmem>>
    %dma_wait3A_78 = tpu.memref_squeeze %dma_wait3A_77 : memref<1x125xi32, #tpu.memory_space<vmem>> -> memref<125xi32, #tpu.memory_space<vmem>>
    %dma_wait3A_79 = arith.constant 0 : i32
    %dma_wait3A_80 = tpu.memref_slice %arg7[%dma_wait3A_79] : memref<10240xf32, #tpu.memory_space<vmem_shared>> -> memref<10240xf32, #tpu.memory_space<vmem_shared>>
    tpu.wait_indirect_dma semaphore(%arg8 : memref<!tpu.dma_semaphore, #tpu.memory_space<semaphore_mem>>) src(%arg5 : memref<125xf32, #tpu.memory_space<vmem>>) dst(%dma_wait3A_80 : memref<10240xf32, #tpu.memory_space<vmem_shared>>)
    %dma_wait3A_81 = arith.constant 0 : i32
    %dma_wait3A_82 = arith.constant 0 : i32
    %dma_wait3A_83 = tpu.memref_slice %arg4[%dma_wait3A_81, %dma_wait3A_82] : memref<80x125xi32, #tpu.memory_space<vmem>> -> memref<1x125xi32, #tpu.memory_space<vmem>>
    %dma_wait3A_84 = tpu.memref_squeeze %dma_wait3A_83 : memref<1x125xi32, #tpu.memory_space<vmem>> -> memref<125xi32, #tpu.memory_space<vmem>>
    %dma_wait3A_85 = arith.constant 0 : i32
    %dma_wait3A_86 = tpu.memref_slice %arg7[%dma_wait3A_85] : memref<10240xf32, #tpu.memory_space<vmem_shared>> -> memref<10240xf32, #tpu.memory_space<vmem_shared>>
    tpu.wait_indirect_dma semaphore(%arg9 : memref<!tpu.dma_semaphore, #tpu.memory_space<semaphore_mem>>) src(%arg5 : memref<125xf32, #tpu.memory_space<vmem>>) dst(%dma_wait3A_86 : memref<10240xf32, #tpu.memory_space<vmem_shared>>)
    %dma_wait3A_87 = arith.constant 0 : i32
    %dma_wait3A_88 = arith.constant 0 : i32
    %dma_wait3A_89 = tpu.memref_slice %arg4[%dma_wait3A_87, %dma_wait3A_88] : memref<80x125xi32, #tpu.memory_space<vmem>> -> memref<1x125xi32, #tpu.memory_space<vmem>>
    %dma_wait3A_90 = tpu.memref_squeeze %dma_wait3A_89 : memref<1x125xi32, #tpu.memory_space<vmem>> -> memref<125xi32, #tpu.memory_space<vmem>>
    %dma_wait3A_91 = arith.constant 0 : i32
    %dma_wait3A_92 = tpu.memref_slice %arg7[%dma_wait3A_91] : memref<10240xf32, #tpu.memory_space<vmem_shared>> -> memref<10240xf32, #tpu.memory_space<vmem_shared>>
    tpu.wait_indirect_dma semaphore(%arg10 : memref<!tpu.dma_semaphore, #tpu.memory_space<semaphore_mem>>) src(%arg5 : memref<125xf32, #tpu.memory_space<vmem>>) dst(%dma_wait3A_92 : memref<10240xf32, #tpu.memory_space<vmem_shared>>)
    %dma_wait3A_93 = arith.constant 0 : i32
    %dma_wait3A_94 = arith.constant 0 : i32
    %dma_wait3A_95 = tpu.memref_slice %arg4[%dma_wait3A_93, %dma_wait3A_94] : memref<80x125xi32, #tpu.memory_space<vmem>> -> memref<1x125xi32, #tpu.memory_space<vmem>>
    %dma_wait3A_96 = tpu.memref_squeeze %dma_wait3A_95 : memref<1x125xi32, #tpu.memory_space<vmem>> -> memref<125xi32, #tpu.memory_space<vmem>>
    %dma_wait3A_97 = arith.constant 0 : i32
    %dma_wait3A_98 = tpu.memref_slice %arg7[%dma_wait3A_97] : memref<10240xf32, #tpu.memory_space<vmem_shared>> -> memref<10240xf32, #tpu.memory_space<vmem_shared>>
    tpu.wait_indirect_dma semaphore(%arg11 : memref<!tpu.dma_semaphore, #tpu.memory_space<semaphore_mem>>) src(%arg5 : memref<125xf32, #tpu.memory_space<vmem>>) dst(%dma_wait3A_98 : memref<10240xf32, #tpu.memory_space<vmem_shared>>)
    %dma_wait3A_99 = arith.constant 0 : i32
    %dma_wait3A_100 = arith.constant 0 : i32
    %dma_wait3A_101 = tpu.memref_slice %arg4[%dma_wait3A_99, %dma_wait3A_100] : memref<80x125xi32, #tpu.memory_space<vmem>> -> memref<1x125xi32, #tpu.memory_space<vmem>>
    %dma_wait3A_102 = tpu.memref_squeeze %dma_wait3A_101 : memref<1x125xi32, #tpu.memory_space<vmem>> -> memref<125xi32, #tpu.memory_space<vmem>>
    %dma_wait3A_103 = arith.constant 0 : i32
    %dma_wait3A_104 = tpu.memref_slice %arg7[%dma_wait3A_103] : memref<10240xf32, #tpu.memory_space<vmem_shared>> -> memref<10240xf32, #tpu.memory_space<vmem_shared>>
    tpu.wait_indirect_dma semaphore(%arg12 : memref<!tpu.dma_semaphore, #tpu.memory_space<semaphore_mem>>) src(%arg5 : memref<125xf32, #tpu.memory_space<vmem>>) dst(%dma_wait3A_104 : memref<10240xf32, #tpu.memory_space<vmem_shared>>)
    %dma_wait3A_105 = arith.constant 0 : i32
    %dma_wait3A_106 = arith.constant 0 : i32
    %dma_wait3A_107 = tpu.memref_slice %arg4[%dma_wait3A_105, %dma_wait3A_106] : memref<80x125xi32, #tpu.memory_space<vmem>> -> memref<1x125xi32, #tpu.memory_space<vmem>>
    %dma_wait3A_108 = tpu.memref_squeeze %dma_wait3A_107 : memref<1x125xi32, #tpu.memory_space<vmem>> -> memref<125xi32, #tpu.memory_space<vmem>>
    %dma_wait3A_109 = arith.constant 0 : i32
    %dma_wait3A_110 = tpu.memref_slice %arg7[%dma_wait3A_109] : memref<10240xf32, #tpu.memory_space<vmem_shared>> -> memref<10240xf32, #tpu.memory_space<vmem_shared>>
    tpu.wait_indirect_dma semaphore(%arg13 : memref<!tpu.dma_semaphore, #tpu.memory_space<semaphore_mem>>) src(%arg5 : memref<125xf32, #tpu.memory_space<vmem>>) dst(%dma_wait3A_110 : memref<10240xf32, #tpu.memory_space<vmem_shared>>)
    %dma_wait3A_111 = arith.constant 0 : i32
    %dma_wait3A_112 = arith.constant 0 : i32
    %dma_wait3A_113 = tpu.memref_slice %arg4[%dma_wait3A_111, %dma_wait3A_112] : memref<80x125xi32, #tpu.memory_space<vmem>> -> memref<1x125xi32, #tpu.memory_space<vmem>>
    %dma_wait3A_114 = tpu.memref_squeeze %dma_wait3A_113 : memref<1x125xi32, #tpu.memory_space<vmem>> -> memref<125xi32, #tpu.memory_space<vmem>>
    %dma_wait3A_115 = arith.constant 0 : i32
    %dma_wait3A_116 = tpu.memref_slice %arg7[%dma_wait3A_115] : memref<10240xf32, #tpu.memory_space<vmem_shared>> -> memref<10240xf32, #tpu.memory_space<vmem_shared>>
    tpu.wait_indirect_dma semaphore(%arg14 : memref<!tpu.dma_semaphore, #tpu.memory_space<semaphore_mem>>) src(%arg5 : memref<125xf32, #tpu.memory_space<vmem>>) dst(%dma_wait3A_116 : memref<10240xf32, #tpu.memory_space<vmem_shared>>)
    %dma_wait3A_117 = arith.constant 0 : i32
    %dma_wait3A_118 = arith.constant 0 : i32
    %dma_wait3A_119 = tpu.memref_slice %arg4[%dma_wait3A_117, %dma_wait3A_118] : memref<80x125xi32, #tpu.memory_space<vmem>> -> memref<1x125xi32, #tpu.memory_space<vmem>>
    %dma_wait3A_120 = tpu.memref_squeeze %dma_wait3A_119 : memref<1x125xi32, #tpu.memory_space<vmem>> -> memref<125xi32, #tpu.memory_space<vmem>>
    %dma_wait3A_121 = arith.constant 0 : i32
    %dma_wait3A_122 = tpu.memref_slice %arg7[%dma_wait3A_121] : memref<10240xf32, #tpu.memory_space<vmem_shared>> -> memref<10240xf32, #tpu.memory_space<vmem_shared>>
    tpu.wait_indirect_dma semaphore(%arg15 : memref<!tpu.dma_semaphore, #tpu.memory_space<semaphore_mem>>) src(%arg5 : memref<125xf32, #tpu.memory_space<vmem>>) dst(%dma_wait3A_122 : memref<10240xf32, #tpu.memory_space<vmem_shared>>)
    %barrier3A_123 = arith.constant 0 : index
    tpu.barrier barrier_id(%barrier3A_123)
    %mul3A_124 = arith.constant 640 : i32
    %mul3A_125 = arith.muli %arg1, %mul3A_124 : i32
    %mul3A_126 = arith.constant 640 : i32
    %mul3A_127 = arith.muli %arg1, %mul3A_126 : i32
    "tpu.region"() ({
      %run_scoped3A = tpu.sem_alloc : memref<!tpu.dma_semaphore, #tpu.memory_space<semaphore_mem>>
      %dma_start3A_128 = arith.constant 0 : i32
      %dma_start3A_129 = tpu.memref_slice %arg3[%arg0, %dma_start3A_128] : memref<2x10240xf32, #tpu.memory_space<hbm>> -> memref<1x10240xf32, #tpu.memory_space<hbm>>
      %dma_start3A_130 = tpu.memref_squeeze %dma_start3A_129 : memref<1x10240xf32, #tpu.memory_space<hbm>> -> memref<10240xf32, #tpu.memory_space<hbm>>
      %dma_start3A_131 = tpu.memref_slice %dma_start3A_130[%mul3A_127] : memref<10240xf32, #tpu.memory_space<hbm>> -> memref<640xf32, #tpu.memory_space<hbm>>
      %dma_start3A_132 = tpu.memref_slice %arg7[%mul3A_125] : memref<10240xf32, #tpu.memory_space<vmem_shared>> -> memref<640xf32, #tpu.memory_space<vmem_shared>>
      tpu.enqueue_dma source(%dma_start3A_132 : memref<640xf32, #tpu.memory_space<vmem_shared>>) target(%dma_start3A_131 : memref<640xf32, #tpu.memory_space<hbm>>) target_semaphore(%run_scoped3A : memref<!tpu.dma_semaphore, #tpu.memory_space<semaphore_mem>>)
      %dma_wait3A_133 = arith.constant 0 : i32
      %dma_wait3A_134 = tpu.memref_slice %arg3[%arg0, %dma_wait3A_133] : memref<2x10240xf32, #tpu.memory_space<hbm>> -> memref<1x10240xf32, #tpu.memory_space<hbm>>
      %dma_wait3A_135 = tpu.memref_squeeze %dma_wait3A_134 : memref<1x10240xf32, #tpu.memory_space<hbm>> -> memref<10240xf32, #tpu.memory_space<hbm>>
      %dma_wait3A_136 = tpu.memref_slice %dma_wait3A_135[%mul3A_127] : memref<10240xf32, #tpu.memory_space<hbm>> -> memref<640xf32, #tpu.memory_space<hbm>>
      %dma_wait3A_137 = tpu.memref_slice %arg7[%mul3A_125] : memref<10240xf32, #tpu.memory_space<vmem_shared>> -> memref<640xf32, #tpu.memory_space<vmem_shared>>
      tpu.wait_dma2 semaphore(%run_scoped3A : memref<!tpu.dma_semaphore, #tpu.memory_space<semaphore_mem>>) src(%dma_wait3A_137 : memref<640xf32, #tpu.memory_space<vmem_shared>>) dst(%dma_wait3A_136 : memref<640xf32, #tpu.memory_space<hbm>>)
      tpu.yield
    }) : () -> ()
    return
  }
}

#map = affine_map<(d0, d1) -> (0, 0)>
#map1 = affine_map<(d0, d1) -> (0, 0, 0)>
module attributes {stable_mosaic.version = 14 : i64} {
  func.func @scat_kernel(%arg0: i32, %arg1: i32, %arg2: memref<10240x16xf32, #tpu.memory_space<hbm>>, %arg3: memref<2560x125xi32, #tpu.memory_space<hbm>>, %arg4: memref<2560x125xi32, #tpu.memory_space<hbm>>, %arg5: memref<10240x16xf32, #tpu.memory_space<hbm>>, %arg6: memref<2x10240x16xf32, #tpu.memory_space<hbm>>, %arg7: memref<80x125xi32, #tpu.memory_space<vmem>>, %arg8: memref<80x125xi32, #tpu.memory_space<vmem>>, %arg9: memref<8x125x16xf32, #tpu.memory_space<vmem>>, %arg10: memref<10240x16xf32, #tpu.memory_space<vmem_shared>>, %arg11: memref<!tpu.dma_semaphore, #tpu.memory_space<semaphore_mem>>, %arg12: memref<!tpu.dma_semaphore, #tpu.memory_space<semaphore_mem>>, %arg13: memref<!tpu.dma_semaphore, #tpu.memory_space<semaphore_mem>>, %arg14: memref<!tpu.dma_semaphore, #tpu.memory_space<semaphore_mem>>, %arg15: memref<!tpu.dma_semaphore, #tpu.memory_space<semaphore_mem>>, %arg16: memref<!tpu.dma_semaphore, #tpu.memory_space<semaphore_mem>>, %arg17: memref<!tpu.dma_semaphore, #tpu.memory_space<semaphore_mem>>, %arg18: memref<!tpu.dma_semaphore, #tpu.memory_space<semaphore_mem>>, %arg19: memref<!tpu.dma_semaphore, #tpu.memory_space<semaphore_mem>>, %arg20: memref<!tpu.dma_semaphore, #tpu.memory_space<semaphore_mem>>, %arg21: memref<!tpu.dma_semaphore, #tpu.memory_space<semaphore_mem>>, %arg22: memref<!tpu.dma_semaphore, #tpu.memory_space<semaphore_mem>>, %arg23: memref<!tpu.dma_semaphore, #tpu.memory_space<semaphore_mem>>, %arg24: memref<!tpu.dma_semaphore, #tpu.memory_space<semaphore_mem>>, %arg25: memref<!tpu.dma_semaphore, #tpu.memory_space<semaphore_mem>>, %arg26: memref<!tpu.dma_semaphore, #tpu.memory_space<semaphore_mem>>) attributes {dimension_semantics = [#tpu.dimension_semantics<core_parallel>, #tpu.dimension_semantics<subcore_parallel>], iteration_bounds = array<i64: 2, 16>, scalar_prefetch = 0 : i64, scratch_operands = 20 : i64, tpu.core_type = #tpu.core_type<sc_vector_subcore>, window_params = [{transform_indices = #map}, {transform_indices = #map}, {transform_indices = #map}, {transform_indices = #map}, {transform_indices = #map1}]} {
    %mul3A = arith.constant 2 : i32
    %mul3A_0 = arith.muli %arg1, %mul3A : i32
    %add3A = arith.addi %mul3A_0, %arg0 : i32
    %mul3A_1 = arith.constant 640 : i32
    %mul3A_2 = arith.muli %arg1, %mul3A_1 : i32
    %mul3A_3 = arith.constant 640 : i32
    %mul3A_4 = arith.muli %arg1, %mul3A_3 : i32
    "tpu.region"() ({
      %run_scoped3A = tpu.sem_alloc : memref<!tpu.dma_semaphore, #tpu.memory_space<semaphore_mem>>
      %dma_start3A_210 = arith.constant 0 : i32
      %dma_start3A_211 = tpu.memref_slice %arg10[%mul3A_4, %dma_start3A_210] : memref<10240x16xf32, #tpu.memory_space<vmem_shared>> -> memref<640x16xf32, #tpu.memory_space<vmem_shared>>
      %dma_start3A_212 = arith.constant 0 : i32
      %dma_start3A_213 = tpu.memref_slice %arg5[%mul3A_2, %dma_start3A_212] : memref<10240x16xf32, #tpu.memory_space<hbm>> -> memref<640x16xf32, #tpu.memory_space<hbm>>
      tpu.enqueue_dma source(%dma_start3A_213 : memref<640x16xf32, #tpu.memory_space<hbm>>) target(%dma_start3A_211 : memref<640x16xf32, #tpu.memory_space<vmem_shared>>) target_semaphore(%run_scoped3A : memref<!tpu.dma_semaphore, #tpu.memory_space<semaphore_mem>>)
      %dma_wait3A_214 = arith.constant 0 : i32
      %dma_wait3A_215 = tpu.memref_slice %arg10[%mul3A_4, %dma_wait3A_214] : memref<10240x16xf32, #tpu.memory_space<vmem_shared>> -> memref<640x16xf32, #tpu.memory_space<vmem_shared>>
      %dma_wait3A_216 = arith.constant 0 : i32
      %dma_wait3A_217 = tpu.memref_slice %arg5[%mul3A_2, %dma_wait3A_216] : memref<10240x16xf32, #tpu.memory_space<hbm>> -> memref<640x16xf32, #tpu.memory_space<hbm>>
      tpu.wait_dma2 semaphore(%run_scoped3A : memref<!tpu.dma_semaphore, #tpu.memory_space<semaphore_mem>>) src(%dma_wait3A_217 : memref<640x16xf32, #tpu.memory_space<hbm>>) dst(%dma_wait3A_215 : memref<640x16xf32, #tpu.memory_space<vmem_shared>>)
      tpu.yield
    }) : () -> ()
    %mul3A_5 = arith.constant 80 : i32
    %mul3A_6 = arith.muli %add3A, %mul3A_5 : i32
    "tpu.region"() ({
      %run_scoped3A = tpu.sem_alloc : memref<!tpu.dma_semaphore, #tpu.memory_space<semaphore_mem>>
      %dma_start3A_210 = arith.constant 0 : i32
      %dma_start3A_211 = tpu.memref_slice %arg3[%mul3A_6, %dma_start3A_210] : memref<2560x125xi32, #tpu.memory_space<hbm>> -> memref<80x125xi32, #tpu.memory_space<hbm>>
      %dma_start3A_212 = arith.constant 0 : i32
      %dma_start3A_213 = tpu.memref_slice %arg3[%mul3A_6, %dma_start3A_212] : memref<2560x125xi32, #tpu.memory_space<hbm>> -> memref<80x125xi32, #tpu.memory_space<hbm>>
      tpu.enqueue_dma source(%dma_start3A_213 : memref<80x125xi32, #tpu.memory_space<hbm>>) target(%arg7 : memref<80x125xi32, #tpu.memory_space<vmem>>) target_semaphore(%run_scoped3A : memref<!tpu.dma_semaphore, #tpu.memory_space<semaphore_mem>>)
      %dma_wait3A_214 = arith.constant 0 : i32
      %dma_wait3A_215 = tpu.memref_slice %arg3[%mul3A_6, %dma_wait3A_214] : memref<2560x125xi32, #tpu.memory_space<hbm>> -> memref<80x125xi32, #tpu.memory_space<hbm>>
      %dma_wait3A_216 = arith.constant 0 : i32
      %dma_wait3A_217 = tpu.memref_slice %arg3[%mul3A_6, %dma_wait3A_216] : memref<2560x125xi32, #tpu.memory_space<hbm>> -> memref<80x125xi32, #tpu.memory_space<hbm>>
      tpu.wait_dma2 semaphore(%run_scoped3A : memref<!tpu.dma_semaphore, #tpu.memory_space<semaphore_mem>>) src(%dma_wait3A_217 : memref<80x125xi32, #tpu.memory_space<hbm>>) dst(%arg7 : memref<80x125xi32, #tpu.memory_space<vmem>>)
      tpu.yield
    }) : () -> ()
    %mul3A_7 = arith.constant 80 : i32
    %mul3A_8 = arith.muli %add3A, %mul3A_7 : i32
    "tpu.region"() ({
      %run_scoped3A = tpu.sem_alloc : memref<!tpu.dma_semaphore, #tpu.memory_space<semaphore_mem>>
      %dma_start3A_210 = arith.constant 0 : i32
      %dma_start3A_211 = tpu.memref_slice %arg4[%mul3A_8, %dma_start3A_210] : memref<2560x125xi32, #tpu.memory_space<hbm>> -> memref<80x125xi32, #tpu.memory_space<hbm>>
      %dma_start3A_212 = arith.constant 0 : i32
      %dma_start3A_213 = tpu.memref_slice %arg4[%mul3A_8, %dma_start3A_212] : memref<2560x125xi32, #tpu.memory_space<hbm>> -> memref<80x125xi32, #tpu.memory_space<hbm>>
      tpu.enqueue_dma source(%dma_start3A_213 : memref<80x125xi32, #tpu.memory_space<hbm>>) target(%arg8 : memref<80x125xi32, #tpu.memory_space<vmem>>) target_semaphore(%run_scoped3A : memref<!tpu.dma_semaphore, #tpu.memory_space<semaphore_mem>>)
      %dma_wait3A_214 = arith.constant 0 : i32
      %dma_wait3A_215 = tpu.memref_slice %arg4[%mul3A_8, %dma_wait3A_214] : memref<2560x125xi32, #tpu.memory_space<hbm>> -> memref<80x125xi32, #tpu.memory_space<hbm>>
      %dma_wait3A_216 = arith.constant 0 : i32
      %dma_wait3A_217 = tpu.memref_slice %arg4[%mul3A_8, %dma_wait3A_216] : memref<2560x125xi32, #tpu.memory_space<hbm>> -> memref<80x125xi32, #tpu.memory_space<hbm>>
      tpu.wait_dma2 semaphore(%run_scoped3A : memref<!tpu.dma_semaphore, #tpu.memory_space<semaphore_mem>>) src(%dma_wait3A_217 : memref<80x125xi32, #tpu.memory_space<hbm>>) dst(%arg8 : memref<80x125xi32, #tpu.memory_space<vmem>>)
      tpu.yield
    }) : () -> ()
    %barrier3A = arith.constant 0 : index
    tpu.barrier barrier_id(%barrier3A)
    %dma_start3A = arith.constant 0 : i32
    %dma_start3A_9 = arith.constant 0 : i32
    %dma_start3A_10 = arith.constant 0 : i32
    %dma_start3A_11 = arith.constant 0 : i32
    %dma_start3A_12 = tpu.memref_slice %arg9[%dma_start3A_9, %dma_start3A_10, %dma_start3A_11] : memref<8x125x16xf32, #tpu.memory_space<vmem>> -> memref<1x125x16xf32, #tpu.memory_space<vmem>>
    %dma_start3A_13 = tpu.memref_squeeze %dma_start3A_12 : memref<1x125x16xf32, #tpu.memory_space<vmem>> -> memref<125x16xf32, #tpu.memory_space<vmem>>
    %dma_start3A_14 = arith.constant 0 : i32
    %dma_start3A_15 = tpu.memref_slice %arg7[%dma_start3A, %dma_start3A_14] : memref<80x125xi32, #tpu.memory_space<vmem>> -> memref<1x125xi32, #tpu.memory_space<vmem>>
    %dma_start3A_16 = tpu.memref_squeeze %dma_start3A_15 : memref<1x125xi32, #tpu.memory_space<vmem>> -> memref<125xi32, #tpu.memory_space<vmem>>
    %dma_start3A_17 = arith.constant 0 : i32
    %dma_start3A_18 = arith.constant 0 : i32
    %dma_start3A_19 = tpu.memref_slice %arg2[%dma_start3A_17, %dma_start3A_18] : memref<10240x16xf32, #tpu.memory_space<hbm>> -> memref<10240x16xf32, #tpu.memory_space<hbm>>
    tpu.enqueue_indirect_dma source(%dma_start3A_19 : memref<10240x16xf32, #tpu.memory_space<hbm>>) target(%dma_start3A_13 : memref<125x16xf32, #tpu.memory_space<vmem>>) offsets(%dma_start3A_16 : memref<125xi32, #tpu.memory_space<vmem>>) semaphore(%arg11 : memref<!tpu.dma_semaphore, #tpu.memory_space<semaphore_mem>>)
    %dma_start3A_20 = arith.constant 1 : i32
    %dma_start3A_21 = arith.constant 1 : i32
    %dma_start3A_22 = arith.constant 0 : i32
    %dma_start3A_23 = arith.constant 0 : i32
    %dma_start3A_24 = tpu.memref_slice %arg9[%dma_start3A_21, %dma_start3A_22, %dma_start3A_23] : memref<8x125x16xf32, #tpu.memory_space<vmem>> -> memref<1x125x16xf32, #tpu.memory_space<vmem>>
    %dma_start3A_25 = tpu.memref_squeeze %dma_start3A_24 : memref<1x125x16xf32, #tpu.memory_space<vmem>> -> memref<125x16xf32, #tpu.memory_space<vmem>>
    %dma_start3A_26 = arith.constant 0 : i32
    %dma_start3A_27 = tpu.memref_slice %arg7[%dma_start3A_20, %dma_start3A_26] : memref<80x125xi32, #tpu.memory_space<vmem>> -> memref<1x125xi32, #tpu.memory_space<vmem>>
    %dma_start3A_28 = tpu.memref_squeeze %dma_start3A_27 : memref<1x125xi32, #tpu.memory_space<vmem>> -> memref<125xi32, #tpu.memory_space<vmem>>
    %dma_start3A_29 = arith.constant 0 : i32
    %dma_start3A_30 = arith.constant 0 : i32
    %dma_start3A_31 = tpu.memref_slice %arg2[%dma_start3A_29, %dma_start3A_30] : memref<10240x16xf32, #tpu.memory_space<hbm>> -> memref<10240x16xf32, #tpu.memory_space<hbm>>
    tpu.enqueue_indirect_dma source(%dma_start3A_31 : memref<10240x16xf32, #tpu.memory_space<hbm>>) target(%dma_start3A_25 : memref<125x16xf32, #tpu.memory_space<vmem>>) offsets(%dma_start3A_28 : memref<125xi32, #tpu.memory_space<vmem>>) semaphore(%arg12 : memref<!tpu.dma_semaphore, #tpu.memory_space<semaphore_mem>>)
    %dma_start3A_32 = arith.constant 2 : i32
    %dma_start3A_33 = arith.constant 2 : i32
    %dma_start3A_34 = arith.constant 0 : i32
    %dma_start3A_35 = arith.constant 0 : i32
    %dma_start3A_36 = tpu.memref_slice %arg9[%dma_start3A_33, %dma_start3A_34, %dma_start3A_35] : memref<8x125x16xf32, #tpu.memory_space<vmem>> -> memref<1x125x16xf32, #tpu.memory_space<vmem>>
    %dma_start3A_37 = tpu.memref_squeeze %dma_start3A_36 : memref<1x125x16xf32, #tpu.memory_space<vmem>> -> memref<125x16xf32, #tpu.memory_space<vmem>>
    %dma_start3A_38 = arith.constant 0 : i32
    %dma_start3A_39 = tpu.memref_slice %arg7[%dma_start3A_32, %dma_start3A_38] : memref<80x125xi32, #tpu.memory_space<vmem>> -> memref<1x125xi32, #tpu.memory_space<vmem>>
    %dma_start3A_40 = tpu.memref_squeeze %dma_start3A_39 : memref<1x125xi32, #tpu.memory_space<vmem>> -> memref<125xi32, #tpu.memory_space<vmem>>
    %dma_start3A_41 = arith.constant 0 : i32
    %dma_start3A_42 = arith.constant 0 : i32
    %dma_start3A_43 = tpu.memref_slice %arg2[%dma_start3A_41, %dma_start3A_42] : memref<10240x16xf32, #tpu.memory_space<hbm>> -> memref<10240x16xf32, #tpu.memory_space<hbm>>
    tpu.enqueue_indirect_dma source(%dma_start3A_43 : memref<10240x16xf32, #tpu.memory_space<hbm>>) target(%dma_start3A_37 : memref<125x16xf32, #tpu.memory_space<vmem>>) offsets(%dma_start3A_40 : memref<125xi32, #tpu.memory_space<vmem>>) semaphore(%arg13 : memref<!tpu.dma_semaphore, #tpu.memory_space<semaphore_mem>>)
    %dma_start3A_44 = arith.constant 3 : i32
    %dma_start3A_45 = arith.constant 3 : i32
    %dma_start3A_46 = arith.constant 0 : i32
    %dma_start3A_47 = arith.constant 0 : i32
    %dma_start3A_48 = tpu.memref_slice %arg9[%dma_start3A_45, %dma_start3A_46, %dma_start3A_47] : memref<8x125x16xf32, #tpu.memory_space<vmem>> -> memref<1x125x16xf32, #tpu.memory_space<vmem>>
    %dma_start3A_49 = tpu.memref_squeeze %dma_start3A_48 : memref<1x125x16xf32, #tpu.memory_space<vmem>> -> memref<125x16xf32, #tpu.memory_space<vmem>>
    %dma_start3A_50 = arith.constant 0 : i32
    %dma_start3A_51 = tpu.memref_slice %arg7[%dma_start3A_44, %dma_start3A_50] : memref<80x125xi32, #tpu.memory_space<vmem>> -> memref<1x125xi32, #tpu.memory_space<vmem>>
    %dma_start3A_52 = tpu.memref_squeeze %dma_start3A_51 : memref<1x125xi32, #tpu.memory_space<vmem>> -> memref<125xi32, #tpu.memory_space<vmem>>
    %dma_start3A_53 = arith.constant 0 : i32
    %dma_start3A_54 = arith.constant 0 : i32
    %dma_start3A_55 = tpu.memref_slice %arg2[%dma_start3A_53, %dma_start3A_54] : memref<10240x16xf32, #tpu.memory_space<hbm>> -> memref<10240x16xf32, #tpu.memory_space<hbm>>
    tpu.enqueue_indirect_dma source(%dma_start3A_55 : memref<10240x16xf32, #tpu.memory_space<hbm>>) target(%dma_start3A_49 : memref<125x16xf32, #tpu.memory_space<vmem>>) offsets(%dma_start3A_52 : memref<125xi32, #tpu.memory_space<vmem>>) semaphore(%arg14 : memref<!tpu.dma_semaphore, #tpu.memory_space<semaphore_mem>>)
    %dma_start3A_56 = arith.constant 4 : i32
    %dma_start3A_57 = arith.constant 4 : i32
    %dma_start3A_58 = arith.constant 0 : i32
    %dma_start3A_59 = arith.constant 0 : i32
    %dma_start3A_60 = tpu.memref_slice %arg9[%dma_start3A_57, %dma_start3A_58, %dma_start3A_59] : memref<8x125x16xf32, #tpu.memory_space<vmem>> -> memref<1x125x16xf32, #tpu.memory_space<vmem>>
    %dma_start3A_61 = tpu.memref_squeeze %dma_start3A_60 : memref<1x125x16xf32, #tpu.memory_space<vmem>> -> memref<125x16xf32, #tpu.memory_space<vmem>>
    %dma_start3A_62 = arith.constant 0 : i32
    %dma_start3A_63 = tpu.memref_slice %arg7[%dma_start3A_56, %dma_start3A_62] : memref<80x125xi32, #tpu.memory_space<vmem>> -> memref<1x125xi32, #tpu.memory_space<vmem>>
    %dma_start3A_64 = tpu.memref_squeeze %dma_start3A_63 : memref<1x125xi32, #tpu.memory_space<vmem>> -> memref<125xi32, #tpu.memory_space<vmem>>
    %dma_start3A_65 = arith.constant 0 : i32
    %dma_start3A_66 = arith.constant 0 : i32
    %dma_start3A_67 = tpu.memref_slice %arg2[%dma_start3A_65, %dma_start3A_66] : memref<10240x16xf32, #tpu.memory_space<hbm>> -> memref<10240x16xf32, #tpu.memory_space<hbm>>
    tpu.enqueue_indirect_dma source(%dma_start3A_67 : memref<10240x16xf32, #tpu.memory_space<hbm>>) target(%dma_start3A_61 : memref<125x16xf32, #tpu.memory_space<vmem>>) offsets(%dma_start3A_64 : memref<125xi32, #tpu.memory_space<vmem>>) semaphore(%arg15 : memref<!tpu.dma_semaphore, #tpu.memory_space<semaphore_mem>>)
    %dma_start3A_68 = arith.constant 5 : i32
    %dma_start3A_69 = arith.constant 5 : i32
    %dma_start3A_70 = arith.constant 0 : i32
    %dma_start3A_71 = arith.constant 0 : i32
    %dma_start3A_72 = tpu.memref_slice %arg9[%dma_start3A_69, %dma_start3A_70, %dma_start3A_71] : memref<8x125x16xf32, #tpu.memory_space<vmem>> -> memref<1x125x16xf32, #tpu.memory_space<vmem>>
    %dma_start3A_73 = tpu.memref_squeeze %dma_start3A_72 : memref<1x125x16xf32, #tpu.memory_space<vmem>> -> memref<125x16xf32, #tpu.memory_space<vmem>>
    %dma_start3A_74 = arith.constant 0 : i32
    %dma_start3A_75 = tpu.memref_slice %arg7[%dma_start3A_68, %dma_start3A_74] : memref<80x125xi32, #tpu.memory_space<vmem>> -> memref<1x125xi32, #tpu.memory_space<vmem>>
    %dma_start3A_76 = tpu.memref_squeeze %dma_start3A_75 : memref<1x125xi32, #tpu.memory_space<vmem>> -> memref<125xi32, #tpu.memory_space<vmem>>
    %dma_start3A_77 = arith.constant 0 : i32
    %dma_start3A_78 = arith.constant 0 : i32
    %dma_start3A_79 = tpu.memref_slice %arg2[%dma_start3A_77, %dma_start3A_78] : memref<10240x16xf32, #tpu.memory_space<hbm>> -> memref<10240x16xf32, #tpu.memory_space<hbm>>
    tpu.enqueue_indirect_dma source(%dma_start3A_79 : memref<10240x16xf32, #tpu.memory_space<hbm>>) target(%dma_start3A_73 : memref<125x16xf32, #tpu.memory_space<vmem>>) offsets(%dma_start3A_76 : memref<125xi32, #tpu.memory_space<vmem>>) semaphore(%arg16 : memref<!tpu.dma_semaphore, #tpu.memory_space<semaphore_mem>>)
    %dma_start3A_80 = arith.constant 6 : i32
    %dma_start3A_81 = arith.constant 6 : i32
    %dma_start3A_82 = arith.constant 0 : i32
    %dma_start3A_83 = arith.constant 0 : i32
    %dma_start3A_84 = tpu.memref_slice %arg9[%dma_start3A_81, %dma_start3A_82, %dma_start3A_83] : memref<8x125x16xf32, #tpu.memory_space<vmem>> -> memref<1x125x16xf32, #tpu.memory_space<vmem>>
    %dma_start3A_85 = tpu.memref_squeeze %dma_start3A_84 : memref<1x125x16xf32, #tpu.memory_space<vmem>> -> memref<125x16xf32, #tpu.memory_space<vmem>>
    %dma_start3A_86 = arith.constant 0 : i32
    %dma_start3A_87 = tpu.memref_slice %arg7[%dma_start3A_80, %dma_start3A_86] : memref<80x125xi32, #tpu.memory_space<vmem>> -> memref<1x125xi32, #tpu.memory_space<vmem>>
    %dma_start3A_88 = tpu.memref_squeeze %dma_start3A_87 : memref<1x125xi32, #tpu.memory_space<vmem>> -> memref<125xi32, #tpu.memory_space<vmem>>
    %dma_start3A_89 = arith.constant 0 : i32
    %dma_start3A_90 = arith.constant 0 : i32
    %dma_start3A_91 = tpu.memref_slice %arg2[%dma_start3A_89, %dma_start3A_90] : memref<10240x16xf32, #tpu.memory_space<hbm>> -> memref<10240x16xf32, #tpu.memory_space<hbm>>
    tpu.enqueue_indirect_dma source(%dma_start3A_91 : memref<10240x16xf32, #tpu.memory_space<hbm>>) target(%dma_start3A_85 : memref<125x16xf32, #tpu.memory_space<vmem>>) offsets(%dma_start3A_88 : memref<125xi32, #tpu.memory_space<vmem>>) semaphore(%arg17 : memref<!tpu.dma_semaphore, #tpu.memory_space<semaphore_mem>>)
    %dma_start3A_92 = arith.constant 7 : i32
    %dma_start3A_93 = arith.constant 7 : i32
    %dma_start3A_94 = arith.constant 0 : i32
    %dma_start3A_95 = arith.constant 0 : i32
    %dma_start3A_96 = tpu.memref_slice %arg9[%dma_start3A_93, %dma_start3A_94, %dma_start3A_95] : memref<8x125x16xf32, #tpu.memory_space<vmem>> -> memref<1x125x16xf32, #tpu.memory_space<vmem>>
    %dma_start3A_97 = tpu.memref_squeeze %dma_start3A_96 : memref<1x125x16xf32, #tpu.memory_space<vmem>> -> memref<125x16xf32, #tpu.memory_space<vmem>>
    %dma_start3A_98 = arith.constant 0 : i32
    %dma_start3A_99 = tpu.memref_slice %arg7[%dma_start3A_92, %dma_start3A_98] : memref<80x125xi32, #tpu.memory_space<vmem>> -> memref<1x125xi32, #tpu.memory_space<vmem>>
    %dma_start3A_100 = tpu.memref_squeeze %dma_start3A_99 : memref<1x125xi32, #tpu.memory_space<vmem>> -> memref<125xi32, #tpu.memory_space<vmem>>
    %dma_start3A_101 = arith.constant 0 : i32
    %dma_start3A_102 = arith.constant 0 : i32
    %dma_start3A_103 = tpu.memref_slice %arg2[%dma_start3A_101, %dma_start3A_102] : memref<10240x16xf32, #tpu.memory_space<hbm>> -> memref<10240x16xf32, #tpu.memory_space<hbm>>
    tpu.enqueue_indirect_dma source(%dma_start3A_103 : memref<10240x16xf32, #tpu.memory_space<hbm>>) target(%dma_start3A_97 : memref<125x16xf32, #tpu.memory_space<vmem>>) offsets(%dma_start3A_100 : memref<125xi32, #tpu.memory_space<vmem>>) semaphore(%arg18 : memref<!tpu.dma_semaphore, #tpu.memory_space<semaphore_mem>>)
    %scan3A = arith.constant 0 : i32
    %scan3A_104 = arith.constant 0 : i32
    %scan3A_105 = arith.constant 10 : i32
    %scan3A_106 = arith.addi %scan3A_104, %scan3A_105 : i32
    %scan3A_107 = arith.constant 1 : i32
    %scan3A_108 = scf.for %scan3A_210 = %scan3A_104 to %scan3A_106 step %scan3A_107 iter_args(%scan3A_211 = %scan3A) -> (i32)  : i32 {
      %mul3A_212 = arith.constant 8 : i32
      %mul3A_213 = arith.muli %scan3A_210, %mul3A_212 : i32
      %dma_wait3A_214 = arith.constant 0 : i32
      %dma_wait3A_215 = arith.constant 0 : i32
      %dma_wait3A_216 = arith.constant 0 : i32
      %dma_wait3A_217 = arith.constant 0 : i32
      %dma_wait3A_218 = tpu.memref_slice %arg9[%dma_wait3A_215, %dma_wait3A_216, %dma_wait3A_217] : memref<8x125x16xf32, #tpu.memory_space<vmem>> -> memref<1x125x16xf32, #tpu.memory_space<vmem>>
      %dma_wait3A_219 = tpu.memref_squeeze %dma_wait3A_218 : memref<1x125x16xf32, #tpu.memory_space<vmem>> -> memref<125x16xf32, #tpu.memory_space<vmem>>
      %dma_wait3A_220 = arith.constant 0 : i32
      %dma_wait3A_221 = tpu.memref_slice %arg7[%dma_wait3A_214, %dma_wait3A_220] : memref<80x125xi32, #tpu.memory_space<vmem>> -> memref<1x125xi32, #tpu.memory_space<vmem>>
      %dma_wait3A_222 = tpu.memref_squeeze %dma_wait3A_221 : memref<1x125xi32, #tpu.memory_space<vmem>> -> memref<125xi32, #tpu.memory_space<vmem>>
      %dma_wait3A_223 = arith.constant 0 : i32
      %dma_wait3A_224 = arith.constant 0 : i32
      %dma_wait3A_225 = tpu.memref_slice %arg2[%dma_wait3A_223, %dma_wait3A_224] : memref<10240x16xf32, #tpu.memory_space<hbm>> -> memref<10240x16xf32, #tpu.memory_space<hbm>>
      tpu.wait_indirect_dma semaphore(%arg11 : memref<!tpu.dma_semaphore, #tpu.memory_space<semaphore_mem>>) src(%dma_wait3A_225 : memref<10240x16xf32, #tpu.memory_space<hbm>>) dst(%dma_wait3A_219 : memref<125x16xf32, #tpu.memory_space<vmem>>)
      %add3A_226 = arith.constant 0 : i32
      %add3A_227 = arith.addi %mul3A_213, %add3A_226 : i32
      %dma_start3A_228 = arith.constant 0 : i32
      %dma_start3A_229 = arith.constant 0 : i32
      %dma_start3A_230 = arith.constant 0 : i32
      %dma_start3A_231 = tpu.memref_slice %arg9[%dma_start3A_228, %dma_start3A_229, %dma_start3A_230] : memref<8x125x16xf32, #tpu.memory_space<vmem>> -> memref<1x125x16xf32, #tpu.memory_space<vmem>>
      %dma_start3A_232 = tpu.memref_squeeze %dma_start3A_231 : memref<1x125x16xf32, #tpu.memory_space<vmem>> -> memref<125x16xf32, #tpu.memory_space<vmem>>
      %dma_start3A_233 = arith.constant 0 : i32
      %dma_start3A_234 = tpu.memref_slice %arg8[%add3A_227, %dma_start3A_233] : memref<80x125xi32, #tpu.memory_space<vmem>> -> memref<1x125xi32, #tpu.memory_space<vmem>>
      %dma_start3A_235 = tpu.memref_squeeze %dma_start3A_234 : memref<1x125xi32, #tpu.memory_space<vmem>> -> memref<125xi32, #tpu.memory_space<vmem>>
      %dma_start3A_236 = arith.constant 0 : i32
      %dma_start3A_237 = arith.constant 0 : i32
      %dma_start3A_238 = tpu.memref_slice %arg10[%dma_start3A_236, %dma_start3A_237] : memref<10240x16xf32, #tpu.memory_space<vmem_shared>> -> memref<10240x16xf32, #tpu.memory_space<vmem_shared>>
      tpu.enqueue_indirect_dma source(%dma_start3A_232 : memref<125x16xf32, #tpu.memory_space<vmem>>) target(%dma_start3A_238 : memref<10240x16xf32, #tpu.memory_space<vmem_shared>>) offsets(%dma_start3A_235 : memref<125xi32, #tpu.memory_space<vmem>>) semaphore(%arg19 : memref<!tpu.dma_semaphore, #tpu.memory_space<semaphore_mem>>) {add = true}
      %dma_wait3A_239 = arith.constant 0 : i32
      %dma_wait3A_240 = arith.constant 1 : i32
      %dma_wait3A_241 = arith.constant 0 : i32
      %dma_wait3A_242 = arith.constant 0 : i32
      %dma_wait3A_243 = tpu.memref_slice %arg9[%dma_wait3A_240, %dma_wait3A_241, %dma_wait3A_242] : memref<8x125x16xf32, #tpu.memory_space<vmem>> -> memref<1x125x16xf32, #tpu.memory_space<vmem>>
      %dma_wait3A_244 = tpu.memref_squeeze %dma_wait3A_243 : memref<1x125x16xf32, #tpu.memory_space<vmem>> -> memref<125x16xf32, #tpu.memory_space<vmem>>
      %dma_wait3A_245 = arith.constant 0 : i32
      %dma_wait3A_246 = tpu.memref_slice %arg7[%dma_wait3A_239, %dma_wait3A_245] : memref<80x125xi32, #tpu.memory_space<vmem>> -> memref<1x125xi32, #tpu.memory_space<vmem>>
      %dma_wait3A_247 = tpu.memref_squeeze %dma_wait3A_246 : memref<1x125xi32, #tpu.memory_space<vmem>> -> memref<125xi32, #tpu.memory_space<vmem>>
      %dma_wait3A_248 = arith.constant 0 : i32
      %dma_wait3A_249 = arith.constant 0 : i32
      %dma_wait3A_250 = tpu.memref_slice %arg2[%dma_wait3A_248, %dma_wait3A_249] : memref<10240x16xf32, #tpu.memory_space<hbm>> -> memref<10240x16xf32, #tpu.memory_space<hbm>>
      tpu.wait_indirect_dma semaphore(%arg12 : memref<!tpu.dma_semaphore, #tpu.memory_space<semaphore_mem>>) src(%dma_wait3A_250 : memref<10240x16xf32, #tpu.memory_space<hbm>>) dst(%dma_wait3A_244 : memref<125x16xf32, #tpu.memory_space<vmem>>)
      %add3A_251 = arith.constant 1 : i32
      %add3A_252 = arith.addi %mul3A_213, %add3A_251 : i32
      %dma_start3A_253 = arith.constant 1 : i32
      %dma_start3A_254 = arith.constant 0 : i32
      %dma_start3A_255 = arith.constant 0 : i32
      %dma_start3A_256 = tpu.memref_slice %arg9[%dma_start3A_253, %dma_start3A_254, %dma_start3A_255] : memref<8x125x16xf32, #tpu.memory_space<vmem>> -> memref<1x125x16xf32, #tpu.memory_space<vmem>>
      %dma_start3A_257 = tpu.memref_squeeze %dma_start3A_256 : memref<1x125x16xf32, #tpu.memory_space<vmem>> -> memref<125x16xf32, #tpu.memory_space<vmem>>
      %dma_start3A_258 = arith.constant 0 : i32
      %dma_start3A_259 = tpu.memref_slice %arg8[%add3A_252, %dma_start3A_258] : memref<80x125xi32, #tpu.memory_space<vmem>> -> memref<1x125xi32, #tpu.memory_space<vmem>>
      %dma_start3A_260 = tpu.memref_squeeze %dma_start3A_259 : memref<1x125xi32, #tpu.memory_space<vmem>> -> memref<125xi32, #tpu.memory_space<vmem>>
      %dma_start3A_261 = arith.constant 0 : i32
      %dma_start3A_262 = arith.constant 0 : i32
      %dma_start3A_263 = tpu.memref_slice %arg10[%dma_start3A_261, %dma_start3A_262] : memref<10240x16xf32, #tpu.memory_space<vmem_shared>> -> memref<10240x16xf32, #tpu.memory_space<vmem_shared>>
      tpu.enqueue_indirect_dma source(%dma_start3A_257 : memref<125x16xf32, #tpu.memory_space<vmem>>) target(%dma_start3A_263 : memref<10240x16xf32, #tpu.memory_space<vmem_shared>>) offsets(%dma_start3A_260 : memref<125xi32, #tpu.memory_space<vmem>>) semaphore(%arg20 : memref<!tpu.dma_semaphore, #tpu.memory_space<semaphore_mem>>) {add = true}
      %dma_wait3A_264 = arith.constant 0 : i32
      %dma_wait3A_265 = arith.constant 2 : i32
      %dma_wait3A_266 = arith.constant 0 : i32
      %dma_wait3A_267 = arith.constant 0 : i32
      %dma_wait3A_268 = tpu.memref_slice %arg9[%dma_wait3A_265, %dma_wait3A_266, %dma_wait3A_267] : memref<8x125x16xf32, #tpu.memory_space<vmem>> -> memref<1x125x16xf32, #tpu.memory_space<vmem>>
      %dma_wait3A_269 = tpu.memref_squeeze %dma_wait3A_268 : memref<1x125x16xf32, #tpu.memory_space<vmem>> -> memref<125x16xf32, #tpu.memory_space<vmem>>
      %dma_wait3A_270 = arith.constant 0 : i32
      %dma_wait3A_271 = tpu.memref_slice %arg7[%dma_wait3A_264, %dma_wait3A_270] : memref<80x125xi32, #tpu.memory_space<vmem>> -> memref<1x125xi32, #tpu.memory_space<vmem>>
      %dma_wait3A_272 = tpu.memref_squeeze %dma_wait3A_271 : memref<1x125xi32, #tpu.memory_space<vmem>> -> memref<125xi32, #tpu.memory_space<vmem>>
      %dma_wait3A_273 = arith.constant 0 : i32
      %dma_wait3A_274 = arith.constant 0 : i32
      %dma_wait3A_275 = tpu.memref_slice %arg2[%dma_wait3A_273, %dma_wait3A_274] : memref<10240x16xf32, #tpu.memory_space<hbm>> -> memref<10240x16xf32, #tpu.memory_space<hbm>>
      tpu.wait_indirect_dma semaphore(%arg13 : memref<!tpu.dma_semaphore, #tpu.memory_space<semaphore_mem>>) src(%dma_wait3A_275 : memref<10240x16xf32, #tpu.memory_space<hbm>>) dst(%dma_wait3A_269 : memref<125x16xf32, #tpu.memory_space<vmem>>)
      %add3A_276 = arith.constant 2 : i32
      %add3A_277 = arith.addi %mul3A_213, %add3A_276 : i32
      %dma_start3A_278 = arith.constant 2 : i32
      %dma_start3A_279 = arith.constant 0 : i32
      %dma_start3A_280 = arith.constant 0 : i32
      %dma_start3A_281 = tpu.memref_slice %arg9[%dma_start3A_278, %dma_start3A_279, %dma_start3A_280] : memref<8x125x16xf32, #tpu.memory_space<vmem>> -> memref<1x125x16xf32, #tpu.memory_space<vmem>>
      %dma_start3A_282 = tpu.memref_squeeze %dma_start3A_281 : memref<1x125x16xf32, #tpu.memory_space<vmem>> -> memref<125x16xf32, #tpu.memory_space<vmem>>
      %dma_start3A_283 = arith.constant 0 : i32
      %dma_start3A_284 = tpu.memref_slice %arg8[%add3A_277, %dma_start3A_283] : memref<80x125xi32, #tpu.memory_space<vmem>> -> memref<1x125xi32, #tpu.memory_space<vmem>>
      %dma_start3A_285 = tpu.memref_squeeze %dma_start3A_284 : memref<1x125xi32, #tpu.memory_space<vmem>> -> memref<125xi32, #tpu.memory_space<vmem>>
      %dma_start3A_286 = arith.constant 0 : i32
      %dma_start3A_287 = arith.constant 0 : i32
      %dma_start3A_288 = tpu.memref_slice %arg10[%dma_start3A_286, %dma_start3A_287] : memref<10240x16xf32, #tpu.memory_space<vmem_shared>> -> memref<10240x16xf32, #tpu.memory_space<vmem_shared>>
      tpu.enqueue_indirect_dma source(%dma_start3A_282 : memref<125x16xf32, #tpu.memory_space<vmem>>) target(%dma_start3A_288 : memref<10240x16xf32, #tpu.memory_space<vmem_shared>>) offsets(%dma_start3A_285 : memref<125xi32, #tpu.memory_space<vmem>>) semaphore(%arg21 : memref<!tpu.dma_semaphore, #tpu.memory_space<semaphore_mem>>) {add = true}
      %dma_wait3A_289 = arith.constant 0 : i32
      %dma_wait3A_290 = arith.constant 3 : i32
      %dma_wait3A_291 = arith.constant 0 : i32
      %dma_wait3A_292 = arith.constant 0 : i32
      %dma_wait3A_293 = tpu.memref_slice %arg9[%dma_wait3A_290, %dma_wait3A_291, %dma_wait3A_292] : memref<8x125x16xf32, #tpu.memory_space<vmem>> -> memref<1x125x16xf32, #tpu.memory_space<vmem>>
      %dma_wait3A_294 = tpu.memref_squeeze %dma_wait3A_293 : memref<1x125x16xf32, #tpu.memory_space<vmem>> -> memref<125x16xf32, #tpu.memory_space<vmem>>
      %dma_wait3A_295 = arith.constant 0 : i32
      %dma_wait3A_296 = tpu.memref_slice %arg7[%dma_wait3A_289, %dma_wait3A_295] : memref<80x125xi32, #tpu.memory_space<vmem>> -> memref<1x125xi32, #tpu.memory_space<vmem>>
      %dma_wait3A_297 = tpu.memref_squeeze %dma_wait3A_296 : memref<1x125xi32, #tpu.memory_space<vmem>> -> memref<125xi32, #tpu.memory_space<vmem>>
      %dma_wait3A_298 = arith.constant 0 : i32
      %dma_wait3A_299 = arith.constant 0 : i32
      %dma_wait3A_300 = tpu.memref_slice %arg2[%dma_wait3A_298, %dma_wait3A_299] : memref<10240x16xf32, #tpu.memory_space<hbm>> -> memref<10240x16xf32, #tpu.memory_space<hbm>>
      tpu.wait_indirect_dma semaphore(%arg14 : memref<!tpu.dma_semaphore, #tpu.memory_space<semaphore_mem>>) src(%dma_wait3A_300 : memref<10240x16xf32, #tpu.memory_space<hbm>>) dst(%dma_wait3A_294 : memref<125x16xf32, #tpu.memory_space<vmem>>)
      %add3A_301 = arith.constant 3 : i32
      %add3A_302 = arith.addi %mul3A_213, %add3A_301 : i32
      %dma_start3A_303 = arith.constant 3 : i32
      %dma_start3A_304 = arith.constant 0 : i32
      %dma_start3A_305 = arith.constant 0 : i32
      %dma_start3A_306 = tpu.memref_slice %arg9[%dma_start3A_303, %dma_start3A_304, %dma_start3A_305] : memref<8x125x16xf32, #tpu.memory_space<vmem>> -> memref<1x125x16xf32, #tpu.memory_space<vmem>>
      %dma_start3A_307 = tpu.memref_squeeze %dma_start3A_306 : memref<1x125x16xf32, #tpu.memory_space<vmem>> -> memref<125x16xf32, #tpu.memory_space<vmem>>
      %dma_start3A_308 = arith.constant 0 : i32
      %dma_start3A_309 = tpu.memref_slice %arg8[%add3A_302, %dma_start3A_308] : memref<80x125xi32, #tpu.memory_space<vmem>> -> memref<1x125xi32, #tpu.memory_space<vmem>>
      %dma_start3A_310 = tpu.memref_squeeze %dma_start3A_309 : memref<1x125xi32, #tpu.memory_space<vmem>> -> memref<125xi32, #tpu.memory_space<vmem>>
      %dma_start3A_311 = arith.constant 0 : i32
      %dma_start3A_312 = arith.constant 0 : i32
      %dma_start3A_313 = tpu.memref_slice %arg10[%dma_start3A_311, %dma_start3A_312] : memref<10240x16xf32, #tpu.memory_space<vmem_shared>> -> memref<10240x16xf32, #tpu.memory_space<vmem_shared>>
      tpu.enqueue_indirect_dma source(%dma_start3A_307 : memref<125x16xf32, #tpu.memory_space<vmem>>) target(%dma_start3A_313 : memref<10240x16xf32, #tpu.memory_space<vmem_shared>>) offsets(%dma_start3A_310 : memref<125xi32, #tpu.memory_space<vmem>>) semaphore(%arg22 : memref<!tpu.dma_semaphore, #tpu.memory_space<semaphore_mem>>) {add = true}
      %dma_wait3A_314 = arith.constant 0 : i32
      %dma_wait3A_315 = arith.constant 4 : i32
      %dma_wait3A_316 = arith.constant 0 : i32
      %dma_wait3A_317 = arith.constant 0 : i32
      %dma_wait3A_318 = tpu.memref_slice %arg9[%dma_wait3A_315, %dma_wait3A_316, %dma_wait3A_317] : memref<8x125x16xf32, #tpu.memory_space<vmem>> -> memref<1x125x16xf32, #tpu.memory_space<vmem>>
      %dma_wait3A_319 = tpu.memref_squeeze %dma_wait3A_318 : memref<1x125x16xf32, #tpu.memory_space<vmem>> -> memref<125x16xf32, #tpu.memory_space<vmem>>
      %dma_wait3A_320 = arith.constant 0 : i32
      %dma_wait3A_321 = tpu.memref_slice %arg7[%dma_wait3A_314, %dma_wait3A_320] : memref<80x125xi32, #tpu.memory_space<vmem>> -> memref<1x125xi32, #tpu.memory_space<vmem>>
      %dma_wait3A_322 = tpu.memref_squeeze %dma_wait3A_321 : memref<1x125xi32, #tpu.memory_space<vmem>> -> memref<125xi32, #tpu.memory_space<vmem>>
      %dma_wait3A_323 = arith.constant 0 : i32
      %dma_wait3A_324 = arith.constant 0 : i32
      %dma_wait3A_325 = tpu.memref_slice %arg2[%dma_wait3A_323, %dma_wait3A_324] : memref<10240x16xf32, #tpu.memory_space<hbm>> -> memref<10240x16xf32, #tpu.memory_space<hbm>>
      tpu.wait_indirect_dma semaphore(%arg15 : memref<!tpu.dma_semaphore, #tpu.memory_space<semaphore_mem>>) src(%dma_wait3A_325 : memref<10240x16xf32, #tpu.memory_space<hbm>>) dst(%dma_wait3A_319 : memref<125x16xf32, #tpu.memory_space<vmem>>)
      %add3A_326 = arith.constant 4 : i32
      %add3A_327 = arith.addi %mul3A_213, %add3A_326 : i32
      %dma_start3A_328 = arith.constant 4 : i32
      %dma_start3A_329 = arith.constant 0 : i32
      %dma_start3A_330 = arith.constant 0 : i32
      %dma_start3A_331 = tpu.memref_slice %arg9[%dma_start3A_328, %dma_start3A_329, %dma_start3A_330] : memref<8x125x16xf32, #tpu.memory_space<vmem>> -> memref<1x125x16xf32, #tpu.memory_space<vmem>>
      %dma_start3A_332 = tpu.memref_squeeze %dma_start3A_331 : memref<1x125x16xf32, #tpu.memory_space<vmem>> -> memref<125x16xf32, #tpu.memory_space<vmem>>
      %dma_start3A_333 = arith.constant 0 : i32
      %dma_start3A_334 = tpu.memref_slice %arg8[%add3A_327, %dma_start3A_333] : memref<80x125xi32, #tpu.memory_space<vmem>> -> memref<1x125xi32, #tpu.memory_space<vmem>>
      %dma_start3A_335 = tpu.memref_squeeze %dma_start3A_334 : memref<1x125xi32, #tpu.memory_space<vmem>> -> memref<125xi32, #tpu.memory_space<vmem>>
      %dma_start3A_336 = arith.constant 0 : i32
      %dma_start3A_337 = arith.constant 0 : i32
      %dma_start3A_338 = tpu.memref_slice %arg10[%dma_start3A_336, %dma_start3A_337] : memref<10240x16xf32, #tpu.memory_space<vmem_shared>> -> memref<10240x16xf32, #tpu.memory_space<vmem_shared>>
      tpu.enqueue_indirect_dma source(%dma_start3A_332 : memref<125x16xf32, #tpu.memory_space<vmem>>) target(%dma_start3A_338 : memref<10240x16xf32, #tpu.memory_space<vmem_shared>>) offsets(%dma_start3A_335 : memref<125xi32, #tpu.memory_space<vmem>>) semaphore(%arg23 : memref<!tpu.dma_semaphore, #tpu.memory_space<semaphore_mem>>) {add = true}
      %dma_wait3A_339 = arith.constant 0 : i32
      %dma_wait3A_340 = arith.constant 5 : i32
      %dma_wait3A_341 = arith.constant 0 : i32
      %dma_wait3A_342 = arith.constant 0 : i32
      %dma_wait3A_343 = tpu.memref_slice %arg9[%dma_wait3A_340, %dma_wait3A_341, %dma_wait3A_342] : memref<8x125x16xf32, #tpu.memory_space<vmem>> -> memref<1x125x16xf32, #tpu.memory_space<vmem>>
      %dma_wait3A_344 = tpu.memref_squeeze %dma_wait3A_343 : memref<1x125x16xf32, #tpu.memory_space<vmem>> -> memref<125x16xf32, #tpu.memory_space<vmem>>
      %dma_wait3A_345 = arith.constant 0 : i32
      %dma_wait3A_346 = tpu.memref_slice %arg7[%dma_wait3A_339, %dma_wait3A_345] : memref<80x125xi32, #tpu.memory_space<vmem>> -> memref<1x125xi32, #tpu.memory_space<vmem>>
      %dma_wait3A_347 = tpu.memref_squeeze %dma_wait3A_346 : memref<1x125xi32, #tpu.memory_space<vmem>> -> memref<125xi32, #tpu.memory_space<vmem>>
      %dma_wait3A_348 = arith.constant 0 : i32
      %dma_wait3A_349 = arith.constant 0 : i32
      %dma_wait3A_350 = tpu.memref_slice %arg2[%dma_wait3A_348, %dma_wait3A_349] : memref<10240x16xf32, #tpu.memory_space<hbm>> -> memref<10240x16xf32, #tpu.memory_space<hbm>>
      tpu.wait_indirect_dma semaphore(%arg16 : memref<!tpu.dma_semaphore, #tpu.memory_space<semaphore_mem>>) src(%dma_wait3A_350 : memref<10240x16xf32, #tpu.memory_space<hbm>>) dst(%dma_wait3A_344 : memref<125x16xf32, #tpu.memory_space<vmem>>)
      %add3A_351 = arith.constant 5 : i32
      %add3A_352 = arith.addi %mul3A_213, %add3A_351 : i32
      %dma_start3A_353 = arith.constant 5 : i32
      %dma_start3A_354 = arith.constant 0 : i32
      %dma_start3A_355 = arith.constant 0 : i32
      %dma_start3A_356 = tpu.memref_slice %arg9[%dma_start3A_353, %dma_start3A_354, %dma_start3A_355] : memref<8x125x16xf32, #tpu.memory_space<vmem>> -> memref<1x125x16xf32, #tpu.memory_space<vmem>>
      %dma_start3A_357 = tpu.memref_squeeze %dma_start3A_356 : memref<1x125x16xf32, #tpu.memory_space<vmem>> -> memref<125x16xf32, #tpu.memory_space<vmem>>
      %dma_start3A_358 = arith.constant 0 : i32
      %dma_start3A_359 = tpu.memref_slice %arg8[%add3A_352, %dma_start3A_358] : memref<80x125xi32, #tpu.memory_space<vmem>> -> memref<1x125xi32, #tpu.memory_space<vmem>>
      %dma_start3A_360 = tpu.memref_squeeze %dma_start3A_359 : memref<1x125xi32, #tpu.memory_space<vmem>> -> memref<125xi32, #tpu.memory_space<vmem>>
      %dma_start3A_361 = arith.constant 0 : i32
      %dma_start3A_362 = arith.constant 0 : i32
      %dma_start3A_363 = tpu.memref_slice %arg10[%dma_start3A_361, %dma_start3A_362] : memref<10240x16xf32, #tpu.memory_space<vmem_shared>> -> memref<10240x16xf32, #tpu.memory_space<vmem_shared>>
      tpu.enqueue_indirect_dma source(%dma_start3A_357 : memref<125x16xf32, #tpu.memory_space<vmem>>) target(%dma_start3A_363 : memref<10240x16xf32, #tpu.memory_space<vmem_shared>>) offsets(%dma_start3A_360 : memref<125xi32, #tpu.memory_space<vmem>>) semaphore(%arg24 : memref<!tpu.dma_semaphore, #tpu.memory_space<semaphore_mem>>) {add = true}
      %dma_wait3A_364 = arith.constant 0 : i32
      %dma_wait3A_365 = arith.constant 6 : i32
      %dma_wait3A_366 = arith.constant 0 : i32
      %dma_wait3A_367 = arith.constant 0 : i32
      %dma_wait3A_368 = tpu.memref_slice %arg9[%dma_wait3A_365, %dma_wait3A_366, %dma_wait3A_367] : memref<8x125x16xf32, #tpu.memory_space<vmem>> -> memref<1x125x16xf32, #tpu.memory_space<vmem>>
      %dma_wait3A_369 = tpu.memref_squeeze %dma_wait3A_368 : memref<1x125x16xf32, #tpu.memory_space<vmem>> -> memref<125x16xf32, #tpu.memory_space<vmem>>
      %dma_wait3A_370 = arith.constant 0 : i32
      %dma_wait3A_371 = tpu.memref_slice %arg7[%dma_wait3A_364, %dma_wait3A_370] : memref<80x125xi32, #tpu.memory_space<vmem>> -> memref<1x125xi32, #tpu.memory_space<vmem>>
      %dma_wait3A_372 = tpu.memref_squeeze %dma_wait3A_371 : memref<1x125xi32, #tpu.memory_space<vmem>> -> memref<125xi32, #tpu.memory_space<vmem>>
      %dma_wait3A_373 = arith.constant 0 : i32
      %dma_wait3A_374 = arith.constant 0 : i32
      %dma_wait3A_375 = tpu.memref_slice %arg2[%dma_wait3A_373, %dma_wait3A_374] : memref<10240x16xf32, #tpu.memory_space<hbm>> -> memref<10240x16xf32, #tpu.memory_space<hbm>>
      tpu.wait_indirect_dma semaphore(%arg17 : memref<!tpu.dma_semaphore, #tpu.memory_space<semaphore_mem>>) src(%dma_wait3A_375 : memref<10240x16xf32, #tpu.memory_space<hbm>>) dst(%dma_wait3A_369 : memref<125x16xf32, #tpu.memory_space<vmem>>)
      %add3A_376 = arith.constant 6 : i32
      %add3A_377 = arith.addi %mul3A_213, %add3A_376 : i32
      %dma_start3A_378 = arith.constant 6 : i32
      %dma_start3A_379 = arith.constant 0 : i32
      %dma_start3A_380 = arith.constant 0 : i32
      %dma_start3A_381 = tpu.memref_slice %arg9[%dma_start3A_378, %dma_start3A_379, %dma_start3A_380] : memref<8x125x16xf32, #tpu.memory_space<vmem>> -> memref<1x125x16xf32, #tpu.memory_space<vmem>>
      %dma_start3A_382 = tpu.memref_squeeze %dma_start3A_381 : memref<1x125x16xf32, #tpu.memory_space<vmem>> -> memref<125x16xf32, #tpu.memory_space<vmem>>
      %dma_start3A_383 = arith.constant 0 : i32
      %dma_start3A_384 = tpu.memref_slice %arg8[%add3A_377, %dma_start3A_383] : memref<80x125xi32, #tpu.memory_space<vmem>> -> memref<1x125xi32, #tpu.memory_space<vmem>>
      %dma_start3A_385 = tpu.memref_squeeze %dma_start3A_384 : memref<1x125xi32, #tpu.memory_space<vmem>> -> memref<125xi32, #tpu.memory_space<vmem>>
      %dma_start3A_386 = arith.constant 0 : i32
      %dma_start3A_387 = arith.constant 0 : i32
      %dma_start3A_388 = tpu.memref_slice %arg10[%dma_start3A_386, %dma_start3A_387] : memref<10240x16xf32, #tpu.memory_space<vmem_shared>> -> memref<10240x16xf32, #tpu.memory_space<vmem_shared>>
      tpu.enqueue_indirect_dma source(%dma_start3A_382 : memref<125x16xf32, #tpu.memory_space<vmem>>) target(%dma_start3A_388 : memref<10240x16xf32, #tpu.memory_space<vmem_shared>>) offsets(%dma_start3A_385 : memref<125xi32, #tpu.memory_space<vmem>>) semaphore(%arg25 : memref<!tpu.dma_semaphore, #tpu.memory_space<semaphore_mem>>) {add = true}
      %dma_wait3A_389 = arith.constant 0 : i32
      %dma_wait3A_390 = arith.constant 7 : i32
      %dma_wait3A_391 = arith.constant 0 : i32
      %dma_wait3A_392 = arith.constant 0 : i32
      %dma_wait3A_393 = tpu.memref_slice %arg9[%dma_wait3A_390, %dma_wait3A_391, %dma_wait3A_392] : memref<8x125x16xf32, #tpu.memory_space<vmem>> -> memref<1x125x16xf32, #tpu.memory_space<vmem>>
      %dma_wait3A_394 = tpu.memref_squeeze %dma_wait3A_393 : memref<1x125x16xf32, #tpu.memory_space<vmem>> -> memref<125x16xf32, #tpu.memory_space<vmem>>
      %dma_wait3A_395 = arith.constant 0 : i32
      %dma_wait3A_396 = tpu.memref_slice %arg7[%dma_wait3A_389, %dma_wait3A_395] : memref<80x125xi32, #tpu.memory_space<vmem>> -> memref<1x125xi32, #tpu.memory_space<vmem>>
      %dma_wait3A_397 = tpu.memref_squeeze %dma_wait3A_396 : memref<1x125xi32, #tpu.memory_space<vmem>> -> memref<125xi32, #tpu.memory_space<vmem>>
      %dma_wait3A_398 = arith.constant 0 : i32
      %dma_wait3A_399 = arith.constant 0 : i32
      %dma_wait3A_400 = tpu.memref_slice %arg2[%dma_wait3A_398, %dma_wait3A_399] : memref<10240x16xf32, #tpu.memory_space<hbm>> -> memref<10240x16xf32, #tpu.memory_space<hbm>>
      tpu.wait_indirect_dma semaphore(%arg18 : memref<!tpu.dma_semaphore, #tpu.memory_space<semaphore_mem>>) src(%dma_wait3A_400 : memref<10240x16xf32, #tpu.memory_space<hbm>>) dst(%dma_wait3A_394 : memref<125x16xf32, #tpu.memory_space<vmem>>)
      %add3A_401 = arith.constant 7 : i32
      %add3A_402 = arith.addi %mul3A_213, %add3A_401 : i32
      %dma_start3A_403 = arith.constant 7 : i32
      %dma_start3A_404 = arith.constant 0 : i32
      %dma_start3A_405 = arith.constant 0 : i32
      %dma_start3A_406 = tpu.memref_slice %arg9[%dma_start3A_403, %dma_start3A_404, %dma_start3A_405] : memref<8x125x16xf32, #tpu.memory_space<vmem>> -> memref<1x125x16xf32, #tpu.memory_space<vmem>>
      %dma_start3A_407 = tpu.memref_squeeze %dma_start3A_406 : memref<1x125x16xf32, #tpu.memory_space<vmem>> -> memref<125x16xf32, #tpu.memory_space<vmem>>
      %dma_start3A_408 = arith.constant 0 : i32
      %dma_start3A_409 = tpu.memref_slice %arg8[%add3A_402, %dma_start3A_408] : memref<80x125xi32, #tpu.memory_space<vmem>> -> memref<1x125xi32, #tpu.memory_space<vmem>>
      %dma_start3A_410 = tpu.memref_squeeze %dma_start3A_409 : memref<1x125xi32, #tpu.memory_space<vmem>> -> memref<125xi32, #tpu.memory_space<vmem>>
      %dma_start3A_411 = arith.constant 0 : i32
      %dma_start3A_412 = arith.constant 0 : i32
      %dma_start3A_413 = tpu.memref_slice %arg10[%dma_start3A_411, %dma_start3A_412] : memref<10240x16xf32, #tpu.memory_space<vmem_shared>> -> memref<10240x16xf32, #tpu.memory_space<vmem_shared>>
      tpu.enqueue_indirect_dma source(%dma_start3A_407 : memref<125x16xf32, #tpu.memory_space<vmem>>) target(%dma_start3A_413 : memref<10240x16xf32, #tpu.memory_space<vmem_shared>>) offsets(%dma_start3A_410 : memref<125xi32, #tpu.memory_space<vmem>>) semaphore(%arg26 : memref<!tpu.dma_semaphore, #tpu.memory_space<semaphore_mem>>) {add = true}
      %add3A_414 = arith.constant 8 : i32
      %add3A_415 = arith.addi %mul3A_213, %add3A_414 : i32
      %add3A_416 = arith.constant 0 : i32
      %add3A_417 = arith.addi %add3A_415, %add3A_416 : i32
      %lt3A = arith.constant 80 : i32
      %lt3A_418 = arith.cmpi slt, %add3A_417, %lt3A : i32
      %convert_element_type3A = arith.extui %lt3A_418 : i1 to i32
      %cond3A = arith.constant 0 : i32
      %cond3A_419 = arith.cmpi ne, %convert_element_type3A, %cond3A : i32
      scf.if %cond3A_419 {
        %dma_wait3A_484 = arith.constant 0 : i32
        %dma_wait3A_485 = arith.constant 0 : i32
        %dma_wait3A_486 = arith.constant 0 : i32
        %dma_wait3A_487 = arith.constant 0 : i32
        %dma_wait3A_488 = tpu.memref_slice %arg9[%dma_wait3A_484, %dma_wait3A_486, %dma_wait3A_487] : memref<8x125x16xf32, #tpu.memory_space<vmem>> -> memref<1x125x16xf32, #tpu.memory_space<vmem>>
        %dma_wait3A_489 = tpu.memref_squeeze %dma_wait3A_488 : memref<1x125x16xf32, #tpu.memory_space<vmem>> -> memref<125x16xf32, #tpu.memory_space<vmem>>
        %dma_wait3A_490 = arith.constant 0 : i32
        %dma_wait3A_491 = tpu.memref_slice %arg8[%dma_wait3A_485, %dma_wait3A_490] : memref<80x125xi32, #tpu.memory_space<vmem>> -> memref<1x125xi32, #tpu.memory_space<vmem>>
        %dma_wait3A_492 = tpu.memref_squeeze %dma_wait3A_491 : memref<1x125xi32, #tpu.memory_space<vmem>> -> memref<125xi32, #tpu.memory_space<vmem>>
        %dma_wait3A_493 = arith.constant 0 : i32
        %dma_wait3A_494 = arith.constant 0 : i32
        %dma_wait3A_495 = tpu.memref_slice %arg10[%dma_wait3A_493, %dma_wait3A_494] : memref<10240x16xf32, #tpu.memory_space<vmem_shared>> -> memref<10240x16xf32, #tpu.memory_space<vmem_shared>>
        tpu.wait_indirect_dma semaphore(%arg19 : memref<!tpu.dma_semaphore, #tpu.memory_space<semaphore_mem>>) src(%dma_wait3A_489 : memref<125x16xf32, #tpu.memory_space<vmem>>) dst(%dma_wait3A_495 : memref<10240x16xf32, #tpu.memory_space<vmem_shared>>)
        %dma_start3A_496 = arith.constant 0 : i32
        %dma_start3A_497 = arith.constant 0 : i32
        %dma_start3A_498 = arith.constant 0 : i32
        %dma_start3A_499 = tpu.memref_slice %arg9[%dma_start3A_496, %dma_start3A_497, %dma_start3A_498] : memref<8x125x16xf32, #tpu.memory_space<vmem>> -> memref<1x125x16xf32, #tpu.memory_space<vmem>>
        %dma_start3A_500 = tpu.memref_squeeze %dma_start3A_499 : memref<1x125x16xf32, #tpu.memory_space<vmem>> -> memref<125x16xf32, #tpu.memory_space<vmem>>
        %dma_start3A_501 = arith.constant 0 : i32
        %dma_start3A_502 = tpu.memref_slice %arg7[%add3A_417, %dma_start3A_501] : memref<80x125xi32, #tpu.memory_space<vmem>> -> memref<1x125xi32, #tpu.memory_space<vmem>>
        %dma_start3A_503 = tpu.memref_squeeze %dma_start3A_502 : memref<1x125xi32, #tpu.memory_space<vmem>> -> memref<125xi32, #tpu.memory_space<vmem>>
        %dma_start3A_504 = arith.constant 0 : i32
        %dma_start3A_505 = arith.constant 0 : i32
        %dma_start3A_506 = tpu.memref_slice %arg2[%dma_start3A_504, %dma_start3A_505] : memref<10240x16xf32, #tpu.memory_space<hbm>> -> memref<10240x16xf32, #tpu.memory_space<hbm>>
        tpu.enqueue_indirect_dma source(%dma_start3A_506 : memref<10240x16xf32, #tpu.memory_space<hbm>>) target(%dma_start3A_500 : memref<125x16xf32, #tpu.memory_space<vmem>>) offsets(%dma_start3A_503 : memref<125xi32, #tpu.memory_space<vmem>>) semaphore(%arg11 : memref<!tpu.dma_semaphore, #tpu.memory_space<semaphore_mem>>)
      } else {
      }
      %add3A_420 = arith.constant 8 : i32
      %add3A_421 = arith.addi %mul3A_213, %add3A_420 : i32
      %add3A_422 = arith.constant 1 : i32
      %add3A_423 = arith.addi %add3A_421, %add3A_422 : i32
      %lt3A_424 = arith.constant 80 : i32
      %lt3A_425 = arith.cmpi slt, %add3A_423, %lt3A_424 : i32
      %convert_element_type3A_426 = arith.extui %lt3A_425 : i1 to i32
      %cond3A_427 = arith.constant 0 : i32
      %cond3A_428 = arith.cmpi ne, %convert_element_type3A_426, %cond3A_427 : i32
      scf.if %cond3A_428 {
        %dma_wait3A_484 = arith.constant 1 : i32
        %dma_wait3A_485 = arith.constant 0 : i32
        %dma_wait3A_486 = arith.constant 0 : i32
        %dma_wait3A_487 = arith.constant 0 : i32
        %dma_wait3A_488 = tpu.memref_slice %arg9[%dma_wait3A_484, %dma_wait3A_486, %dma_wait3A_487] : memref<8x125x16xf32, #tpu.memory_space<vmem>> -> memref<1x125x16xf32, #tpu.memory_space<vmem>>
        %dma_wait3A_489 = tpu.memref_squeeze %dma_wait3A_488 : memref<1x125x16xf32, #tpu.memory_space<vmem>> -> memref<125x16xf32, #tpu.memory_space<vmem>>
        %dma_wait3A_490 = arith.constant 0 : i32
        %dma_wait3A_491 = tpu.memref_slice %arg8[%dma_wait3A_485, %dma_wait3A_490] : memref<80x125xi32, #tpu.memory_space<vmem>> -> memref<1x125xi32, #tpu.memory_space<vmem>>
        %dma_wait3A_492 = tpu.memref_squeeze %dma_wait3A_491 : memref<1x125xi32, #tpu.memory_space<vmem>> -> memref<125xi32, #tpu.memory_space<vmem>>
        %dma_wait3A_493 = arith.constant 0 : i32
        %dma_wait3A_494 = arith.constant 0 : i32
        %dma_wait3A_495 = tpu.memref_slice %arg10[%dma_wait3A_493, %dma_wait3A_494] : memref<10240x16xf32, #tpu.memory_space<vmem_shared>> -> memref<10240x16xf32, #tpu.memory_space<vmem_shared>>
        tpu.wait_indirect_dma semaphore(%arg20 : memref<!tpu.dma_semaphore, #tpu.memory_space<semaphore_mem>>) src(%dma_wait3A_489 : memref<125x16xf32, #tpu.memory_space<vmem>>) dst(%dma_wait3A_495 : memref<10240x16xf32, #tpu.memory_space<vmem_shared>>)
        %dma_start3A_496 = arith.constant 1 : i32
        %dma_start3A_497 = arith.constant 0 : i32
        %dma_start3A_498 = arith.constant 0 : i32
        %dma_start3A_499 = tpu.memref_slice %arg9[%dma_start3A_496, %dma_start3A_497, %dma_start3A_498] : memref<8x125x16xf32, #tpu.memory_space<vmem>> -> memref<1x125x16xf32, #tpu.memory_space<vmem>>
        %dma_start3A_500 = tpu.memref_squeeze %dma_start3A_499 : memref<1x125x16xf32, #tpu.memory_space<vmem>> -> memref<125x16xf32, #tpu.memory_space<vmem>>
        %dma_start3A_501 = arith.constant 0 : i32
        %dma_start3A_502 = tpu.memref_slice %arg7[%add3A_423, %dma_start3A_501] : memref<80x125xi32, #tpu.memory_space<vmem>> -> memref<1x125xi32, #tpu.memory_space<vmem>>
        %dma_start3A_503 = tpu.memref_squeeze %dma_start3A_502 : memref<1x125xi32, #tpu.memory_space<vmem>> -> memref<125xi32, #tpu.memory_space<vmem>>
        %dma_start3A_504 = arith.constant 0 : i32
        %dma_start3A_505 = arith.constant 0 : i32
        %dma_start3A_506 = tpu.memref_slice %arg2[%dma_start3A_504, %dma_start3A_505] : memref<10240x16xf32, #tpu.memory_space<hbm>> -> memref<10240x16xf32, #tpu.memory_space<hbm>>
        tpu.enqueue_indirect_dma source(%dma_start3A_506 : memref<10240x16xf32, #tpu.memory_space<hbm>>) target(%dma_start3A_500 : memref<125x16xf32, #tpu.memory_space<vmem>>) offsets(%dma_start3A_503 : memref<125xi32, #tpu.memory_space<vmem>>) semaphore(%arg12 : memref<!tpu.dma_semaphore, #tpu.memory_space<semaphore_mem>>)
      } else {
      }
      %add3A_429 = arith.constant 8 : i32
      %add3A_430 = arith.addi %mul3A_213, %add3A_429 : i32
      %add3A_431 = arith.constant 2 : i32
      %add3A_432 = arith.addi %add3A_430, %add3A_431 : i32
      %lt3A_433 = arith.constant 80 : i32
      %lt3A_434 = arith.cmpi slt, %add3A_432, %lt3A_433 : i32
      %convert_element_type3A_435 = arith.extui %lt3A_434 : i1 to i32
      %cond3A_436 = arith.constant 0 : i32
      %cond3A_437 = arith.cmpi ne, %convert_element_type3A_435, %cond3A_436 : i32
      scf.if %cond3A_437 {
        %dma_wait3A_484 = arith.constant 2 : i32
        %dma_wait3A_485 = arith.constant 0 : i32
        %dma_wait3A_486 = arith.constant 0 : i32
        %dma_wait3A_487 = arith.constant 0 : i32
        %dma_wait3A_488 = tpu.memref_slice %arg9[%dma_wait3A_484, %dma_wait3A_486, %dma_wait3A_487] : memref<8x125x16xf32, #tpu.memory_space<vmem>> -> memref<1x125x16xf32, #tpu.memory_space<vmem>>
        %dma_wait3A_489 = tpu.memref_squeeze %dma_wait3A_488 : memref<1x125x16xf32, #tpu.memory_space<vmem>> -> memref<125x16xf32, #tpu.memory_space<vmem>>
        %dma_wait3A_490 = arith.constant 0 : i32
        %dma_wait3A_491 = tpu.memref_slice %arg8[%dma_wait3A_485, %dma_wait3A_490] : memref<80x125xi32, #tpu.memory_space<vmem>> -> memref<1x125xi32, #tpu.memory_space<vmem>>
        %dma_wait3A_492 = tpu.memref_squeeze %dma_wait3A_491 : memref<1x125xi32, #tpu.memory_space<vmem>> -> memref<125xi32, #tpu.memory_space<vmem>>
        %dma_wait3A_493 = arith.constant 0 : i32
        %dma_wait3A_494 = arith.constant 0 : i32
        %dma_wait3A_495 = tpu.memref_slice %arg10[%dma_wait3A_493, %dma_wait3A_494] : memref<10240x16xf32, #tpu.memory_space<vmem_shared>> -> memref<10240x16xf32, #tpu.memory_space<vmem_shared>>
        tpu.wait_indirect_dma semaphore(%arg21 : memref<!tpu.dma_semaphore, #tpu.memory_space<semaphore_mem>>) src(%dma_wait3A_489 : memref<125x16xf32, #tpu.memory_space<vmem>>) dst(%dma_wait3A_495 : memref<10240x16xf32, #tpu.memory_space<vmem_shared>>)
        %dma_start3A_496 = arith.constant 2 : i32
        %dma_start3A_497 = arith.constant 0 : i32
        %dma_start3A_498 = arith.constant 0 : i32
        %dma_start3A_499 = tpu.memref_slice %arg9[%dma_start3A_496, %dma_start3A_497, %dma_start3A_498] : memref<8x125x16xf32, #tpu.memory_space<vmem>> -> memref<1x125x16xf32, #tpu.memory_space<vmem>>
        %dma_start3A_500 = tpu.memref_squeeze %dma_start3A_499 : memref<1x125x16xf32, #tpu.memory_space<vmem>> -> memref<125x16xf32, #tpu.memory_space<vmem>>
        %dma_start3A_501 = arith.constant 0 : i32
        %dma_start3A_502 = tpu.memref_slice %arg7[%add3A_432, %dma_start3A_501] : memref<80x125xi32, #tpu.memory_space<vmem>> -> memref<1x125xi32, #tpu.memory_space<vmem>>
        %dma_start3A_503 = tpu.memref_squeeze %dma_start3A_502 : memref<1x125xi32, #tpu.memory_space<vmem>> -> memref<125xi32, #tpu.memory_space<vmem>>
        %dma_start3A_504 = arith.constant 0 : i32
        %dma_start3A_505 = arith.constant 0 : i32
        %dma_start3A_506 = tpu.memref_slice %arg2[%dma_start3A_504, %dma_start3A_505] : memref<10240x16xf32, #tpu.memory_space<hbm>> -> memref<10240x16xf32, #tpu.memory_space<hbm>>
        tpu.enqueue_indirect_dma source(%dma_start3A_506 : memref<10240x16xf32, #tpu.memory_space<hbm>>) target(%dma_start3A_500 : memref<125x16xf32, #tpu.memory_space<vmem>>) offsets(%dma_start3A_503 : memref<125xi32, #tpu.memory_space<vmem>>) semaphore(%arg13 : memref<!tpu.dma_semaphore, #tpu.memory_space<semaphore_mem>>)
      } else {
      }
      %add3A_438 = arith.constant 8 : i32
      %add3A_439 = arith.addi %mul3A_213, %add3A_438 : i32
      %add3A_440 = arith.constant 3 : i32
      %add3A_441 = arith.addi %add3A_439, %add3A_440 : i32
      %lt3A_442 = arith.constant 80 : i32
      %lt3A_443 = arith.cmpi slt, %add3A_441, %lt3A_442 : i32
      %convert_element_type3A_444 = arith.extui %lt3A_443 : i1 to i32
      %cond3A_445 = arith.constant 0 : i32
      %cond3A_446 = arith.cmpi ne, %convert_element_type3A_444, %cond3A_445 : i32
      scf.if %cond3A_446 {
        %dma_wait3A_484 = arith.constant 3 : i32
        %dma_wait3A_485 = arith.constant 0 : i32
        %dma_wait3A_486 = arith.constant 0 : i32
        %dma_wait3A_487 = arith.constant 0 : i32
        %dma_wait3A_488 = tpu.memref_slice %arg9[%dma_wait3A_484, %dma_wait3A_486, %dma_wait3A_487] : memref<8x125x16xf32, #tpu.memory_space<vmem>> -> memref<1x125x16xf32, #tpu.memory_space<vmem>>
        %dma_wait3A_489 = tpu.memref_squeeze %dma_wait3A_488 : memref<1x125x16xf32, #tpu.memory_space<vmem>> -> memref<125x16xf32, #tpu.memory_space<vmem>>
        %dma_wait3A_490 = arith.constant 0 : i32
        %dma_wait3A_491 = tpu.memref_slice %arg8[%dma_wait3A_485, %dma_wait3A_490] : memref<80x125xi32, #tpu.memory_space<vmem>> -> memref<1x125xi32, #tpu.memory_space<vmem>>
        %dma_wait3A_492 = tpu.memref_squeeze %dma_wait3A_491 : memref<1x125xi32, #tpu.memory_space<vmem>> -> memref<125xi32, #tpu.memory_space<vmem>>
        %dma_wait3A_493 = arith.constant 0 : i32
        %dma_wait3A_494 = arith.constant 0 : i32
        %dma_wait3A_495 = tpu.memref_slice %arg10[%dma_wait3A_493, %dma_wait3A_494] : memref<10240x16xf32, #tpu.memory_space<vmem_shared>> -> memref<10240x16xf32, #tpu.memory_space<vmem_shared>>
        tpu.wait_indirect_dma semaphore(%arg22 : memref<!tpu.dma_semaphore, #tpu.memory_space<semaphore_mem>>) src(%dma_wait3A_489 : memref<125x16xf32, #tpu.memory_space<vmem>>) dst(%dma_wait3A_495 : memref<10240x16xf32, #tpu.memory_space<vmem_shared>>)
        %dma_start3A_496 = arith.constant 3 : i32
        %dma_start3A_497 = arith.constant 0 : i32
        %dma_start3A_498 = arith.constant 0 : i32
        %dma_start3A_499 = tpu.memref_slice %arg9[%dma_start3A_496, %dma_start3A_497, %dma_start3A_498] : memref<8x125x16xf32, #tpu.memory_space<vmem>> -> memref<1x125x16xf32, #tpu.memory_space<vmem>>
        %dma_start3A_500 = tpu.memref_squeeze %dma_start3A_499 : memref<1x125x16xf32, #tpu.memory_space<vmem>> -> memref<125x16xf32, #tpu.memory_space<vmem>>
        %dma_start3A_501 = arith.constant 0 : i32
        %dma_start3A_502 = tpu.memref_slice %arg7[%add3A_441, %dma_start3A_501] : memref<80x125xi32, #tpu.memory_space<vmem>> -> memref<1x125xi32, #tpu.memory_space<vmem>>
        %dma_start3A_503 = tpu.memref_squeeze %dma_start3A_502 : memref<1x125xi32, #tpu.memory_space<vmem>> -> memref<125xi32, #tpu.memory_space<vmem>>
        %dma_start3A_504 = arith.constant 0 : i32
        %dma_start3A_505 = arith.constant 0 : i32
        %dma_start3A_506 = tpu.memref_slice %arg2[%dma_start3A_504, %dma_start3A_505] : memref<10240x16xf32, #tpu.memory_space<hbm>> -> memref<10240x16xf32, #tpu.memory_space<hbm>>
        tpu.enqueue_indirect_dma source(%dma_start3A_506 : memref<10240x16xf32, #tpu.memory_space<hbm>>) target(%dma_start3A_500 : memref<125x16xf32, #tpu.memory_space<vmem>>) offsets(%dma_start3A_503 : memref<125xi32, #tpu.memory_space<vmem>>) semaphore(%arg14 : memref<!tpu.dma_semaphore, #tpu.memory_space<semaphore_mem>>)
      } else {
      }
      %add3A_447 = arith.constant 8 : i32
      %add3A_448 = arith.addi %mul3A_213, %add3A_447 : i32
      %add3A_449 = arith.constant 4 : i32
      %add3A_450 = arith.addi %add3A_448, %add3A_449 : i32
      %lt3A_451 = arith.constant 80 : i32
      %lt3A_452 = arith.cmpi slt, %add3A_450, %lt3A_451 : i32
      %convert_element_type3A_453 = arith.extui %lt3A_452 : i1 to i32
      %cond3A_454 = arith.constant 0 : i32
      %cond3A_455 = arith.cmpi ne, %convert_element_type3A_453, %cond3A_454 : i32
      scf.if %cond3A_455 {
        %dma_wait3A_484 = arith.constant 4 : i32
        %dma_wait3A_485 = arith.constant 0 : i32
        %dma_wait3A_486 = arith.constant 0 : i32
        %dma_wait3A_487 = arith.constant 0 : i32
        %dma_wait3A_488 = tpu.memref_slice %arg9[%dma_wait3A_484, %dma_wait3A_486, %dma_wait3A_487] : memref<8x125x16xf32, #tpu.memory_space<vmem>> -> memref<1x125x16xf32, #tpu.memory_space<vmem>>
        %dma_wait3A_489 = tpu.memref_squeeze %dma_wait3A_488 : memref<1x125x16xf32, #tpu.memory_space<vmem>> -> memref<125x16xf32, #tpu.memory_space<vmem>>
        %dma_wait3A_490 = arith.constant 0 : i32
        %dma_wait3A_491 = tpu.memref_slice %arg8[%dma_wait3A_485, %dma_wait3A_490] : memref<80x125xi32, #tpu.memory_space<vmem>> -> memref<1x125xi32, #tpu.memory_space<vmem>>
        %dma_wait3A_492 = tpu.memref_squeeze %dma_wait3A_491 : memref<1x125xi32, #tpu.memory_space<vmem>> -> memref<125xi32, #tpu.memory_space<vmem>>
        %dma_wait3A_493 = arith.constant 0 : i32
        %dma_wait3A_494 = arith.constant 0 : i32
        %dma_wait3A_495 = tpu.memref_slice %arg10[%dma_wait3A_493, %dma_wait3A_494] : memref<10240x16xf32, #tpu.memory_space<vmem_shared>> -> memref<10240x16xf32, #tpu.memory_space<vmem_shared>>
        tpu.wait_indirect_dma semaphore(%arg23 : memref<!tpu.dma_semaphore, #tpu.memory_space<semaphore_mem>>) src(%dma_wait3A_489 : memref<125x16xf32, #tpu.memory_space<vmem>>) dst(%dma_wait3A_495 : memref<10240x16xf32, #tpu.memory_space<vmem_shared>>)
        %dma_start3A_496 = arith.constant 4 : i32
        %dma_start3A_497 = arith.constant 0 : i32
        %dma_start3A_498 = arith.constant 0 : i32
        %dma_start3A_499 = tpu.memref_slice %arg9[%dma_start3A_496, %dma_start3A_497, %dma_start3A_498] : memref<8x125x16xf32, #tpu.memory_space<vmem>> -> memref<1x125x16xf32, #tpu.memory_space<vmem>>
        %dma_start3A_500 = tpu.memref_squeeze %dma_start3A_499 : memref<1x125x16xf32, #tpu.memory_space<vmem>> -> memref<125x16xf32, #tpu.memory_space<vmem>>
        %dma_start3A_501 = arith.constant 0 : i32
        %dma_start3A_502 = tpu.memref_slice %arg7[%add3A_450, %dma_start3A_501] : memref<80x125xi32, #tpu.memory_space<vmem>> -> memref<1x125xi32, #tpu.memory_space<vmem>>
        %dma_start3A_503 = tpu.memref_squeeze %dma_start3A_502 : memref<1x125xi32, #tpu.memory_space<vmem>> -> memref<125xi32, #tpu.memory_space<vmem>>
        %dma_start3A_504 = arith.constant 0 : i32
        %dma_start3A_505 = arith.constant 0 : i32
        %dma_start3A_506 = tpu.memref_slice %arg2[%dma_start3A_504, %dma_start3A_505] : memref<10240x16xf32, #tpu.memory_space<hbm>> -> memref<10240x16xf32, #tpu.memory_space<hbm>>
        tpu.enqueue_indirect_dma source(%dma_start3A_506 : memref<10240x16xf32, #tpu.memory_space<hbm>>) target(%dma_start3A_500 : memref<125x16xf32, #tpu.memory_space<vmem>>) offsets(%dma_start3A_503 : memref<125xi32, #tpu.memory_space<vmem>>) semaphore(%arg15 : memref<!tpu.dma_semaphore, #tpu.memory_space<semaphore_mem>>)
      } else {
      }
      %add3A_456 = arith.constant 8 : i32
      %add3A_457 = arith.addi %mul3A_213, %add3A_456 : i32
      %add3A_458 = arith.constant 5 : i32
      %add3A_459 = arith.addi %add3A_457, %add3A_458 : i32
      %lt3A_460 = arith.constant 80 : i32
      %lt3A_461 = arith.cmpi slt, %add3A_459, %lt3A_460 : i32
      %convert_element_type3A_462 = arith.extui %lt3A_461 : i1 to i32
      %cond3A_463 = arith.constant 0 : i32
      %cond3A_464 = arith.cmpi ne, %convert_element_type3A_462, %cond3A_463 : i32
      scf.if %cond3A_464 {
        %dma_wait3A_484 = arith.constant 5 : i32
        %dma_wait3A_485 = arith.constant 0 : i32
        %dma_wait3A_486 = arith.constant 0 : i32
        %dma_wait3A_487 = arith.constant 0 : i32
        %dma_wait3A_488 = tpu.memref_slice %arg9[%dma_wait3A_484, %dma_wait3A_486, %dma_wait3A_487] : memref<8x125x16xf32, #tpu.memory_space<vmem>> -> memref<1x125x16xf32, #tpu.memory_space<vmem>>
        %dma_wait3A_489 = tpu.memref_squeeze %dma_wait3A_488 : memref<1x125x16xf32, #tpu.memory_space<vmem>> -> memref<125x16xf32, #tpu.memory_space<vmem>>
        %dma_wait3A_490 = arith.constant 0 : i32
        %dma_wait3A_491 = tpu.memref_slice %arg8[%dma_wait3A_485, %dma_wait3A_490] : memref<80x125xi32, #tpu.memory_space<vmem>> -> memref<1x125xi32, #tpu.memory_space<vmem>>
        %dma_wait3A_492 = tpu.memref_squeeze %dma_wait3A_491 : memref<1x125xi32, #tpu.memory_space<vmem>> -> memref<125xi32, #tpu.memory_space<vmem>>
        %dma_wait3A_493 = arith.constant 0 : i32
        %dma_wait3A_494 = arith.constant 0 : i32
        %dma_wait3A_495 = tpu.memref_slice %arg10[%dma_wait3A_493, %dma_wait3A_494] : memref<10240x16xf32, #tpu.memory_space<vmem_shared>> -> memref<10240x16xf32, #tpu.memory_space<vmem_shared>>
        tpu.wait_indirect_dma semaphore(%arg24 : memref<!tpu.dma_semaphore, #tpu.memory_space<semaphore_mem>>) src(%dma_wait3A_489 : memref<125x16xf32, #tpu.memory_space<vmem>>) dst(%dma_wait3A_495 : memref<10240x16xf32, #tpu.memory_space<vmem_shared>>)
        %dma_start3A_496 = arith.constant 5 : i32
        %dma_start3A_497 = arith.constant 0 : i32
        %dma_start3A_498 = arith.constant 0 : i32
        %dma_start3A_499 = tpu.memref_slice %arg9[%dma_start3A_496, %dma_start3A_497, %dma_start3A_498] : memref<8x125x16xf32, #tpu.memory_space<vmem>> -> memref<1x125x16xf32, #tpu.memory_space<vmem>>
        %dma_start3A_500 = tpu.memref_squeeze %dma_start3A_499 : memref<1x125x16xf32, #tpu.memory_space<vmem>> -> memref<125x16xf32, #tpu.memory_space<vmem>>
        %dma_start3A_501 = arith.constant 0 : i32
        %dma_start3A_502 = tpu.memref_slice %arg7[%add3A_459, %dma_start3A_501] : memref<80x125xi32, #tpu.memory_space<vmem>> -> memref<1x125xi32, #tpu.memory_space<vmem>>
        %dma_start3A_503 = tpu.memref_squeeze %dma_start3A_502 : memref<1x125xi32, #tpu.memory_space<vmem>> -> memref<125xi32, #tpu.memory_space<vmem>>
        %dma_start3A_504 = arith.constant 0 : i32
        %dma_start3A_505 = arith.constant 0 : i32
        %dma_start3A_506 = tpu.memref_slice %arg2[%dma_start3A_504, %dma_start3A_505] : memref<10240x16xf32, #tpu.memory_space<hbm>> -> memref<10240x16xf32, #tpu.memory_space<hbm>>
        tpu.enqueue_indirect_dma source(%dma_start3A_506 : memref<10240x16xf32, #tpu.memory_space<hbm>>) target(%dma_start3A_500 : memref<125x16xf32, #tpu.memory_space<vmem>>) offsets(%dma_start3A_503 : memref<125xi32, #tpu.memory_space<vmem>>) semaphore(%arg16 : memref<!tpu.dma_semaphore, #tpu.memory_space<semaphore_mem>>)
      } else {
      }
      %add3A_465 = arith.constant 8 : i32
      %add3A_466 = arith.addi %mul3A_213, %add3A_465 : i32
      %add3A_467 = arith.constant 6 : i32
      %add3A_468 = arith.addi %add3A_466, %add3A_467 : i32
      %lt3A_469 = arith.constant 80 : i32
      %lt3A_470 = arith.cmpi slt, %add3A_468, %lt3A_469 : i32
      %convert_element_type3A_471 = arith.extui %lt3A_470 : i1 to i32
      %cond3A_472 = arith.constant 0 : i32
      %cond3A_473 = arith.cmpi ne, %convert_element_type3A_471, %cond3A_472 : i32
      scf.if %cond3A_473 {
        %dma_wait3A_484 = arith.constant 6 : i32
        %dma_wait3A_485 = arith.constant 0 : i32
        %dma_wait3A_486 = arith.constant 0 : i32
        %dma_wait3A_487 = arith.constant 0 : i32
        %dma_wait3A_488 = tpu.memref_slice %arg9[%dma_wait3A_484, %dma_wait3A_486, %dma_wait3A_487] : memref<8x125x16xf32, #tpu.memory_space<vmem>> -> memref<1x125x16xf32, #tpu.memory_space<vmem>>
        %dma_wait3A_489 = tpu.memref_squeeze %dma_wait3A_488 : memref<1x125x16xf32, #tpu.memory_space<vmem>> -> memref<125x16xf32, #tpu.memory_space<vmem>>
        %dma_wait3A_490 = arith.constant 0 : i32
        %dma_wait3A_491 = tpu.memref_slice %arg8[%dma_wait3A_485, %dma_wait3A_490] : memref<80x125xi32, #tpu.memory_space<vmem>> -> memref<1x125xi32, #tpu.memory_space<vmem>>
        %dma_wait3A_492 = tpu.memref_squeeze %dma_wait3A_491 : memref<1x125xi32, #tpu.memory_space<vmem>> -> memref<125xi32, #tpu.memory_space<vmem>>
        %dma_wait3A_493 = arith.constant 0 : i32
        %dma_wait3A_494 = arith.constant 0 : i32
        %dma_wait3A_495 = tpu.memref_slice %arg10[%dma_wait3A_493, %dma_wait3A_494] : memref<10240x16xf32, #tpu.memory_space<vmem_shared>> -> memref<10240x16xf32, #tpu.memory_space<vmem_shared>>
        tpu.wait_indirect_dma semaphore(%arg25 : memref<!tpu.dma_semaphore, #tpu.memory_space<semaphore_mem>>) src(%dma_wait3A_489 : memref<125x16xf32, #tpu.memory_space<vmem>>) dst(%dma_wait3A_495 : memref<10240x16xf32, #tpu.memory_space<vmem_shared>>)
        %dma_start3A_496 = arith.constant 6 : i32
        %dma_start3A_497 = arith.constant 0 : i32
        %dma_start3A_498 = arith.constant 0 : i32
        %dma_start3A_499 = tpu.memref_slice %arg9[%dma_start3A_496, %dma_start3A_497, %dma_start3A_498] : memref<8x125x16xf32, #tpu.memory_space<vmem>> -> memref<1x125x16xf32, #tpu.memory_space<vmem>>
        %dma_start3A_500 = tpu.memref_squeeze %dma_start3A_499 : memref<1x125x16xf32, #tpu.memory_space<vmem>> -> memref<125x16xf32, #tpu.memory_space<vmem>>
        %dma_start3A_501 = arith.constant 0 : i32
        %dma_start3A_502 = tpu.memref_slice %arg7[%add3A_468, %dma_start3A_501] : memref<80x125xi32, #tpu.memory_space<vmem>> -> memref<1x125xi32, #tpu.memory_space<vmem>>
        %dma_start3A_503 = tpu.memref_squeeze %dma_start3A_502 : memref<1x125xi32, #tpu.memory_space<vmem>> -> memref<125xi32, #tpu.memory_space<vmem>>
        %dma_start3A_504 = arith.constant 0 : i32
        %dma_start3A_505 = arith.constant 0 : i32
        %dma_start3A_506 = tpu.memref_slice %arg2[%dma_start3A_504, %dma_start3A_505] : memref<10240x16xf32, #tpu.memory_space<hbm>> -> memref<10240x16xf32, #tpu.memory_space<hbm>>
        tpu.enqueue_indirect_dma source(%dma_start3A_506 : memref<10240x16xf32, #tpu.memory_space<hbm>>) target(%dma_start3A_500 : memref<125x16xf32, #tpu.memory_space<vmem>>) offsets(%dma_start3A_503 : memref<125xi32, #tpu.memory_space<vmem>>) semaphore(%arg17 : memref<!tpu.dma_semaphore, #tpu.memory_space<semaphore_mem>>)
      } else {
      }
      %add3A_474 = arith.constant 8 : i32
      %add3A_475 = arith.addi %mul3A_213, %add3A_474 : i32
      %add3A_476 = arith.constant 7 : i32
      %add3A_477 = arith.addi %add3A_475, %add3A_476 : i32
      %lt3A_478 = arith.constant 80 : i32
      %lt3A_479 = arith.cmpi slt, %add3A_477, %lt3A_478 : i32
      %convert_element_type3A_480 = arith.extui %lt3A_479 : i1 to i32
      %cond3A_481 = arith.constant 0 : i32
      %cond3A_482 = arith.cmpi ne, %convert_element_type3A_480, %cond3A_481 : i32
      scf.if %cond3A_482 {
        %dma_wait3A_484 = arith.constant 7 : i32
        %dma_wait3A_485 = arith.constant 0 : i32
        %dma_wait3A_486 = arith.constant 0 : i32
        %dma_wait3A_487 = arith.constant 0 : i32
        %dma_wait3A_488 = tpu.memref_slice %arg9[%dma_wait3A_484, %dma_wait3A_486, %dma_wait3A_487] : memref<8x125x16xf32, #tpu.memory_space<vmem>> -> memref<1x125x16xf32, #tpu.memory_space<vmem>>
        %dma_wait3A_489 = tpu.memref_squeeze %dma_wait3A_488 : memref<1x125x16xf32, #tpu.memory_space<vmem>> -> memref<125x16xf32, #tpu.memory_space<vmem>>
        %dma_wait3A_490 = arith.constant 0 : i32
        %dma_wait3A_491 = tpu.memref_slice %arg8[%dma_wait3A_485, %dma_wait3A_490] : memref<80x125xi32, #tpu.memory_space<vmem>> -> memref<1x125xi32, #tpu.memory_space<vmem>>
        %dma_wait3A_492 = tpu.memref_squeeze %dma_wait3A_491 : memref<1x125xi32, #tpu.memory_space<vmem>> -> memref<125xi32, #tpu.memory_space<vmem>>
        %dma_wait3A_493 = arith.constant 0 : i32
        %dma_wait3A_494 = arith.constant 0 : i32
        %dma_wait3A_495 = tpu.memref_slice %arg10[%dma_wait3A_493, %dma_wait3A_494] : memref<10240x16xf32, #tpu.memory_space<vmem_shared>> -> memref<10240x16xf32, #tpu.memory_space<vmem_shared>>
        tpu.wait_indirect_dma semaphore(%arg26 : memref<!tpu.dma_semaphore, #tpu.memory_space<semaphore_mem>>) src(%dma_wait3A_489 : memref<125x16xf32, #tpu.memory_space<vmem>>) dst(%dma_wait3A_495 : memref<10240x16xf32, #tpu.memory_space<vmem_shared>>)
        %dma_start3A_496 = arith.constant 7 : i32
        %dma_start3A_497 = arith.constant 0 : i32
        %dma_start3A_498 = arith.constant 0 : i32
        %dma_start3A_499 = tpu.memref_slice %arg9[%dma_start3A_496, %dma_start3A_497, %dma_start3A_498] : memref<8x125x16xf32, #tpu.memory_space<vmem>> -> memref<1x125x16xf32, #tpu.memory_space<vmem>>
        %dma_start3A_500 = tpu.memref_squeeze %dma_start3A_499 : memref<1x125x16xf32, #tpu.memory_space<vmem>> -> memref<125x16xf32, #tpu.memory_space<vmem>>
        %dma_start3A_501 = arith.constant 0 : i32
        %dma_start3A_502 = tpu.memref_slice %arg7[%add3A_477, %dma_start3A_501] : memref<80x125xi32, #tpu.memory_space<vmem>> -> memref<1x125xi32, #tpu.memory_space<vmem>>
        %dma_start3A_503 = tpu.memref_squeeze %dma_start3A_502 : memref<1x125xi32, #tpu.memory_space<vmem>> -> memref<125xi32, #tpu.memory_space<vmem>>
        %dma_start3A_504 = arith.constant 0 : i32
        %dma_start3A_505 = arith.constant 0 : i32
        %dma_start3A_506 = tpu.memref_slice %arg2[%dma_start3A_504, %dma_start3A_505] : memref<10240x16xf32, #tpu.memory_space<hbm>> -> memref<10240x16xf32, #tpu.memory_space<hbm>>
        tpu.enqueue_indirect_dma source(%dma_start3A_506 : memref<10240x16xf32, #tpu.memory_space<hbm>>) target(%dma_start3A_500 : memref<125x16xf32, #tpu.memory_space<vmem>>) offsets(%dma_start3A_503 : memref<125xi32, #tpu.memory_space<vmem>>) semaphore(%arg18 : memref<!tpu.dma_semaphore, #tpu.memory_space<semaphore_mem>>)
      } else {
      }
      %scan3A_483 = arith.constant 0 : i32
      scf.yield %scan3A_483 : i32
    }
    %scan3A_109 = arith.constant 10 : i32
    %dma_wait3A = arith.constant 0 : i32
    %dma_wait3A_110 = arith.constant 0 : i32
    %dma_wait3A_111 = arith.constant 0 : i32
    %dma_wait3A_112 = arith.constant 0 : i32
    %dma_wait3A_113 = tpu.memref_slice %arg9[%dma_wait3A, %dma_wait3A_111, %dma_wait3A_112] : memref<8x125x16xf32, #tpu.memory_space<vmem>> -> memref<1x125x16xf32, #tpu.memory_space<vmem>>
    %dma_wait3A_114 = tpu.memref_squeeze %dma_wait3A_113 : memref<1x125x16xf32, #tpu.memory_space<vmem>> -> memref<125x16xf32, #tpu.memory_space<vmem>>
    %dma_wait3A_115 = arith.constant 0 : i32
    %dma_wait3A_116 = tpu.memref_slice %arg8[%dma_wait3A_110, %dma_wait3A_115] : memref<80x125xi32, #tpu.memory_space<vmem>> -> memref<1x125xi32, #tpu.memory_space<vmem>>
    %dma_wait3A_117 = tpu.memref_squeeze %dma_wait3A_116 : memref<1x125xi32, #tpu.memory_space<vmem>> -> memref<125xi32, #tpu.memory_space<vmem>>
    %dma_wait3A_118 = arith.constant 0 : i32
    %dma_wait3A_119 = arith.constant 0 : i32
    %dma_wait3A_120 = tpu.memref_slice %arg10[%dma_wait3A_118, %dma_wait3A_119] : memref<10240x16xf32, #tpu.memory_space<vmem_shared>> -> memref<10240x16xf32, #tpu.memory_space<vmem_shared>>
    tpu.wait_indirect_dma semaphore(%arg19 : memref<!tpu.dma_semaphore, #tpu.memory_space<semaphore_mem>>) src(%dma_wait3A_114 : memref<125x16xf32, #tpu.memory_space<vmem>>) dst(%dma_wait3A_120 : memref<10240x16xf32, #tpu.memory_space<vmem_shared>>)
    %dma_wait3A_121 = arith.constant 1 : i32
    %dma_wait3A_122 = arith.constant 0 : i32
    %dma_wait3A_123 = arith.constant 0 : i32
    %dma_wait3A_124 = arith.constant 0 : i32
    %dma_wait3A_125 = tpu.memref_slice %arg9[%dma_wait3A_121, %dma_wait3A_123, %dma_wait3A_124] : memref<8x125x16xf32, #tpu.memory_space<vmem>> -> memref<1x125x16xf32, #tpu.memory_space<vmem>>
    %dma_wait3A_126 = tpu.memref_squeeze %dma_wait3A_125 : memref<1x125x16xf32, #tpu.memory_space<vmem>> -> memref<125x16xf32, #tpu.memory_space<vmem>>
    %dma_wait3A_127 = arith.constant 0 : i32
    %dma_wait3A_128 = tpu.memref_slice %arg8[%dma_wait3A_122, %dma_wait3A_127] : memref<80x125xi32, #tpu.memory_space<vmem>> -> memref<1x125xi32, #tpu.memory_space<vmem>>
    %dma_wait3A_129 = tpu.memref_squeeze %dma_wait3A_128 : memref<1x125xi32, #tpu.memory_space<vmem>> -> memref<125xi32, #tpu.memory_space<vmem>>
    %dma_wait3A_130 = arith.constant 0 : i32
    %dma_wait3A_131 = arith.constant 0 : i32
    %dma_wait3A_132 = tpu.memref_slice %arg10[%dma_wait3A_130, %dma_wait3A_131] : memref<10240x16xf32, #tpu.memory_space<vmem_shared>> -> memref<10240x16xf32, #tpu.memory_space<vmem_shared>>
    tpu.wait_indirect_dma semaphore(%arg20 : memref<!tpu.dma_semaphore, #tpu.memory_space<semaphore_mem>>) src(%dma_wait3A_126 : memref<125x16xf32, #tpu.memory_space<vmem>>) dst(%dma_wait3A_132 : memref<10240x16xf32, #tpu.memory_space<vmem_shared>>)
    %dma_wait3A_133 = arith.constant 2 : i32
    %dma_wait3A_134 = arith.constant 0 : i32
    %dma_wait3A_135 = arith.constant 0 : i32
    %dma_wait3A_136 = arith.constant 0 : i32
    %dma_wait3A_137 = tpu.memref_slice %arg9[%dma_wait3A_133, %dma_wait3A_135, %dma_wait3A_136] : memref<8x125x16xf32, #tpu.memory_space<vmem>> -> memref<1x125x16xf32, #tpu.memory_space<vmem>>
    %dma_wait3A_138 = tpu.memref_squeeze %dma_wait3A_137 : memref<1x125x16xf32, #tpu.memory_space<vmem>> -> memref<125x16xf32, #tpu.memory_space<vmem>>
    %dma_wait3A_139 = arith.constant 0 : i32
    %dma_wait3A_140 = tpu.memref_slice %arg8[%dma_wait3A_134, %dma_wait3A_139] : memref<80x125xi32, #tpu.memory_space<vmem>> -> memref<1x125xi32, #tpu.memory_space<vmem>>
    %dma_wait3A_141 = tpu.memref_squeeze %dma_wait3A_140 : memref<1x125xi32, #tpu.memory_space<vmem>> -> memref<125xi32, #tpu.memory_space<vmem>>
    %dma_wait3A_142 = arith.constant 0 : i32
    %dma_wait3A_143 = arith.constant 0 : i32
    %dma_wait3A_144 = tpu.memref_slice %arg10[%dma_wait3A_142, %dma_wait3A_143] : memref<10240x16xf32, #tpu.memory_space<vmem_shared>> -> memref<10240x16xf32, #tpu.memory_space<vmem_shared>>
    tpu.wait_indirect_dma semaphore(%arg21 : memref<!tpu.dma_semaphore, #tpu.memory_space<semaphore_mem>>) src(%dma_wait3A_138 : memref<125x16xf32, #tpu.memory_space<vmem>>) dst(%dma_wait3A_144 : memref<10240x16xf32, #tpu.memory_space<vmem_shared>>)
    %dma_wait3A_145 = arith.constant 3 : i32
    %dma_wait3A_146 = arith.constant 0 : i32
    %dma_wait3A_147 = arith.constant 0 : i32
    %dma_wait3A_148 = arith.constant 0 : i32
    %dma_wait3A_149 = tpu.memref_slice %arg9[%dma_wait3A_145, %dma_wait3A_147, %dma_wait3A_148] : memref<8x125x16xf32, #tpu.memory_space<vmem>> -> memref<1x125x16xf32, #tpu.memory_space<vmem>>
    %dma_wait3A_150 = tpu.memref_squeeze %dma_wait3A_149 : memref<1x125x16xf32, #tpu.memory_space<vmem>> -> memref<125x16xf32, #tpu.memory_space<vmem>>
    %dma_wait3A_151 = arith.constant 0 : i32
    %dma_wait3A_152 = tpu.memref_slice %arg8[%dma_wait3A_146, %dma_wait3A_151] : memref<80x125xi32, #tpu.memory_space<vmem>> -> memref<1x125xi32, #tpu.memory_space<vmem>>
    %dma_wait3A_153 = tpu.memref_squeeze %dma_wait3A_152 : memref<1x125xi32, #tpu.memory_space<vmem>> -> memref<125xi32, #tpu.memory_space<vmem>>
    %dma_wait3A_154 = arith.constant 0 : i32
    %dma_wait3A_155 = arith.constant 0 : i32
    %dma_wait3A_156 = tpu.memref_slice %arg10[%dma_wait3A_154, %dma_wait3A_155] : memref<10240x16xf32, #tpu.memory_space<vmem_shared>> -> memref<10240x16xf32, #tpu.memory_space<vmem_shared>>
    tpu.wait_indirect_dma semaphore(%arg22 : memref<!tpu.dma_semaphore, #tpu.memory_space<semaphore_mem>>) src(%dma_wait3A_150 : memref<125x16xf32, #tpu.memory_space<vmem>>) dst(%dma_wait3A_156 : memref<10240x16xf32, #tpu.memory_space<vmem_shared>>)
    %dma_wait3A_157 = arith.constant 4 : i32
    %dma_wait3A_158 = arith.constant 0 : i32
    %dma_wait3A_159 = arith.constant 0 : i32
    %dma_wait3A_160 = arith.constant 0 : i32
    %dma_wait3A_161 = tpu.memref_slice %arg9[%dma_wait3A_157, %dma_wait3A_159, %dma_wait3A_160] : memref<8x125x16xf32, #tpu.memory_space<vmem>> -> memref<1x125x16xf32, #tpu.memory_space<vmem>>
    %dma_wait3A_162 = tpu.memref_squeeze %dma_wait3A_161 : memref<1x125x16xf32, #tpu.memory_space<vmem>> -> memref<125x16xf32, #tpu.memory_space<vmem>>
    %dma_wait3A_163 = arith.constant 0 : i32
    %dma_wait3A_164 = tpu.memref_slice %arg8[%dma_wait3A_158, %dma_wait3A_163] : memref<80x125xi32, #tpu.memory_space<vmem>> -> memref<1x125xi32, #tpu.memory_space<vmem>>
    %dma_wait3A_165 = tpu.memref_squeeze %dma_wait3A_164 : memref<1x125xi32, #tpu.memory_space<vmem>> -> memref<125xi32, #tpu.memory_space<vmem>>
    %dma_wait3A_166 = arith.constant 0 : i32
    %dma_wait3A_167 = arith.constant 0 : i32
    %dma_wait3A_168 = tpu.memref_slice %arg10[%dma_wait3A_166, %dma_wait3A_167] : memref<10240x16xf32, #tpu.memory_space<vmem_shared>> -> memref<10240x16xf32, #tpu.memory_space<vmem_shared>>
    tpu.wait_indirect_dma semaphore(%arg23 : memref<!tpu.dma_semaphore, #tpu.memory_space<semaphore_mem>>) src(%dma_wait3A_162 : memref<125x16xf32, #tpu.memory_space<vmem>>) dst(%dma_wait3A_168 : memref<10240x16xf32, #tpu.memory_space<vmem_shared>>)
    %dma_wait3A_169 = arith.constant 5 : i32
    %dma_wait3A_170 = arith.constant 0 : i32
    %dma_wait3A_171 = arith.constant 0 : i32
    %dma_wait3A_172 = arith.constant 0 : i32
    %dma_wait3A_173 = tpu.memref_slice %arg9[%dma_wait3A_169, %dma_wait3A_171, %dma_wait3A_172] : memref<8x125x16xf32, #tpu.memory_space<vmem>> -> memref<1x125x16xf32, #tpu.memory_space<vmem>>
    %dma_wait3A_174 = tpu.memref_squeeze %dma_wait3A_173 : memref<1x125x16xf32, #tpu.memory_space<vmem>> -> memref<125x16xf32, #tpu.memory_space<vmem>>
    %dma_wait3A_175 = arith.constant 0 : i32
    %dma_wait3A_176 = tpu.memref_slice %arg8[%dma_wait3A_170, %dma_wait3A_175] : memref<80x125xi32, #tpu.memory_space<vmem>> -> memref<1x125xi32, #tpu.memory_space<vmem>>
    %dma_wait3A_177 = tpu.memref_squeeze %dma_wait3A_176 : memref<1x125xi32, #tpu.memory_space<vmem>> -> memref<125xi32, #tpu.memory_space<vmem>>
    %dma_wait3A_178 = arith.constant 0 : i32
    %dma_wait3A_179 = arith.constant 0 : i32
    %dma_wait3A_180 = tpu.memref_slice %arg10[%dma_wait3A_178, %dma_wait3A_179] : memref<10240x16xf32, #tpu.memory_space<vmem_shared>> -> memref<10240x16xf32, #tpu.memory_space<vmem_shared>>
    tpu.wait_indirect_dma semaphore(%arg24 : memref<!tpu.dma_semaphore, #tpu.memory_space<semaphore_mem>>) src(%dma_wait3A_174 : memref<125x16xf32, #tpu.memory_space<vmem>>) dst(%dma_wait3A_180 : memref<10240x16xf32, #tpu.memory_space<vmem_shared>>)
    %dma_wait3A_181 = arith.constant 6 : i32
    %dma_wait3A_182 = arith.constant 0 : i32
    %dma_wait3A_183 = arith.constant 0 : i32
    %dma_wait3A_184 = arith.constant 0 : i32
    %dma_wait3A_185 = tpu.memref_slice %arg9[%dma_wait3A_181, %dma_wait3A_183, %dma_wait3A_184] : memref<8x125x16xf32, #tpu.memory_space<vmem>> -> memref<1x125x16xf32, #tpu.memory_space<vmem>>
    %dma_wait3A_186 = tpu.memref_squeeze %dma_wait3A_185 : memref<1x125x16xf32, #tpu.memory_space<vmem>> -> memref<125x16xf32, #tpu.memory_space<vmem>>
    %dma_wait3A_187 = arith.constant 0 : i32
    %dma_wait3A_188 = tpu.memref_slice %arg8[%dma_wait3A_182, %dma_wait3A_187] : memref<80x125xi32, #tpu.memory_space<vmem>> -> memref<1x125xi32, #tpu.memory_space<vmem>>
    %dma_wait3A_189 = tpu.memref_squeeze %dma_wait3A_188 : memref<1x125xi32, #tpu.memory_space<vmem>> -> memref<125xi32, #tpu.memory_space<vmem>>
    %dma_wait3A_190 = arith.constant 0 : i32
    %dma_wait3A_191 = arith.constant 0 : i32
    %dma_wait3A_192 = tpu.memref_slice %arg10[%dma_wait3A_190, %dma_wait3A_191] : memref<10240x16xf32, #tpu.memory_space<vmem_shared>> -> memref<10240x16xf32, #tpu.memory_space<vmem_shared>>
    tpu.wait_indirect_dma semaphore(%arg25 : memref<!tpu.dma_semaphore, #tpu.memory_space<semaphore_mem>>) src(%dma_wait3A_186 : memref<125x16xf32, #tpu.memory_space<vmem>>) dst(%dma_wait3A_192 : memref<10240x16xf32, #tpu.memory_space<vmem_shared>>)
    %dma_wait3A_193 = arith.constant 7 : i32
    %dma_wait3A_194 = arith.constant 0 : i32
    %dma_wait3A_195 = arith.constant 0 : i32
    %dma_wait3A_196 = arith.constant 0 : i32
    %dma_wait3A_197 = tpu.memref_slice %arg9[%dma_wait3A_193, %dma_wait3A_195, %dma_wait3A_196] : memref<8x125x16xf32, #tpu.memory_space<vmem>> -> memref<1x125x16xf32, #tpu.memory_space<vmem>>
    %dma_wait3A_198 = tpu.memref_squeeze %dma_wait3A_197 : memref<1x125x16xf32, #tpu.memory_space<vmem>> -> memref<125x16xf32, #tpu.memory_space<vmem>>
    %dma_wait3A_199 = arith.constant 0 : i32
    %dma_wait3A_200 = tpu.memref_slice %arg8[%dma_wait3A_194, %dma_wait3A_199] : memref<80x125xi32, #tpu.memory_space<vmem>> -> memref<1x125xi32, #tpu.memory_space<vmem>>
    %dma_wait3A_201 = tpu.memref_squeeze %dma_wait3A_200 : memref<1x125xi32, #tpu.memory_space<vmem>> -> memref<125xi32, #tpu.memory_space<vmem>>
    %dma_wait3A_202 = arith.constant 0 : i32
    %dma_wait3A_203 = arith.constant 0 : i32
    %dma_wait3A_204 = tpu.memref_slice %arg10[%dma_wait3A_202, %dma_wait3A_203] : memref<10240x16xf32, #tpu.memory_space<vmem_shared>> -> memref<10240x16xf32, #tpu.memory_space<vmem_shared>>
    tpu.wait_indirect_dma semaphore(%arg26 : memref<!tpu.dma_semaphore, #tpu.memory_space<semaphore_mem>>) src(%dma_wait3A_198 : memref<125x16xf32, #tpu.memory_space<vmem>>) dst(%dma_wait3A_204 : memref<10240x16xf32, #tpu.memory_space<vmem_shared>>)
    %barrier3A_205 = arith.constant 0 : index
    tpu.barrier barrier_id(%barrier3A_205)
    %mul3A_206 = arith.constant 640 : i32
    %mul3A_207 = arith.muli %arg1, %mul3A_206 : i32
    %mul3A_208 = arith.constant 640 : i32
    %mul3A_209 = arith.muli %arg1, %mul3A_208 : i32
    "tpu.region"() ({
      %run_scoped3A = tpu.sem_alloc : memref<!tpu.dma_semaphore, #tpu.memory_space<semaphore_mem>>
      %dma_start3A_210 = arith.constant 0 : i32
      %dma_start3A_211 = arith.constant 0 : i32
      %dma_start3A_212 = tpu.memref_slice %arg6[%arg0, %dma_start3A_210, %dma_start3A_211] : memref<2x10240x16xf32, #tpu.memory_space<hbm>> -> memref<1x10240x16xf32, #tpu.memory_space<hbm>>
      %dma_start3A_213 = tpu.memref_squeeze %dma_start3A_212 : memref<1x10240x16xf32, #tpu.memory_space<hbm>> -> memref<10240x16xf32, #tpu.memory_space<hbm>>
      %dma_start3A_214 = arith.constant 0 : i32
      %dma_start3A_215 = tpu.memref_slice %dma_start3A_213[%mul3A_209, %dma_start3A_214] : memref<10240x16xf32, #tpu.memory_space<hbm>> -> memref<640x16xf32, #tpu.memory_space<hbm>>
      %dma_start3A_216 = arith.constant 0 : i32
      %dma_start3A_217 = tpu.memref_slice %arg10[%mul3A_207, %dma_start3A_216] : memref<10240x16xf32, #tpu.memory_space<vmem_shared>> -> memref<640x16xf32, #tpu.memory_space<vmem_shared>>
      tpu.enqueue_dma source(%dma_start3A_217 : memref<640x16xf32, #tpu.memory_space<vmem_shared>>) target(%dma_start3A_215 : memref<640x16xf32, #tpu.memory_space<hbm>>) target_semaphore(%run_scoped3A : memref<!tpu.dma_semaphore, #tpu.memory_space<semaphore_mem>>)
      %dma_wait3A_218 = arith.constant 0 : i32
      %dma_wait3A_219 = arith.constant 0 : i32
      %dma_wait3A_220 = tpu.memref_slice %arg6[%arg0, %dma_wait3A_218, %dma_wait3A_219] : memref<2x10240x16xf32, #tpu.memory_space<hbm>> -> memref<1x10240x16xf32, #tpu.memory_space<hbm>>
      %dma_wait3A_221 = tpu.memref_squeeze %dma_wait3A_220 : memref<1x10240x16xf32, #tpu.memory_space<hbm>> -> memref<10240x16xf32, #tpu.memory_space<hbm>>
      %dma_wait3A_222 = arith.constant 0 : i32
      %dma_wait3A_223 = tpu.memref_slice %dma_wait3A_221[%mul3A_209, %dma_wait3A_222] : memref<10240x16xf32, #tpu.memory_space<hbm>> -> memref<640x16xf32, #tpu.memory_space<hbm>>
      %dma_wait3A_224 = arith.constant 0 : i32
      %dma_wait3A_225 = tpu.memref_slice %arg10[%mul3A_207, %dma_wait3A_224] : memref<10240x16xf32, #tpu.memory_space<vmem_shared>> -> memref<640x16xf32, #tpu.memory_space<vmem_shared>>
      tpu.wait_dma2 semaphore(%run_scoped3A : memref<!tpu.dma_semaphore, #tpu.memory_space<semaphore_mem>>) src(%dma_wait3A_225 : memref<640x16xf32, #tpu.memory_space<vmem_shared>>) dst(%dma_wait3A_223 : memref<640x16xf32, #tpu.memory_space<hbm>>)
      tpu.yield
    }) : () -> ()
    return
  }
}

module attributes {stable_mosaic.version = 14 : i64} {
  func.func @body(%arg0: i32, %arg1: memref<2x256x8xf32, #tpu.memory_space<vmem>>, %arg2: memref<256x1024xf32, #tpu.memory_space<vmem>>, %arg3: memref<1024x512xf32, #tpu.memory_space<vmem>>, %arg4: memref<8x512xf32, #tpu.memory_space<vmem>>, %arg5: memref<256x512xf32, #tpu.memory_space<vmem>>) attributes {dimension_semantics = [#tpu.dimension_semantics<arbitrary>], iteration_bounds = array<i64: 5>, scalar_prefetch = 0 : i64, scratch_operands = 0 : i64, tpu.core_type = #tpu.core_type<tc>, window_params = [{transform_indices = @transform_0, window_bounds = array<i64: 2, 256, 8>}, {transform_indices = @transform_1, window_bounds = array<i64: 256, 1024>}, {pipeline_mode = #tpu.pipeline_mode<synchronous>, transform_indices = @transform_2, window_bounds = array<i64: 1024, 512>}, {pipeline_mode = #tpu.pipeline_mode<synchronous>, transform_indices = @transform_3, window_bounds = array<i64: 8, 512>}, {transform_indices = @transform_4, window_bounds = array<i64: 256, 512>}]} {
    %get3A = arith.constant 0 : index
    %get3A_0 = arith.constant 0 : index
    %get3A_1 = arith.constant 0 : index
    %get3A_2 = vector.load %arg1[%get3A, %get3A_0, %get3A_1] : memref<2x256x8xf32, #tpu.memory_space<vmem>>, vector<1x256x8xf32>
    %get3A_3 = vector.shape_cast %get3A_2 : vector<1x256x8xf32> to vector<256x8xf32>
    %add3A = arith.constant 1.000000e+00 : f32
    %add3A_4 = vector.broadcast %add3A : f32 to vector<256x8xf32>
    %add3A_5 = arith.addf %add3A_4, %get3A_3 : vector<256x8xf32>
    %get3A_6 = arith.constant 1 : index
    %get3A_7 = arith.constant 0 : index
    %get3A_8 = arith.constant 0 : index
    %get3A_9 = vector.load %arg1[%get3A_6, %get3A_7, %get3A_8] : memref<2x256x8xf32, #tpu.memory_space<vmem>>, vector<1x256x8xf32>
    %get3A_10 = vector.shape_cast %get3A_9 : vector<1x256x8xf32> to vector<256x8xf32>
    %add3A_11 = arith.addf %add3A_5, %get3A_10 : vector<256x8xf32>
    %rsqrt3A = math.rsqrt %add3A_11 : vector<256x8xf32>
    %get3A_12 = arith.constant 0 : index
    %get3A_13 = arith.constant 0 : index
    %get3A_14 = vector.load %arg4[%get3A_12, %get3A_13] : memref<8x512xf32, #tpu.memory_space<vmem>>, vector<8x512xf32>
    %dot_general3A = arith.constant dense<0.000000e+00> : vector<256x512xf32>
    %dot_general3A_15 = tpu.matmul %rsqrt3A, %get3A_14, %dot_general3A {dimension_numbers = #tpu.dot_dimension_numbers<[1], [0], [0], [1], [0, 0, 1, 1], [], []>, transpose_lhs_hint = false} : vector<256x8xf32>, vector<8x512xf32>, vector<256x512xf32> -> vector<256x512xf32>
    %get3A_16 = arith.constant 0 : index
    %get3A_17 = arith.constant 0 : index
    %get3A_18 = vector.load %arg2[%get3A_16, %get3A_17] : memref<256x1024xf32, #tpu.memory_space<vmem>>, vector<256x1024xf32>
    %get3A_19 = arith.constant 0 : index
    %get3A_20 = arith.constant 0 : index
    %get3A_21 = vector.load %arg3[%get3A_19, %get3A_20] : memref<1024x512xf32, #tpu.memory_space<vmem>>, vector<1024x512xf32>
    %dot_general3A_22 = arith.constant dense<0.000000e+00> : vector<256x512xf32>
    %dot_general3A_23 = tpu.matmul %get3A_18, %get3A_21, %dot_general3A_22 {dimension_numbers = #tpu.dot_dimension_numbers<[1], [0], [0], [1], [0, 0, 1, 1], [], []>, transpose_lhs_hint = false} : vector<256x1024xf32>, vector<1024x512xf32>, vector<256x512xf32> -> vector<256x512xf32>
    %mul3A = arith.mulf %dot_general3A_15, %dot_general3A_23 : vector<256x512xf32>
    %swap3A = arith.constant 0 : index
    %swap3A_24 = arith.constant 0 : index
    %swap3A_25 = vector.load %arg5[%swap3A, %swap3A_24] : memref<256x512xf32, #tpu.memory_space<vmem>>, vector<256x512xf32>
    tpu.vector_store %arg5[%swap3A, %swap3A_24], %mul3A {strides = array<i32>} : memref<256x512xf32, #tpu.memory_space<vmem>>, vector<256x512xf32>,
    return
  }
  func.func @transform_0(%arg0: i32) -> (i32, i32, i32) {
    %c0_i32 = arith.constant 0 : i32
    %c0_i32_0 = arith.constant 0 : i32
    %c0_i32_1 = arith.constant 0 : i32
    return %c0_i32, %arg0, %c0_i32_0 : i32, i32, i32
  }
  func.func @transform_1(%arg0: i32) -> (i32, i32) {
    %c0_i32 = arith.constant 0 : i32
    %c0_i32_0 = arith.constant 0 : i32
    return %arg0, %c0_i32 : i32, i32
  }
  func.func @transform_2(%arg0: i32) -> (i32, i32) {
    %c0_i32 = arith.constant 0 : i32
    %c0_i32_0 = arith.constant 0 : i32
    %c0_i32_1 = arith.constant 0 : i32
    return %c0_i32, %c0_i32_0 : i32, i32
  }
  func.func @transform_3(%arg0: i32) -> (i32, i32) {
    %c0_i32 = arith.constant 0 : i32
    %c0_i32_0 = arith.constant 0 : i32
    %c0_i32_1 = arith.constant 0 : i32
    return %c0_i32, %c0_i32_0 : i32, i32
  }
  func.func @transform_4(%arg0: i32) -> (i32, i32) {
    %c0_i32 = arith.constant 0 : i32
    %c0_i32_0 = arith.constant 0 : i32
    return %arg0, %c0_i32 : i32, i32
  }
}

module attributes {stable_mosaic.version = 14 : i64} {
  func.func @body(%arg0: i32, %arg1: memref<2x256x8xf32, #tpu.memory_space<vmem>>, %arg2: memref<2x256x512xf32, #tpu.memory_space<vmem>>, %arg3: memref<256x512xf32, #tpu.memory_space<vmem>>, %arg4: memref<1x512xf32, #tpu.memory_space<vmem>>, %arg5: memref<512x256xf32, #tpu.memory_space<vmem>>, %arg6: memref<8x512xf32, #tpu.memory_space<vmem>>, %arg7: memref<8x256xf32, #tpu.memory_space<vmem>>, %arg8: memref<256x256xf32, #tpu.memory_space<vmem>>) attributes {dimension_semantics = [#tpu.dimension_semantics<arbitrary>], iteration_bounds = array<i64: 5>, scalar_prefetch = 0 : i64, scratch_operands = 0 : i64, tpu.core_type = #tpu.core_type<tc>, window_params = [{transform_indices = @transform_0, window_bounds = array<i64: 2, 256, 8>}, {transform_indices = @transform_1, window_bounds = array<i64: 2, 256, 512>}, {transform_indices = @transform_2, window_bounds = array<i64: 256, 512>}, {pipeline_mode = #tpu.pipeline_mode<synchronous>, transform_indices = @transform_3, window_bounds = array<i64: 1, 512>}, {pipeline_mode = #tpu.pipeline_mode<synchronous>, transform_indices = @transform_4, window_bounds = array<i64: 512, 256>}, {pipeline_mode = #tpu.pipeline_mode<synchronous>, transform_indices = @transform_5, window_bounds = array<i64: 8, 512>}, {pipeline_mode = #tpu.pipeline_mode<synchronous>, transform_indices = @transform_6, window_bounds = array<i64: 8, 256>}, {transform_indices = @transform_7, window_bounds = array<i64: 256, 256>}]} {
    %get3A = arith.constant 0 : index
    %get3A_0 = arith.constant 0 : index
    %get3A_1 = arith.constant 0 : index
    %get3A_2 = vector.load %arg1[%get3A, %get3A_0, %get3A_1] : memref<2x256x8xf32, #tpu.memory_space<vmem>>, vector<1x256x8xf32>
    %get3A_3 = vector.shape_cast %get3A_2 : vector<1x256x8xf32> to vector<256x8xf32>
    %add3A = arith.constant 1.000000e+00 : f32
    %add3A_4 = vector.broadcast %add3A : f32 to vector<256x8xf32>
    %add3A_5 = arith.addf %add3A_4, %get3A_3 : vector<256x8xf32>
    %get3A_6 = arith.constant 1 : index
    %get3A_7 = arith.constant 0 : index
    %get3A_8 = arith.constant 0 : index
    %get3A_9 = vector.load %arg1[%get3A_6, %get3A_7, %get3A_8] : memref<2x256x8xf32, #tpu.memory_space<vmem>>, vector<1x256x8xf32>
    %get3A_10 = vector.shape_cast %get3A_9 : vector<1x256x8xf32> to vector<256x8xf32>
    %add3A_11 = arith.addf %add3A_5, %get3A_10 : vector<256x8xf32>
    %rsqrt3A = math.rsqrt %add3A_11 : vector<256x8xf32>
    %get3A_12 = arith.constant 0 : index
    %get3A_13 = arith.constant 0 : index
    %get3A_14 = vector.load %arg6[%get3A_12, %get3A_13] : memref<8x512xf32, #tpu.memory_space<vmem>>, vector<8x512xf32>
    %dot_general3A = arith.constant dense<0.000000e+00> : vector<256x512xf32>
    %dot_general3A_15 = tpu.matmul %rsqrt3A, %get3A_14, %dot_general3A {dimension_numbers = #tpu.dot_dimension_numbers<[1], [0], [0], [1], [0, 0, 1, 1], [], []>, transpose_lhs_hint = false} : vector<256x8xf32>, vector<8x512xf32>, vector<256x512xf32> -> vector<256x512xf32>
    %get3A_16 = arith.constant 0 : index
    %get3A_17 = arith.constant 0 : index
    %get3A_18 = vector.load %arg7[%get3A_16, %get3A_17] : memref<8x256xf32, #tpu.memory_space<vmem>>, vector<8x256xf32>
    %dot_general3A_19 = arith.constant dense<0.000000e+00> : vector<256x256xf32>
    %dot_general3A_20 = tpu.matmul %rsqrt3A, %get3A_18, %dot_general3A_19 {dimension_numbers = #tpu.dot_dimension_numbers<[1], [0], [0], [1], [0, 0, 1, 1], [], []>, transpose_lhs_hint = false} : vector<256x8xf32>, vector<8x256xf32>, vector<256x256xf32> -> vector<256x256xf32>
    %get3A_21 = arith.constant 0 : index
    %get3A_22 = arith.constant 0 : index
    %get3A_23 = arith.constant 0 : index
    %get3A_24 = vector.load %arg2[%get3A_21, %get3A_22, %get3A_23] : memref<2x256x512xf32, #tpu.memory_space<vmem>>, vector<1x256x512xf32>
    %get3A_25 = vector.shape_cast %get3A_24 : vector<1x256x512xf32> to vector<256x512xf32>
    %get3A_26 = arith.constant 1 : index
    %get3A_27 = arith.constant 0 : index
    %get3A_28 = arith.constant 0 : index
    %get3A_29 = vector.load %arg2[%get3A_26, %get3A_27, %get3A_28] : memref<2x256x512xf32, #tpu.memory_space<vmem>>, vector<1x256x512xf32>
    %get3A_30 = vector.shape_cast %get3A_29 : vector<1x256x512xf32> to vector<256x512xf32>
    %add3A_31 = arith.addf %get3A_25, %get3A_30 : vector<256x512xf32>
    %get3A_32 = arith.constant 0 : index
    %get3A_33 = arith.constant 0 : index
    %get3A_34 = vector.load %arg3[%get3A_32, %get3A_33] : memref<256x512xf32, #tpu.memory_space<vmem>>, vector<256x512xf32>
    %add3A_35 = arith.addf %add3A_31, %get3A_34 : vector<256x512xf32>
    %mul3A = arith.mulf %dot_general3A_15, %add3A_35 : vector<256x512xf32>
    %get3A_36 = arith.constant 0 : index
    %get3A_37 = arith.constant 0 : index
    %get3A_38 = vector.load %arg4[%get3A_36, %get3A_37] : memref<1x512xf32, #tpu.memory_space<vmem>>, vector<1x512xf32>
    %add3A_39 = vector.broadcast %get3A_38 : vector<1x512xf32> to vector<256x512xf32>
    %add3A_40 = arith.addf %mul3A, %add3A_39 : vector<256x512xf32>
    %max3A = arith.constant 0.000000e+00 : f32
    %max3A_41 = vector.broadcast %max3A : f32 to vector<256x512xf32>
    %max3A_42 = arith.maximumf %add3A_40, %max3A_41 : vector<256x512xf32>
    %get3A_43 = arith.constant 0 : index
    %get3A_44 = arith.constant 0 : index
    %get3A_45 = vector.load %arg5[%get3A_43, %get3A_44] : memref<512x256xf32, #tpu.memory_space<vmem>>, vector<512x256xf32>
    %dot_general3A_46 = arith.constant dense<0.000000e+00> : vector<256x256xf32>
    %dot_general3A_47 = tpu.matmul %max3A_42, %get3A_45, %dot_general3A_46 {dimension_numbers = #tpu.dot_dimension_numbers<[1], [0], [0], [1], [0, 0, 1, 1], [], []>, transpose_lhs_hint = false} : vector<256x512xf32>, vector<512x256xf32>, vector<256x256xf32> -> vector<256x256xf32>
    %mul3A_48 = arith.mulf %dot_general3A_20, %dot_general3A_47 : vector<256x256xf32>
    %swap3A = arith.constant 0 : index
    %swap3A_49 = arith.constant 0 : index
    %swap3A_50 = vector.load %arg8[%swap3A, %swap3A_49] : memref<256x256xf32, #tpu.memory_space<vmem>>, vector<256x256xf32>
    tpu.vector_store %arg8[%swap3A, %swap3A_49], %mul3A_48 {strides = array<i32>} : memref<256x256xf32, #tpu.memory_space<vmem>>, vector<256x256xf32>,
    return
  }
  func.func @transform_0(%arg0: i32) -> (i32, i32, i32) {
    %c0_i32 = arith.constant 0 : i32
    %c0_i32_0 = arith.constant 0 : i32
    %c0_i32_1 = arith.constant 0 : i32
    return %c0_i32, %arg0, %c0_i32_0 : i32, i32, i32
  }
  func.func @transform_1(%arg0: i32) -> (i32, i32, i32) {
    %c0_i32 = arith.constant 0 : i32
    %c0_i32_0 = arith.constant 0 : i32
    %c0_i32_1 = arith.constant 0 : i32
    return %c0_i32, %arg0, %c0_i32_0 : i32, i32, i32
  }
  func.func @transform_2(%arg0: i32) -> (i32, i32) {
    %c0_i32 = arith.constant 0 : i32
    %c0_i32_0 = arith.constant 0 : i32
    return %arg0, %c0_i32 : i32, i32
  }
  func.func @transform_3(%arg0: i32) -> (i32, i32) {
    %c0_i32 = arith.constant 0 : i32
    %c0_i32_0 = arith.constant 0 : i32
    %c0_i32_1 = arith.constant 0 : i32
    return %c0_i32, %c0_i32_0 : i32, i32
  }
  func.func @transform_4(%arg0: i32) -> (i32, i32) {
    %c0_i32 = arith.constant 0 : i32
    %c0_i32_0 = arith.constant 0 : i32
    %c0_i32_1 = arith.constant 0 : i32
    return %c0_i32, %c0_i32_0 : i32, i32
  }
  func.func @transform_5(%arg0: i32) -> (i32, i32) {
    %c0_i32 = arith.constant 0 : i32
    %c0_i32_0 = arith.constant 0 : i32
    %c0_i32_1 = arith.constant 0 : i32
    return %c0_i32, %c0_i32_0 : i32, i32
  }
  func.func @transform_6(%arg0: i32) -> (i32, i32) {
    %c0_i32 = arith.constant 0 : i32
    %c0_i32_0 = arith.constant 0 : i32
    %c0_i32_1 = arith.constant 0 : i32
    return %c0_i32, %c0_i32_0 : i32, i32
  }
  func.func @transform_7(%arg0: i32) -> (i32, i32) {
    %c0_i32 = arith.constant 0 : i32
    %c0_i32_0 = arith.constant 0 : i32
    return %arg0, %c0_i32 : i32, i32
  }
}

module attributes {stable_mosaic.version = 14 : i64} {
  func.func @body(%arg0: i32, %arg1: memref<2x256x8xf32, #tpu.memory_space<vmem>>, %arg2: memref<2x256x256xf32, #tpu.memory_space<vmem>>, %arg3: memref<256x256xf32, #tpu.memory_space<vmem>>, %arg4: memref<1x256xf32, #tpu.memory_space<vmem>>, %arg5: memref<256x128xf32, #tpu.memory_space<vmem>>, %arg6: memref<8x256xf32, #tpu.memory_space<vmem>>, %arg7: memref<8x128xf32, #tpu.memory_space<vmem>>, %arg8: memref<256x128xf32, #tpu.memory_space<vmem>>) attributes {dimension_semantics = [#tpu.dimension_semantics<arbitrary>], iteration_bounds = array<i64: 5>, scalar_prefetch = 0 : i64, scratch_operands = 0 : i64, tpu.core_type = #tpu.core_type<tc>, window_params = [{transform_indices = @transform_0, window_bounds = array<i64: 2, 256, 8>}, {transform_indices = @transform_1, window_bounds = array<i64: 2, 256, 256>}, {transform_indices = @transform_2, window_bounds = array<i64: 256, 256>}, {pipeline_mode = #tpu.pipeline_mode<synchronous>, transform_indices = @transform_3, window_bounds = array<i64: 1, 256>}, {pipeline_mode = #tpu.pipeline_mode<synchronous>, transform_indices = @transform_4, window_bounds = array<i64: 256, 128>}, {pipeline_mode = #tpu.pipeline_mode<synchronous>, transform_indices = @transform_5, window_bounds = array<i64: 8, 256>}, {pipeline_mode = #tpu.pipeline_mode<synchronous>, transform_indices = @transform_6, window_bounds = array<i64: 8, 128>}, {transform_indices = @transform_7, window_bounds = array<i64: 256, 128>}]} {
    %get3A = arith.constant 0 : index
    %get3A_0 = arith.constant 0 : index
    %get3A_1 = arith.constant 0 : index
    %get3A_2 = vector.load %arg1[%get3A, %get3A_0, %get3A_1] : memref<2x256x8xf32, #tpu.memory_space<vmem>>, vector<1x256x8xf32>
    %get3A_3 = vector.shape_cast %get3A_2 : vector<1x256x8xf32> to vector<256x8xf32>
    %add3A = arith.constant 1.000000e+00 : f32
    %add3A_4 = vector.broadcast %add3A : f32 to vector<256x8xf32>
    %add3A_5 = arith.addf %add3A_4, %get3A_3 : vector<256x8xf32>
    %get3A_6 = arith.constant 1 : index
    %get3A_7 = arith.constant 0 : index
    %get3A_8 = arith.constant 0 : index
    %get3A_9 = vector.load %arg1[%get3A_6, %get3A_7, %get3A_8] : memref<2x256x8xf32, #tpu.memory_space<vmem>>, vector<1x256x8xf32>
    %get3A_10 = vector.shape_cast %get3A_9 : vector<1x256x8xf32> to vector<256x8xf32>
    %add3A_11 = arith.addf %add3A_5, %get3A_10 : vector<256x8xf32>
    %rsqrt3A = math.rsqrt %add3A_11 : vector<256x8xf32>
    %get3A_12 = arith.constant 0 : index
    %get3A_13 = arith.constant 0 : index
    %get3A_14 = vector.load %arg6[%get3A_12, %get3A_13] : memref<8x256xf32, #tpu.memory_space<vmem>>, vector<8x256xf32>
    %dot_general3A = arith.constant dense<0.000000e+00> : vector<256x256xf32>
    %dot_general3A_15 = tpu.matmul %rsqrt3A, %get3A_14, %dot_general3A {dimension_numbers = #tpu.dot_dimension_numbers<[1], [0], [0], [1], [0, 0, 1, 1], [], []>, transpose_lhs_hint = false} : vector<256x8xf32>, vector<8x256xf32>, vector<256x256xf32> -> vector<256x256xf32>
    %get3A_16 = arith.constant 0 : index
    %get3A_17 = arith.constant 0 : index
    %get3A_18 = vector.load %arg7[%get3A_16, %get3A_17] : memref<8x128xf32, #tpu.memory_space<vmem>>, vector<8x128xf32>
    %dot_general3A_19 = arith.constant dense<0.000000e+00> : vector<256x128xf32>
    %dot_general3A_20 = tpu.matmul %rsqrt3A, %get3A_18, %dot_general3A_19 {dimension_numbers = #tpu.dot_dimension_numbers<[1], [0], [0], [1], [0, 0, 1, 1], [], []>, transpose_lhs_hint = false} : vector<256x8xf32>, vector<8x128xf32>, vector<256x128xf32> -> vector<256x128xf32>
    %get3A_21 = arith.constant 0 : index
    %get3A_22 = arith.constant 0 : index
    %get3A_23 = arith.constant 0 : index
    %get3A_24 = vector.load %arg2[%get3A_21, %get3A_22, %get3A_23] : memref<2x256x256xf32, #tpu.memory_space<vmem>>, vector<1x256x256xf32>
    %get3A_25 = vector.shape_cast %get3A_24 : vector<1x256x256xf32> to vector<256x256xf32>
    %get3A_26 = arith.constant 1 : index
    %get3A_27 = arith.constant 0 : index
    %get3A_28 = arith.constant 0 : index
    %get3A_29 = vector.load %arg2[%get3A_26, %get3A_27, %get3A_28] : memref<2x256x256xf32, #tpu.memory_space<vmem>>, vector<1x256x256xf32>
    %get3A_30 = vector.shape_cast %get3A_29 : vector<1x256x256xf32> to vector<256x256xf32>
    %add3A_31 = arith.addf %get3A_25, %get3A_30 : vector<256x256xf32>
    %get3A_32 = arith.constant 0 : index
    %get3A_33 = arith.constant 0 : index
    %get3A_34 = vector.load %arg3[%get3A_32, %get3A_33] : memref<256x256xf32, #tpu.memory_space<vmem>>, vector<256x256xf32>
    %add3A_35 = arith.addf %add3A_31, %get3A_34 : vector<256x256xf32>
    %mul3A = arith.mulf %dot_general3A_15, %add3A_35 : vector<256x256xf32>
    %get3A_36 = arith.constant 0 : index
    %get3A_37 = arith.constant 0 : index
    %get3A_38 = vector.load %arg4[%get3A_36, %get3A_37] : memref<1x256xf32, #tpu.memory_space<vmem>>, vector<1x256xf32>
    %add3A_39 = vector.broadcast %get3A_38 : vector<1x256xf32> to vector<256x256xf32>
    %add3A_40 = arith.addf %mul3A, %add3A_39 : vector<256x256xf32>
    %max3A = arith.constant 0.000000e+00 : f32
    %max3A_41 = vector.broadcast %max3A : f32 to vector<256x256xf32>
    %max3A_42 = arith.maximumf %add3A_40, %max3A_41 : vector<256x256xf32>
    %get3A_43 = arith.constant 0 : index
    %get3A_44 = arith.constant 0 : index
    %get3A_45 = vector.load %arg5[%get3A_43, %get3A_44] : memref<256x128xf32, #tpu.memory_space<vmem>>, vector<256x128xf32>
    %dot_general3A_46 = arith.constant dense<0.000000e+00> : vector<256x128xf32>
    %dot_general3A_47 = tpu.matmul %max3A_42, %get3A_45, %dot_general3A_46 {dimension_numbers = #tpu.dot_dimension_numbers<[1], [0], [0], [1], [0, 0, 1, 1], [], []>, transpose_lhs_hint = false} : vector<256x256xf32>, vector<256x128xf32>, vector<256x128xf32> -> vector<256x128xf32>
    %mul3A_48 = arith.mulf %dot_general3A_20, %dot_general3A_47 : vector<256x128xf32>
    %swap3A = arith.constant 0 : index
    %swap3A_49 = arith.constant 0 : index
    %swap3A_50 = vector.load %arg8[%swap3A, %swap3A_49] : memref<256x128xf32, #tpu.memory_space<vmem>>, vector<256x128xf32>
    tpu.vector_store %arg8[%swap3A, %swap3A_49], %mul3A_48 {strides = array<i32>} : memref<256x128xf32, #tpu.memory_space<vmem>>, vector<256x128xf32>,
    return
  }
  func.func @transform_0(%arg0: i32) -> (i32, i32, i32) {
    %c0_i32 = arith.constant 0 : i32
    %c0_i32_0 = arith.constant 0 : i32
    %c0_i32_1 = arith.constant 0 : i32
    return %c0_i32, %arg0, %c0_i32_0 : i32, i32, i32
  }
  func.func @transform_1(%arg0: i32) -> (i32, i32, i32) {
    %c0_i32 = arith.constant 0 : i32
    %c0_i32_0 = arith.constant 0 : i32
    %c0_i32_1 = arith.constant 0 : i32
    return %c0_i32, %arg0, %c0_i32_0 : i32, i32, i32
  }
  func.func @transform_2(%arg0: i32) -> (i32, i32) {
    %c0_i32 = arith.constant 0 : i32
    %c0_i32_0 = arith.constant 0 : i32
    return %arg0, %c0_i32 : i32, i32
  }
  func.func @transform_3(%arg0: i32) -> (i32, i32) {
    %c0_i32 = arith.constant 0 : i32
    %c0_i32_0 = arith.constant 0 : i32
    %c0_i32_1 = arith.constant 0 : i32
    return %c0_i32, %c0_i32_0 : i32, i32
  }
  func.func @transform_4(%arg0: i32) -> (i32, i32) {
    %c0_i32 = arith.constant 0 : i32
    %c0_i32_0 = arith.constant 0 : i32
    %c0_i32_1 = arith.constant 0 : i32
    return %c0_i32, %c0_i32_0 : i32, i32
  }
  func.func @transform_5(%arg0: i32) -> (i32, i32) {
    %c0_i32 = arith.constant 0 : i32
    %c0_i32_0 = arith.constant 0 : i32
    %c0_i32_1 = arith.constant 0 : i32
    return %c0_i32, %c0_i32_0 : i32, i32
  }
  func.func @transform_6(%arg0: i32) -> (i32, i32) {
    %c0_i32 = arith.constant 0 : i32
    %c0_i32_0 = arith.constant 0 : i32
    %c0_i32_1 = arith.constant 0 : i32
    return %c0_i32, %c0_i32_0 : i32, i32
  }
  func.func @transform_7(%arg0: i32) -> (i32, i32) {
    %c0_i32 = arith.constant 0 : i32
    %c0_i32_0 = arith.constant 0 : i32
    return %arg0, %c0_i32 : i32, i32
  }
}

module attributes {stable_mosaic.version = 14 : i64} {
  func.func @body(%arg0: i32, %arg1: memref<2x256x8xf32, #tpu.memory_space<vmem>>, %arg2: memref<2x256x128xf32, #tpu.memory_space<vmem>>, %arg3: memref<256x128xf32, #tpu.memory_space<vmem>>, %arg4: memref<1x128xf32, #tpu.memory_space<vmem>>, %arg5: memref<128x32xf32, #tpu.memory_space<vmem>>, %arg6: memref<1x32xf32, #tpu.memory_space<vmem>>, %arg7: memref<8x128xf32, #tpu.memory_space<vmem>>, %arg8: memref<256x128xf32, #tpu.memory_space<vmem>>, %arg9: memref<256x32xf32, #tpu.memory_space<vmem>>) attributes {dimension_semantics = [#tpu.dimension_semantics<arbitrary>], iteration_bounds = array<i64: 5>, scalar_prefetch = 0 : i64, scratch_operands = 0 : i64, tpu.core_type = #tpu.core_type<tc>, window_params = [{transform_indices = @transform_0, window_bounds = array<i64: 2, 256, 8>}, {transform_indices = @transform_1, window_bounds = array<i64: 2, 256, 128>}, {transform_indices = @transform_2, window_bounds = array<i64: 256, 128>}, {pipeline_mode = #tpu.pipeline_mode<synchronous>, transform_indices = @transform_3, window_bounds = array<i64: 1, 128>}, {pipeline_mode = #tpu.pipeline_mode<synchronous>, transform_indices = @transform_4, window_bounds = array<i64: 128, 32>}, {pipeline_mode = #tpu.pipeline_mode<synchronous>, transform_indices = @transform_5, window_bounds = array<i64: 1, 32>}, {pipeline_mode = #tpu.pipeline_mode<synchronous>, transform_indices = @transform_6, window_bounds = array<i64: 8, 128>}, {transform_indices = @transform_7, window_bounds = array<i64: 256, 128>}, {transform_indices = @transform_8, window_bounds = array<i64: 256, 32>}]} {
    %get3A = arith.constant 0 : index
    %get3A_0 = arith.constant 0 : index
    %get3A_1 = arith.constant 0 : index
    %get3A_2 = vector.load %arg1[%get3A, %get3A_0, %get3A_1] : memref<2x256x8xf32, #tpu.memory_space<vmem>>, vector<1x256x8xf32>
    %get3A_3 = vector.shape_cast %get3A_2 : vector<1x256x8xf32> to vector<256x8xf32>
    %add3A = arith.constant 1.000000e+00 : f32
    %add3A_4 = vector.broadcast %add3A : f32 to vector<256x8xf32>
    %add3A_5 = arith.addf %add3A_4, %get3A_3 : vector<256x8xf32>
    %get3A_6 = arith.constant 1 : index
    %get3A_7 = arith.constant 0 : index
    %get3A_8 = arith.constant 0 : index
    %get3A_9 = vector.load %arg1[%get3A_6, %get3A_7, %get3A_8] : memref<2x256x8xf32, #tpu.memory_space<vmem>>, vector<1x256x8xf32>
    %get3A_10 = vector.shape_cast %get3A_9 : vector<1x256x8xf32> to vector<256x8xf32>
    %add3A_11 = arith.addf %add3A_5, %get3A_10 : vector<256x8xf32>
    %rsqrt3A = math.rsqrt %add3A_11 : vector<256x8xf32>
    %get3A_12 = arith.constant 0 : index
    %get3A_13 = arith.constant 0 : index
    %get3A_14 = vector.load %arg7[%get3A_12, %get3A_13] : memref<8x128xf32, #tpu.memory_space<vmem>>, vector<8x128xf32>
    %dot_general3A = arith.constant dense<0.000000e+00> : vector<256x128xf32>
    %dot_general3A_15 = tpu.matmul %rsqrt3A, %get3A_14, %dot_general3A {dimension_numbers = #tpu.dot_dimension_numbers<[1], [0], [0], [1], [0, 0, 1, 1], [], []>, transpose_lhs_hint = false} : vector<256x8xf32>, vector<8x128xf32>, vector<256x128xf32> -> vector<256x128xf32>
    %get3A_16 = arith.constant 0 : index
    %get3A_17 = arith.constant 0 : index
    %get3A_18 = arith.constant 0 : index
    %get3A_19 = vector.load %arg2[%get3A_16, %get3A_17, %get3A_18] : memref<2x256x128xf32, #tpu.memory_space<vmem>>, vector<1x256x128xf32>
    %get3A_20 = vector.shape_cast %get3A_19 : vector<1x256x128xf32> to vector<256x128xf32>
    %get3A_21 = arith.constant 1 : index
    %get3A_22 = arith.constant 0 : index
    %get3A_23 = arith.constant 0 : index
    %get3A_24 = vector.load %arg2[%get3A_21, %get3A_22, %get3A_23] : memref<2x256x128xf32, #tpu.memory_space<vmem>>, vector<1x256x128xf32>
    %get3A_25 = vector.shape_cast %get3A_24 : vector<1x256x128xf32> to vector<256x128xf32>
    %add3A_26 = arith.addf %get3A_20, %get3A_25 : vector<256x128xf32>
    %get3A_27 = arith.constant 0 : index
    %get3A_28 = arith.constant 0 : index
    %get3A_29 = vector.load %arg3[%get3A_27, %get3A_28] : memref<256x128xf32, #tpu.memory_space<vmem>>, vector<256x128xf32>
    %add3A_30 = arith.addf %add3A_26, %get3A_29 : vector<256x128xf32>
    %mul3A = arith.mulf %dot_general3A_15, %add3A_30 : vector<256x128xf32>
    %get3A_31 = arith.constant 0 : index
    %get3A_32 = arith.constant 0 : index
    %get3A_33 = vector.load %arg4[%get3A_31, %get3A_32] : memref<1x128xf32, #tpu.memory_space<vmem>>, vector<1x128xf32>
    %add3A_34 = vector.broadcast %get3A_33 : vector<1x128xf32> to vector<256x128xf32>
    %add3A_35 = arith.addf %mul3A, %add3A_34 : vector<256x128xf32>
    %max3A = arith.constant 0.000000e+00 : f32
    %max3A_36 = vector.broadcast %max3A : f32 to vector<256x128xf32>
    %max3A_37 = arith.maximumf %add3A_35, %max3A_36 : vector<256x128xf32>
    %swap3A = arith.constant 0 : index
    %swap3A_38 = arith.constant 0 : index
    %swap3A_39 = vector.load %arg8[%swap3A, %swap3A_38] : memref<256x128xf32, #tpu.memory_space<vmem>>, vector<256x128xf32>
    tpu.vector_store %arg8[%swap3A, %swap3A_38], %max3A_37 {strides = array<i32>} : memref<256x128xf32, #tpu.memory_space<vmem>>, vector<256x128xf32>,
    %get3A_40 = arith.constant 0 : index
    %get3A_41 = arith.constant 0 : index
    %get3A_42 = vector.load %arg5[%get3A_40, %get3A_41] : memref<128x32xf32, #tpu.memory_space<vmem>>, vector<128x32xf32>
    %dot_general3A_43 = arith.constant dense<0.000000e+00> : vector<256x32xf32>
    %dot_general3A_44 = tpu.matmul %max3A_37, %get3A_42, %dot_general3A_43 {dimension_numbers = #tpu.dot_dimension_numbers<[1], [0], [0], [1], [0, 0, 1, 1], [], []>, transpose_lhs_hint = false} : vector<256x128xf32>, vector<128x32xf32>, vector<256x32xf32> -> vector<256x32xf32>
    %get3A_45 = arith.constant 0 : index
    %get3A_46 = arith.constant 0 : index
    %get3A_47 = vector.load %arg6[%get3A_45, %get3A_46] : memref<1x32xf32, #tpu.memory_space<vmem>>, vector<1x32xf32>
    %add3A_48 = vector.broadcast %get3A_47 : vector<1x32xf32> to vector<256x32xf32>
    %add3A_49 = arith.addf %dot_general3A_44, %add3A_48 : vector<256x32xf32>
    %swap3A_50 = arith.constant 0 : index
    %swap3A_51 = arith.constant 0 : index
    %swap3A_52 = vector.load %arg9[%swap3A_50, %swap3A_51] : memref<256x32xf32, #tpu.memory_space<vmem>>, vector<256x32xf32>
    tpu.vector_store %arg9[%swap3A_50, %swap3A_51], %add3A_49 {strides = array<i32>} : memref<256x32xf32, #tpu.memory_space<vmem>>, vector<256x32xf32>,
    return
  }
  func.func @transform_0(%arg0: i32) -> (i32, i32, i32) {
    %c0_i32 = arith.constant 0 : i32
    %c0_i32_0 = arith.constant 0 : i32
    %c0_i32_1 = arith.constant 0 : i32
    return %c0_i32, %arg0, %c0_i32_0 : i32, i32, i32
  }
  func.func @transform_1(%arg0: i32) -> (i32, i32, i32) {
    %c0_i32 = arith.constant 0 : i32
    %c0_i32_0 = arith.constant 0 : i32
    %c0_i32_1 = arith.constant 0 : i32
    return %c0_i32, %arg0, %c0_i32_0 : i32, i32, i32
  }
  func.func @transform_2(%arg0: i32) -> (i32, i32) {
    %c0_i32 = arith.constant 0 : i32
    %c0_i32_0 = arith.constant 0 : i32
    return %arg0, %c0_i32 : i32, i32
  }
  func.func @transform_3(%arg0: i32) -> (i32, i32) {
    %c0_i32 = arith.constant 0 : i32
    %c0_i32_0 = arith.constant 0 : i32
    %c0_i32_1 = arith.constant 0 : i32
    return %c0_i32, %c0_i32_0 : i32, i32
  }
  func.func @transform_4(%arg0: i32) -> (i32, i32) {
    %c0_i32 = arith.constant 0 : i32
    %c0_i32_0 = arith.constant 0 : i32
    %c0_i32_1 = arith.constant 0 : i32
    return %c0_i32, %c0_i32_0 : i32, i32
  }
  func.func @transform_5(%arg0: i32) -> (i32, i32) {
    %c0_i32 = arith.constant 0 : i32
    %c0_i32_0 = arith.constant 0 : i32
    %c0_i32_1 = arith.constant 0 : i32
    return %c0_i32, %c0_i32_0 : i32, i32
  }
  func.func @transform_6(%arg0: i32) -> (i32, i32) {
    %c0_i32 = arith.constant 0 : i32
    %c0_i32_0 = arith.constant 0 : i32
    %c0_i32_1 = arith.constant 0 : i32
    return %c0_i32, %c0_i32_0 : i32, i32
  }
  func.func @transform_7(%arg0: i32) -> (i32, i32) {
    %c0_i32 = arith.constant 0 : i32
    %c0_i32_0 = arith.constant 0 : i32
    return %arg0, %c0_i32 : i32, i32
  }
  func.func @transform_8(%arg0: i32) -> (i32, i32) {
    %c0_i32 = arith.constant 0 : i32
    %c0_i32_0 = arith.constant 0 : i32
    return %arg0, %c0_i32 : i32, i32
  }
}

</mosaic_0001>

<sc_bundles>
// kernel: kernel.10.cloned.1.call-start
scs
__scs_entry_jumppad:
0x0: {  	(pc) =	sbr.rel $0x88, $3  }
0x1: {  	(tag) =	ssettag $0x0;
	lr =	simm.s32 $0x1  }
0x2: {  	[smem:$0x3F97] =	sst lr;
	_ =	strace $0xD0000000  }
0x3: {  	_ = 	snop  }
0x4: {  	_ = 	snop  }
0x5: {  	_ = 	snop  }
0x6: {  	_ = 	snop  }
0x7: {  	_ = 	snop  }
__scs_overlays_trampoline_lowered:
0x8: {  	[smem:$0x3FA6] =	sst s0  }
0x9: {  	[smem:$0x3FA7] =	sst s1  }
0xa: {  	[smem:$0x3FA8] =	sst s2  }
0xb: {  	[smem:$0x3FA9] =	sst s3  }
0xc: {  	[smem:$0x3FAA] =	sst s4  }
0xd: {  	[smem:$0x3FAB] =	sst s5  }
0xe: {  	[smem:$0x3FAC] =	sst s6  }
0xf: {  	[smem:$0x3FAD] =	sst s7  }
0x10: {  	[smem:$0x3FAE] =	sst s8  }
0x11: {  	[smem:$0x3FAF] =	sst s9;
	s0 =	simm.s32 @!p0 $0x0  }
0x12: {  	s1 =	sld [smem:$0x3F95];
	s0 =	simm.s32 @p0 $0x1  }
0x13: {  	[smem:$0x3FB0] =	sst s0;
	s0 =	simm.s32 @!p1 $0x0  }
0x14: {  	s2 =	sld [smem:$0x3F94];
	s0 =	simm.s32 @p1 $0x1  }
0x15: {  	[smem:$0x3FB1] =	sst s0;
	s0 =	simm.s32 @!p2 $0x0  }
0x16: {  	s3 =	sld [smem:$0x3FDB];
	s0 =	simm.s32 @p2 $0x1  }
0x17: {  	s4 =	simm.s32 $0x1BF5;
	[smem:$0x3FB3] =	sst s0  }
0x18: {  	s0 =	sld [smem:$0x3F96];
	_ =	swait.ge [sflag:s4], $0x0  }
0x19: {  	s7 =	sld [smem:$0x3F97]  }
0x1a: {  	s8 =	sadd.s32 $0xFFFFE003, lr  }
0x1b: {  	s9 =	sadd.s32 $0xFFFFFEF7, lr;
	s5 =	simm.s32 $0xFFFFFFFF;
	p2 =	slt.u32 s8, $0xFFFFF086  }
0x1c: {  	p1 =	slt.u32 s9, $0xF7A;
	s5 =	simm.s32 @!p2 $0x0  }
0x1d: {  	s5 =	simm.s32 @p1 $0x1;
	p0 =	seq.s32 s7, s2  }
0x1e: {  	s7 =	smul.u32 @!p0 $0xF7A, s2;
	p2 =	seq.s32 @!p0 s5, $0x0  }
0x1f: {  	s9 =	smul.u32 $0xF7A, s1;
	s8 =	simm.s32 @!p0 $0x1BF5;
	p2 =	por !p2, p0  }
0x20: {  	[sflag:s8] =	ssyncset.s32 @!p0 $0xFFFFF086;
	s6 =	sadd.s32 @!p0 s3, s7;
	s7 =	simm.s32 @!p0 $0x108  }
0x21: {  	s3 =	sadd.s32 s3, s9;
	s6 =	sadd.s32 @!p0 $0x88, s6;
	s7 =	simm.s32 @p2 $0x1082  }
0x22: {  	[simem:s7], [sflag:s8] =	dma.local @!p0 [hbm:s6], $0xF7A  }
0x23: {  	s9 =	sor.u32 $0xD0000000, s2;
	s6 =	simm.s32 $0x108;
	_ =	swait.ge @!p0 [sflag:s8], $0x0  }
0x24: {  	s3 =	sadd.s32 $0x88, s3;
	s6 =	simm.s32 @!p1 $0x1082;
	[sflag:s4] =	ssyncset.s32 $0xFFFFF086  }
0x25: {  	[simem:s6], [sflag:s4] =	dma.local [hbm:s3], $0xF7A  }
0x26: {  	[smem:$0x3F97] =	sst s1;
	(tag) =	ssettag s2;
	_ =	strace s9  }
0x27: {  	s1 =	sld [smem:$0x3FA7]  }
0x28: {  	s2 =	sld [smem:$0x3FA8]  }
0x29: {  	s4 =	sld [smem:$0x3FAA]  }
0x2a: {  	p0 =	seq.s32 s5, $0x0;
	s5 =	sld [smem:$0x3FAB]  }
0x2b: {  	s6 =	sld [smem:$0x3FAC]  }
0x2c: {  	s7 =	sld [smem:$0x3FAD]  }
0x2d: {  	s3 =	simm.s32 $0x108;
	s8 =	sld [smem:$0x3FAE]  }
0x2e: {  	s3 =	simm.s32 @!p0 $0x1082;
	s9 =	sld [smem:$0x3FAF]  }
0x2f: {  	lr =	sadd.s32 s0, s3;
	s0 =	sld [smem:$0x3FA6]  }
0x30: {  	s3 =	sld [smem:$0x3FA9]  }
0x31: {  	[smem:$0x3FB2] =	sst s10  }
0x32: {  	s10 =	sld [smem:$0x3FB0];
	_ =	sdelay $0x3  }
0x33: {  	p0 =	seq.s32 s10, $0x1;
	s10 =	sld [smem:$0x3FB2];
	_ =	sdelay $0x3  }
0x34: {  	[smem:$0x3FB2] =	sst s10  }
0x35: {  	s10 =	sld [smem:$0x3FB1];
	_ =	sdelay $0x3  }
0x36: {  	p1 =	seq.s32 s10, $0x1;
	s10 =	sld [smem:$0x3FB2];
	_ =	sdelay $0x3  }
0x37: {  	[smem:$0x3FB2] =	sst s10  }
0x38: {  	s10 =	sld [smem:$0x3FB3]  }
0x39: {  	_ = 	snop;
	(pc) =	sbr.ind lr, $3  }
0x3a: {  	_ = 	snop  }
0x3b: {  	_ = 	snop  }
0x3c: {  	p2 =	seq.s32 s10, $0x1;
	s10 =	sld [smem:$0x3FB2]  }
0x3d: {  	_ =	shalt  }
0x3e: {  	_ =	shalt  }
0x3f: {  	_ =	shalt  }
0x40: {  	_ =	shalt  }
0x41: {  	_ =	shalt  }
0x42: {  	_ =	shalt  }
0x43: {  	_ =	shalt  }
0x44: {  	_ =	shalt  }
0x45: {  	_ =	shalt  }
0x46: {  	_ =	shalt  }
0x47: {  	_ =	shalt  }
0x48: {  	_ =	shalt  }
0x49: {  	_ =	shalt  }
0x4a: {  	_ =	shalt  }
0x4b: {  	_ =	shalt  }
0x4c: {  	_ =	shalt  }
0x4d: {  	_ =	shalt  }
0x4e: {  	_ =	shalt  }
0x4f: {  	_ =	shalt  }
0x50: {  	_ =	shalt  }
0x51: {  	_ =	shalt  }
0x52: {  	_ =	shalt  }
0x53: {  	_ =	shalt  }
0x54: {  	_ =	shalt  }
0x55: {  	_ =	shalt  }
0x56: {  	_ =	shalt  }
0x57: {  	_ =	shalt  }
0x58: {  	_ =	shalt  }
0x59: {  	_ =	shalt  }
0x5a: {  	_ =	shalt  }
0x5b: {  	_ =	shalt  }
0x5c: {  	_ =	shalt  }
0x5d: {  	_ =	shalt  }
0x5e: {  	_ =	shalt  }
0x5f: {  	_ =	shalt  }
0x60: {  	_ =	shalt  }
0x61: {  	_ =	shalt  }
0x62: {  	_ =	shalt  }
0x63: {  	_ =	shalt  }
0x64: {  	_ =	shalt  }
0x65: {  	_ =	shalt  }
0x66: {  	_ =	shalt  }
0x67: {  	_ =	shalt  }
0x68: {  	_ =	shalt  }
0x69: {  	_ =	shalt  }
0x6a: {  	_ =	shalt  }
0x6b: {  	_ =	shalt  }
0x6c: {  	_ =	shalt  }
0x6d: {  	_ =	shalt  }
0x6e: {  	_ =	shalt  }
0x6f: {  	_ =	shalt  }
0x70: {  	_ =	shalt  }
0x71: {  	_ =	shalt  }
0x72: {  	_ =	shalt  }
0x73: {  	_ =	shalt  }
0x74: {  	_ =	shalt  }
0x75: {  	_ =	shalt  }
0x76: {  	_ =	shalt  }
0x77: {  	_ =	shalt  }
0x78: {  	_ =	shalt  }
0x79: {  	_ =	shalt  }
0x7a: {  	_ =	shalt  }
0x7b: {  	_ =	shalt  }
0x7c: {  	_ =	shalt  }
0x7d: {  	_ =	shalt  }
0x7e: {  	_ =	shalt  }
0x7f: {  	_ =	shalt  }
0x80: {  	_ =	shalt  }
0x81: {  	_ =	shalt  }
0x82: {  	_ =	shalt  }
0x83: {  	_ =	shalt  }
0x84: {  	_ =	shalt  }
0x85: {  	_ =	shalt  }
0x86: {  	_ =	shalt  }
0x87: {  	_ =	shalt  }
.Lfunc_end0:
.L_simem_size_0:
called_computation_lowered:
.L_overlay_start_0:
0x88: {  	s2 =	sld [smem:$0x3FD9]  }
0x89: {  	s3 =	sld [smem:$0x3FFE];
	_ =	sdelay $0x1  }
0x8a: {  	s1 =	srdreg.scid  }
0x8b: {  	s0 =	sand.u32 $0x1, s1  }
0x8c: {  	s14 =	sshll.u32 s0, $0xA;
	s2 =	sadd.s32 s3, s2  }
0x8d: {  	s2 =	sadd.s32 s2, s14  }
0x8e: {  	[smem:$0x3FBE] =	sst s2  }
0x8f: {  	_ = 	snop  }
0x90: {  	s2 =	sld [smem:$0x3FD0];
	_ =	sdelay $0x2  }
0x91: {  	s15 =	simm.s32 $0xA;
	s4 =	simm.s32 $0x10  }
0x92: {  	[smem:s4], [sflag:s15] =	dma.local [hbm:s2], $0x1  }
0x93: {  	_ =	swait.eq [sflag:s15], $0x1  }
0x94: {  	[sflag:s15] =	ssyncset.done $0x0  }
0x95: {  	[sflag:s15] =	ssyncadd.s32 $0xFFFFFFFF  }
0x96: {  	s16 =	sld [smem:$0x11];
	(tm) =	ssettm $0x1  }
0x97: {  	s17 =	sld [smem:$0x3FFB];
	_ =	sdelay $0x3  }
0x98: {  	_ =	strace s17  }
0x99: {  	s3 =	sld [smem:$0x3FFC];
	_ =	sdelay $0x3  }
0x9a: {  	_ =	strace s3  }
0x9b: {  	s3 =	sld [smem:$0x3FFD];
	_ =	sdelay $0x3  }
0x9c: {  	_ =	strace s3  }
0x9d: {  	_ =	strace $0x8FFFFFFF  }
0x9e: {  	s18 =	sld [smem:$0x3FDB];
	_ =	sdelay $0x1  }
0x9f: {  	s19 =	simm.s32 $_scs_section_size  }
0xa0: {  	s5 =	simm.s32 $_size__tile_overlayer_lowered;
	s6 =	simm.s32 $_tile_overlayer_lowered  }
0xa1: {  	s22 =	simm.s32 $0x1BFF;
	s21 =	sshll.u32 s6, $0x1;
	s3 =	sadd.s32 s19, s18  }
0xa2: {  	s7 =	simm.s32 $0x0;
	s20 =	sshll.u32 s5, $0x1;
	s5 =	sadd.s32 s21, s3  }
0xa3: {  	[timem:s7], [sflag:s22] =	dma.local [hbm:s5], s20  }
0xa4: {  	_ =	swait.ge [sflag:s22], s20  }
0xa5: {  	s4 =	ssub.s32 $0x0, s20;
	[sflag:s22] =	ssyncset.done $0x0  }
0xa6: {  	[sflag:s22] =	ssyncadd.s32 s4;
	_ =	sdelay $0x1  }
0xa7: {  	s23 =	simm.s32 $0x1B8B  }
0xa8: {  	_ =	swait.ge [sflag:s23], $0x1  }
0xa9: {  	[sflag:s23] =	ssyncset.done $0x0  }
0xaa: {  	s25 =	simm.s32 $0x1B8E;
	s24 =	sld [smem:$0x3FFE];
	[sflag:s23] =	ssyncadd.s32 $0xFFFFFFFF  }
0xab: {  	s26 =	simm.s32 $execute0_lowered;
	[smem:$0x3FD2] =	sst s25  }
0xac: {  	s5 =	sshll.u32 s26, $0x1;
	_ =	strace $0x80000046;
	[dreg:$0x1] =	wrdreg $0xFFFFFFFF  }
0xad: {  	s28 =	simm.s32 $_size_execute0_lowered;
	s3 =	sadd.s32 s3, s5;
	[dreg:$0x0] =	wrdreg $0x0  }
0xae: {  	s5 =	sshll.u32 s28, $0x1;
	[dreg:$0x2] =	wrdreg s3  }
0xaf: {  	[dreg:$0x3] =	wrdreg s5  }
0xb0: {  	[dreg:$0x4] =	wrdreg $0xC0  }
0xb1: {  	_ =	task [dreg:s7], $0x5FFFF  }
0xb2: {  	[dreg:$0x1] =	wrdreg $0xFFFFFFFF  }
0xb3: {  	[dreg:$0x0] =	wrdreg $0x60  }
0xb4: {  	[dreg:$0x2] =	wrdreg s24  }
0xb5: {  	[dreg:$0x3] =	wrdreg s16  }
0xb6: {  	[dreg:$0x4] =	wrdreg $0x2B000  }
0xb7: {  	[dreg:$0x5] =	wrdreg $0x9  }
0xb8: {  	_ =	task.clear_ibuf [dreg:s7], $0x6FFFF;
	_ =	strace $0x90000046  }
0xb9: {  	s29 =	simm.s32 $0x9;
	_ =	strace $0x80000048  }
0xba: {  	_ =	swait.ge [sflag:s29], $0x1  }
0xbb: {  	[sflag:s29] =	ssyncadd.s32 $0xFFFFFFFF  }
0xbc: {  	_ =	strace $0x90000048  }
0xbd: {  	_ =	sfence  }
0xbe: {  	s30 =	sld [smem:$0x0];
	_ =	sdelay $0x2  }
0xbf: {  	s31 =	sshll.u32 s1, $0xD;
	s1 =	sshrl.u32 s1, $0x2  }
0xc0: {  	s3 =	sand.u32 $0x4000, s31;
	s1 =	sadd.s32 s1, s30  }
0xc1: {  	s0 =	sor.u32 s3, s0;
	s1 =	sshll.u32 s1, $0x11  }
0xc2: {  	s0 =	sor.u32 s1, s0  }
0xc3: {  	s0 =	sadd.s32 $0x8F2B, s0  }
0xc4: {  	[sflag:s0] =	ssyncadd.remote.s32 $0x1  }
0xc5: {  	_ =	sfence.sel $0xFFFF  }
0xc6: {  	[dreg:$0x0] =	wrdreg $0xFFFFFFFF;
	(pc) =	sbr.abs _section_cstart, $3  }
0xc7: {  	[dreg:$0x1] =	wrdreg $0xFFFFFFFF  }
0xc8: {  	_ =	task.clear_ibuf [dreg:s7], $0x2FFFF;
	_ =	strace $0x9FFFFFFF  }
0xc9: {  	(tm) =	ssettm $0x7FFFFFFF  }
tec
execute0_lowered:
.L_overlay_start_1:
0x0: {  	(tag) =	ssettag $0x1  }
0x1: {  	s4 =	rddreg [dreg:$0x0];
	s1 =	srdreg.scid  }
0x2: {  	s0 =	stileid.u32;
	s6 =	rddreg [dreg:$0x1]  }
0x3: {  	s2 =	rddreg [dreg:$0x2];
	s3 =	simm.s32 $0x0;
	s12 =	simm.s32 $0x100  }
0x4: {  	s13 =	simm.s32 $0x180;
	s14 =	simm.s32 $0x200;
	s15 =	simm.s32 $0x280  }
0x5: {  	s16 =	simm.s32 $0x300;
	s17 =	simm.s32 $0x380;
	s18 =	simm.s32 $0x1  }
0x6: {  	s19 =	simm.s32 $0x2;
	s20 =	simm.s32 $0x3;
	s21 =	simm.s32 $0x4  }
0x7: {  	s22 =	simm.s32 $0x5;
	s28 =	simm.s32 $0x8;
	s29 =	simm.s32 $0x0  }
0x8: {  	s5 =	sand.u32 $0x1, s1;
	s26 =	sshll.u32 s0, $0x1;
	[smem:$0x7FF] =	sst s3  }
0x9: {  	s9 =	smul.u32 $0x280, s0;
	s25 =	sshll.u32 s0, $0x6;
	s7 =	sor.u32 s5, s26  }
0xa: {  	s8 =	ssub.s32 $0x2, s5;
	_ =	strace $0x80000047;
	s11 =	smul.u32 $0x500, s5  }
0xb: {  	s25 =	sor.u32 $0x1C09, s25;
	s26 =	simm.s32 $0x7;
	s10 =	sshrl.u32 s8, $0x1  }
0xc: {  	s7 =	smul.u32 $0x500, s7;
	s24 =	sshrl.u32 s9, $0x3;
	s31 =	ssub.s32 s8, s10  }
0xd: {  	s23 =	sadd.s32 s6, s11;
	s8 =	simm.s32 $0x9;
	s10 =	simm.s32 $0x2800  }
0xe: {  	s11 =	simm.s32 $0x80;
	s30 =	sadd.s32 s7, s4;
	s4 =	sadd.s32 s9, s2  }
0xf: {  	s6 =	smax.u32 s31, $0x1;
	s7 =	simm.s32 $0x2880;
	s9 =	simm.s32 $0x7D  }
0x10: {  	v0 =	vimm.f32 $1.000000000e+00;
	v1 =	vimm.f32 $0.0e+00;
	s23 =	sadd.s32 s24, s23;
	s24 =	simm.s32 $0x6;
	s5 =	sadd.s32 $0x2800, s30  }
.LBB2_1:
0x11: {  	[tilespmem:$0x2800] =	vst v0  }
0x12: {  	[tilespmem:$0x2810] =	vst v0  }
0x13: {  	[tilespmem:$0x2820] =	vst v0  }
0x14: {  	[tilespmem:$0x2830] =	vst v0  }
0x15: {  	[tilespmem:$0x2840] =	vst v0  }
0x16: {  	[tilespmem:$0x2850] =	vst v0  }
0x17: {  	[tilespmem:$0x2860] =	vst v0  }
0x18: {  	[tilespmem:$0x2880] =	vst v1  }
0x19: {  	[tilespmem:$0x2890] =	vst v1  }
0x1a: {  	[tilespmem:$0x28A0] =	vst v1  }
0x1b: {  	[tilespmem:$0x28B0] =	vst v1  }
0x1c: {  	[tilespmem:$0x28C0] =	vst v1  }
0x1d: {  	[tilespmem:$0x28D0] =	vst v1  }
0x1e: {  	[tilespmem:$0x28E0] =	vst v1  }
0x1f: {  	[tilespmem:$0x28F0] =	vst v1  }
0x20: {  	[tilespmem:$0x2900] =	vst v1  }
0x21: {  	[tilespmem:$0x2910] =	vst v1  }
0x22: {  	[tilespmem:$0x2920] =	vst v1  }
0x23: {  	[tilespmem:$0x2930] =	vst v1  }
0x24: {  	[tilespmem:$0x2940] =	vst v1  }
0x25: {  	[tilespmem:$0x2950] =	vst v1  }
0x26: {  	[tilespmem:$0x2960] =	vst v1  }
0x27: {  	[tilespmem:$0x2970] =	vst v1  }
0x28: {  	[tilespmem:$0x2980] =	vst v1  }
0x29: {  	[tilespmem:$0x2990] =	vst v1  }
0x2a: {  	[tilespmem:$0x29A0] =	vst v1  }
0x2b: {  	[tilespmem:$0x29B0] =	vst v1  }
0x2c: {  	[tilespmem:$0x29C0] =	vst v1  }
0x2d: {  	[tilespmem:$0x29D0] =	vst v1  }
0x2e: {  	[tilespmem:$0x29E0] =	vst v1  }
0x2f: {  	[tilespmem:$0x29F0] =	vst v1  }
0x30: {  	[tilespmem:$0x2A00] =	vst v1  }
0x31: {  	[tilespmem:$0x2A10] =	vst v1  }
0x32: {  	[tilespmem:$0x2A20] =	vst v1  }
0x33: {  	[tilespmem:$0x2A30] =	vst v1  }
0x34: {  	[tilespmem:$0x2A40] =	vst v1  }
0x35: {  	[tilespmem:$0x2A50] =	vst v1  }
0x36: {  	[tilespmem:$0x2A60] =	vst v1  }
0x37: {  	[tilespmem:$0x2A70] =	vst v1  }
0x38: {  	[tilespmem:$0x2A80] =	vst v1  }
0x39: {  	[tilespmem:$0x2A90] =	vst v1  }
0x3a: {  	[tilespmem:$0x2AA0] =	vst v1  }
0x3b: {  	[tilespmem:$0x2AB0] =	vst v1  }
0x3c: {  	[tilespmem:$0x2AC0] =	vst v1  }
0x3d: {  	[tilespmem:$0x2AD0] =	vst v1  }
0x3e: {  	[tilespmem:$0x2AE0] =	vst v1  }
0x3f: {  	[tilespmem:$0x2AF0] =	vst v1  }
0x40: {  	[tilespmem:$0x286D] =	vst v0  }
0x41: {  	[spmem:s4] =	stream.linear.scatter [tilespmem:s7], [sflag:$0x9], $0x280, $0x38;
	[tilespmem:$0x2D80] =	vst v63  }
0x42: {  	_ =	swait.ge [sflag:s8], $0x280  }
0x43: {  	[sflag:s8] =	ssyncset.done $0x0  }
0x44: {  	[sflag:s8] =	ssyncadd.s32 $0xFFFFFD80  }
0x45: {  	[tilespmem:s3], [sflag:$0x9] =	stream.linear.gather [hbm4b:s5+s3], $0x2800, $0x38;
	[tilespmem:$0x2D80] =	vst v63  }
0x46: {  	_ =	swait.ge [sflag:s8], $0x2800  }
0x47: {  	[sflag:s8] =	ssyncset.done $0x0  }
0x48: {  	[sflag:s8] =	ssyncadd.s32 $0xFFFFD800  }
0x49: {  	[bflag:$0x0] =	sbarrier.arrive $0xFFFF  }
0x4a: {  	[spmem:s2] =	stream.indirect.scatter.add.f32 [tilespmem:s10], [sflag:$0x1], $0x1, s3, s9, $0xb8;
	[tilespmem:$0x2D80] =	vst v63  }
0x4b: {  	_ = 	snop  }
0x4c: {  	[spmem:s2] =	stream.indirect.scatter.add.f32 [tilespmem:s10], [sflag:$0x2], $0x1, s11, s9, $0xb8;
	[tilespmem:$0x2D80] =	vst v63  }
0x4d: {  	_ = 	snop  }
0x4e: {  	[spmem:s2] =	stream.indirect.scatter.add.f32 [tilespmem:s10], [sflag:$0x3], $0x1, s12, s9, $0xb8;
	[tilespmem:$0x2D80] =	vst v63  }
0x4f: {  	_ = 	snop  }
0x50: {  	[spmem:s2] =	stream.indirect.scatter.add.f32 [tilespmem:s10], [sflag:$0x4], $0x1, s13, s9, $0xb8;
	[tilespmem:$0x2D80] =	vst v63  }
0x51: {  	_ = 	snop  }
0x52: {  	[spmem:s2] =	stream.indirect.scatter.add.f32 [tilespmem:s10], [sflag:$0x5], $0x1, s14, s9, $0xb8;
	[tilespmem:$0x2D80] =	vst v63  }
0x53: {  	_ = 	snop  }
0x54: {  	[spmem:s2] =	stream.indirect.scatter.add.f32 [tilespmem:s10], [sflag:$0x6], $0x1, s15, s9, $0xb8;
	[tilespmem:$0x2D80] =	vst v63  }
0x55: {  	_ = 	snop  }
0x56: {  	[spmem:s2] =	stream.indirect.scatter.add.f32 [tilespmem:s10], [sflag:$0x7], $0x1, s16, s9, $0xb8;
	[tilespmem:$0x2D80] =	vst v63  }
0x57: {  	_ = 	snop  }
0x58: {  	[spmem:s2] =	stream.indirect.scatter.add.f32 [tilespmem:s10], [sflag:$0x8], $0x1, s17, s9, $0xb8;
	[tilespmem:$0x2D80] =	vst v63  }
0x59: {  	_ =	swait.ge [sflag:s18], $0x7D  }
0x5a: {  	[sflag:s18] =	ssyncset.done $0x0  }
0x5b: {  	s30 =	simm.s32 $0x400;
	[sflag:s18] =	ssyncadd.s32 $0xFFFFFF83  }
0x5c: {  	[spmem:s2] =	stream.indirect.scatter.add.f32 [tilespmem:s10], [sflag:$0x1], $0x1, s30, s9, $0xb8;
	[tilespmem:$0x2D80] =	vst v63  }
0x5d: {  	_ =	swait.ge [sflag:s19], $0x7D  }
0x5e: {  	[sflag:s19] =	ssyncset.done $0x0  }
0x5f: {  	s30 =	simm.s32 $0x480;
	[sflag:s19] =	ssyncadd.s32 $0xFFFFFF83  }
0x60: {  	[spmem:s2] =	stream.indirect.scatter.add.f32 [tilespmem:s10], [sflag:$0x2], $0x1, s30, s9, $0xb8;
	[tilespmem:$0x2D80] =	vst v63  }
0x61: {  	_ =	swait.ge [sflag:s20], $0x7D  }
0x62: {  	[sflag:s20] =	ssyncset.done $0x0  }
0x63: {  	s30 =	simm.s32 $0x500;
	[sflag:s20] =	ssyncadd.s32 $0xFFFFFF83  }
0x64: {  	[spmem:s2] =	stream.indirect.scatter.add.f32 [tilespmem:s10], [sflag:$0x3], $0x1, s30, s9, $0xb8;
	[tilespmem:$0x2D80] =	vst v63  }
0x65: {  	_ =	swait.ge [sflag:s21], $0x7D  }
0x66: {  	[sflag:s21] =	ssyncset.done $0x0  }
0x67: {  	s30 =	simm.s32 $0x580;
	[sflag:s21] =	ssyncadd.s32 $0xFFFFFF83  }
0x68: {  	[spmem:s2] =	stream.indirect.scatter.add.f32 [tilespmem:s10], [sflag:$0x4], $0x1, s30, s9, $0xb8;
	[tilespmem:$0x2D80] =	vst v63  }
0x69: {  	_ =	swait.ge [sflag:s22], $0x7D  }
0x6a: {  	[sflag:s22] =	ssyncset.done $0x0  }
0x6b: {  	s30 =	simm.s32 $0x600;
	[sflag:s22] =	ssyncadd.s32 $0xFFFFFF83  }
0x6c: {  	[spmem:s2] =	stream.indirect.scatter.add.f32 [tilespmem:s10], [sflag:$0x5], $0x1, s30, s9, $0xb8;
	[tilespmem:$0x2D80] =	vst v63  }
0x6d: {  	_ =	swait.ge [sflag:s24], $0x7D  }
0x6e: {  	[sflag:s24] =	ssyncset.done $0x0  }
0x6f: {  	s30 =	simm.s32 $0x680;
	[sflag:s24] =	ssyncadd.s32 $0xFFFFFF83  }
0x70: {  	[spmem:s2] =	stream.indirect.scatter.add.f32 [tilespmem:s10], [sflag:$0x6], $0x1, s30, s9, $0xb8;
	[tilespmem:$0x2D80] =	vst v63  }
0x71: {  	_ =	swait.ge [sflag:s26], $0x7D  }
0x72: {  	[sflag:s26] =	ssyncset.done $0x0  }
0x73: {  	s30 =	simm.s32 $0x700;
	[sflag:s26] =	ssyncadd.s32 $0xFFFFFF83  }
0x74: {  	[spmem:s2] =	stream.indirect.scatter.add.f32 [tilespmem:s10], [sflag:$0x7], $0x1, s30, s9, $0xb8;
	[tilespmem:$0x2D80] =	vst v63  }
0x75: {  	_ =	swait.ge [sflag:s28], $0x7D  }
0x76: {  	[sflag:s28] =	ssyncset.done $0x0  }
0x77: {  	s31 =	simm.s32 $0x780;
	s30 =	simm.s32 $0x1000;
	[sflag:s28] =	ssyncadd.s32 $0xFFFFFF83  }
.LBB2_2:
0x78: {  	[spmem:s2] =	stream.indirect.scatter.add.f32 [tilespmem:s10], [sflag:$0x8], $0x1, s31, s9, $0xb8;
	[tilespmem:$0x2D80] =	vst v63  }
0x79: {  	s31 =	smov.u32 s30  }
0x7a: {  	p0 =	sne.s32 s30, $0x8000;
	s30 =	sadd.s32 $0x1000, s30;
	_ =	swait.ge [sflag:s18], $0x7D  }
0x7b: {  	s31 =	sshra.s32 s31, $0x2;
	[sflag:s18] =	ssyncset.done $0x0  }
0x7c: {  	s1 =	sadd.s32 $0x400, s31;
	[sflag:s18] =	ssyncadd.s32 $0xFFFFFF83  }
0x7d: {  	[spmem:s2] =	stream.indirect.scatter.add.f32 [tilespmem:s10], [sflag:$0x1], $0x1, s1, s9, $0xb8;
	[tilespmem:$0x2D80] =	vst v63  }
0x7e: {  	_ =	swait.ge [sflag:s19], $0x7D  }
0x7f: {  	[sflag:s19] =	ssyncset.done $0x0  }
0x80: {  	s1 =	sadd.s32 $0x480, s31;
	[sflag:s19] =	ssyncadd.s32 $0xFFFFFF83  }
0x81: {  	[spmem:s2] =	stream.indirect.scatter.add.f32 [tilespmem:s10], [sflag:$0x2], $0x1, s1, s9, $0xb8;
	[tilespmem:$0x2D80] =	vst v63  }
0x82: {  	_ =	swait.ge [sflag:s20], $0x7D  }
0x83: {  	[sflag:s20] =	ssyncset.done $0x0  }
0x84: {  	s1 =	sadd.s32 $0x500, s31;
	[sflag:s20] =	ssyncadd.s32 $0xFFFFFF83  }
0x85: {  	[spmem:s2] =	stream.indirect.scatter.add.f32 [tilespmem:s10], [sflag:$0x3], $0x1, s1, s9, $0xb8;
	[tilespmem:$0x2D80] =	vst v63  }
0x86: {  	_ =	swait.ge [sflag:s21], $0x7D  }
0x87: {  	[sflag:s21] =	ssyncset.done $0x0  }
0x88: {  	s1 =	sadd.s32 $0x580, s31;
	[sflag:s21] =	ssyncadd.s32 $0xFFFFFF83  }
0x89: {  	[spmem:s2] =	stream.indirect.scatter.add.f32 [tilespmem:s10], [sflag:$0x4], $0x1, s1, s9, $0xb8;
	[tilespmem:$0x2D80] =	vst v63  }
0x8a: {  	_ =	swait.ge [sflag:s22], $0x7D  }
0x8b: {  	[sflag:s22] =	ssyncset.done $0x0  }
0x8c: {  	s1 =	sadd.s32 $0x600, s31;
	[sflag:s22] =	ssyncadd.s32 $0xFFFFFF83  }
0x8d: {  	[spmem:s2] =	stream.indirect.scatter.add.f32 [tilespmem:s10], [sflag:$0x5], $0x1, s1, s9, $0xb8;
	[tilespmem:$0x2D80] =	vst v63  }
0x8e: {  	_ =	swait.ge [sflag:s24], $0x7D  }
0x8f: {  	[sflag:s24] =	ssyncset.done $0x0  }
0x90: {  	s1 =	sadd.s32 $0x680, s31;
	[sflag:s24] =	ssyncadd.s32 $0xFFFFFF83  }
0x91: {  	[spmem:s2] =	stream.indirect.scatter.add.f32 [tilespmem:s10], [sflag:$0x6], $0x1, s1, s9, $0xb8;
	[tilespmem:$0x2D80] =	vst v63  }
0x92: {  	_ =	swait.ge [sflag:s26], $0x7D  }
0x93: {  	[sflag:s26] =	ssyncset.done $0x0  }
.Ltmp0:
0x94: {  	s1 =	sadd.s32 $0x700, s31;
	[sflag:s26] =	ssyncadd.s32 $0xFFFFFF83;
	(pc) =	sbr.rel @p0 .LBB2_2-.Ltmp0, $4  }
0x95: {  	[spmem:s2] =	stream.indirect.scatter.add.f32 [tilespmem:s10], [sflag:$0x7], $0x1, s1, s9, $0xb8;
	[tilespmem:$0x2D80] =	vst v63  }
0x96: {  	_ =	swait.ge [sflag:s28], $0x7D  }
0x97: {  	[sflag:s28] =	ssyncset.done $0x0  }
0x98: {  	s31 =	sadd.s32 $0x780, s31;
	[sflag:s28] =	ssyncadd.s32 $0xFFFFFF83  }
0x99: {  	[spmem:s2] =	stream.indirect.scatter.add.f32 [tilespmem:s10], [sflag:$0x8], $0x1, s31, s9, $0xb8;
	[tilespmem:$0x2D80] =	vst v63  }
0x9a: {  	_ =	swait.ge [sflag:s18], $0x7D  }
0x9b: {  	[sflag:s18] =	ssyncset.done $0x0  }
0x9c: {  	[sflag:s18] =	ssyncadd.s32 $0xFFFFFF83  }
0x9d: {  	_ =	swait.ge [sflag:s19], $0x7D  }
0x9e: {  	[sflag:s19] =	ssyncset.done $0x0  }
0x9f: {  	[sflag:s19] =	ssyncadd.s32 $0xFFFFFF83  }
0xa0: {  	_ =	swait.ge [sflag:s20], $0x7D  }
0xa1: {  	[sflag:s20] =	ssyncset.done $0x0  }
0xa2: {  	[sflag:s20] =	ssyncadd.s32 $0xFFFFFF83  }
0xa3: {  	_ =	swait.ge [sflag:s21], $0x7D  }
0xa4: {  	[sflag:s21] =	ssyncset.done $0x0  }
0xa5: {  	[sflag:s21] =	ssyncadd.s32 $0xFFFFFF83  }
0xa6: {  	_ =	swait.ge [sflag:s22], $0x7D  }
0xa7: {  	[sflag:s22] =	ssyncset.done $0x0  }
0xa8: {  	[sflag:s22] =	ssyncadd.s32 $0xFFFFFF83  }
0xa9: {  	_ =	swait.ge [sflag:s24], $0x7D  }
0xaa: {  	[sflag:s24] =	ssyncset.done $0x0  }
0xab: {  	[sflag:s24] =	ssyncadd.s32 $0xFFFFFF83  }
0xac: {  	_ =	swait.ge [sflag:s26], $0x7D  }
0xad: {  	[sflag:s26] =	ssyncset.done $0x0  }
0xae: {  	[sflag:s26] =	ssyncadd.s32 $0xFFFFFF83  }
0xaf: {  	_ =	swait.ge [sflag:s28], $0x7D  }
0xb0: {  	s29 =	sadd.s32 $0x1, s29;
	[sflag:s28] =	ssyncset.done $0x0  }
0xb1: {  	p0 =	sne.s32 s29, s6;
	[sflag:s28] =	ssyncadd.s32 $0xFFFFFF83  }
.Ltmp1:
0xb2: {  	s1 =	sshrl.u32 s4, $0x3;
	[bflag:$0x0] =	sbarrier.arrive $0xFFFF;
	(pc) =	sbr.rel @p0 .LBB2_1-.Ltmp1, $4  }
0xb3: {  	[hbm:s23], [sflag:s25] =	dma.local [spmem:s1], $0x50  }
0xb4: {  	_ =	swait.ge [sflag:s8], $0x50  }
0xb5: {  	[sflag:s8] =	ssyncset.done $0x0  }
0xb6: {  	[sflag:s8] =	ssyncadd.s32 $0xFFFFFFB0  }
0xb7: {  	_ =	sfence.sel $0x180000  }
0xb8: {  	[bflag:$0x0] =	sbarrier.arrive $0xFFFF  }
0xb9: {  	_ =	strace $0x90000047  }
0xba: {  	[bflag:$0x2] =	sbarrier.arrive $0xFFFF  }
0xbb: {  	p0 =	sne.s32 s0, $0x0;
	s0 =	rddreg [dreg:$0x3]  }
0xbc: {  	s0 =	sadd.s32 @!p0 $0x100000, s0  }
0xbd: {  	[sflag:s0] =	ssyncadd.tile.s32 @!p0 $0x1;
	_ =	shalt  }
.Lfunc_end2:
_tile_overlayer_lowered:
.L_overlay_start_2:
0xbe: {  	(tag) =	ssettag $0x2  }
0xbf: {  	s0 =	rddreg [dreg:$0x0];
	s2 =	stileid.u32  }
0xc0: {  	s1 =	rddreg [dreg:$0x1];
	p0 =	sne.s32 s2, $0x0  }
0xc1: {  	s3 =	rddreg [dreg:$0x2];
	[bflag:$0x3] =	sbarrier.arrive $0xFFFF;
	s2 =	simm.s32 @!p0 $0x1C09  }
0xc2: {  	[timem:s3], [sflag:s2] =	dma.local @!p0 [hbm:s0], s1  }
0xc3: {  	s0 =	simm.s32 @!p0 $0x9  }
0xc4: {  	_ =	swait.ge @!p0 [sflag:s0], s1  }
0xc5: {  	s1 =	ssub.s32 @!p0 $0x0, s1;
	[sflag:s0] =	ssyncset.done @!p0 $0x0  }
0xc6: {  	[sflag:s0] =	ssyncadd.s32 @!p0 s1  }
0xc7: {  	[bflag:$0x3] =	sbarrier.arrive $0xFFFF  }
0xc8: {  	_ =	shalt  }

// kernel: kernel.13.cloned.1.call-start
scs
__scs_entry_jumppad:
0x0: {  	(pc) =	sbr.rel $0x88, $3  }
0x1: {  	(tag) =	ssettag $0x0;
	lr =	simm.s32 $0x1  }
0x2: {  	[smem:$0x3F97] =	sst lr;
	_ =	strace $0xD0000000  }
0x3: {  	_ = 	snop  }
0x4: {  	_ = 	snop  }
0x5: {  	_ = 	snop  }
0x6: {  	_ = 	snop  }
0x7: {  	_ = 	snop  }
__scs_overlays_trampoline_lowered:
0x8: {  	[smem:$0x3FA6] =	sst s0  }
0x9: {  	[smem:$0x3FA7] =	sst s1  }
0xa: {  	[smem:$0x3FA8] =	sst s2  }
0xb: {  	[smem:$0x3FA9] =	sst s3  }
0xc: {  	[smem:$0x3FAA] =	sst s4  }
0xd: {  	[smem:$0x3FAB] =	sst s5  }
0xe: {  	[smem:$0x3FAC] =	sst s6  }
0xf: {  	[smem:$0x3FAD] =	sst s7  }
0x10: {  	[smem:$0x3FAE] =	sst s8  }
0x11: {  	[smem:$0x3FAF] =	sst s9;
	s0 =	simm.s32 @!p0 $0x0  }
0x12: {  	s1 =	sld [smem:$0x3F95];
	s0 =	simm.s32 @p0 $0x1  }
0x13: {  	[smem:$0x3FB0] =	sst s0;
	s0 =	simm.s32 @!p1 $0x0  }
0x14: {  	s2 =	sld [smem:$0x3F94];
	s0 =	simm.s32 @p1 $0x1  }
0x15: {  	[smem:$0x3FB1] =	sst s0;
	s0 =	simm.s32 @!p2 $0x0  }
0x16: {  	s3 =	sld [smem:$0x3FDB];
	s0 =	simm.s32 @p2 $0x1  }
0x17: {  	s4 =	simm.s32 $0x1BF5;
	[smem:$0x3FB3] =	sst s0  }
0x18: {  	s0 =	sld [smem:$0x3F96];
	_ =	swait.ge [sflag:s4], $0x0  }
0x19: {  	s7 =	sld [smem:$0x3F97]  }
0x1a: {  	s8 =	sadd.s32 $0xFFFFE003, lr  }
0x1b: {  	s9 =	sadd.s32 $0xFFFFFEF7, lr;
	s5 =	simm.s32 $0xFFFFFFFF;
	p2 =	slt.u32 s8, $0xFFFFF086  }
0x1c: {  	p1 =	slt.u32 s9, $0xF7A;
	s5 =	simm.s32 @!p2 $0x0  }
0x1d: {  	s5 =	simm.s32 @p1 $0x1;
	p0 =	seq.s32 s7, s2  }
0x1e: {  	s7 =	smul.u32 @!p0 $0xF7A, s2;
	p2 =	seq.s32 @!p0 s5, $0x0  }
0x1f: {  	s9 =	smul.u32 $0xF7A, s1;
	s8 =	simm.s32 @!p0 $0x1BF5;
	p2 =	por !p2, p0  }
0x20: {  	[sflag:s8] =	ssyncset.s32 @!p0 $0xFFFFF086;
	s6 =	sadd.s32 @!p0 s3, s7;
	s7 =	simm.s32 @!p0 $0x108  }
0x21: {  	s3 =	sadd.s32 s3, s9;
	s6 =	sadd.s32 @!p0 $0x88, s6;
	s7 =	simm.s32 @p2 $0x1082  }
0x22: {  	[simem:s7], [sflag:s8] =	dma.local @!p0 [hbm:s6], $0xF7A  }
0x23: {  	s9 =	sor.u32 $0xD0000000, s2;
	s6 =	simm.s32 $0x108;
	_ =	swait.ge @!p0 [sflag:s8], $0x0  }
0x24: {  	s3 =	sadd.s32 $0x88, s3;
	s6 =	simm.s32 @!p1 $0x1082;
	[sflag:s4] =	ssyncset.s32 $0xFFFFF086  }
0x25: {  	[simem:s6], [sflag:s4] =	dma.local [hbm:s3], $0xF7A  }
0x26: {  	[smem:$0x3F97] =	sst s1;
	(tag) =	ssettag s2;
	_ =	strace s9  }
0x27: {  	s1 =	sld [smem:$0x3FA7]  }
0x28: {  	s2 =	sld [smem:$0x3FA8]  }
0x29: {  	s4 =	sld [smem:$0x3FAA]  }
0x2a: {  	p0 =	seq.s32 s5, $0x0;
	s5 =	sld [smem:$0x3FAB]  }
0x2b: {  	s6 =	sld [smem:$0x3FAC]  }
0x2c: {  	s7 =	sld [smem:$0x3FAD]  }
0x2d: {  	s3 =	simm.s32 $0x108;
	s8 =	sld [smem:$0x3FAE]  }
0x2e: {  	s3 =	simm.s32 @!p0 $0x1082;
	s9 =	sld [smem:$0x3FAF]  }
0x2f: {  	lr =	sadd.s32 s0, s3;
	s0 =	sld [smem:$0x3FA6]  }
0x30: {  	s3 =	sld [smem:$0x3FA9]  }
0x31: {  	[smem:$0x3FB2] =	sst s10  }
0x32: {  	s10 =	sld [smem:$0x3FB0];
	_ =	sdelay $0x3  }
0x33: {  	p0 =	seq.s32 s10, $0x1;
	s10 =	sld [smem:$0x3FB2];
	_ =	sdelay $0x3  }
0x34: {  	[smem:$0x3FB2] =	sst s10  }
0x35: {  	s10 =	sld [smem:$0x3FB1];
	_ =	sdelay $0x3  }
0x36: {  	p1 =	seq.s32 s10, $0x1;
	s10 =	sld [smem:$0x3FB2];
	_ =	sdelay $0x3  }
0x37: {  	[smem:$0x3FB2] =	sst s10  }
0x38: {  	s10 =	sld [smem:$0x3FB3]  }
0x39: {  	_ = 	snop;
	(pc) =	sbr.ind lr, $3  }
0x3a: {  	_ = 	snop  }
0x3b: {  	_ = 	snop  }
0x3c: {  	p2 =	seq.s32 s10, $0x1;
	s10 =	sld [smem:$0x3FB2]  }
0x3d: {  	_ =	shalt  }
0x3e: {  	_ =	shalt  }
0x3f: {  	_ =	shalt  }
0x40: {  	_ =	shalt  }
0x41: {  	_ =	shalt  }
0x42: {  	_ =	shalt  }
0x43: {  	_ =	shalt  }
0x44: {  	_ =	shalt  }
0x45: {  	_ =	shalt  }
0x46: {  	_ =	shalt  }
0x47: {  	_ =	shalt  }
0x48: {  	_ =	shalt  }
0x49: {  	_ =	shalt  }
0x4a: {  	_ =	shalt  }
0x4b: {  	_ =	shalt  }
0x4c: {  	_ =	shalt  }
0x4d: {  	_ =	shalt  }
0x4e: {  	_ =	shalt  }
0x4f: {  	_ =	shalt  }
0x50: {  	_ =	shalt  }
0x51: {  	_ =	shalt  }
0x52: {  	_ =	shalt  }
0x53: {  	_ =	shalt  }
0x54: {  	_ =	shalt  }
0x55: {  	_ =	shalt  }
0x56: {  	_ =	shalt  }
0x57: {  	_ =	shalt  }
0x58: {  	_ =	shalt  }
0x59: {  	_ =	shalt  }
0x5a: {  	_ =	shalt  }
0x5b: {  	_ =	shalt  }
0x5c: {  	_ =	shalt  }
0x5d: {  	_ =	shalt  }
0x5e: {  	_ =	shalt  }
0x5f: {  	_ =	shalt  }
0x60: {  	_ =	shalt  }
0x61: {  	_ =	shalt  }
0x62: {  	_ =	shalt  }
0x63: {  	_ =	shalt  }
0x64: {  	_ =	shalt  }
0x65: {  	_ =	shalt  }
0x66: {  	_ =	shalt  }
0x67: {  	_ =	shalt  }
0x68: {  	_ =	shalt  }
0x69: {  	_ =	shalt  }
0x6a: {  	_ =	shalt  }
0x6b: {  	_ =	shalt  }
0x6c: {  	_ =	shalt  }
0x6d: {  	_ =	shalt  }
0x6e: {  	_ =	shalt  }
0x6f: {  	_ =	shalt  }
0x70: {  	_ =	shalt  }
0x71: {  	_ =	shalt  }
0x72: {  	_ =	shalt  }
0x73: {  	_ =	shalt  }
0x74: {  	_ =	shalt  }
0x75: {  	_ =	shalt  }
0x76: {  	_ =	shalt  }
0x77: {  	_ =	shalt  }
0x78: {  	_ =	shalt  }
0x79: {  	_ =	shalt  }
0x7a: {  	_ =	shalt  }
0x7b: {  	_ =	shalt  }
0x7c: {  	_ =	shalt  }
0x7d: {  	_ =	shalt  }
0x7e: {  	_ =	shalt  }
0x7f: {  	_ =	shalt  }
0x80: {  	_ =	shalt  }
0x81: {  	_ =	shalt  }
0x82: {  	_ =	shalt  }
0x83: {  	_ =	shalt  }
0x84: {  	_ =	shalt  }
0x85: {  	_ =	shalt  }
0x86: {  	_ =	shalt  }
0x87: {  	_ =	shalt  }
.Lfunc_end0:
.L_simem_size_0:
called_computation.1_lowered:
.L_overlay_start_0:
0x88: {  	s2 =	sld [smem:$0x3FD9]  }
0x89: {  	s3 =	sld [smem:$0x3FFE];
	_ =	sdelay $0x1  }
0x8a: {  	s1 =	srdreg.scid  }
0x8b: {  	s0 =	sand.u32 $0x1, s1  }
0x8c: {  	s16 =	sshll.u32 s0, $0xA;
	s2 =	sadd.s32 s3, s2  }
0x8d: {  	s2 =	sadd.s32 s2, s16  }
0x8e: {  	[smem:$0x3FBE] =	sst s2  }
0x8f: {  	_ = 	snop  }
0x90: {  	(tm) =	ssettm $0x1  }
0x91: {  	s17 =	sld [smem:$0x3FFB];
	_ =	sdelay $0x3  }
0x92: {  	_ =	strace s17  }
0x93: {  	s2 =	sld [smem:$0x3FFC];
	_ =	sdelay $0x3  }
0x94: {  	_ =	strace s2  }
0x95: {  	s2 =	sld [smem:$0x3FFD];
	_ =	sdelay $0x3  }
0x96: {  	_ =	strace s2  }
0x97: {  	_ =	strace $0x8FFFFFFF  }
0x98: {  	s18 =	sld [smem:$0x3FDB];
	_ =	sdelay $0x1  }
0x99: {  	s19 =	simm.s32 $_scs_section_size  }
0x9a: {  	s4 =	simm.s32 $_size__tile_overlayer_lowered;
	s5 =	simm.s32 $_tile_overlayer_lowered  }
0x9b: {  	s22 =	simm.s32 $0x1BFF;
	s21 =	sshll.u32 s5, $0x1;
	s2 =	sadd.s32 s19, s18  }
0x9c: {  	s6 =	simm.s32 $0x0;
	s20 =	sshll.u32 s4, $0x1;
	s4 =	sadd.s32 s21, s2  }
0x9d: {  	[timem:s6], [sflag:s22] =	dma.local [hbm:s4], s20  }
0x9e: {  	_ =	swait.ge [sflag:s22], s20  }
0x9f: {  	s3 =	ssub.s32 $0x0, s20;
	[sflag:s22] =	ssyncset.done $0x0  }
0xa0: {  	[sflag:s22] =	ssyncadd.s32 s3;
	_ =	sdelay $0x1  }
0xa1: {  	s23 =	simm.s32 $0x1B8B  }
0xa2: {  	_ =	swait.ge [sflag:s23], $0x1  }
0xa3: {  	[sflag:s23] =	ssyncset.done $0x0  }
0xa4: {  	s25 =	simm.s32 $0x1B8E;
	s24 =	sld [smem:$0x3FFE];
	[sflag:s23] =	ssyncadd.s32 $0xFFFFFFFF  }
0xa5: {  	s26 =	simm.s32 $execute0_lowered;
	[smem:$0x3FD2] =	sst s25  }
0xa6: {  	s4 =	sshll.u32 s26, $0x1;
	_ =	strace $0x80000049;
	[dreg:$0x1] =	wrdreg $0xFFFFFFFF  }
0xa7: {  	s28 =	simm.s32 $_size_execute0_lowered;
	s2 =	sadd.s32 s2, s4;
	[dreg:$0x0] =	wrdreg $0x0  }
0xa8: {  	s4 =	sshll.u32 s28, $0x1;
	[dreg:$0x2] =	wrdreg s2  }
0xa9: {  	[dreg:$0x3] =	wrdreg s4  }
0xaa: {  	[dreg:$0x4] =	wrdreg $0xC0  }
0xab: {  	_ =	task [dreg:s6], $0x5FFFF  }
0xac: {  	[dreg:$0x1] =	wrdreg $0xFFFFFFFF  }
0xad: {  	[dreg:$0x0] =	wrdreg $0x60  }
0xae: {  	[dreg:$0x2] =	wrdreg s24  }
0xaf: {  	[dreg:$0x3] =	wrdreg $0x14A000  }
0xb0: {  	[dreg:$0x4] =	wrdreg $0x9  }
0xb1: {  	_ =	task.clear_ibuf [dreg:s6], $0x5FFFF;
	_ =	strace $0x90000049  }
0xb2: {  	s29 =	simm.s32 $0x9;
	_ =	strace $0x8000004B  }
0xb3: {  	_ =	swait.ge [sflag:s29], $0x1  }
0xb4: {  	[sflag:s29] =	ssyncadd.s32 $0xFFFFFFFF  }
0xb5: {  	_ =	strace $0x9000004B  }
0xb6: {  	_ =	sfence  }
0xb7: {  	s30 =	sld [smem:$0x0];
	_ =	sdelay $0x2  }
0xb8: {  	s31 =	sshll.u32 s1, $0xD;
	s1 =	sshrl.u32 s1, $0x2  }
0xb9: {  	s3 =	sand.u32 $0x4000, s31;
	s1 =	sadd.s32 s1, s30  }
0xba: {  	s0 =	sor.u32 s3, s0;
	s1 =	sshll.u32 s1, $0x11  }
0xbb: {  	s0 =	sor.u32 s1, s0  }
0xbc: {  	s0 =	sadd.s32 $0x8F2B, s0  }
0xbd: {  	[sflag:s0] =	ssyncadd.remote.s32 $0x1  }
0xbe: {  	_ =	sfence.sel $0xFFFF  }
0xbf: {  	[dreg:$0x0] =	wrdreg $0xFFFFFFFF;
	(pc) =	sbr.abs _section_cstart, $3  }
0xc0: {  	[dreg:$0x1] =	wrdreg $0xFFFFFFFF  }
0xc1: {  	_ =	task.clear_ibuf [dreg:s6], $0x2FFFF;
	_ =	strace $0x9FFFFFFF  }
0xc2: {  	(tm) =	ssettm $0x7FFFFFFF  }
0xc3: {  	_ =	shalt  }
tec
execute0_lowered:
.L_overlay_start_1:
0x0: {  	(tag) =	ssettag $0x1  }
0x1: {  	s0 =	srdreg.scid;
	s1 =	rddreg [dreg:$0x0]  }
0x2: {  	s9 =	stileid.u32;
	s2 =	rddreg [dreg:$0x1];
	s4 =	simm.s32 $0x0  }
0x3: {  	s13 =	simm.s32 $0x7D;
	s14 =	simm.s32 $0x5000;
	s16 =	simm.s32 $0x6F40  }
0x4: {  	s18 =	simm.s32 $0x8E80;
	s20 =	simm.s32 $0xADC0;
	s22 =	simm.s32 $0xCD00  }
0x5: {  	s28 =	simm.s32 $0x10B80;
	s30 =	simm.s32 $0x12AC0;
	s31 =	simm.s32 $0x1  }
0x6: {  	s12 =	simm.s32 $0x4;
	s15 =	simm.s32 $0x5;
	s17 =	simm.s32 $0x6  }
0x7: {  	s19 =	simm.s32 $0x7;
	s21 =	simm.s32 $0x8;
	s23 =	simm.s32 $0x9  }
0x8: {  	s29 =	simm.s32 $0xB;
	s0 =	sand.u32 $0x1, s0;
	s3 =	sshll.u32 s9, $0x1  }
0x9: {  	[smem:$0x7FF] =	sst s4;
	s5 =	smul.u32 $0xA000, s9;
	s4 =	sadd.s32 $0x16800, s1  }
0xa: {  	s25 =	sshll.u32 s9, $0x6;
	s9 =	simm.s32 $0xF;
	s3 =	sor.u32 s0, s3  }
0xb: {  	_ =	strace $0x8000004A;
	s6 =	smul.u32 $0x14000, s0;
	s0 =	ssub.s32 $0x2, s0  }
0xc: {  	s10 =	sor.u32 $0x1C11, s25;
	s25 =	simm.s32 $0xEC40;
	s3 =	smul.u32 $0x500, s3  }
0xd: {  	s7 =	sshrl.u32 s5, $0x3;
	s24 =	sshrl.u32 s0, $0x1;
	s5 =	sadd.s32 s5, s2  }
0xe: {  	[dreg:$0x4] =	wrdreg s10;
	s8 =	sadd.s32 s7, s1;
	s11 =	sshrl.u32 s5, $0x3  }
0xf: {  	s0 =	ssub.s32 s0, s24;
	s8 =	sadd.s32 $0x2A800, s8;
	[dreg:$0x8] =	wrdreg s11  }
0x10: {  	s3 =	sadd.s32 s3, s1;
	s0 =	smax.u32 s0, $0x1;
	[dreg:$0x3] =	wrdreg s8  }
0x11: {  	s1 =	sadd.s32 s6, s1;
	s6 =	simm.s32 $0x0;
	[dreg:$0x7] =	wrdreg s0  }
0x12: {  	s24 =	simm.s32 $0x10;
	s26 =	sadd.s32 $0xC800, s3;
	[dreg:$0xa] =	wrdreg s6  }
0x13: {  	s3 =	sadd.s32 $0x2800, s3;
	s1 =	sadd.s32 $0x3E800, s1;
	[dreg:$0x5] =	wrdreg s26  }
0x14: {  	s0 =	simm.s32 $0x3;
	s8 =	simm.s32 $0xE;
	[dreg:$0x6] =	wrdreg s3  }
0x15: {  	s5 =	sadd.s32 s7, s1;
	s1 =	simm.s32 $0x2;
	s26 =	simm.s32 $0xA  }
0x16: {  	s7 =	simm.s32 $0xD;
	[dreg:$0x9] =	wrdreg s5;
	s5 =	simm.s32 $0xC  }
.LBB2_1:
0x17: {  	s3 =	simm.s32 $0x11;
	s6 =	rddreg [dreg:$0x3]  }
0x18: {  	[spmem:s11], [sflag:s10] =	dma.local [hbm:s6], $0x1400  }
0x19: {  	_ =	swait.ge [sflag:s3], $0x1400  }
0x1a: {  	[sflag:s3] =	ssyncset.done $0x0  }
0x1b: {  	s6 =	simm.s32 $0x0;
	s11 =	rddreg [dreg:$0x5];
	[sflag:s3] =	ssyncadd.s32 $0xFFFFEC00  }
0x1c: {  	[tilespmem:s6], [sflag:$0x11] =	stream.linear.gather [hbm4b:s11+s6], $0x2800, $0x38;
	[tilespmem:$0x1EA00] =	vst v63  }
0x1d: {  	_ =	swait.ge [sflag:s3], $0x2800  }
0x1e: {  	[sflag:s3] =	ssyncset.done $0x0  }
0x1f: {  	s11 =	simm.s32 $0x2800;
	s10 =	rddreg [dreg:$0x6];
	[sflag:s3] =	ssyncadd.s32 $0xFFFFD800  }
0x20: {  	[tilespmem:s11], [sflag:$0x11] =	stream.linear.gather [hbm4b:s10+s6], $0x2800, $0x38;
	[tilespmem:$0x1EA00] =	vst v63  }
0x21: {  	_ =	swait.ge [sflag:s3], $0x2800  }
0x22: {  	[sflag:s3] =	ssyncset.done $0x0  }
0x23: {  	[sflag:s3] =	ssyncadd.s32 $0xFFFFD800  }
0x24: {  	[bflag:$0x0] =	sbarrier.arrive $0xFFFF  }
0x25: {  	[tilespmem:s14], [sflag:$0x1] =	stream.indirect.gather [hbm4b:s4+s13], $0x40, s6, s13, $0xb8;
	[tilespmem:$0x1EA00] =	vst v63  }
0x26: {  	s11 =	simm.s32 $0x80  }
0x27: {  	[tilespmem:s16], [sflag:$0x2] =	stream.indirect.gather [hbm4b:s4+s13], $0x40, s11, s13, $0xb8;
	[tilespmem:$0x1EA00] =	vst v63  }
0x28: {  	s6 =	simm.s32 $0x100  }
0x29: {  	[tilespmem:s18], [sflag:$0x3] =	stream.indirect.gather [hbm4b:s4+s13], $0x40, s6, s13, $0xb8;
	[tilespmem:$0x1EA00] =	vst v63  }
0x2a: {  	s10 =	simm.s32 $0x180  }
0x2b: {  	[tilespmem:s20], [sflag:$0x4] =	stream.indirect.gather [hbm4b:s4+s13], $0x40, s10, s13, $0xb8;
	[tilespmem:$0x1EA00] =	vst v63  }
0x2c: {  	s11 =	simm.s32 $0x200  }
0x2d: {  	[tilespmem:s22], [sflag:$0x5] =	stream.indirect.gather [hbm4b:s4+s13], $0x40, s11, s13, $0xb8;
	[tilespmem:$0x1EA00] =	vst v63  }
0x2e: {  	s6 =	simm.s32 $0x280  }
0x2f: {  	[tilespmem:s25], [sflag:$0x6] =	stream.indirect.gather [hbm4b:s4+s13], $0x40, s6, s13, $0xb8;
	[tilespmem:$0x1EA00] =	vst v63  }
0x30: {  	s10 =	simm.s32 $0x300  }
0x31: {  	[tilespmem:s28], [sflag:$0x7] =	stream.indirect.gather [hbm4b:s4+s13], $0x40, s10, s13, $0xb8;
	[tilespmem:$0x1EA00] =	vst v63  }
0x32: {  	s11 =	simm.s32 $0x380  }
0x33: {  	[tilespmem:s30], [sflag:$0x8] =	stream.indirect.gather [hbm4b:s4+s13], $0x40, s11, s13, $0xb8;
	[tilespmem:$0x1EA00] =	vst v63  }
0x34: {  	_ =	swait.ge [sflag:s31], $0x1F40  }
0x35: {  	[sflag:s31] =	ssyncset.done $0x0  }
0x36: {  	s3 =	simm.s32 $0x2800;
	[sflag:s31] =	ssyncadd.s32 $0xFFFFE0C0  }
0x37: {  	[spmem:s2] =	stream.indirect.scatter.add.f32 [tilespmem:s14], [sflag:$0x9], $0x40, s3, s13, $0xb8;
	[tilespmem:$0x1EA00] =	vst v63  }
0x38: {  	_ =	swait.ge [sflag:s1], $0x1F40  }
0x39: {  	[sflag:s1] =	ssyncset.done $0x0  }
0x3a: {  	s10 =	simm.s32 $0x2880;
	[sflag:s1] =	ssyncadd.s32 $0xFFFFE0C0  }
0x3b: {  	[spmem:s2] =	stream.indirect.scatter.add.f32 [tilespmem:s16], [sflag:$0xA], $0x40, s10, s13, $0xb8;
	[tilespmem:$0x1EA00] =	vst v63  }
0x3c: {  	_ =	swait.ge [sflag:s0], $0x1F40  }
0x3d: {  	[sflag:s0] =	ssyncset.done $0x0  }
0x3e: {  	s11 =	simm.s32 $0x2900;
	[sflag:s0] =	ssyncadd.s32 $0xFFFFE0C0  }
0x3f: {  	[spmem:s2] =	stream.indirect.scatter.add.f32 [tilespmem:s18], [sflag:$0xB], $0x40, s11, s13, $0xb8;
	[tilespmem:$0x1EA00] =	vst v63  }
0x40: {  	_ =	swait.ge [sflag:s12], $0x1F40  }
0x41: {  	[sflag:s12] =	ssyncset.done $0x0  }
0x42: {  	s3 =	simm.s32 $0x2980;
	[sflag:s12] =	ssyncadd.s32 $0xFFFFE0C0  }
0x43: {  	[spmem:s2] =	stream.indirect.scatter.add.f32 [tilespmem:s20], [sflag:$0xC], $0x40, s3, s13, $0xb8;
	[tilespmem:$0x1EA00] =	vst v63  }
0x44: {  	_ =	swait.ge [sflag:s15], $0x1F40  }
0x45: {  	[sflag:s15] =	ssyncset.done $0x0  }
0x46: {  	s10 =	simm.s32 $0x2A00;
	[sflag:s15] =	ssyncadd.s32 $0xFFFFE0C0  }
0x47: {  	[spmem:s2] =	stream.indirect.scatter.add.f32 [tilespmem:s22], [sflag:$0xD], $0x40, s10, s13, $0xb8;
	[tilespmem:$0x1EA00] =	vst v63  }
0x48: {  	_ =	swait.ge [sflag:s17], $0x1F40  }
0x49: {  	[sflag:s17] =	ssyncset.done $0x0  }
0x4a: {  	s11 =	simm.s32 $0x2A80;
	[sflag:s17] =	ssyncadd.s32 $0xFFFFE0C0  }
0x4b: {  	[spmem:s2] =	stream.indirect.scatter.add.f32 [tilespmem:s25], [sflag:$0xE], $0x40, s11, s13, $0xb8;
	[tilespmem:$0x1EA00] =	vst v63  }
0x4c: {  	_ =	swait.ge [sflag:s19], $0x1F40  }
0x4d: {  	[sflag:s19] =	ssyncset.done $0x0  }
0x4e: {  	s3 =	simm.s32 $0x2B00;
	[sflag:s19] =	ssyncadd.s32 $0xFFFFE0C0  }
0x4f: {  	[spmem:s2] =	stream.indirect.scatter.add.f32 [tilespmem:s28], [sflag:$0xF], $0x40, s3, s13, $0xb8;
	[tilespmem:$0x1EA00] =	vst v63  }
0x50: {  	_ =	swait.ge [sflag:s21], $0x1F40  }
0x51: {  	[sflag:s21] =	ssyncset.done $0x0  }
0x52: {  	s10 =	simm.s32 $0x2B80;
	[sflag:s21] =	ssyncadd.s32 $0xFFFFE0C0  }
0x53: {  	[spmem:s2] =	stream.indirect.scatter.add.f32 [tilespmem:s30], [sflag:$0x10], $0x40, s10, s13, $0xb8;
	[tilespmem:$0x1EA00] =	vst v63  }
0x54: {  	_ =	swait.ge [sflag:s23], $0x1F40  }
0x55: {  	[sflag:s23] =	ssyncset.done $0x0  }
0x56: {  	s11 =	simm.s32 $0x400;
	[sflag:s23] =	ssyncadd.s32 $0xFFFFE0C0  }
0x57: {  	[tilespmem:s14], [sflag:$0x1] =	stream.indirect.gather [hbm4b:s4+s13], $0x40, s11, s13, $0xb8;
	[tilespmem:$0x1EA00] =	vst v63  }
0x58: {  	_ =	swait.ge [sflag:s26], $0x1F40  }
0x59: {  	[sflag:s26] =	ssyncset.done $0x0  }
0x5a: {  	s3 =	simm.s32 $0x480;
	[sflag:s26] =	ssyncadd.s32 $0xFFFFE0C0  }
0x5b: {  	[tilespmem:s16], [sflag:$0x2] =	stream.indirect.gather [hbm4b:s4+s13], $0x40, s3, s13, $0xb8;
	[tilespmem:$0x1EA00] =	vst v63  }
0x5c: {  	_ =	swait.ge [sflag:s29], $0x1F40  }
0x5d: {  	[sflag:s29] =	ssyncset.done $0x0  }
0x5e: {  	s10 =	simm.s32 $0x500;
	[sflag:s29] =	ssyncadd.s32 $0xFFFFE0C0  }
0x5f: {  	[tilespmem:s18], [sflag:$0x3] =	stream.indirect.gather [hbm4b:s4+s13], $0x40, s10, s13, $0xb8;
	[tilespmem:$0x1EA00] =	vst v63  }
0x60: {  	_ =	swait.ge [sflag:s5], $0x1F40  }
0x61: {  	[sflag:s5] =	ssyncset.done $0x0  }
0x62: {  	s11 =	simm.s32 $0x580;
	[sflag:s5] =	ssyncadd.s32 $0xFFFFE0C0  }
0x63: {  	[tilespmem:s20], [sflag:$0x4] =	stream.indirect.gather [hbm4b:s4+s13], $0x40, s11, s13, $0xb8;
	[tilespmem:$0x1EA00] =	vst v63  }
0x64: {  	_ =	swait.ge [sflag:s7], $0x1F40  }
0x65: {  	[sflag:s7] =	ssyncset.done $0x0  }
0x66: {  	s3 =	simm.s32 $0x600;
	[sflag:s7] =	ssyncadd.s32 $0xFFFFE0C0  }
0x67: {  	[tilespmem:s22], [sflag:$0x5] =	stream.indirect.gather [hbm4b:s4+s13], $0x40, s3, s13, $0xb8;
	[tilespmem:$0x1EA00] =	vst v63  }
0x68: {  	_ =	swait.ge [sflag:s8], $0x1F40  }
0x69: {  	[sflag:s8] =	ssyncset.done $0x0  }
0x6a: {  	s10 =	simm.s32 $0x680;
	[sflag:s8] =	ssyncadd.s32 $0xFFFFE0C0  }
0x6b: {  	[tilespmem:s25], [sflag:$0x6] =	stream.indirect.gather [hbm4b:s4+s13], $0x40, s10, s13, $0xb8;
	[tilespmem:$0x1EA00] =	vst v63  }
0x6c: {  	_ =	swait.ge [sflag:s9], $0x1F40  }
0x6d: {  	[sflag:s9] =	ssyncset.done $0x0  }
0x6e: {  	s11 =	simm.s32 $0x700;
	[sflag:s9] =	ssyncadd.s32 $0xFFFFE0C0  }
0x6f: {  	[tilespmem:s28], [sflag:$0x7] =	stream.indirect.gather [hbm4b:s4+s13], $0x40, s11, s13, $0xb8;
	[tilespmem:$0x1EA00] =	vst v63  }
0x70: {  	_ =	swait.ge [sflag:s24], $0x1F40  }
0x71: {  	[sflag:s24] =	ssyncset.done $0x0  }
0x72: {  	s6 =	simm.s32 $0x1000;
	s10 =	simm.s32 $0x780;
	[sflag:s24] =	ssyncadd.s32 $0xFFFFE0C0  }
.LBB2_2:
0x73: {  	[tilespmem:s30], [sflag:$0x8] =	stream.indirect.gather [hbm4b:s4+s13], $0x40, s10, s13, $0xb8;
	[tilespmem:$0x1EA00] =	vst v63  }
0x74: {  	s10 =	smov.u32 s6  }
0x75: {  	p0 =	sne.s32 s6, $0x8000;
	s6 =	sadd.s32 $0x1000, s6;
	_ =	swait.ge [sflag:s31], $0x1F40  }
0x76: {  	s10 =	sshra.s32 s10, $0x2;
	[sflag:s31] =	ssyncset.done $0x0  }
0x77: {  	s11 =	sadd.s32 $0x2800, s10;
	[sflag:s31] =	ssyncadd.s32 $0xFFFFE0C0  }
0x78: {  	[spmem:s2] =	stream.indirect.scatter.add.f32 [tilespmem:s14], [sflag:$0x9], $0x40, s11, s13, $0xb8;
	[tilespmem:$0x1EA00] =	vst v63  }
0x79: {  	_ =	swait.ge [sflag:s1], $0x1F40  }
0x7a: {  	[sflag:s1] =	ssyncset.done $0x0  }
0x7b: {  	s11 =	sadd.s32 $0x2880, s10;
	[sflag:s1] =	ssyncadd.s32 $0xFFFFE0C0  }
0x7c: {  	[spmem:s2] =	stream.indirect.scatter.add.f32 [tilespmem:s16], [sflag:$0xA], $0x40, s11, s13, $0xb8;
	[tilespmem:$0x1EA00] =	vst v63  }
0x7d: {  	_ =	swait.ge [sflag:s0], $0x1F40  }
0x7e: {  	[sflag:s0] =	ssyncset.done $0x0  }
0x7f: {  	s11 =	sadd.s32 $0x2900, s10;
	[sflag:s0] =	ssyncadd.s32 $0xFFFFE0C0  }
0x80: {  	[spmem:s2] =	stream.indirect.scatter.add.f32 [tilespmem:s18], [sflag:$0xB], $0x40, s11, s13, $0xb8;
	[tilespmem:$0x1EA00] =	vst v63  }
0x81: {  	_ =	swait.ge [sflag:s12], $0x1F40  }
0x82: {  	[sflag:s12] =	ssyncset.done $0x0  }
0x83: {  	s11 =	sadd.s32 $0x2980, s10;
	[sflag:s12] =	ssyncadd.s32 $0xFFFFE0C0  }
0x84: {  	[spmem:s2] =	stream.indirect.scatter.add.f32 [tilespmem:s20], [sflag:$0xC], $0x40, s11, s13, $0xb8;
	[tilespmem:$0x1EA00] =	vst v63  }
0x85: {  	_ =	swait.ge [sflag:s15], $0x1F40  }
0x86: {  	[sflag:s15] =	ssyncset.done $0x0  }
0x87: {  	s11 =	sadd.s32 $0x2A00, s10;
	[sflag:s15] =	ssyncadd.s32 $0xFFFFE0C0  }
0x88: {  	[spmem:s2] =	stream.indirect.scatter.add.f32 [tilespmem:s22], [sflag:$0xD], $0x40, s11, s13, $0xb8;
	[tilespmem:$0x1EA00] =	vst v63  }
0x89: {  	_ =	swait.ge [sflag:s17], $0x1F40  }
0x8a: {  	[sflag:s17] =	ssyncset.done $0x0  }
0x8b: {  	s11 =	sadd.s32 $0x2A80, s10;
	[sflag:s17] =	ssyncadd.s32 $0xFFFFE0C0  }
0x8c: {  	[spmem:s2] =	stream.indirect.scatter.add.f32 [tilespmem:s25], [sflag:$0xE], $0x40, s11, s13, $0xb8;
	[tilespmem:$0x1EA00] =	vst v63  }
0x8d: {  	_ =	swait.ge [sflag:s19], $0x1F40  }
0x8e: {  	[sflag:s19] =	ssyncset.done $0x0  }
0x8f: {  	s11 =	sadd.s32 $0x2B00, s10;
	[sflag:s19] =	ssyncadd.s32 $0xFFFFE0C0  }
0x90: {  	[spmem:s2] =	stream.indirect.scatter.add.f32 [tilespmem:s28], [sflag:$0xF], $0x40, s11, s13, $0xb8;
	[tilespmem:$0x1EA00] =	vst v63  }
0x91: {  	_ =	swait.ge [sflag:s21], $0x1F40  }
0x92: {  	[sflag:s21] =	ssyncset.done $0x0  }
0x93: {  	s11 =	sadd.s32 $0x2B80, s10;
	[sflag:s21] =	ssyncadd.s32 $0xFFFFE0C0  }
0x94: {  	[spmem:s2] =	stream.indirect.scatter.add.f32 [tilespmem:s30], [sflag:$0x10], $0x40, s11, s13, $0xb8;
	[tilespmem:$0x1EA00] =	vst v63  }
0x95: {  	_ =	swait.ge [sflag:s23], $0x1F40  }
0x96: {  	[sflag:s23] =	ssyncset.done $0x0  }
0x97: {  	s11 =	sadd.s32 $0x400, s10;
	[sflag:s23] =	ssyncadd.s32 $0xFFFFE0C0  }
0x98: {  	[tilespmem:s14], [sflag:$0x1] =	stream.indirect.gather [hbm4b:s4+s13], $0x40, s11, s13, $0xb8;
	[tilespmem:$0x1EA00] =	vst v63  }
0x99: {  	_ =	swait.ge [sflag:s26], $0x1F40  }
0x9a: {  	[sflag:s26] =	ssyncset.done $0x0  }
0x9b: {  	s11 =	sadd.s32 $0x480, s10;
	[sflag:s26] =	ssyncadd.s32 $0xFFFFE0C0  }
0x9c: {  	[tilespmem:s16], [sflag:$0x2] =	stream.indirect.gather [hbm4b:s4+s13], $0x40, s11, s13, $0xb8;
	[tilespmem:$0x1EA00] =	vst v63  }
0x9d: {  	_ =	swait.ge [sflag:s29], $0x1F40  }
0x9e: {  	[sflag:s29] =	ssyncset.done $0x0  }
0x9f: {  	s11 =	sadd.s32 $0x500, s10;
	[sflag:s29] =	ssyncadd.s32 $0xFFFFE0C0  }
0xa0: {  	[tilespmem:s18], [sflag:$0x3] =	stream.indirect.gather [hbm4b:s4+s13], $0x40, s11, s13, $0xb8;
	[tilespmem:$0x1EA00] =	vst v63  }
0xa1: {  	_ =	swait.ge [sflag:s5], $0x1F40  }
0xa2: {  	[sflag:s5] =	ssyncset.done $0x0  }
0xa3: {  	s11 =	sadd.s32 $0x580, s10;
	[sflag:s5] =	ssyncadd.s32 $0xFFFFE0C0  }
0xa4: {  	[tilespmem:s20], [sflag:$0x4] =	stream.indirect.gather [hbm4b:s4+s13], $0x40, s11, s13, $0xb8;
	[tilespmem:$0x1EA00] =	vst v63  }
0xa5: {  	_ =	swait.ge [sflag:s7], $0x1F40  }
0xa6: {  	[sflag:s7] =	ssyncset.done $0x0  }
0xa7: {  	s11 =	sadd.s32 $0x600, s10;
	[sflag:s7] =	ssyncadd.s32 $0xFFFFE0C0  }
0xa8: {  	[tilespmem:s22], [sflag:$0x5] =	stream.indirect.gather [hbm4b:s4+s13], $0x40, s11, s13, $0xb8;
	[tilespmem:$0x1EA00] =	vst v63  }
0xa9: {  	_ =	swait.ge [sflag:s8], $0x1F40  }
0xaa: {  	[sflag:s8] =	ssyncset.done $0x0  }
0xab: {  	s11 =	sadd.s32 $0x680, s10;
	[sflag:s8] =	ssyncadd.s32 $0xFFFFE0C0  }
0xac: {  	[tilespmem:s25], [sflag:$0x6] =	stream.indirect.gather [hbm4b:s4+s13], $0x40, s11, s13, $0xb8;
	[tilespmem:$0x1EA00] =	vst v63  }
0xad: {  	_ =	swait.ge [sflag:s9], $0x1F40  }
0xae: {  	[sflag:s9] =	ssyncset.done $0x0  }
.Ltmp0:
0xaf: {  	s11 =	sadd.s32 $0x700, s10;
	[sflag:s9] =	ssyncadd.s32 $0xFFFFE0C0;
	(pc) =	sbr.rel @p0 .LBB2_2-.Ltmp0, $4  }
0xb0: {  	[tilespmem:s28], [sflag:$0x7] =	stream.indirect.gather [hbm4b:s4+s13], $0x40, s11, s13, $0xb8;
	[tilespmem:$0x1EA00] =	vst v63  }
0xb1: {  	_ =	swait.ge [sflag:s24], $0x1F40  }
0xb2: {  	[sflag:s24] =	ssyncset.done $0x0  }
0xb3: {  	s10 =	sadd.s32 $0x780, s10;
	[sflag:s24] =	ssyncadd.s32 $0xFFFFE0C0  }
0xb4: {  	[tilespmem:s30], [sflag:$0x8] =	stream.indirect.gather [hbm4b:s4+s13], $0x40, s10, s13, $0xb8;
	[tilespmem:$0x1EA00] =	vst v63  }
0xb5: {  	_ =	swait.ge [sflag:s31], $0x1F40  }
0xb6: {  	[sflag:s31] =	ssyncset.done $0x0  }
0xb7: {  	s3 =	simm.s32 $0x4C00;
	[sflag:s31] =	ssyncadd.s32 $0xFFFFE0C0  }
0xb8: {  	[spmem:s2] =	stream.indirect.scatter.add.f32 [tilespmem:s14], [sflag:$0x9], $0x40, s3, s13, $0xb8;
	[tilespmem:$0x1EA00] =	vst v63  }
0xb9: {  	_ =	swait.ge [sflag:s1], $0x1F40  }
0xba: {  	[sflag:s1] =	ssyncset.done $0x0  }
0xbb: {  	s11 =	simm.s32 $0x4C80;
	[sflag:s1] =	ssyncadd.s32 $0xFFFFE0C0  }
0xbc: {  	[spmem:s2] =	stream.indirect.scatter.add.f32 [tilespmem:s16], [sflag:$0xA], $0x40, s11, s13, $0xb8;
	[tilespmem:$0x1EA00] =	vst v63  }
0xbd: {  	_ =	swait.ge [sflag:s0], $0x1F40  }
0xbe: {  	[sflag:s0] =	ssyncset.done $0x0  }
0xbf: {  	s6 =	simm.s32 $0x4D00;
	[sflag:s0] =	ssyncadd.s32 $0xFFFFE0C0  }
0xc0: {  	[spmem:s2] =	stream.indirect.scatter.add.f32 [tilespmem:s18], [sflag:$0xB], $0x40, s6, s13, $0xb8;
	[tilespmem:$0x1EA00] =	vst v63  }
0xc1: {  	_ =	swait.ge [sflag:s12], $0x1F40  }
0xc2: {  	[sflag:s12] =	ssyncset.done $0x0  }
0xc3: {  	s10 =	simm.s32 $0x4D80;
	[sflag:s12] =	ssyncadd.s32 $0xFFFFE0C0  }
0xc4: {  	[spmem:s2] =	stream.indirect.scatter.add.f32 [tilespmem:s20], [sflag:$0xC], $0x40, s10, s13, $0xb8;
	[tilespmem:$0x1EA00] =	vst v63  }
0xc5: {  	_ =	swait.ge [sflag:s15], $0x1F40  }
0xc6: {  	[sflag:s15] =	ssyncset.done $0x0  }
0xc7: {  	s11 =	simm.s32 $0x4E00;
	[sflag:s15] =	ssyncadd.s32 $0xFFFFE0C0  }
0xc8: {  	[spmem:s2] =	stream.indirect.scatter.add.f32 [tilespmem:s22], [sflag:$0xD], $0x40, s11, s13, $0xb8;
	[tilespmem:$0x1EA00] =	vst v63  }
0xc9: {  	_ =	swait.ge [sflag:s17], $0x1F40  }
0xca: {  	[sflag:s17] =	ssyncset.done $0x0  }
0xcb: {  	s6 =	simm.s32 $0x4E80;
	[sflag:s17] =	ssyncadd.s32 $0xFFFFE0C0  }
0xcc: {  	[spmem:s2] =	stream.indirect.scatter.add.f32 [tilespmem:s25], [sflag:$0xE], $0x40, s6, s13, $0xb8;
	[tilespmem:$0x1EA00] =	vst v63  }
0xcd: {  	_ =	swait.ge [sflag:s19], $0x1F40  }
0xce: {  	[sflag:s19] =	ssyncset.done $0x0  }
0xcf: {  	s10 =	simm.s32 $0x4F00;
	[sflag:s19] =	ssyncadd.s32 $0xFFFFE0C0  }
0xd0: {  	[spmem:s2] =	stream.indirect.scatter.add.f32 [tilespmem:s28], [sflag:$0xF], $0x40, s10, s13, $0xb8;
	[tilespmem:$0x1EA00] =	vst v63  }
0xd1: {  	_ =	swait.ge [sflag:s21], $0x1F40  }
0xd2: {  	[sflag:s21] =	ssyncset.done $0x0  }
0xd3: {  	s11 =	simm.s32 $0x4F80;
	[sflag:s21] =	ssyncadd.s32 $0xFFFFE0C0  }
0xd4: {  	[spmem:s2] =	stream.indirect.scatter.add.f32 [tilespmem:s30], [sflag:$0x10], $0x40, s11, s13, $0xb8;
	[tilespmem:$0x1EA00] =	vst v63  }
0xd5: {  	_ =	swait.ge [sflag:s23], $0x1F40  }
0xd6: {  	[sflag:s23] =	ssyncset.done $0x0  }
0xd7: {  	[sflag:s23] =	ssyncadd.s32 $0xFFFFE0C0  }
0xd8: {  	_ =	swait.ge [sflag:s26], $0x1F40  }
0xd9: {  	[sflag:s26] =	ssyncset.done $0x0  }
0xda: {  	[sflag:s26] =	ssyncadd.s32 $0xFFFFE0C0  }
0xdb: {  	_ =	swait.ge [sflag:s29], $0x1F40  }
0xdc: {  	[sflag:s29] =	ssyncset.done $0x0  }
0xdd: {  	[sflag:s29] =	ssyncadd.s32 $0xFFFFE0C0  }
0xde: {  	_ =	swait.ge [sflag:s5], $0x1F40  }
0xdf: {  	[sflag:s5] =	ssyncset.done $0x0  }
0xe0: {  	[sflag:s5] =	ssyncadd.s32 $0xFFFFE0C0  }
0xe1: {  	_ =	swait.ge [sflag:s7], $0x1F40  }
0xe2: {  	[sflag:s7] =	ssyncset.done $0x0  }
0xe3: {  	[sflag:s7] =	ssyncadd.s32 $0xFFFFE0C0  }
0xe4: {  	_ =	swait.ge [sflag:s8], $0x1F40  }
0xe5: {  	[sflag:s8] =	ssyncset.done $0x0  }
0xe6: {  	[sflag:s8] =	ssyncadd.s32 $0xFFFFE0C0  }
0xe7: {  	_ =	swait.ge [sflag:s9], $0x1F40  }
0xe8: {  	[sflag:s9] =	ssyncset.done $0x0  }
0xe9: {  	[sflag:s9] =	ssyncadd.s32 $0xFFFFE0C0  }
0xea: {  	_ =	swait.ge [sflag:s24], $0x1F40  }
0xeb: {  	[sflag:s24] =	ssyncset.done $0x0  }
0xec: {  	[sflag:s24] =	ssyncadd.s32 $0xFFFFE0C0  }
0xed: {  	[bflag:$0x0] =	sbarrier.arrive $0xFFFF  }
0xee: {  	s10 =	rddreg [dreg:$0x4]  }
0xef: {  	s11 =	rddreg [dreg:$0x8]  }
0xf0: {  	s6 =	rddreg [dreg:$0x9]  }
0xf1: {  	[hbm:s6], [sflag:s10] =	dma.local [spmem:s11], $0x1400  }
0xf2: {  	s6 =	simm.s32 $0x11  }
0xf3: {  	_ =	swait.ge [sflag:s6], $0x1400  }
0xf4: {  	s3 =	rddreg [dreg:$0xa]  }
0xf5: {  	[sflag:s6] =	ssyncset.done $0x0;
	s6 =	rddreg [dreg:$0x7];
	s3 =	sadd.s32 $0x1, s3  }
0xf6: {  	p0 =	sne.s32 s3, s6  }
.Ltmp1:
0xf7: {  	_ = 	snop;
	(pc) =	sbr.rel @p0 .LBB2_1-.Ltmp1, $3  }
0xf8: {  	_ =	sdelay $0x1  }
0xf9: {  	s6 =	simm.s32 $0x11  }
0xfa: {  	[dreg:$0xa] =	wrdreg s3;
	[sflag:s6] =	ssyncadd.s32 $0xFFFFEC00  }
0xfb: {  	_ =	sfence.sel $0x180000  }
0xfc: {  	[bflag:$0x0] =	sbarrier.arrive $0xFFFF  }
0xfd: {  	_ =	strace $0x9000004A  }
0xfe: {  	s0 =	stileid.u32;
	[bflag:$0x2] =	sbarrier.arrive $0xFFFF  }
0xff: {  	p0 =	sne.s32 s0, $0x0;
	s0 =	rddreg [dreg:$0x2]  }
0x100: {  	s0 =	sadd.s32 @!p0 $0x100000, s0  }
0x101: {  	[sflag:s0] =	ssyncadd.tile.s32 @!p0 $0x1;
	_ =	shalt  }
.Lfunc_end2:
_tile_overlayer_lowered:
.L_overlay_start_2:
0x102: {  	(tag) =	ssettag $0x2  }
0x103: {  	s0 =	rddreg [dreg:$0x0];
	s2 =	stileid.u32  }
0x104: {  	s1 =	rddreg [dreg:$0x1];
	p0 =	sne.s32 s2, $0x0  }
0x105: {  	s3 =	rddreg [dreg:$0x2];
	[bflag:$0x3] =	sbarrier.arrive $0xFFFF;
	s2 =	simm.s32 @!p0 $0x1C11  }
0x106: {  	[timem:s3], [sflag:s2] =	dma.local @!p0 [hbm:s0], s1  }
0x107: {  	s0 =	simm.s32 @!p0 $0x11  }
0x108: {  	_ =	swait.ge @!p0 [sflag:s0], s1  }
0x109: {  	s1 =	ssub.s32 @!p0 $0x0, s1;
	[sflag:s0] =	ssyncset.done @!p0 $0x0  }
0x10a: {  	[sflag:s0] =	ssyncadd.s32 @!p0 s1  }
0x10b: {  	[bflag:$0x3] =	sbarrier.arrive $0xFFFF  }
0x10c: {  	_ =	shalt  }

// kernel: kernel.16.cloned.1.call-start
scs
__scs_entry_jumppad:
0x0: {  	(pc) =	sbr.rel $0x88, $3  }
0x1: {  	(tag) =	ssettag $0x0;
	lr =	simm.s32 $0x1  }
0x2: {  	[smem:$0x3F97] =	sst lr;
	_ =	strace $0xD0000000  }
0x3: {  	_ = 	snop  }
0x4: {  	_ = 	snop  }
0x5: {  	_ = 	snop  }
0x6: {  	_ = 	snop  }
0x7: {  	_ = 	snop  }
__scs_overlays_trampoline_lowered:
0x8: {  	[smem:$0x3FA6] =	sst s0  }
0x9: {  	[smem:$0x3FA7] =	sst s1  }
0xa: {  	[smem:$0x3FA8] =	sst s2  }
0xb: {  	[smem:$0x3FA9] =	sst s3  }
0xc: {  	[smem:$0x3FAA] =	sst s4  }
0xd: {  	[smem:$0x3FAB] =	sst s5  }
0xe: {  	[smem:$0x3FAC] =	sst s6  }
0xf: {  	[smem:$0x3FAD] =	sst s7  }
0x10: {  	[smem:$0x3FAE] =	sst s8  }
0x11: {  	[smem:$0x3FAF] =	sst s9;
	s0 =	simm.s32 @!p0 $0x0  }
0x12: {  	s1 =	sld [smem:$0x3F95];
	s0 =	simm.s32 @p0 $0x1  }
0x13: {  	[smem:$0x3FB0] =	sst s0;
	s0 =	simm.s32 @!p1 $0x0  }
0x14: {  	s2 =	sld [smem:$0x3F94];
	s0 =	simm.s32 @p1 $0x1  }
0x15: {  	[smem:$0x3FB1] =	sst s0;
	s0 =	simm.s32 @!p2 $0x0  }
0x16: {  	s3 =	sld [smem:$0x3FDB];
	s0 =	simm.s32 @p2 $0x1  }
0x17: {  	s4 =	simm.s32 $0x1BF5;
	[smem:$0x3FB3] =	sst s0  }
0x18: {  	s0 =	sld [smem:$0x3F96];
	_ =	swait.ge [sflag:s4], $0x0  }
0x19: {  	s7 =	sld [smem:$0x3F97]  }
0x1a: {  	s8 =	sadd.s32 $0xFFFFE003, lr  }
0x1b: {  	s9 =	sadd.s32 $0xFFFFFEF7, lr;
	s5 =	simm.s32 $0xFFFFFFFF;
	p2 =	slt.u32 s8, $0xFFFFF086  }
0x1c: {  	p1 =	slt.u32 s9, $0xF7A;
	s5 =	simm.s32 @!p2 $0x0  }
0x1d: {  	s5 =	simm.s32 @p1 $0x1;
	p0 =	seq.s32 s7, s2  }
0x1e: {  	s7 =	smul.u32 @!p0 $0xF7A, s2;
	p2 =	seq.s32 @!p0 s5, $0x0  }
0x1f: {  	s9 =	smul.u32 $0xF7A, s1;
	s8 =	simm.s32 @!p0 $0x1BF5;
	p2 =	por !p2, p0  }
0x20: {  	[sflag:s8] =	ssyncset.s32 @!p0 $0xFFFFF086;
	s6 =	sadd.s32 @!p0 s3, s7;
	s7 =	simm.s32 @!p0 $0x108  }
0x21: {  	s3 =	sadd.s32 s3, s9;
	s6 =	sadd.s32 @!p0 $0x88, s6;
	s7 =	simm.s32 @p2 $0x1082  }
0x22: {  	[simem:s7], [sflag:s8] =	dma.local @!p0 [hbm:s6], $0xF7A  }
0x23: {  	s9 =	sor.u32 $0xD0000000, s2;
	s6 =	simm.s32 $0x108;
	_ =	swait.ge @!p0 [sflag:s8], $0x0  }
0x24: {  	s3 =	sadd.s32 $0x88, s3;
	s6 =	simm.s32 @!p1 $0x1082;
	[sflag:s4] =	ssyncset.s32 $0xFFFFF086  }
0x25: {  	[simem:s6], [sflag:s4] =	dma.local [hbm:s3], $0xF7A  }
0x26: {  	[smem:$0x3F97] =	sst s1;
	(tag) =	ssettag s2;
	_ =	strace s9  }
0x27: {  	s1 =	sld [smem:$0x3FA7]  }
0x28: {  	s2 =	sld [smem:$0x3FA8]  }
0x29: {  	s4 =	sld [smem:$0x3FAA]  }
0x2a: {  	p0 =	seq.s32 s5, $0x0;
	s5 =	sld [smem:$0x3FAB]  }
0x2b: {  	s6 =	sld [smem:$0x3FAC]  }
0x2c: {  	s7 =	sld [smem:$0x3FAD]  }
0x2d: {  	s3 =	simm.s32 $0x108;
	s8 =	sld [smem:$0x3FAE]  }
0x2e: {  	s3 =	simm.s32 @!p0 $0x1082;
	s9 =	sld [smem:$0x3FAF]  }
0x2f: {  	lr =	sadd.s32 s0, s3;
	s0 =	sld [smem:$0x3FA6]  }
0x30: {  	s3 =	sld [smem:$0x3FA9]  }
0x31: {  	[smem:$0x3FB2] =	sst s10  }
0x32: {  	s10 =	sld [smem:$0x3FB0];
	_ =	sdelay $0x3  }
0x33: {  	p0 =	seq.s32 s10, $0x1;
	s10 =	sld [smem:$0x3FB2];
	_ =	sdelay $0x3  }
0x34: {  	[smem:$0x3FB2] =	sst s10  }
0x35: {  	s10 =	sld [smem:$0x3FB1];
	_ =	sdelay $0x3  }
0x36: {  	p1 =	seq.s32 s10, $0x1;
	s10 =	sld [smem:$0x3FB2];
	_ =	sdelay $0x3  }
0x37: {  	[smem:$0x3FB2] =	sst s10  }
0x38: {  	s10 =	sld [smem:$0x3FB3]  }
0x39: {  	_ = 	snop;
	(pc) =	sbr.ind lr, $3  }
0x3a: {  	_ = 	snop  }
0x3b: {  	_ = 	snop  }
0x3c: {  	p2 =	seq.s32 s10, $0x1;
	s10 =	sld [smem:$0x3FB2]  }
0x3d: {  	_ =	shalt  }
0x3e: {  	_ =	shalt  }
0x3f: {  	_ =	shalt  }
0x40: {  	_ =	shalt  }
0x41: {  	_ =	shalt  }
0x42: {  	_ =	shalt  }
0x43: {  	_ =	shalt  }
0x44: {  	_ =	shalt  }
0x45: {  	_ =	shalt  }
0x46: {  	_ =	shalt  }
0x47: {  	_ =	shalt  }
0x48: {  	_ =	shalt  }
0x49: {  	_ =	shalt  }
0x4a: {  	_ =	shalt  }
0x4b: {  	_ =	shalt  }
0x4c: {  	_ =	shalt  }
0x4d: {  	_ =	shalt  }
0x4e: {  	_ =	shalt  }
0x4f: {  	_ =	shalt  }
0x50: {  	_ =	shalt  }
0x51: {  	_ =	shalt  }
0x52: {  	_ =	shalt  }
0x53: {  	_ =	shalt  }
0x54: {  	_ =	shalt  }
0x55: {  	_ =	shalt  }
0x56: {  	_ =	shalt  }
0x57: {  	_ =	shalt  }
0x58: {  	_ =	shalt  }
0x59: {  	_ =	shalt  }
0x5a: {  	_ =	shalt  }
0x5b: {  	_ =	shalt  }
0x5c: {  	_ =	shalt  }
0x5d: {  	_ =	shalt  }
0x5e: {  	_ =	shalt  }
0x5f: {  	_ =	shalt  }
0x60: {  	_ =	shalt  }
0x61: {  	_ =	shalt  }
0x62: {  	_ =	shalt  }
0x63: {  	_ =	shalt  }
0x64: {  	_ =	shalt  }
0x65: {  	_ =	shalt  }
0x66: {  	_ =	shalt  }
0x67: {  	_ =	shalt  }
0x68: {  	_ =	shalt  }
0x69: {  	_ =	shalt  }
0x6a: {  	_ =	shalt  }
0x6b: {  	_ =	shalt  }
0x6c: {  	_ =	shalt  }
0x6d: {  	_ =	shalt  }
0x6e: {  	_ =	shalt  }
0x6f: {  	_ =	shalt  }
0x70: {  	_ =	shalt  }
0x71: {  	_ =	shalt  }
0x72: {  	_ =	shalt  }
0x73: {  	_ =	shalt  }
0x74: {  	_ =	shalt  }
0x75: {  	_ =	shalt  }
0x76: {  	_ =	shalt  }
0x77: {  	_ =	shalt  }
0x78: {  	_ =	shalt  }
0x79: {  	_ =	shalt  }
0x7a: {  	_ =	shalt  }
0x7b: {  	_ =	shalt  }
0x7c: {  	_ =	shalt  }
0x7d: {  	_ =	shalt  }
0x7e: {  	_ =	shalt  }
0x7f: {  	_ =	shalt  }
0x80: {  	_ =	shalt  }
0x81: {  	_ =	shalt  }
0x82: {  	_ =	shalt  }
0x83: {  	_ =	shalt  }
0x84: {  	_ =	shalt  }
0x85: {  	_ =	shalt  }
0x86: {  	_ =	shalt  }
0x87: {  	_ =	shalt  }
.Lfunc_end0:
.L_simem_size_0:
called_computation.2_lowered:
.L_overlay_start_0:
0x88: {  	s2 =	sld [smem:$0x3FD9]  }
0x89: {  	s3 =	sld [smem:$0x3FFE];
	_ =	sdelay $0x1  }
0x8a: {  	s1 =	srdreg.scid  }
0x8b: {  	s0 =	sand.u32 $0x1, s1  }
0x8c: {  	s16 =	sshll.u32 s0, $0xA;
	s2 =	sadd.s32 s3, s2  }
0x8d: {  	s2 =	sadd.s32 s2, s16  }
0x8e: {  	[smem:$0x3FBE] =	sst s2  }
0x8f: {  	_ = 	snop  }
0x90: {  	(tm) =	ssettm $0x1  }
0x91: {  	s17 =	sld [smem:$0x3FFB];
	_ =	sdelay $0x3  }
0x92: {  	_ =	strace s17  }
0x93: {  	s2 =	sld [smem:$0x3FFC];
	_ =	sdelay $0x3  }
0x94: {  	_ =	strace s2  }
0x95: {  	s2 =	sld [smem:$0x3FFD];
	_ =	sdelay $0x3  }
0x96: {  	_ =	strace s2  }
0x97: {  	_ =	strace $0x8FFFFFFF  }
0x98: {  	s18 =	sld [smem:$0x3FDB];
	_ =	sdelay $0x1  }
0x99: {  	s19 =	simm.s32 $_scs_section_size  }
0x9a: {  	s4 =	simm.s32 $_size__tile_overlayer_lowered;
	s5 =	simm.s32 $_tile_overlayer_lowered  }
0x9b: {  	s22 =	simm.s32 $0x1BFF;
	s21 =	sshll.u32 s5, $0x1;
	s2 =	sadd.s32 s19, s18  }
0x9c: {  	s6 =	simm.s32 $0x0;
	s20 =	sshll.u32 s4, $0x1;
	s4 =	sadd.s32 s21, s2  }
0x9d: {  	[timem:s6], [sflag:s22] =	dma.local [hbm:s4], s20  }
0x9e: {  	_ =	swait.ge [sflag:s22], s20  }
0x9f: {  	s3 =	ssub.s32 $0x0, s20;
	[sflag:s22] =	ssyncset.done $0x0  }
0xa0: {  	[sflag:s22] =	ssyncadd.s32 s3;
	_ =	sdelay $0x1  }
0xa1: {  	s23 =	simm.s32 $0x1B8B  }
0xa2: {  	_ =	swait.ge [sflag:s23], $0x1  }
0xa3: {  	[sflag:s23] =	ssyncset.done $0x0  }
0xa4: {  	s25 =	simm.s32 $0x1B8E;
	s24 =	sld [smem:$0x3FFE];
	[sflag:s23] =	ssyncadd.s32 $0xFFFFFFFF  }
0xa5: {  	s26 =	simm.s32 $execute0_lowered;
	[smem:$0x3FD2] =	sst s25  }
0xa6: {  	s4 =	sshll.u32 s26, $0x1;
	_ =	strace $0x8000004C;
	[dreg:$0x1] =	wrdreg $0xFFFFFFFF  }
0xa7: {  	s28 =	simm.s32 $_size_execute0_lowered;
	s2 =	sadd.s32 s2, s4;
	[dreg:$0x0] =	wrdreg $0x0  }
0xa8: {  	s4 =	sshll.u32 s28, $0x1;
	[dreg:$0x2] =	wrdreg s2  }
0xa9: {  	[dreg:$0x3] =	wrdreg s4  }
0xaa: {  	[dreg:$0x4] =	wrdreg $0xC0  }
0xab: {  	_ =	task [dreg:s6], $0x5FFFF  }
0xac: {  	[dreg:$0x1] =	wrdreg $0xFFFFFFFF  }
0xad: {  	[dreg:$0x0] =	wrdreg $0x60  }
0xae: {  	[dreg:$0x2] =	wrdreg s24  }
0xaf: {  	[dreg:$0x3] =	wrdreg $0xCD000  }
0xb0: {  	[dreg:$0x4] =	wrdreg $0x9  }
0xb1: {  	_ =	task.clear_ibuf [dreg:s6], $0x5FFFF;
	_ =	strace $0x9000004C  }
0xb2: {  	s29 =	simm.s32 $0x9;
	_ =	strace $0x8000004E  }
0xb3: {  	_ =	swait.ge [sflag:s29], $0x1  }
0xb4: {  	[sflag:s29] =	ssyncadd.s32 $0xFFFFFFFF  }
0xb5: {  	_ =	strace $0x9000004E  }
0xb6: {  	_ =	sfence  }
0xb7: {  	s30 =	sld [smem:$0x0];
	_ =	sdelay $0x2  }
0xb8: {  	s31 =	sshll.u32 s1, $0xD;
	s1 =	sshrl.u32 s1, $0x2  }
0xb9: {  	s3 =	sand.u32 $0x4000, s31;
	s1 =	sadd.s32 s1, s30  }
0xba: {  	s0 =	sor.u32 s3, s0;
	s1 =	sshll.u32 s1, $0x11  }
0xbb: {  	s0 =	sor.u32 s1, s0  }
0xbc: {  	s0 =	sadd.s32 $0x8F2B, s0  }
0xbd: {  	[sflag:s0] =	ssyncadd.remote.s32 $0x1  }
0xbe: {  	_ =	sfence.sel $0xFFFF  }
0xbf: {  	[dreg:$0x0] =	wrdreg $0xFFFFFFFF;
	(pc) =	sbr.abs _section_cstart, $3  }
0xc0: {  	[dreg:$0x1] =	wrdreg $0xFFFFFFFF  }
0xc1: {  	_ =	task.clear_ibuf [dreg:s6], $0x2FFFF;
	_ =	strace $0x9FFFFFFF  }
0xc2: {  	(tm) =	ssettm $0x7FFFFFFF  }
0xc3: {  	_ =	shalt  }
tec
execute0_lowered:
.L_overlay_start_1:
0x0: {  	(tag) =	ssettag $0x1  }
0x1: {  	s0 =	srdreg.scid;
	s1 =	rddreg [dreg:$0x0]  }
0x2: {  	s9 =	stileid.u32;
	s2 =	rddreg [dreg:$0x1];
	s4 =	simm.s32 $0x0  }
0x3: {  	s13 =	simm.s32 $0x7D;
	s14 =	simm.s32 $0x5000;
	s16 =	simm.s32 $0x5FA0  }
0x4: {  	s18 =	simm.s32 $0x6F40;
	s20 =	simm.s32 $0x7EE0;
	s22 =	simm.s32 $0x8E80  }
0x5: {  	s28 =	simm.s32 $0xADC0;
	s30 =	simm.s32 $0xBD60;
	s31 =	simm.s32 $0x1  }
0x6: {  	s12 =	simm.s32 $0x4;
	s15 =	simm.s32 $0x5;
	s17 =	simm.s32 $0x6  }
0x7: {  	s19 =	simm.s32 $0x7;
	s21 =	simm.s32 $0x8;
	s23 =	simm.s32 $0x9  }
0x8: {  	s29 =	simm.s32 $0xB;
	s0 =	sand.u32 $0x1, s0;
	s3 =	sshll.u32 s9, $0x1  }
0x9: {  	[smem:$0x7FF] =	sst s4;
	s5 =	smul.u32 $0x5000, s9;
	s4 =	sadd.s32 $0x16800, s1  }
0xa: {  	s25 =	sshll.u32 s9, $0x6;
	s9 =	simm.s32 $0xF;
	s3 =	sor.u32 s0, s3  }
0xb: {  	_ =	strace $0x8000004D;
	s6 =	smul.u32 $0xA000, s0;
	s0 =	ssub.s32 $0x2, s0  }
0xc: {  	s10 =	sor.u32 $0x1C11, s25;
	s25 =	simm.s32 $0x9E20;
	s3 =	smul.u32 $0x500, s3  }
0xd: {  	s7 =	sshrl.u32 s5, $0x3;
	s24 =	sshrl.u32 s0, $0x1;
	s5 =	sadd.s32 s5, s2  }
0xe: {  	[dreg:$0x4] =	wrdreg s10;
	s8 =	sadd.s32 s7, s1;
	s11 =	sshrl.u32 s5, $0x3  }
0xf: {  	s0 =	ssub.s32 s0, s24;
	s8 =	sadd.s32 $0x20800, s8;
	[dreg:$0x8] =	wrdreg s11  }
0x10: {  	s3 =	sadd.s32 s3, s1;
	s0 =	smax.u32 s0, $0x1;
	[dreg:$0x3] =	wrdreg s8  }
0x11: {  	s1 =	sadd.s32 s6, s1;
	s6 =	simm.s32 $0x0;
	[dreg:$0x7] =	wrdreg s0  }
0x12: {  	s24 =	simm.s32 $0x10;
	s26 =	sadd.s32 $0xC800, s3;
	[dreg:$0xa] =	wrdreg s6  }
0x13: {  	s3 =	sadd.s32 $0x2800, s3;
	s1 =	sadd.s32 $0x2A800, s1;
	[dreg:$0x5] =	wrdreg s26  }
0x14: {  	s0 =	simm.s32 $0x3;
	s8 =	simm.s32 $0xE;
	[dreg:$0x6] =	wrdreg s3  }
0x15: {  	s5 =	sadd.s32 s7, s1;
	s1 =	simm.s32 $0x2;
	s26 =	simm.s32 $0xA  }
0x16: {  	s7 =	simm.s32 $0xD;
	[dreg:$0x9] =	wrdreg s5;
	s5 =	simm.s32 $0xC  }
.LBB2_1:
0x17: {  	s3 =	simm.s32 $0x11;
	s6 =	rddreg [dreg:$0x3]  }
0x18: {  	[spmem:s11], [sflag:s10] =	dma.local [hbm:s6], $0xA00  }
0x19: {  	_ =	swait.ge [sflag:s3], $0xA00  }
0x1a: {  	[sflag:s3] =	ssyncset.done $0x0  }
0x1b: {  	s6 =	simm.s32 $0x0;
	s11 =	rddreg [dreg:$0x5];
	[sflag:s3] =	ssyncadd.s32 $0xFFFFF600  }
0x1c: {  	[tilespmem:s6], [sflag:$0x11] =	stream.linear.gather [hbm4b:s11+s6], $0x2800, $0x38;
	[tilespmem:$0x11D00] =	vst v63  }
0x1d: {  	_ =	swait.ge [sflag:s3], $0x2800  }
0x1e: {  	[sflag:s3] =	ssyncset.done $0x0  }
0x1f: {  	s11 =	simm.s32 $0x2800;
	s10 =	rddreg [dreg:$0x6];
	[sflag:s3] =	ssyncadd.s32 $0xFFFFD800  }
0x20: {  	[tilespmem:s11], [sflag:$0x11] =	stream.linear.gather [hbm4b:s10+s6], $0x2800, $0x38;
	[tilespmem:$0x11D00] =	vst v63  }
0x21: {  	_ =	swait.ge [sflag:s3], $0x2800  }
0x22: {  	[sflag:s3] =	ssyncset.done $0x0  }
0x23: {  	[sflag:s3] =	ssyncadd.s32 $0xFFFFD800  }
0x24: {  	[bflag:$0x0] =	sbarrier.arrive $0xFFFF  }
0x25: {  	[tilespmem:s14], [sflag:$0x1] =	stream.indirect.gather [hbm4b:s4+s13], $0x20, s6, s13, $0xb8;
	[tilespmem:$0x11D00] =	vst v63  }
0x26: {  	s11 =	simm.s32 $0x80  }
0x27: {  	[tilespmem:s16], [sflag:$0x2] =	stream.indirect.gather [hbm4b:s4+s13], $0x20, s11, s13, $0xb8;
	[tilespmem:$0x11D00] =	vst v63  }
0x28: {  	s6 =	simm.s32 $0x100  }
0x29: {  	[tilespmem:s18], [sflag:$0x3] =	stream.indirect.gather [hbm4b:s4+s13], $0x20, s6, s13, $0xb8;
	[tilespmem:$0x11D00] =	vst v63  }
0x2a: {  	s10 =	simm.s32 $0x180  }
0x2b: {  	[tilespmem:s20], [sflag:$0x4] =	stream.indirect.gather [hbm4b:s4+s13], $0x20, s10, s13, $0xb8;
	[tilespmem:$0x11D00] =	vst v63  }
0x2c: {  	s11 =	simm.s32 $0x200  }
0x2d: {  	[tilespmem:s22], [sflag:$0x5] =	stream.indirect.gather [hbm4b:s4+s13], $0x20, s11, s13, $0xb8;
	[tilespmem:$0x11D00] =	vst v63  }
0x2e: {  	s6 =	simm.s32 $0x280  }
0x2f: {  	[tilespmem:s25], [sflag:$0x6] =	stream.indirect.gather [hbm4b:s4+s13], $0x20, s6, s13, $0xb8;
	[tilespmem:$0x11D00] =	vst v63  }
0x30: {  	s10 =	simm.s32 $0x300  }
0x31: {  	[tilespmem:s28], [sflag:$0x7] =	stream.indirect.gather [hbm4b:s4+s13], $0x20, s10, s13, $0xb8;
	[tilespmem:$0x11D00] =	vst v63  }
0x32: {  	s11 =	simm.s32 $0x380  }
0x33: {  	[tilespmem:s30], [sflag:$0x8] =	stream.indirect.gather [hbm4b:s4+s13], $0x20, s11, s13, $0xb8;
	[tilespmem:$0x11D00] =	vst v63  }
0x34: {  	_ =	swait.ge [sflag:s31], $0xFA0  }
0x35: {  	[sflag:s31] =	ssyncset.done $0x0  }
0x36: {  	s3 =	simm.s32 $0x2800;
	[sflag:s31] =	ssyncadd.s32 $0xFFFFF060  }
0x37: {  	[spmem:s2] =	stream.indirect.scatter.add.f32 [tilespmem:s14], [sflag:$0x9], $0x20, s3, s13, $0xb8;
	[tilespmem:$0x11D00] =	vst v63  }
0x38: {  	_ =	swait.ge [sflag:s1], $0xFA0  }
0x39: {  	[sflag:s1] =	ssyncset.done $0x0  }
0x3a: {  	s10 =	simm.s32 $0x2880;
	[sflag:s1] =	ssyncadd.s32 $0xFFFFF060  }
0x3b: {  	[spmem:s2] =	stream.indirect.scatter.add.f32 [tilespmem:s16], [sflag:$0xA], $0x20, s10, s13, $0xb8;
	[tilespmem:$0x11D00] =	vst v63  }
0x3c: {  	_ =	swait.ge [sflag:s0], $0xFA0  }
0x3d: {  	[sflag:s0] =	ssyncset.done $0x0  }
0x3e: {  	s11 =	simm.s32 $0x2900;
	[sflag:s0] =	ssyncadd.s32 $0xFFFFF060  }
0x3f: {  	[spmem:s2] =	stream.indirect.scatter.add.f32 [tilespmem:s18], [sflag:$0xB], $0x20, s11, s13, $0xb8;
	[tilespmem:$0x11D00] =	vst v63  }
0x40: {  	_ =	swait.ge [sflag:s12], $0xFA0  }
0x41: {  	[sflag:s12] =	ssyncset.done $0x0  }
0x42: {  	s3 =	simm.s32 $0x2980;
	[sflag:s12] =	ssyncadd.s32 $0xFFFFF060  }
0x43: {  	[spmem:s2] =	stream.indirect.scatter.add.f32 [tilespmem:s20], [sflag:$0xC], $0x20, s3, s13, $0xb8;
	[tilespmem:$0x11D00] =	vst v63  }
0x44: {  	_ =	swait.ge [sflag:s15], $0xFA0  }
0x45: {  	[sflag:s15] =	ssyncset.done $0x0  }
0x46: {  	s10 =	simm.s32 $0x2A00;
	[sflag:s15] =	ssyncadd.s32 $0xFFFFF060  }
0x47: {  	[spmem:s2] =	stream.indirect.scatter.add.f32 [tilespmem:s22], [sflag:$0xD], $0x20, s10, s13, $0xb8;
	[tilespmem:$0x11D00] =	vst v63  }
0x48: {  	_ =	swait.ge [sflag:s17], $0xFA0  }
0x49: {  	[sflag:s17] =	ssyncset.done $0x0  }
0x4a: {  	s11 =	simm.s32 $0x2A80;
	[sflag:s17] =	ssyncadd.s32 $0xFFFFF060  }
0x4b: {  	[spmem:s2] =	stream.indirect.scatter.add.f32 [tilespmem:s25], [sflag:$0xE], $0x20, s11, s13, $0xb8;
	[tilespmem:$0x11D00] =	vst v63  }
0x4c: {  	_ =	swait.ge [sflag:s19], $0xFA0  }
0x4d: {  	[sflag:s19] =	ssyncset.done $0x0  }
0x4e: {  	s3 =	simm.s32 $0x2B00;
	[sflag:s19] =	ssyncadd.s32 $0xFFFFF060  }
0x4f: {  	[spmem:s2] =	stream.indirect.scatter.add.f32 [tilespmem:s28], [sflag:$0xF], $0x20, s3, s13, $0xb8;
	[tilespmem:$0x11D00] =	vst v63  }
0x50: {  	_ =	swait.ge [sflag:s21], $0xFA0  }
0x51: {  	[sflag:s21] =	ssyncset.done $0x0  }
0x52: {  	s10 =	simm.s32 $0x2B80;
	[sflag:s21] =	ssyncadd.s32 $0xFFFFF060  }
0x53: {  	[spmem:s2] =	stream.indirect.scatter.add.f32 [tilespmem:s30], [sflag:$0x10], $0x20, s10, s13, $0xb8;
	[tilespmem:$0x11D00] =	vst v63  }
0x54: {  	_ =	swait.ge [sflag:s23], $0xFA0  }
0x55: {  	[sflag:s23] =	ssyncset.done $0x0  }
0x56: {  	s11 =	simm.s32 $0x400;
	[sflag:s23] =	ssyncadd.s32 $0xFFFFF060  }
0x57: {  	[tilespmem:s14], [sflag:$0x1] =	stream.indirect.gather [hbm4b:s4+s13], $0x20, s11, s13, $0xb8;
	[tilespmem:$0x11D00] =	vst v63  }
0x58: {  	_ =	swait.ge [sflag:s26], $0xFA0  }
0x59: {  	[sflag:s26] =	ssyncset.done $0x0  }
0x5a: {  	s3 =	simm.s32 $0x480;
	[sflag:s26] =	ssyncadd.s32 $0xFFFFF060  }
0x5b: {  	[tilespmem:s16], [sflag:$0x2] =	stream.indirect.gather [hbm4b:s4+s13], $0x20, s3, s13, $0xb8;
	[tilespmem:$0x11D00] =	vst v63  }
0x5c: {  	_ =	swait.ge [sflag:s29], $0xFA0  }
0x5d: {  	[sflag:s29] =	ssyncset.done $0x0  }
0x5e: {  	s10 =	simm.s32 $0x500;
	[sflag:s29] =	ssyncadd.s32 $0xFFFFF060  }
0x5f: {  	[tilespmem:s18], [sflag:$0x3] =	stream.indirect.gather [hbm4b:s4+s13], $0x20, s10, s13, $0xb8;
	[tilespmem:$0x11D00] =	vst v63  }
0x60: {  	_ =	swait.ge [sflag:s5], $0xFA0  }
0x61: {  	[sflag:s5] =	ssyncset.done $0x0  }
0x62: {  	s11 =	simm.s32 $0x580;
	[sflag:s5] =	ssyncadd.s32 $0xFFFFF060  }
0x63: {  	[tilespmem:s20], [sflag:$0x4] =	stream.indirect.gather [hbm4b:s4+s13], $0x20, s11, s13, $0xb8;
	[tilespmem:$0x11D00] =	vst v63  }
0x64: {  	_ =	swait.ge [sflag:s7], $0xFA0  }
0x65: {  	[sflag:s7] =	ssyncset.done $0x0  }
0x66: {  	s3 =	simm.s32 $0x600;
	[sflag:s7] =	ssyncadd.s32 $0xFFFFF060  }
0x67: {  	[tilespmem:s22], [sflag:$0x5] =	stream.indirect.gather [hbm4b:s4+s13], $0x20, s3, s13, $0xb8;
	[tilespmem:$0x11D00] =	vst v63  }
0x68: {  	_ =	swait.ge [sflag:s8], $0xFA0  }
0x69: {  	[sflag:s8] =	ssyncset.done $0x0  }
0x6a: {  	s10 =	simm.s32 $0x680;
	[sflag:s8] =	ssyncadd.s32 $0xFFFFF060  }
0x6b: {  	[tilespmem:s25], [sflag:$0x6] =	stream.indirect.gather [hbm4b:s4+s13], $0x20, s10, s13, $0xb8;
	[tilespmem:$0x11D00] =	vst v63  }
0x6c: {  	_ =	swait.ge [sflag:s9], $0xFA0  }
0x6d: {  	[sflag:s9] =	ssyncset.done $0x0  }
0x6e: {  	s11 =	simm.s32 $0x700;
	[sflag:s9] =	ssyncadd.s32 $0xFFFFF060  }
0x6f: {  	[tilespmem:s28], [sflag:$0x7] =	stream.indirect.gather [hbm4b:s4+s13], $0x20, s11, s13, $0xb8;
	[tilespmem:$0x11D00] =	vst v63  }
0x70: {  	_ =	swait.ge [sflag:s24], $0xFA0  }
0x71: {  	[sflag:s24] =	ssyncset.done $0x0  }
0x72: {  	s6 =	simm.s32 $0x1000;
	s10 =	simm.s32 $0x780;
	[sflag:s24] =	ssyncadd.s32 $0xFFFFF060  }
.LBB2_2:
0x73: {  	[tilespmem:s30], [sflag:$0x8] =	stream.indirect.gather [hbm4b:s4+s13], $0x20, s10, s13, $0xb8;
	[tilespmem:$0x11D00] =	vst v63  }
0x74: {  	s10 =	smov.u32 s6  }
0x75: {  	p0 =	sne.s32 s6, $0x8000;
	s6 =	sadd.s32 $0x1000, s6;
	_ =	swait.ge [sflag:s31], $0xFA0  }
0x76: {  	s10 =	sshra.s32 s10, $0x2;
	[sflag:s31] =	ssyncset.done $0x0  }
0x77: {  	s11 =	sadd.s32 $0x2800, s10;
	[sflag:s31] =	ssyncadd.s32 $0xFFFFF060  }
0x78: {  	[spmem:s2] =	stream.indirect.scatter.add.f32 [tilespmem:s14], [sflag:$0x9], $0x20, s11, s13, $0xb8;
	[tilespmem:$0x11D00] =	vst v63  }
0x79: {  	_ =	swait.ge [sflag:s1], $0xFA0  }
0x7a: {  	[sflag:s1] =	ssyncset.done $0x0  }
0x7b: {  	s11 =	sadd.s32 $0x2880, s10;
	[sflag:s1] =	ssyncadd.s32 $0xFFFFF060  }
0x7c: {  	[spmem:s2] =	stream.indirect.scatter.add.f32 [tilespmem:s16], [sflag:$0xA], $0x20, s11, s13, $0xb8;
	[tilespmem:$0x11D00] =	vst v63  }
0x7d: {  	_ =	swait.ge [sflag:s0], $0xFA0  }
0x7e: {  	[sflag:s0] =	ssyncset.done $0x0  }
0x7f: {  	s11 =	sadd.s32 $0x2900, s10;
	[sflag:s0] =	ssyncadd.s32 $0xFFFFF060  }
0x80: {  	[spmem:s2] =	stream.indirect.scatter.add.f32 [tilespmem:s18], [sflag:$0xB], $0x20, s11, s13, $0xb8;
	[tilespmem:$0x11D00] =	vst v63  }
0x81: {  	_ =	swait.ge [sflag:s12], $0xFA0  }
0x82: {  	[sflag:s12] =	ssyncset.done $0x0  }
0x83: {  	s11 =	sadd.s32 $0x2980, s10;
	[sflag:s12] =	ssyncadd.s32 $0xFFFFF060  }
0x84: {  	[spmem:s2] =	stream.indirect.scatter.add.f32 [tilespmem:s20], [sflag:$0xC], $0x20, s11, s13, $0xb8;
	[tilespmem:$0x11D00] =	vst v63  }
0x85: {  	_ =	swait.ge [sflag:s15], $0xFA0  }
0x86: {  	[sflag:s15] =	ssyncset.done $0x0  }
0x87: {  	s11 =	sadd.s32 $0x2A00, s10;
	[sflag:s15] =	ssyncadd.s32 $0xFFFFF060  }
0x88: {  	[spmem:s2] =	stream.indirect.scatter.add.f32 [tilespmem:s22], [sflag:$0xD], $0x20, s11, s13, $0xb8;
	[tilespmem:$0x11D00] =	vst v63  }
0x89: {  	_ =	swait.ge [sflag:s17], $0xFA0  }
0x8a: {  	[sflag:s17] =	ssyncset.done $0x0  }
0x8b: {  	s11 =	sadd.s32 $0x2A80, s10;
	[sflag:s17] =	ssyncadd.s32 $0xFFFFF060  }
0x8c: {  	[spmem:s2] =	stream.indirect.scatter.add.f32 [tilespmem:s25], [sflag:$0xE], $0x20, s11, s13, $0xb8;
	[tilespmem:$0x11D00] =	vst v63  }
0x8d: {  	_ =	swait.ge [sflag:s19], $0xFA0  }
0x8e: {  	[sflag:s19] =	ssyncset.done $0x0  }
0x8f: {  	s11 =	sadd.s32 $0x2B00, s10;
	[sflag:s19] =	ssyncadd.s32 $0xFFFFF060  }
0x90: {  	[spmem:s2] =	stream.indirect.scatter.add.f32 [tilespmem:s28], [sflag:$0xF], $0x20, s11, s13, $0xb8;
	[tilespmem:$0x11D00] =	vst v63  }
0x91: {  	_ =	swait.ge [sflag:s21], $0xFA0  }
0x92: {  	[sflag:s21] =	ssyncset.done $0x0  }
0x93: {  	s11 =	sadd.s32 $0x2B80, s10;
	[sflag:s21] =	ssyncadd.s32 $0xFFFFF060  }
0x94: {  	[spmem:s2] =	stream.indirect.scatter.add.f32 [tilespmem:s30], [sflag:$0x10], $0x20, s11, s13, $0xb8;
	[tilespmem:$0x11D00] =	vst v63  }
0x95: {  	_ =	swait.ge [sflag:s23], $0xFA0  }
0x96: {  	[sflag:s23] =	ssyncset.done $0x0  }
0x97: {  	s11 =	sadd.s32 $0x400, s10;
	[sflag:s23] =	ssyncadd.s32 $0xFFFFF060  }
0x98: {  	[tilespmem:s14], [sflag:$0x1] =	stream.indirect.gather [hbm4b:s4+s13], $0x20, s11, s13, $0xb8;
	[tilespmem:$0x11D00] =	vst v63  }
0x99: {  	_ =	swait.ge [sflag:s26], $0xFA0  }
0x9a: {  	[sflag:s26] =	ssyncset.done $0x0  }
0x9b: {  	s11 =	sadd.s32 $0x480, s10;
	[sflag:s26] =	ssyncadd.s32 $0xFFFFF060  }
0x9c: {  	[tilespmem:s16], [sflag:$0x2] =	stream.indirect.gather [hbm4b:s4+s13], $0x20, s11, s13, $0xb8;
	[tilespmem:$0x11D00] =	vst v63  }
0x9d: {  	_ =	swait.ge [sflag:s29], $0xFA0  }
0x9e: {  	[sflag:s29] =	ssyncset.done $0x0  }
0x9f: {  	s11 =	sadd.s32 $0x500, s10;
	[sflag:s29] =	ssyncadd.s32 $0xFFFFF060  }
0xa0: {  	[tilespmem:s18], [sflag:$0x3] =	stream.indirect.gather [hbm4b:s4+s13], $0x20, s11, s13, $0xb8;
	[tilespmem:$0x11D00] =	vst v63  }
0xa1: {  	_ =	swait.ge [sflag:s5], $0xFA0  }
0xa2: {  	[sflag:s5] =	ssyncset.done $0x0  }
0xa3: {  	s11 =	sadd.s32 $0x580, s10;
	[sflag:s5] =	ssyncadd.s32 $0xFFFFF060  }
0xa4: {  	[tilespmem:s20], [sflag:$0x4] =	stream.indirect.gather [hbm4b:s4+s13], $0x20, s11, s13, $0xb8;
	[tilespmem:$0x11D00] =	vst v63  }
0xa5: {  	_ =	swait.ge [sflag:s7], $0xFA0  }
0xa6: {  	[sflag:s7] =	ssyncset.done $0x0  }
0xa7: {  	s11 =	sadd.s32 $0x600, s10;
	[sflag:s7] =	ssyncadd.s32 $0xFFFFF060  }
0xa8: {  	[tilespmem:s22], [sflag:$0x5] =	stream.indirect.gather [hbm4b:s4+s13], $0x20, s11, s13, $0xb8;
	[tilespmem:$0x11D00] =	vst v63  }
0xa9: {  	_ =	swait.ge [sflag:s8], $0xFA0  }
0xaa: {  	[sflag:s8] =	ssyncset.done $0x0  }
0xab: {  	s11 =	sadd.s32 $0x680, s10;
	[sflag:s8] =	ssyncadd.s32 $0xFFFFF060  }
0xac: {  	[tilespmem:s25], [sflag:$0x6] =	stream.indirect.gather [hbm4b:s4+s13], $0x20, s11, s13, $0xb8;
	[tilespmem:$0x11D00] =	vst v63  }
0xad: {  	_ =	swait.ge [sflag:s9], $0xFA0  }
0xae: {  	[sflag:s9] =	ssyncset.done $0x0  }
.Ltmp0:
0xaf: {  	s11 =	sadd.s32 $0x700, s10;
	[sflag:s9] =	ssyncadd.s32 $0xFFFFF060;
	(pc) =	sbr.rel @p0 .LBB2_2-.Ltmp0, $4  }
0xb0: {  	[tilespmem:s28], [sflag:$0x7] =	stream.indirect.gather [hbm4b:s4+s13], $0x20, s11, s13, $0xb8;
	[tilespmem:$0x11D00] =	vst v63  }
0xb1: {  	_ =	swait.ge [sflag:s24], $0xFA0  }
0xb2: {  	[sflag:s24] =	ssyncset.done $0x0  }
0xb3: {  	s10 =	sadd.s32 $0x780, s10;
	[sflag:s24] =	ssyncadd.s32 $0xFFFFF060  }
0xb4: {  	[tilespmem:s30], [sflag:$0x8] =	stream.indirect.gather [hbm4b:s4+s13], $0x20, s10, s13, $0xb8;
	[tilespmem:$0x11D00] =	vst v63  }
0xb5: {  	_ =	swait.ge [sflag:s31], $0xFA0  }
0xb6: {  	[sflag:s31] =	ssyncset.done $0x0  }
0xb7: {  	s3 =	simm.s32 $0x4C00;
	[sflag:s31] =	ssyncadd.s32 $0xFFFFF060  }
0xb8: {  	[spmem:s2] =	stream.indirect.scatter.add.f32 [tilespmem:s14], [sflag:$0x9], $0x20, s3, s13, $0xb8;
	[tilespmem:$0x11D00] =	vst v63  }
0xb9: {  	_ =	swait.ge [sflag:s1], $0xFA0  }
0xba: {  	[sflag:s1] =	ssyncset.done $0x0  }
0xbb: {  	s11 =	simm.s32 $0x4C80;
	[sflag:s1] =	ssyncadd.s32 $0xFFFFF060  }
0xbc: {  	[spmem:s2] =	stream.indirect.scatter.add.f32 [tilespmem:s16], [sflag:$0xA], $0x20, s11, s13, $0xb8;
	[tilespmem:$0x11D00] =	vst v63  }
0xbd: {  	_ =	swait.ge [sflag:s0], $0xFA0  }
0xbe: {  	[sflag:s0] =	ssyncset.done $0x0  }
0xbf: {  	s6 =	simm.s32 $0x4D00;
	[sflag:s0] =	ssyncadd.s32 $0xFFFFF060  }
0xc0: {  	[spmem:s2] =	stream.indirect.scatter.add.f32 [tilespmem:s18], [sflag:$0xB], $0x20, s6, s13, $0xb8;
	[tilespmem:$0x11D00] =	vst v63  }
0xc1: {  	_ =	swait.ge [sflag:s12], $0xFA0  }
0xc2: {  	[sflag:s12] =	ssyncset.done $0x0  }
0xc3: {  	s10 =	simm.s32 $0x4D80;
	[sflag:s12] =	ssyncadd.s32 $0xFFFFF060  }
0xc4: {  	[spmem:s2] =	stream.indirect.scatter.add.f32 [tilespmem:s20], [sflag:$0xC], $0x20, s10, s13, $0xb8;
	[tilespmem:$0x11D00] =	vst v63  }
0xc5: {  	_ =	swait.ge [sflag:s15], $0xFA0  }
0xc6: {  	[sflag:s15] =	ssyncset.done $0x0  }
0xc7: {  	s11 =	simm.s32 $0x4E00;
	[sflag:s15] =	ssyncadd.s32 $0xFFFFF060  }
0xc8: {  	[spmem:s2] =	stream.indirect.scatter.add.f32 [tilespmem:s22], [sflag:$0xD], $0x20, s11, s13, $0xb8;
	[tilespmem:$0x11D00] =	vst v63  }
0xc9: {  	_ =	swait.ge [sflag:s17], $0xFA0  }
0xca: {  	[sflag:s17] =	ssyncset.done $0x0  }
0xcb: {  	s6 =	simm.s32 $0x4E80;
	[sflag:s17] =	ssyncadd.s32 $0xFFFFF060  }
0xcc: {  	[spmem:s2] =	stream.indirect.scatter.add.f32 [tilespmem:s25], [sflag:$0xE], $0x20, s6, s13, $0xb8;
	[tilespmem:$0x11D00] =	vst v63  }
0xcd: {  	_ =	swait.ge [sflag:s19], $0xFA0  }
0xce: {  	[sflag:s19] =	ssyncset.done $0x0  }
0xcf: {  	s10 =	simm.s32 $0x4F00;
	[sflag:s19] =	ssyncadd.s32 $0xFFFFF060  }
0xd0: {  	[spmem:s2] =	stream.indirect.scatter.add.f32 [tilespmem:s28], [sflag:$0xF], $0x20, s10, s13, $0xb8;
	[tilespmem:$0x11D00] =	vst v63  }
0xd1: {  	_ =	swait.ge [sflag:s21], $0xFA0  }
0xd2: {  	[sflag:s21] =	ssyncset.done $0x0  }
0xd3: {  	s11 =	simm.s32 $0x4F80;
	[sflag:s21] =	ssyncadd.s32 $0xFFFFF060  }
0xd4: {  	[spmem:s2] =	stream.indirect.scatter.add.f32 [tilespmem:s30], [sflag:$0x10], $0x20, s11, s13, $0xb8;
	[tilespmem:$0x11D00] =	vst v63  }
0xd5: {  	_ =	swait.ge [sflag:s23], $0xFA0  }
0xd6: {  	[sflag:s23] =	ssyncset.done $0x0  }
0xd7: {  	[sflag:s23] =	ssyncadd.s32 $0xFFFFF060  }
0xd8: {  	_ =	swait.ge [sflag:s26], $0xFA0  }
0xd9: {  	[sflag:s26] =	ssyncset.done $0x0  }
0xda: {  	[sflag:s26] =	ssyncadd.s32 $0xFFFFF060  }
0xdb: {  	_ =	swait.ge [sflag:s29], $0xFA0  }
0xdc: {  	[sflag:s29] =	ssyncset.done $0x0  }
0xdd: {  	[sflag:s29] =	ssyncadd.s32 $0xFFFFF060  }
0xde: {  	_ =	swait.ge [sflag:s5], $0xFA0  }
0xdf: {  	[sflag:s5] =	ssyncset.done $0x0  }
0xe0: {  	[sflag:s5] =	ssyncadd.s32 $0xFFFFF060  }
0xe1: {  	_ =	swait.ge [sflag:s7], $0xFA0  }
0xe2: {  	[sflag:s7] =	ssyncset.done $0x0  }
0xe3: {  	[sflag:s7] =	ssyncadd.s32 $0xFFFFF060  }
0xe4: {  	_ =	swait.ge [sflag:s8], $0xFA0  }
0xe5: {  	[sflag:s8] =	ssyncset.done $0x0  }
0xe6: {  	[sflag:s8] =	ssyncadd.s32 $0xFFFFF060  }
0xe7: {  	_ =	swait.ge [sflag:s9], $0xFA0  }
0xe8: {  	[sflag:s9] =	ssyncset.done $0x0  }
0xe9: {  	[sflag:s9] =	ssyncadd.s32 $0xFFFFF060  }
0xea: {  	_ =	swait.ge [sflag:s24], $0xFA0  }
0xeb: {  	[sflag:s24] =	ssyncset.done $0x0  }
0xec: {  	[sflag:s24] =	ssyncadd.s32 $0xFFFFF060  }
0xed: {  	[bflag:$0x0] =	sbarrier.arrive $0xFFFF  }
0xee: {  	s10 =	rddreg [dreg:$0x4]  }
0xef: {  	s11 =	rddreg [dreg:$0x8]  }
0xf0: {  	s6 =	rddreg [dreg:$0x9]  }
0xf1: {  	[hbm:s6], [sflag:s10] =	dma.local [spmem:s11], $0xA00  }
0xf2: {  	s6 =	simm.s32 $0x11  }
0xf3: {  	_ =	swait.ge [sflag:s6], $0xA00  }
0xf4: {  	s3 =	rddreg [dreg:$0xa]  }
0xf5: {  	[sflag:s6] =	ssyncset.done $0x0;
	s6 =	rddreg [dreg:$0x7];
	s3 =	sadd.s32 $0x1, s3  }
0xf6: {  	p0 =	sne.s32 s3, s6  }
.Ltmp1:
0xf7: {  	_ = 	snop;
	(pc) =	sbr.rel @p0 .LBB2_1-.Ltmp1, $3  }
0xf8: {  	_ =	sdelay $0x1  }
0xf9: {  	s6 =	simm.s32 $0x11  }
0xfa: {  	[dreg:$0xa] =	wrdreg s3;
	[sflag:s6] =	ssyncadd.s32 $0xFFFFF600  }
0xfb: {  	_ =	sfence.sel $0x180000  }
0xfc: {  	[bflag:$0x0] =	sbarrier.arrive $0xFFFF  }
0xfd: {  	_ =	strace $0x9000004D  }
0xfe: {  	s0 =	stileid.u32;
	[bflag:$0x2] =	sbarrier.arrive $0xFFFF  }
0xff: {  	p0 =	sne.s32 s0, $0x0;
	s0 =	rddreg [dreg:$0x2]  }
0x100: {  	s0 =	sadd.s32 @!p0 $0x100000, s0  }
0x101: {  	[sflag:s0] =	ssyncadd.tile.s32 @!p0 $0x1;
	_ =	shalt  }
.Lfunc_end2:
_tile_overlayer_lowered:
.L_overlay_start_2:
0x102: {  	(tag) =	ssettag $0x2  }
0x103: {  	s0 =	rddreg [dreg:$0x0];
	s2 =	stileid.u32  }
0x104: {  	s1 =	rddreg [dreg:$0x1];
	p0 =	sne.s32 s2, $0x0  }
0x105: {  	s3 =	rddreg [dreg:$0x2];
	[bflag:$0x3] =	sbarrier.arrive $0xFFFF;
	s2 =	simm.s32 @!p0 $0x1C11  }
0x106: {  	[timem:s3], [sflag:s2] =	dma.local @!p0 [hbm:s0], s1  }
0x107: {  	s0 =	simm.s32 @!p0 $0x11  }
0x108: {  	_ =	swait.ge @!p0 [sflag:s0], s1  }
0x109: {  	s1 =	ssub.s32 @!p0 $0x0, s1;
	[sflag:s0] =	ssyncset.done @!p0 $0x0  }
0x10a: {  	[sflag:s0] =	ssyncadd.s32 @!p0 s1  }
0x10b: {  	[bflag:$0x3] =	sbarrier.arrive $0xFFFF  }
0x10c: {  	_ =	shalt  }

// kernel: kernel.19.cloned.1.call-start
scs
__scs_entry_jumppad:
0x0: {  	(pc) =	sbr.rel $0x88, $3  }
0x1: {  	(tag) =	ssettag $0x0;
	lr =	simm.s32 $0x1  }
0x2: {  	[smem:$0x3F97] =	sst lr;
	_ =	strace $0xD0000000  }
0x3: {  	_ = 	snop  }
0x4: {  	_ = 	snop  }
0x5: {  	_ = 	snop  }
0x6: {  	_ = 	snop  }
0x7: {  	_ = 	snop  }
__scs_overlays_trampoline_lowered:
0x8: {  	[smem:$0x3FA6] =	sst s0  }
0x9: {  	[smem:$0x3FA7] =	sst s1  }
0xa: {  	[smem:$0x3FA8] =	sst s2  }
0xb: {  	[smem:$0x3FA9] =	sst s3  }
0xc: {  	[smem:$0x3FAA] =	sst s4  }
0xd: {  	[smem:$0x3FAB] =	sst s5  }
0xe: {  	[smem:$0x3FAC] =	sst s6  }
0xf: {  	[smem:$0x3FAD] =	sst s7  }
0x10: {  	[smem:$0x3FAE] =	sst s8  }
0x11: {  	[smem:$0x3FAF] =	sst s9;
	s0 =	simm.s32 @!p0 $0x0  }
0x12: {  	s1 =	sld [smem:$0x3F95];
	s0 =	simm.s32 @p0 $0x1  }
0x13: {  	[smem:$0x3FB0] =	sst s0;
	s0 =	simm.s32 @!p1 $0x0  }
0x14: {  	s2 =	sld [smem:$0x3F94];
	s0 =	simm.s32 @p1 $0x1  }
0x15: {  	[smem:$0x3FB1] =	sst s0;
	s0 =	simm.s32 @!p2 $0x0  }
0x16: {  	s3 =	sld [smem:$0x3FDB];
	s0 =	simm.s32 @p2 $0x1  }
0x17: {  	s4 =	simm.s32 $0x1BF5;
	[smem:$0x3FB3] =	sst s0  }
0x18: {  	s0 =	sld [smem:$0x3F96];
	_ =	swait.ge [sflag:s4], $0x0  }
0x19: {  	s7 =	sld [smem:$0x3F97]  }
0x1a: {  	s8 =	sadd.s32 $0xFFFFE003, lr  }
0x1b: {  	s9 =	sadd.s32 $0xFFFFFEF7, lr;
	s5 =	simm.s32 $0xFFFFFFFF;
	p2 =	slt.u32 s8, $0xFFFFF086  }
0x1c: {  	p1 =	slt.u32 s9, $0xF7A;
	s5 =	simm.s32 @!p2 $0x0  }
0x1d: {  	s5 =	simm.s32 @p1 $0x1;
	p0 =	seq.s32 s7, s2  }
0x1e: {  	s7 =	smul.u32 @!p0 $0xF7A, s2;
	p2 =	seq.s32 @!p0 s5, $0x0  }
0x1f: {  	s9 =	smul.u32 $0xF7A, s1;
	s8 =	simm.s32 @!p0 $0x1BF5;
	p2 =	por !p2, p0  }
0x20: {  	[sflag:s8] =	ssyncset.s32 @!p0 $0xFFFFF086;
	s6 =	sadd.s32 @!p0 s3, s7;
	s7 =	simm.s32 @!p0 $0x108  }
0x21: {  	s3 =	sadd.s32 s3, s9;
	s6 =	sadd.s32 @!p0 $0x88, s6;
	s7 =	simm.s32 @p2 $0x1082  }
0x22: {  	[simem:s7], [sflag:s8] =	dma.local @!p0 [hbm:s6], $0xF7A  }
0x23: {  	s9 =	sor.u32 $0xD0000000, s2;
	s6 =	simm.s32 $0x108;
	_ =	swait.ge @!p0 [sflag:s8], $0x0  }
0x24: {  	s3 =	sadd.s32 $0x88, s3;
	s6 =	simm.s32 @!p1 $0x1082;
	[sflag:s4] =	ssyncset.s32 $0xFFFFF086  }
0x25: {  	[simem:s6], [sflag:s4] =	dma.local [hbm:s3], $0xF7A  }
0x26: {  	[smem:$0x3F97] =	sst s1;
	(tag) =	ssettag s2;
	_ =	strace s9  }
0x27: {  	s1 =	sld [smem:$0x3FA7]  }
0x28: {  	s2 =	sld [smem:$0x3FA8]  }
0x29: {  	s4 =	sld [smem:$0x3FAA]  }
0x2a: {  	p0 =	seq.s32 s5, $0x0;
	s5 =	sld [smem:$0x3FAB]  }
0x2b: {  	s6 =	sld [smem:$0x3FAC]  }
0x2c: {  	s7 =	sld [smem:$0x3FAD]  }
0x2d: {  	s3 =	simm.s32 $0x108;
	s8 =	sld [smem:$0x3FAE]  }
0x2e: {  	s3 =	simm.s32 @!p0 $0x1082;
	s9 =	sld [smem:$0x3FAF]  }
0x2f: {  	lr =	sadd.s32 s0, s3;
	s0 =	sld [smem:$0x3FA6]  }
0x30: {  	s3 =	sld [smem:$0x3FA9]  }
0x31: {  	[smem:$0x3FB2] =	sst s10  }
0x32: {  	s10 =	sld [smem:$0x3FB0];
	_ =	sdelay $0x3  }
0x33: {  	p0 =	seq.s32 s10, $0x1;
	s10 =	sld [smem:$0x3FB2];
	_ =	sdelay $0x3  }
0x34: {  	[smem:$0x3FB2] =	sst s10  }
0x35: {  	s10 =	sld [smem:$0x3FB1];
	_ =	sdelay $0x3  }
0x36: {  	p1 =	seq.s32 s10, $0x1;
	s10 =	sld [smem:$0x3FB2];
	_ =	sdelay $0x3  }
0x37: {  	[smem:$0x3FB2] =	sst s10  }
0x38: {  	s10 =	sld [smem:$0x3FB3]  }
0x39: {  	_ = 	snop;
	(pc) =	sbr.ind lr, $3  }
0x3a: {  	_ = 	snop  }
0x3b: {  	_ = 	snop  }
0x3c: {  	p2 =	seq.s32 s10, $0x1;
	s10 =	sld [smem:$0x3FB2]  }
0x3d: {  	_ =	shalt  }
0x3e: {  	_ =	shalt  }
0x3f: {  	_ =	shalt  }
0x40: {  	_ =	shalt  }
0x41: {  	_ =	shalt  }
0x42: {  	_ =	shalt  }
0x43: {  	_ =	shalt  }
0x44: {  	_ =	shalt  }
0x45: {  	_ =	shalt  }
0x46: {  	_ =	shalt  }
0x47: {  	_ =	shalt  }
0x48: {  	_ =	shalt  }
0x49: {  	_ =	shalt  }
0x4a: {  	_ =	shalt  }
0x4b: {  	_ =	shalt  }
0x4c: {  	_ =	shalt  }
0x4d: {  	_ =	shalt  }
0x4e: {  	_ =	shalt  }
0x4f: {  	_ =	shalt  }
0x50: {  	_ =	shalt  }
0x51: {  	_ =	shalt  }
0x52: {  	_ =	shalt  }
0x53: {  	_ =	shalt  }
0x54: {  	_ =	shalt  }
0x55: {  	_ =	shalt  }
0x56: {  	_ =	shalt  }
0x57: {  	_ =	shalt  }
0x58: {  	_ =	shalt  }
0x59: {  	_ =	shalt  }
0x5a: {  	_ =	shalt  }
0x5b: {  	_ =	shalt  }
0x5c: {  	_ =	shalt  }
0x5d: {  	_ =	shalt  }
0x5e: {  	_ =	shalt  }
0x5f: {  	_ =	shalt  }
0x60: {  	_ =	shalt  }
0x61: {  	_ =	shalt  }
0x62: {  	_ =	shalt  }
0x63: {  	_ =	shalt  }
0x64: {  	_ =	shalt  }
0x65: {  	_ =	shalt  }
0x66: {  	_ =	shalt  }
0x67: {  	_ =	shalt  }
0x68: {  	_ =	shalt  }
0x69: {  	_ =	shalt  }
0x6a: {  	_ =	shalt  }
0x6b: {  	_ =	shalt  }
0x6c: {  	_ =	shalt  }
0x6d: {  	_ =	shalt  }
0x6e: {  	_ =	shalt  }
0x6f: {  	_ =	shalt  }
0x70: {  	_ =	shalt  }
0x71: {  	_ =	shalt  }
0x72: {  	_ =	shalt  }
0x73: {  	_ =	shalt  }
0x74: {  	_ =	shalt  }
0x75: {  	_ =	shalt  }
0x76: {  	_ =	shalt  }
0x77: {  	_ =	shalt  }
0x78: {  	_ =	shalt  }
0x79: {  	_ =	shalt  }
0x7a: {  	_ =	shalt  }
0x7b: {  	_ =	shalt  }
0x7c: {  	_ =	shalt  }
0x7d: {  	_ =	shalt  }
0x7e: {  	_ =	shalt  }
0x7f: {  	_ =	shalt  }
0x80: {  	_ =	shalt  }
0x81: {  	_ =	shalt  }
0x82: {  	_ =	shalt  }
0x83: {  	_ =	shalt  }
0x84: {  	_ =	shalt  }
0x85: {  	_ =	shalt  }
0x86: {  	_ =	shalt  }
0x87: {  	_ =	shalt  }
.Lfunc_end0:
.L_simem_size_0:
called_computation.3_lowered:
.L_overlay_start_0:
0x88: {  	s2 =	sld [smem:$0x3FD9]  }
0x89: {  	s3 =	sld [smem:$0x3FFE];
	_ =	sdelay $0x1  }
0x8a: {  	s1 =	srdreg.scid  }
0x8b: {  	s0 =	sand.u32 $0x1, s1  }
0x8c: {  	s16 =	sshll.u32 s0, $0xA;
	s2 =	sadd.s32 s3, s2  }
0x8d: {  	s2 =	sadd.s32 s2, s16  }
0x8e: {  	[smem:$0x3FBE] =	sst s2  }
0x8f: {  	_ = 	snop  }
0x90: {  	(tm) =	ssettm $0x1  }
0x91: {  	s17 =	sld [smem:$0x3FFB];
	_ =	sdelay $0x3  }
0x92: {  	_ =	strace s17  }
0x93: {  	s2 =	sld [smem:$0x3FFC];
	_ =	sdelay $0x3  }
0x94: {  	_ =	strace s2  }
0x95: {  	s2 =	sld [smem:$0x3FFD];
	_ =	sdelay $0x3  }
0x96: {  	_ =	strace s2  }
0x97: {  	_ =	strace $0x8FFFFFFF  }
0x98: {  	s18 =	sld [smem:$0x3FDB];
	_ =	sdelay $0x1  }
0x99: {  	s19 =	simm.s32 $_scs_section_size  }
0x9a: {  	s4 =	simm.s32 $_size__tile_overlayer_lowered;
	s5 =	simm.s32 $_tile_overlayer_lowered  }
0x9b: {  	s22 =	simm.s32 $0x1BFF;
	s21 =	sshll.u32 s5, $0x1;
	s2 =	sadd.s32 s19, s18  }
0x9c: {  	s6 =	simm.s32 $0x0;
	s20 =	sshll.u32 s4, $0x1;
	s4 =	sadd.s32 s21, s2  }
0x9d: {  	[timem:s6], [sflag:s22] =	dma.local [hbm:s4], s20  }
0x9e: {  	_ =	swait.ge [sflag:s22], s20  }
0x9f: {  	s3 =	ssub.s32 $0x0, s20;
	[sflag:s22] =	ssyncset.done $0x0  }
0xa0: {  	[sflag:s22] =	ssyncadd.s32 s3;
	_ =	sdelay $0x1  }
0xa1: {  	s23 =	simm.s32 $0x1B8B  }
0xa2: {  	_ =	swait.ge [sflag:s23], $0x1  }
0xa3: {  	[sflag:s23] =	ssyncset.done $0x0  }
0xa4: {  	s25 =	simm.s32 $0x1B8E;
	s24 =	sld [smem:$0x3FFE];
	[sflag:s23] =	ssyncadd.s32 $0xFFFFFFFF  }
0xa5: {  	s26 =	simm.s32 $execute0_lowered;
	[smem:$0x3FD2] =	sst s25  }
0xa6: {  	s4 =	sshll.u32 s26, $0x1;
	_ =	strace $0x8000004F;
	[dreg:$0x1] =	wrdreg $0xFFFFFFFF  }
0xa7: {  	s28 =	simm.s32 $_size_execute0_lowered;
	s2 =	sadd.s32 s2, s4;
	[dreg:$0x0] =	wrdreg $0x0  }
0xa8: {  	s4 =	sshll.u32 s28, $0x1;
	[dreg:$0x2] =	wrdreg s2  }
0xa9: {  	[dreg:$0x3] =	wrdreg s4  }
0xaa: {  	[dreg:$0x4] =	wrdreg $0xC0  }
0xab: {  	_ =	task [dreg:s6], $0x5FFFF  }
0xac: {  	[dreg:$0x1] =	wrdreg $0xFFFFFFFF  }
0xad: {  	[dreg:$0x0] =	wrdreg $0x60  }
0xae: {  	[dreg:$0x2] =	wrdreg s24  }
0xaf: {  	[dreg:$0x3] =	wrdreg $0x8E800  }
0xb0: {  	[dreg:$0x4] =	wrdreg $0x9  }
0xb1: {  	_ =	task.clear_ibuf [dreg:s6], $0x5FFFF;
	_ =	strace $0x9000004F  }
0xb2: {  	s29 =	simm.s32 $0x9;
	_ =	strace $0x80000051  }
0xb3: {  	_ =	swait.ge [sflag:s29], $0x1  }
0xb4: {  	[sflag:s29] =	ssyncadd.s32 $0xFFFFFFFF  }
0xb5: {  	_ =	strace $0x90000051  }
0xb6: {  	_ =	sfence  }
0xb7: {  	s30 =	sld [smem:$0x0];
	_ =	sdelay $0x2  }
0xb8: {  	s31 =	sshll.u32 s1, $0xD;
	s1 =	sshrl.u32 s1, $0x2  }
0xb9: {  	s3 =	sand.u32 $0x4000, s31;
	s1 =	sadd.s32 s1, s30  }
0xba: {  	s0 =	sor.u32 s3, s0;
	s1 =	sshll.u32 s1, $0x11  }
0xbb: {  	s0 =	sor.u32 s1, s0  }
0xbc: {  	s0 =	sadd.s32 $0x8F2B, s0  }
0xbd: {  	[sflag:s0] =	ssyncadd.remote.s32 $0x1  }
0xbe: {  	_ =	sfence.sel $0xFFFF  }
0xbf: {  	[dreg:$0x0] =	wrdreg $0xFFFFFFFF;
	(pc) =	sbr.abs _section_cstart, $3  }
0xc0: {  	[dreg:$0x1] =	wrdreg $0xFFFFFFFF  }
0xc1: {  	_ =	task.clear_ibuf [dreg:s6], $0x2FFFF;
	_ =	strace $0x9FFFFFFF  }
0xc2: {  	(tm) =	ssettm $0x7FFFFFFF  }
0xc3: {  	_ =	shalt  }
tec
execute0_lowered:
.L_overlay_start_1:
0x0: {  	(tag) =	ssettag $0x1  }
0x1: {  	s0 =	srdreg.scid;
	s1 =	rddreg [dreg:$0x0]  }
0x2: {  	s9 =	stileid.u32;
	s2 =	rddreg [dreg:$0x1];
	s4 =	simm.s32 $0x0  }
0x3: {  	s13 =	simm.s32 $0x7D;
	s14 =	simm.s32 $0x5000;
	s16 =	simm.s32 $0x57D0  }
0x4: {  	s18 =	simm.s32 $0x5FA0;
	s20 =	simm.s32 $0x6770;
	s22 =	simm.s32 $0x6F40  }
0x5: {  	s28 =	simm.s32 $0x7EE0;
	s30 =	simm.s32 $0x86B0;
	s31 =	simm.s32 $0x1  }
0x6: {  	s12 =	simm.s32 $0x4;
	s15 =	simm.s32 $0x5;
	s17 =	simm.s32 $0x6  }
0x7: {  	s19 =	simm.s32 $0x7;
	s21 =	simm.s32 $0x8;
	s23 =	simm.s32 $0x9  }
0x8: {  	s29 =	simm.s32 $0xB;
	s0 =	sand.u32 $0x1, s0;
	s3 =	sshll.u32 s9, $0x1  }
0x9: {  	[smem:$0x7FF] =	sst s4;
	s5 =	smul.u32 $0x2800, s9;
	s4 =	sadd.s32 $0x16800, s1  }
0xa: {  	s25 =	sshll.u32 s9, $0x6;
	s9 =	simm.s32 $0xF;
	s3 =	sor.u32 s0, s3  }
0xb: {  	_ =	strace $0x80000050;
	s6 =	smul.u32 $0x5000, s0;
	s0 =	ssub.s32 $0x2, s0  }
0xc: {  	s10 =	sor.u32 $0x1C11, s25;
	s25 =	simm.s32 $0x7710;
	s3 =	smul.u32 $0x500, s3  }
0xd: {  	s7 =	sshrl.u32 s5, $0x3;
	s24 =	sshrl.u32 s0, $0x1;
	s5 =	sadd.s32 s5, s2  }
0xe: {  	[dreg:$0x4] =	wrdreg s10;
	s8 =	sadd.s32 s7, s1;
	s11 =	sshrl.u32 s5, $0x3  }
0xf: {  	s0 =	ssub.s32 s0, s24;
	s8 =	sadd.s32 $0x1B800, s8;
	[dreg:$0x8] =	wrdreg s11  }
0x10: {  	s3 =	sadd.s32 s3, s1;
	s0 =	smax.u32 s0, $0x1;
	[dreg:$0x3] =	wrdreg s8  }
0x11: {  	s1 =	sadd.s32 s6, s1;
	s6 =	simm.s32 $0x0;
	[dreg:$0x7] =	wrdreg s0  }
0x12: {  	s24 =	simm.s32 $0x10;
	s26 =	sadd.s32 $0xC800, s3;
	[dreg:$0xa] =	wrdreg s6  }
0x13: {  	s3 =	sadd.s32 $0x2800, s3;
	s1 =	sadd.s32 $0x20800, s1;
	[dreg:$0x5] =	wrdreg s26  }
0x14: {  	s0 =	simm.s32 $0x3;
	s8 =	simm.s32 $0xE;
	[dreg:$0x6] =	wrdreg s3  }
0x15: {  	s5 =	sadd.s32 s7, s1;
	s1 =	simm.s32 $0x2;
	s26 =	simm.s32 $0xA  }
0x16: {  	s7 =	simm.s32 $0xD;
	[dreg:$0x9] =	wrdreg s5;
	s5 =	simm.s32 $0xC  }
.LBB2_1:
0x17: {  	s3 =	simm.s32 $0x11;
	s6 =	rddreg [dreg:$0x3]  }
0x18: {  	[spmem:s11], [sflag:s10] =	dma.local [hbm:s6], $0x500  }
0x19: {  	_ =	swait.ge [sflag:s3], $0x500  }
0x1a: {  	[sflag:s3] =	ssyncset.done $0x0  }
0x1b: {  	s6 =	simm.s32 $0x0;
	s11 =	rddreg [dreg:$0x5];
	[sflag:s3] =	ssyncadd.s32 $0xFFFFFB00  }
0x1c: {  	[tilespmem:s6], [sflag:$0x11] =	stream.linear.gather [hbm4b:s11+s6], $0x2800, $0x38;
	[tilespmem:$0xB680] =	vst v63  }
0x1d: {  	_ =	swait.ge [sflag:s3], $0x2800  }
0x1e: {  	[sflag:s3] =	ssyncset.done $0x0  }
0x1f: {  	s11 =	simm.s32 $0x2800;
	s10 =	rddreg [dreg:$0x6];
	[sflag:s3] =	ssyncadd.s32 $0xFFFFD800  }
0x20: {  	[tilespmem:s11], [sflag:$0x11] =	stream.linear.gather [hbm4b:s10+s6], $0x2800, $0x38;
	[tilespmem:$0xB680] =	vst v63  }
0x21: {  	_ =	swait.ge [sflag:s3], $0x2800  }
0x22: {  	[sflag:s3] =	ssyncset.done $0x0  }
0x23: {  	[sflag:s3] =	ssyncadd.s32 $0xFFFFD800  }
0x24: {  	[bflag:$0x0] =	sbarrier.arrive $0xFFFF  }
0x25: {  	[tilespmem:s14], [sflag:$0x1] =	stream.indirect.gather [hbm4b:s4+s13], $0x10, s6, s13, $0xb8;
	[tilespmem:$0xB680] =	vst v63  }
0x26: {  	s11 =	simm.s32 $0x80  }
0x27: {  	[tilespmem:s16], [sflag:$0x2] =	stream.indirect.gather [hbm4b:s4+s13], $0x10, s11, s13, $0xb8;
	[tilespmem:$0xB680] =	vst v63  }
0x28: {  	s6 =	simm.s32 $0x100  }
0x29: {  	[tilespmem:s18], [sflag:$0x3] =	stream.indirect.gather [hbm4b:s4+s13], $0x10, s6, s13, $0xb8;
	[tilespmem:$0xB680] =	vst v63  }
0x2a: {  	s10 =	simm.s32 $0x180  }
0x2b: {  	[tilespmem:s20], [sflag:$0x4] =	stream.indirect.gather [hbm4b:s4+s13], $0x10, s10, s13, $0xb8;
	[tilespmem:$0xB680] =	vst v63  }
0x2c: {  	s11 =	simm.s32 $0x200  }
0x2d: {  	[tilespmem:s22], [sflag:$0x5] =	stream.indirect.gather [hbm4b:s4+s13], $0x10, s11, s13, $0xb8;
	[tilespmem:$0xB680] =	vst v63  }
0x2e: {  	s6 =	simm.s32 $0x280  }
0x2f: {  	[tilespmem:s25], [sflag:$0x6] =	stream.indirect.gather [hbm4b:s4+s13], $0x10, s6, s13, $0xb8;
	[tilespmem:$0xB680] =	vst v63  }
0x30: {  	s10 =	simm.s32 $0x300  }
0x31: {  	[tilespmem:s28], [sflag:$0x7] =	stream.indirect.gather [hbm4b:s4+s13], $0x10, s10, s13, $0xb8;
	[tilespmem:$0xB680] =	vst v63  }
0x32: {  	s11 =	simm.s32 $0x380  }
0x33: {  	[tilespmem:s30], [sflag:$0x8] =	stream.indirect.gather [hbm4b:s4+s13], $0x10, s11, s13, $0xb8;
	[tilespmem:$0xB680] =	vst v63  }
0x34: {  	_ =	swait.ge [sflag:s31], $0x7D0  }
0x35: {  	[sflag:s31] =	ssyncset.done $0x0  }
0x36: {  	s3 =	simm.s32 $0x2800;
	[sflag:s31] =	ssyncadd.s32 $0xFFFFF830  }
0x37: {  	[spmem:s2] =	stream.indirect.scatter.add.f32 [tilespmem:s14], [sflag:$0x9], $0x10, s3, s13, $0xb8;
	[tilespmem:$0xB680] =	vst v63  }
0x38: {  	_ =	swait.ge [sflag:s1], $0x7D0  }
0x39: {  	[sflag:s1] =	ssyncset.done $0x0  }
0x3a: {  	s10 =	simm.s32 $0x2880;
	[sflag:s1] =	ssyncadd.s32 $0xFFFFF830  }
0x3b: {  	[spmem:s2] =	stream.indirect.scatter.add.f32 [tilespmem:s16], [sflag:$0xA], $0x10, s10, s13, $0xb8;
	[tilespmem:$0xB680] =	vst v63  }
0x3c: {  	_ =	swait.ge [sflag:s0], $0x7D0  }
0x3d: {  	[sflag:s0] =	ssyncset.done $0x0  }
0x3e: {  	s11 =	simm.s32 $0x2900;
	[sflag:s0] =	ssyncadd.s32 $0xFFFFF830  }
0x3f: {  	[spmem:s2] =	stream.indirect.scatter.add.f32 [tilespmem:s18], [sflag:$0xB], $0x10, s11, s13, $0xb8;
	[tilespmem:$0xB680] =	vst v63  }
0x40: {  	_ =	swait.ge [sflag:s12], $0x7D0  }
0x41: {  	[sflag:s12] =	ssyncset.done $0x0  }
0x42: {  	s3 =	simm.s32 $0x2980;
	[sflag:s12] =	ssyncadd.s32 $0xFFFFF830  }
0x43: {  	[spmem:s2] =	stream.indirect.scatter.add.f32 [tilespmem:s20], [sflag:$0xC], $0x10, s3, s13, $0xb8;
	[tilespmem:$0xB680] =	vst v63  }
0x44: {  	_ =	swait.ge [sflag:s15], $0x7D0  }
0x45: {  	[sflag:s15] =	ssyncset.done $0x0  }
0x46: {  	s10 =	simm.s32 $0x2A00;
	[sflag:s15] =	ssyncadd.s32 $0xFFFFF830  }
0x47: {  	[spmem:s2] =	stream.indirect.scatter.add.f32 [tilespmem:s22], [sflag:$0xD], $0x10, s10, s13, $0xb8;
	[tilespmem:$0xB680] =	vst v63  }
0x48: {  	_ =	swait.ge [sflag:s17], $0x7D0  }
0x49: {  	[sflag:s17] =	ssyncset.done $0x0  }
0x4a: {  	s11 =	simm.s32 $0x2A80;
	[sflag:s17] =	ssyncadd.s32 $0xFFFFF830  }
0x4b: {  	[spmem:s2] =	stream.indirect.scatter.add.f32 [tilespmem:s25], [sflag:$0xE], $0x10, s11, s13, $0xb8;
	[tilespmem:$0xB680] =	vst v63  }
0x4c: {  	_ =	swait.ge [sflag:s19], $0x7D0  }
0x4d: {  	[sflag:s19] =	ssyncset.done $0x0  }
0x4e: {  	s3 =	simm.s32 $0x2B00;
	[sflag:s19] =	ssyncadd.s32 $0xFFFFF830  }
0x4f: {  	[spmem:s2] =	stream.indirect.scatter.add.f32 [tilespmem:s28], [sflag:$0xF], $0x10, s3, s13, $0xb8;
	[tilespmem:$0xB680] =	vst v63  }
0x50: {  	_ =	swait.ge [sflag:s21], $0x7D0  }
0x51: {  	[sflag:s21] =	ssyncset.done $0x0  }
0x52: {  	s10 =	simm.s32 $0x2B80;
	[sflag:s21] =	ssyncadd.s32 $0xFFFFF830  }
0x53: {  	[spmem:s2] =	stream.indirect.scatter.add.f32 [tilespmem:s30], [sflag:$0x10], $0x10, s10, s13, $0xb8;
	[tilespmem:$0xB680] =	vst v63  }
0x54: {  	_ =	swait.ge [sflag:s23], $0x7D0  }
0x55: {  	[sflag:s23] =	ssyncset.done $0x0  }
0x56: {  	s11 =	simm.s32 $0x400;
	[sflag:s23] =	ssyncadd.s32 $0xFFFFF830  }
0x57: {  	[tilespmem:s14], [sflag:$0x1] =	stream.indirect.gather [hbm4b:s4+s13], $0x10, s11, s13, $0xb8;
	[tilespmem:$0xB680] =	vst v63  }
0x58: {  	_ =	swait.ge [sflag:s26], $0x7D0  }
0x59: {  	[sflag:s26] =	ssyncset.done $0x0  }
0x5a: {  	s3 =	simm.s32 $0x480;
	[sflag:s26] =	ssyncadd.s32 $0xFFFFF830  }
0x5b: {  	[tilespmem:s16], [sflag:$0x2] =	stream.indirect.gather [hbm4b:s4+s13], $0x10, s3, s13, $0xb8;
	[tilespmem:$0xB680] =	vst v63  }
0x5c: {  	_ =	swait.ge [sflag:s29], $0x7D0  }
0x5d: {  	[sflag:s29] =	ssyncset.done $0x0  }
0x5e: {  	s10 =	simm.s32 $0x500;
	[sflag:s29] =	ssyncadd.s32 $0xFFFFF830  }
0x5f: {  	[tilespmem:s18], [sflag:$0x3] =	stream.indirect.gather [hbm4b:s4+s13], $0x10, s10, s13, $0xb8;
	[tilespmem:$0xB680] =	vst v63  }
0x60: {  	_ =	swait.ge [sflag:s5], $0x7D0  }
0x61: {  	[sflag:s5] =	ssyncset.done $0x0  }
0x62: {  	s11 =	simm.s32 $0x580;
	[sflag:s5] =	ssyncadd.s32 $0xFFFFF830  }
0x63: {  	[tilespmem:s20], [sflag:$0x4] =	stream.indirect.gather [hbm4b:s4+s13], $0x10, s11, s13, $0xb8;
	[tilespmem:$0xB680] =	vst v63  }
0x64: {  	_ =	swait.ge [sflag:s7], $0x7D0  }
0x65: {  	[sflag:s7] =	ssyncset.done $0x0  }
0x66: {  	s3 =	simm.s32 $0x600;
	[sflag:s7] =	ssyncadd.s32 $0xFFFFF830  }
0x67: {  	[tilespmem:s22], [sflag:$0x5] =	stream.indirect.gather [hbm4b:s4+s13], $0x10, s3, s13, $0xb8;
	[tilespmem:$0xB680] =	vst v63  }
0x68: {  	_ =	swait.ge [sflag:s8], $0x7D0  }
0x69: {  	[sflag:s8] =	ssyncset.done $0x0  }
0x6a: {  	s10 =	simm.s32 $0x680;
	[sflag:s8] =	ssyncadd.s32 $0xFFFFF830  }
0x6b: {  	[tilespmem:s25], [sflag:$0x6] =	stream.indirect.gather [hbm4b:s4+s13], $0x10, s10, s13, $0xb8;
	[tilespmem:$0xB680] =	vst v63  }
0x6c: {  	_ =	swait.ge [sflag:s9], $0x7D0  }
0x6d: {  	[sflag:s9] =	ssyncset.done $0x0  }
0x6e: {  	s11 =	simm.s32 $0x700;
	[sflag:s9] =	ssyncadd.s32 $0xFFFFF830  }
0x6f: {  	[tilespmem:s28], [sflag:$0x7] =	stream.indirect.gather [hbm4b:s4+s13], $0x10, s11, s13, $0xb8;
	[tilespmem:$0xB680] =	vst v63  }
0x70: {  	_ =	swait.ge [sflag:s24], $0x7D0  }
0x71: {  	[sflag:s24] =	ssyncset.done $0x0  }
0x72: {  	s6 =	simm.s32 $0x1000;
	s10 =	simm.s32 $0x780;
	[sflag:s24] =	ssyncadd.s32 $0xFFFFF830  }
.LBB2_2:
0x73: {  	[tilespmem:s30], [sflag:$0x8] =	stream.indirect.gather [hbm4b:s4+s13], $0x10, s10, s13, $0xb8;
	[tilespmem:$0xB680] =	vst v63  }
0x74: {  	s10 =	smov.u32 s6  }
0x75: {  	p0 =	sne.s32 s6, $0x8000;
	s6 =	sadd.s32 $0x1000, s6;
	_ =	swait.ge [sflag:s31], $0x7D0  }
0x76: {  	s10 =	sshra.s32 s10, $0x2;
	[sflag:s31] =	ssyncset.done $0x0  }
0x77: {  	s11 =	sadd.s32 $0x2800, s10;
	[sflag:s31] =	ssyncadd.s32 $0xFFFFF830  }
0x78: {  	[spmem:s2] =	stream.indirect.scatter.add.f32 [tilespmem:s14], [sflag:$0x9], $0x10, s11, s13, $0xb8;
	[tilespmem:$0xB680] =	vst v63  }
0x79: {  	_ =	swait.ge [sflag:s1], $0x7D0  }
0x7a: {  	[sflag:s1] =	ssyncset.done $0x0  }
0x7b: {  	s11 =	sadd.s32 $0x2880, s10;
	[sflag:s1] =	ssyncadd.s32 $0xFFFFF830  }
0x7c: {  	[spmem:s2] =	stream.indirect.scatter.add.f32 [tilespmem:s16], [sflag:$0xA], $0x10, s11, s13, $0xb8;
	[tilespmem:$0xB680] =	vst v63  }
0x7d: {  	_ =	swait.ge [sflag:s0], $0x7D0  }
0x7e: {  	[sflag:s0] =	ssyncset.done $0x0  }
0x7f: {  	s11 =	sadd.s32 $0x2900, s10;
	[sflag:s0] =	ssyncadd.s32 $0xFFFFF830  }
0x80: {  	[spmem:s2] =	stream.indirect.scatter.add.f32 [tilespmem:s18], [sflag:$0xB], $0x10, s11, s13, $0xb8;
	[tilespmem:$0xB680] =	vst v63  }
0x81: {  	_ =	swait.ge [sflag:s12], $0x7D0  }
0x82: {  	[sflag:s12] =	ssyncset.done $0x0  }
0x83: {  	s11 =	sadd.s32 $0x2980, s10;
	[sflag:s12] =	ssyncadd.s32 $0xFFFFF830  }
0x84: {  	[spmem:s2] =	stream.indirect.scatter.add.f32 [tilespmem:s20], [sflag:$0xC], $0x10, s11, s13, $0xb8;
	[tilespmem:$0xB680] =	vst v63  }
0x85: {  	_ =	swait.ge [sflag:s15], $0x7D0  }
0x86: {  	[sflag:s15] =	ssyncset.done $0x0  }
0x87: {  	s11 =	sadd.s32 $0x2A00, s10;
	[sflag:s15] =	ssyncadd.s32 $0xFFFFF830  }
0x88: {  	[spmem:s2] =	stream.indirect.scatter.add.f32 [tilespmem:s22], [sflag:$0xD], $0x10, s11, s13, $0xb8;
	[tilespmem:$0xB680] =	vst v63  }
0x89: {  	_ =	swait.ge [sflag:s17], $0x7D0  }
0x8a: {  	[sflag:s17] =	ssyncset.done $0x0  }
0x8b: {  	s11 =	sadd.s32 $0x2A80, s10;
	[sflag:s17] =	ssyncadd.s32 $0xFFFFF830  }
0x8c: {  	[spmem:s2] =	stream.indirect.scatter.add.f32 [tilespmem:s25], [sflag:$0xE], $0x10, s11, s13, $0xb8;
	[tilespmem:$0xB680] =	vst v63  }
0x8d: {  	_ =	swait.ge [sflag:s19], $0x7D0  }
0x8e: {  	[sflag:s19] =	ssyncset.done $0x0  }
0x8f: {  	s11 =	sadd.s32 $0x2B00, s10;
	[sflag:s19] =	ssyncadd.s32 $0xFFFFF830  }
0x90: {  	[spmem:s2] =	stream.indirect.scatter.add.f32 [tilespmem:s28], [sflag:$0xF], $0x10, s11, s13, $0xb8;
	[tilespmem:$0xB680] =	vst v63  }
0x91: {  	_ =	swait.ge [sflag:s21], $0x7D0  }
0x92: {  	[sflag:s21] =	ssyncset.done $0x0  }
0x93: {  	s11 =	sadd.s32 $0x2B80, s10;
	[sflag:s21] =	ssyncadd.s32 $0xFFFFF830  }
0x94: {  	[spmem:s2] =	stream.indirect.scatter.add.f32 [tilespmem:s30], [sflag:$0x10], $0x10, s11, s13, $0xb8;
	[tilespmem:$0xB680] =	vst v63  }
0x95: {  	_ =	swait.ge [sflag:s23], $0x7D0  }
0x96: {  	[sflag:s23] =	ssyncset.done $0x0  }
0x97: {  	s11 =	sadd.s32 $0x400, s10;
	[sflag:s23] =	ssyncadd.s32 $0xFFFFF830  }
0x98: {  	[tilespmem:s14], [sflag:$0x1] =	stream.indirect.gather [hbm4b:s4+s13], $0x10, s11, s13, $0xb8;
	[tilespmem:$0xB680] =	vst v63  }
0x99: {  	_ =	swait.ge [sflag:s26], $0x7D0  }
0x9a: {  	[sflag:s26] =	ssyncset.done $0x0  }
0x9b: {  	s11 =	sadd.s32 $0x480, s10;
	[sflag:s26] =	ssyncadd.s32 $0xFFFFF830  }
0x9c: {  	[tilespmem:s16], [sflag:$0x2] =	stream.indirect.gather [hbm4b:s4+s13], $0x10, s11, s13, $0xb8;
	[tilespmem:$0xB680] =	vst v63  }
0x9d: {  	_ =	swait.ge [sflag:s29], $0x7D0  }
0x9e: {  	[sflag:s29] =	ssyncset.done $0x0  }
0x9f: {  	s11 =	sadd.s32 $0x500, s10;
	[sflag:s29] =	ssyncadd.s32 $0xFFFFF830  }
0xa0: {  	[tilespmem:s18], [sflag:$0x3] =	stream.indirect.gather [hbm4b:s4+s13], $0x10, s11, s13, $0xb8;
	[tilespmem:$0xB680] =	vst v63  }
0xa1: {  	_ =	swait.ge [sflag:s5], $0x7D0  }
0xa2: {  	[sflag:s5] =	ssyncset.done $0x0  }
0xa3: {  	s11 =	sadd.s32 $0x580, s10;
	[sflag:s5] =	ssyncadd.s32 $0xFFFFF830  }
0xa4: {  	[tilespmem:s20], [sflag:$0x4] =	stream.indirect.gather [hbm4b:s4+s13], $0x10, s11, s13, $0xb8;
	[tilespmem:$0xB680] =	vst v63  }
0xa5: {  	_ =	swait.ge [sflag:s7], $0x7D0  }
0xa6: {  	[sflag:s7] =	ssyncset.done $0x0  }
0xa7: {  	s11 =	sadd.s32 $0x600, s10;
	[sflag:s7] =	ssyncadd.s32 $0xFFFFF830  }
0xa8: {  	[tilespmem:s22], [sflag:$0x5] =	stream.indirect.gather [hbm4b:s4+s13], $0x10, s11, s13, $0xb8;
	[tilespmem:$0xB680] =	vst v63  }
0xa9: {  	_ =	swait.ge [sflag:s8], $0x7D0  }
0xaa: {  	[sflag:s8] =	ssyncset.done $0x0  }
0xab: {  	s11 =	sadd.s32 $0x680, s10;
	[sflag:s8] =	ssyncadd.s32 $0xFFFFF830  }
0xac: {  	[tilespmem:s25], [sflag:$0x6] =	stream.indirect.gather [hbm4b:s4+s13], $0x10, s11, s13, $0xb8;
	[tilespmem:$0xB680] =	vst v63  }
0xad: {  	_ =	swait.ge [sflag:s9], $0x7D0  }
0xae: {  	[sflag:s9] =	ssyncset.done $0x0  }
.Ltmp0:
0xaf: {  	s11 =	sadd.s32 $0x700, s10;
	[sflag:s9] =	ssyncadd.s32 $0xFFFFF830;
	(pc) =	sbr.rel @p0 .LBB2_2-.Ltmp0, $4  }
0xb0: {  	[tilespmem:s28], [sflag:$0x7] =	stream.indirect.gather [hbm4b:s4+s13], $0x10, s11, s13, $0xb8;
	[tilespmem:$0xB680] =	vst v63  }
0xb1: {  	_ =	swait.ge [sflag:s24], $0x7D0  }
0xb2: {  	[sflag:s24] =	ssyncset.done $0x0  }
0xb3: {  	s10 =	sadd.s32 $0x780, s10;
	[sflag:s24] =	ssyncadd.s32 $0xFFFFF830  }
0xb4: {  	[tilespmem:s30], [sflag:$0x8] =	stream.indirect.gather [hbm4b:s4+s13], $0x10, s10, s13, $0xb8;
	[tilespmem:$0xB680] =	vst v63  }
0xb5: {  	_ =	swait.ge [sflag:s31], $0x7D0  }
0xb6: {  	[sflag:s31] =	ssyncset.done $0x0  }
0xb7: {  	s3 =	simm.s32 $0x4C00;
	[sflag:s31] =	ssyncadd.s32 $0xFFFFF830  }
0xb8: {  	[spmem:s2] =	stream.indirect.scatter.add.f32 [tilespmem:s14], [sflag:$0x9], $0x10, s3, s13, $0xb8;
	[tilespmem:$0xB680] =	vst v63  }
0xb9: {  	_ =	swait.ge [sflag:s1], $0x7D0  }
0xba: {  	[sflag:s1] =	ssyncset.done $0x0  }
0xbb: {  	s11 =	simm.s32 $0x4C80;
	[sflag:s1] =	ssyncadd.s32 $0xFFFFF830  }
0xbc: {  	[spmem:s2] =	stream.indirect.scatter.add.f32 [tilespmem:s16], [sflag:$0xA], $0x10, s11, s13, $0xb8;
	[tilespmem:$0xB680] =	vst v63  }
0xbd: {  	_ =	swait.ge [sflag:s0], $0x7D0  }
0xbe: {  	[sflag:s0] =	ssyncset.done $0x0  }
0xbf: {  	s6 =	simm.s32 $0x4D00;
	[sflag:s0] =	ssyncadd.s32 $0xFFFFF830  }
0xc0: {  	[spmem:s2] =	stream.indirect.scatter.add.f32 [tilespmem:s18], [sflag:$0xB], $0x10, s6, s13, $0xb8;
	[tilespmem:$0xB680] =	vst v63  }
0xc1: {  	_ =	swait.ge [sflag:s12], $0x7D0  }
0xc2: {  	[sflag:s12] =	ssyncset.done $0x0  }
0xc3: {  	s10 =	simm.s32 $0x4D80;
	[sflag:s12] =	ssyncadd.s32 $0xFFFFF830  }
0xc4: {  	[spmem:s2] =	stream.indirect.scatter.add.f32 [tilespmem:s20], [sflag:$0xC], $0x10, s10, s13, $0xb8;
	[tilespmem:$0xB680] =	vst v63  }
0xc5: {  	_ =	swait.ge [sflag:s15], $0x7D0  }
0xc6: {  	[sflag:s15] =	ssyncset.done $0x0  }
0xc7: {  	s11 =	simm.s32 $0x4E00;
	[sflag:s15] =	ssyncadd.s32 $0xFFFFF830  }
0xc8: {  	[spmem:s2] =	stream.indirect.scatter.add.f32 [tilespmem:s22], [sflag:$0xD], $0x10, s11, s13, $0xb8;
	[tilespmem:$0xB680] =	vst v63  }
0xc9: {  	_ =	swait.ge [sflag:s17], $0x7D0  }
0xca: {  	[sflag:s17] =	ssyncset.done $0x0  }
0xcb: {  	s6 =	simm.s32 $0x4E80;
	[sflag:s17] =	ssyncadd.s32 $0xFFFFF830  }
0xcc: {  	[spmem:s2] =	stream.indirect.scatter.add.f32 [tilespmem:s25], [sflag:$0xE], $0x10, s6, s13, $0xb8;
	[tilespmem:$0xB680] =	vst v63  }
0xcd: {  	_ =	swait.ge [sflag:s19], $0x7D0  }
0xce: {  	[sflag:s19] =	ssyncset.done $0x0  }
0xcf: {  	s10 =	simm.s32 $0x4F00;
	[sflag:s19] =	ssyncadd.s32 $0xFFFFF830  }
0xd0: {  	[spmem:s2] =	stream.indirect.scatter.add.f32 [tilespmem:s28], [sflag:$0xF], $0x10, s10, s13, $0xb8;
	[tilespmem:$0xB680] =	vst v63  }
0xd1: {  	_ =	swait.ge [sflag:s21], $0x7D0  }
0xd2: {  	[sflag:s21] =	ssyncset.done $0x0  }
0xd3: {  	s11 =	simm.s32 $0x4F80;
	[sflag:s21] =	ssyncadd.s32 $0xFFFFF830  }
0xd4: {  	[spmem:s2] =	stream.indirect.scatter.add.f32 [tilespmem:s30], [sflag:$0x10], $0x10, s11, s13, $0xb8;
	[tilespmem:$0xB680] =	vst v63  }
0xd5: {  	_ =	swait.ge [sflag:s23], $0x7D0  }
0xd6: {  	[sflag:s23] =	ssyncset.done $0x0  }
0xd7: {  	[sflag:s23] =	ssyncadd.s32 $0xFFFFF830  }
0xd8: {  	_ =	swait.ge [sflag:s26], $0x7D0  }
0xd9: {  	[sflag:s26] =	ssyncset.done $0x0  }
0xda: {  	[sflag:s26] =	ssyncadd.s32 $0xFFFFF830  }
0xdb: {  	_ =	swait.ge [sflag:s29], $0x7D0  }
0xdc: {  	[sflag:s29] =	ssyncset.done $0x0  }
0xdd: {  	[sflag:s29] =	ssyncadd.s32 $0xFFFFF830  }
0xde: {  	_ =	swait.ge [sflag:s5], $0x7D0  }
0xdf: {  	[sflag:s5] =	ssyncset.done $0x0  }
0xe0: {  	[sflag:s5] =	ssyncadd.s32 $0xFFFFF830  }
0xe1: {  	_ =	swait.ge [sflag:s7], $0x7D0  }
0xe2: {  	[sflag:s7] =	ssyncset.done $0x0  }
0xe3: {  	[sflag:s7] =	ssyncadd.s32 $0xFFFFF830  }
0xe4: {  	_ =	swait.ge [sflag:s8], $0x7D0  }
0xe5: {  	[sflag:s8] =	ssyncset.done $0x0  }
0xe6: {  	[sflag:s8] =	ssyncadd.s32 $0xFFFFF830  }
0xe7: {  	_ =	swait.ge [sflag:s9], $0x7D0  }
0xe8: {  	[sflag:s9] =	ssyncset.done $0x0  }
0xe9: {  	[sflag:s9] =	ssyncadd.s32 $0xFFFFF830  }
0xea: {  	_ =	swait.ge [sflag:s24], $0x7D0  }
0xeb: {  	[sflag:s24] =	ssyncset.done $0x0  }
0xec: {  	[sflag:s24] =	ssyncadd.s32 $0xFFFFF830  }
0xed: {  	[bflag:$0x0] =	sbarrier.arrive $0xFFFF  }
0xee: {  	s10 =	rddreg [dreg:$0x4]  }
0xef: {  	s11 =	rddreg [dreg:$0x8]  }
0xf0: {  	s6 =	rddreg [dreg:$0x9]  }
0xf1: {  	[hbm:s6], [sflag:s10] =	dma.local [spmem:s11], $0x500  }
0xf2: {  	s6 =	simm.s32 $0x11  }
0xf3: {  	_ =	swait.ge [sflag:s6], $0x500  }
0xf4: {  	s3 =	rddreg [dreg:$0xa]  }
0xf5: {  	[sflag:s6] =	ssyncset.done $0x0;
	s6 =	rddreg [dreg:$0x7];
	s3 =	sadd.s32 $0x1, s3  }
0xf6: {  	p0 =	sne.s32 s3, s6  }
.Ltmp1:
0xf7: {  	_ = 	snop;
	(pc) =	sbr.rel @p0 .LBB2_1-.Ltmp1, $3  }
0xf8: {  	_ =	sdelay $0x1  }
0xf9: {  	s6 =	simm.s32 $0x11  }
0xfa: {  	[dreg:$0xa] =	wrdreg s3;
	[sflag:s6] =	ssyncadd.s32 $0xFFFFFB00  }
0xfb: {  	_ =	sfence.sel $0x180000  }
0xfc: {  	[bflag:$0x0] =	sbarrier.arrive $0xFFFF  }
0xfd: {  	_ =	strace $0x90000050  }
0xfe: {  	s0 =	stileid.u32;
	[bflag:$0x2] =	sbarrier.arrive $0xFFFF  }
0xff: {  	p0 =	sne.s32 s0, $0x0;
	s0 =	rddreg [dreg:$0x2]  }
0x100: {  	s0 =	sadd.s32 @!p0 $0x100000, s0  }
0x101: {  	[sflag:s0] =	ssyncadd.tile.s32 @!p0 $0x1;
	_ =	shalt  }
.Lfunc_end2:
_tile_overlayer_lowered:
.L_overlay_start_2:
0x102: {  	(tag) =	ssettag $0x2  }
0x103: {  	s0 =	rddreg [dreg:$0x0];
	s2 =	stileid.u32  }
0x104: {  	s1 =	rddreg [dreg:$0x1];
	p0 =	sne.s32 s2, $0x0  }
0x105: {  	s3 =	rddreg [dreg:$0x2];
	[bflag:$0x3] =	sbarrier.arrive $0xFFFF;
	s2 =	simm.s32 @!p0 $0x1C11  }
0x106: {  	[timem:s3], [sflag:s2] =	dma.local @!p0 [hbm:s0], s1  }
0x107: {  	s0 =	simm.s32 @!p0 $0x11  }
0x108: {  	_ =	swait.ge @!p0 [sflag:s0], s1  }
0x109: {  	s1 =	ssub.s32 @!p0 $0x0, s1;
	[sflag:s0] =	ssyncset.done @!p0 $0x0  }
0x10a: {  	[sflag:s0] =	ssyncadd.s32 @!p0 s1  }
0x10b: {  	[bflag:$0x3] =	sbarrier.arrive $0xFFFF  }
0x10c: {  	_ =	shalt  }

</sc_bundles>
